<compile_context>
chip_gen: v7x
topology: tpu7x:2x2x1
jax: 0.10.2.dev20260603
libtpu: 0.0.44.dev20260713+nightly
codegen_flags: <defaults>
</compile_context>

<pallas_src>
import functools

import jax
import jax.numpy as jnp
from jax import lax
from jax.experimental import pallas as pl
from jax.experimental.pallas import tpu as pltpu
from jax.experimental.pallas import tpu_sc as plsc

N = 10000
E = 160000
C = 16
M = 32
G = 16
CG = C * G

NC = 2
NS = 16
HALF = N // NC
TRASH = HALF
ACC_ROWS = 5120
KC = 64
SUPER = 512
NSUP = 20
EDGES_PER_SUB = NSUP * SUPER
E_PAD = NS * EDGES_PER_SUB
CAP = 768


def _sc_segment_sum(ph2, dst_pad, src_pad):
  mesh = plsc.VectorSubcoreMesh(core_axis_name="c", subcore_axis_name="s")

  @functools.partial(
      pl.kernel,
      out_type=(
          jax.ShapeDtypeStruct((N, CG), jnp.float32),
          jax.ShapeDtypeStruct((N, 16), jnp.float32),
      ),
      mesh=mesh,
      compiler_params=pltpu.CompilerParams(use_tc_tiling_on_sc=False,
                                           needs_layout_passes=False),
      scratch_types=[
          pltpu.VMEM_SHARED((ACC_ROWS, CG), jnp.float32),
          pltpu.VMEM_SHARED((ACC_ROWS, 16), jnp.float32),
          pltpu.VMEM((SUPER,), jnp.int32),
          pltpu.VMEM((SUPER,), jnp.int32),
          pltpu.VMEM((CAP,), jnp.int32),
          pltpu.VMEM((CAP,), jnp.int32),
          pltpu.VMEM((1, KC), jnp.int32),
          pltpu.VMEM((1, KC), jnp.int32),
          pltpu.VMEM((KC, CG), jnp.float32),
          pltpu.VMEM((KC, CG), jnp.float32),
          pltpu.VMEM((KC, 16), jnp.float32),
          pltpu.VMEM((KC, 16), jnp.float32),
          pltpu.SemaphoreType.DMA,
          pltpu.SemaphoreType.DMA,
          pltpu.SemaphoreType.DMA,
          pltpu.SemaphoreType.DMA,
          pltpu.SemaphoreType.DMA,
          pltpu.SemaphoreType.DMA,
          pltpu.SemaphoreType.DMA,
          pltpu.SemaphoreType.DMA,
      ],
  )
  def body(ph_hbm, dst_hbm, src_hbm, sums_hbm, cnts_hbm,
           acc, cacc, dst_st, src_st, ldc, srcc, ldxa, ldxb, rowsa,
           rowsb, ones16, z16, semid, semis, semga, semgb, semsa,
           semsb, semca, semcb):
    cid = lax.axis_index("c")
    sid = lax.axis_index("s")
    base = cid * HALF

    def fill_row(i, _):
      ones16[i, :] = jnp.full((16,), 1.0, jnp.float32)
      z16[i, :] = jnp.zeros((16,), jnp.float32)
      for j in range(CG // 16):
        rowsa[i, pl.ds(j * 16, 16)] = jnp.zeros((16,), jnp.float32)
      return 0
    lax.fori_loop(0, KC, fill_row, 0)

    for k in range(ACC_ROWS // KC // NS):
      q = sid + NS * k
      pltpu.sync_copy(rowsa, acc.at[pl.ds(q * KC, KC)])
      pltpu.sync_copy(z16, cacc.at[pl.ds(q * KC, KC)])
    plsc.subcore_barrier()

    ebase = sid * EDGES_PER_SUB

    def fill_ldx(ldx, t):
      for g in range(KC // 16):
        ldx[0, pl.ds(g * 16, 16)] = ldc[pl.ds(t * KC + g * 16, 16)]

    def process_chunk(t):
      gd = pltpu.async_copy(ph_hbm.at[srcc.at[pl.ds(t * KC, KC)]], rowsa,
                            semga)
      fill_ldx(ldxa, t)
      cd = pltpu.async_copy(ones16, cacc.at[ldxa.at[0]], semca, add=True)
      gd.wait()
      pltpu.sync_copy(rowsa, acc.at[ldxa.at[0]], add=True)
      cd.wait()

    def process_pair(t2, nchunks):
      t0 = 2 * t2
      has_b = (t0 + 1) < nchunks
      prev_b = (t2 > 0) & ((t0 - 1) < nchunks)

      @pl.when(t2 > 0)
      def _():
        pltpu.make_async_copy(rowsa, acc.at[ldxa.at[0]], semsa).wait()
        pltpu.make_async_copy(ones16, cacc.at[ldxa.at[0]], semca).wait()
      ga = pltpu.async_copy(ph_hbm.at[srcc.at[pl.ds(t0 * KC, KC)]],
                            rowsa, semga)
      fill_ldx(ldxa, t0)
      pltpu.async_copy(ones16, cacc.at[ldxa.at[0]], semca, add=True)

      @pl.when(prev_b)
      def _():
        pltpu.make_async_copy(rowsb, acc.at[ldxb.at[0]], semsb).wait()
        pltpu.make_async_copy(ones16, cacc.at[ldxb.at[0]], semcb).wait()

      @pl.when(has_b)
      def _():
        pltpu.async_copy(ph_hbm.at[srcc.at[pl.ds((t0 + 1) * KC, KC)]],
                         rowsb, semgb)
        fill_ldx(ldxb, t0 + 1)
        pltpu.async_copy(ones16, cacc.at[ldxb.at[0]], semcb, add=True)

      ga.wait()
      pltpu.async_copy(rowsa, acc.at[ldxa.at[0]], semsa, add=True)

      @pl.when(has_b)
      def _():
        pltpu.make_async_copy(ph_hbm.at[srcc.at[pl.ds((t0 + 1) * KC, KC)]],
                              rowsb, semgb).wait()
        pltpu.async_copy(rowsb, acc.at[ldxb.at[0]], semsb, add=True)

    pltpu.async_copy(dst_hbm.at[pl.ds(ebase, SUPER)], dst_st, semid)
    pltpu.async_copy(src_hbm.at[pl.ds(ebase, SUPER)], src_st, semis)

    def super_chunk(S, n):
      off = ebase + S * SUPER
      pltpu.make_async_copy(dst_hbm.at[pl.ds(off, SUPER)], dst_st,
                            semid).wait()
      pltpu.make_async_copy(src_hbm.at[pl.ds(off, SUPER)], src_st,
                            semis).wait()
      for g in range(SUPER // 16):
        d = dst_st[pl.ds(g * 16, 16)]
        sv = src_st[pl.ds(g * 16, 16)]
        l = d - base
        ok = (l >= 0) & (l < HALF)
        oki = jnp.where(ok, jnp.full((16,), 1, jnp.int32),
                        jnp.zeros((16,), jnp.int32))
        incl = plsc.cumsum(oki)
        lane = lax.iota(jnp.int32, 16)
        nv = jnp.full((16,), n, jnp.int32)
        pos = jnp.where(ok, nv + incl - 1, CAP - 16 + lane)
        plsc.store_scatter(ldc, [pos], l)
        plsc.store_scatter(srcc, [pos], sv)
        n = n + jnp.max(incl)
      @pl.when(S < NSUP - 1)
      def _():
        off2 = off + SUPER
        pltpu.async_copy(dst_hbm.at[pl.ds(off2, SUPER)], dst_st, semid)
        pltpu.async_copy(src_hbm.at[pl.ds(off2, SUPER)], src_st, semis)

      nchunks = n // KC
      npairs = (nchunks + 1) // 2
      lax.fori_loop(0, npairs,
                    lambda t2, _: (process_pair(t2, nchunks), 0)[1], 0)

      @pl.when(nchunks > 0)
      def _():
        pltpu.make_async_copy(rowsa, acc.at[ldxa.at[0]], semsa).wait()
        pltpu.make_async_copy(ones16, cacc.at[ldxa.at[0]], semca).wait()

      @pl.when((nchunks > 0) & (lax.rem(nchunks, 2) == 0))
      def _():
        pltpu.make_async_copy(rowsb, acc.at[ldxb.at[0]], semsb).wait()
        pltpu.make_async_copy(ones16, cacc.at[ldxb.at[0]], semcb).wait()
      rem_off = nchunks * KC
      for g in range(KC // 16):
        lv = ldc[pl.ds(rem_off + g * 16, 16)]
        sv = srcc[pl.ds(rem_off + g * 16, 16)]
        ldc[pl.ds(g * 16, 16)] = lv
        srcc[pl.ds(g * 16, 16)] = sv
      return n - rem_off

    n_fin = lax.fori_loop(0, NSUP, super_chunk, jnp.int32(0))

    @pl.when(n_fin > 0)
    def _():
      for g in range(KC // 16):
        ldc[pl.ds(n_fin + g * 16, 16)] = jnp.full((16,), TRASH, jnp.int32)
        srcc[pl.ds(n_fin + g * 16, 16)] = jnp.zeros((16,), jnp.int32)
      process_chunk(0)

    plsc.subcore_barrier()

    nq = HALF // 200
    for k in range((nq + NS - 1) // NS):
      q = sid + NS * k
      @pl.when(q < nq)
      def _():
        r0 = q * 200
        pltpu.sync_copy(acc.at[pl.ds(r0, 200)],
                        sums_hbm.at[pl.ds(base + r0, 200)])
        pltpu.sync_copy(cacc.at[pl.ds(r0, 200)],
                        cnts_hbm.at[pl.ds(base + r0, 200)])

  return body(ph2, dst_pad, src_pad)


def _tc_body(sums_ref, cnts_ref, x_ref, lamqt_ref, lamb2_ref,
             logtot_ref, post_ref):
  f32 = jnp.float32
  lamqt = lamqt_ref[...]
  qm = jnp.max(lamqt, axis=1, keepdims=True)
  qe = jnp.exp(lamqt - qm)
  qs = qe / jnp.sum(qe, axis=1, keepdims=True)
  r16 = lax.broadcasted_iota(jnp.int32, (C, CG), 0)
  c256 = lax.broadcasted_iota(jnp.int32, (C, CG), 1)
  e16 = (lax.div(c256, G) == r16).astype(f32)
  qsel = jnp.dot(qs, e16, preferred_element_type=f32)
  rr = lax.broadcasted_iota(jnp.int32, (CG, CG), 0)
  cc = lax.broadcasted_iota(jnp.int32, (CG, CG), 1)
  w = qsel * (lax.rem(rr, G) == lax.rem(cc, G)).astype(f32)

  lamb2 = lamb2_ref[...]
  bm = jnp.max(lamb2, axis=0, keepdims=True)
  be = jnp.exp(lamb2 - bm)
  bs = be / jnp.sum(be, axis=0, keepdims=True)

  nb = sums_ref.shape[0]
  cm = jnp.maximum(cnts_ref[...][:, 0:1], 1.0)
  aggr = sums_ref[...] / cm

  qa = jnp.dot(aggr, w, preferred_element_type=f32)

  xb = x_ref[...]
  mio = lax.broadcasted_iota(jnp.int32, (nb, M), 1)
  oh = (xb == mio).astype(f32)
  bn = jnp.dot(oh, bs, preferred_element_type=f32)

  tmp = bn * qa
  sr = lax.broadcasted_iota(jnp.int32, (CG, G), 0)
  sc = lax.broadcasted_iota(jnp.int32, (CG, G), 1)
  s_mat = (lax.rem(sr, G) == sc).astype(f32)
  total = jnp.dot(tmp, s_mat, preferred_element_type=f32)
  tr = lax.broadcasted_iota(jnp.int32, (G, CG), 0)
  tc = lax.broadcasted_iota(jnp.int32, (G, CG), 1)
  st_mat = (tr == lax.rem(tc, G)).astype(f32)
  totb = jnp.dot(total, st_mat, preferred_element_type=f32)

  logtot_ref[...] = jnp.log(total)
  post_ref[...] = tmp / totb


def _tc_dense(sums, cnts, x2, lamqt, lamb2):
  nb = 1000
  grid = N // nb
  return pl.pallas_call(
      _tc_body,
      grid=(grid,),
      in_specs=[
          pl.BlockSpec((nb, CG), lambda i: (i, 0)),
          pl.BlockSpec((nb, 16), lambda i: (i, 0)),
          pl.BlockSpec((nb, 1), lambda i: (i, 0)),
          pl.BlockSpec((CG, C), lambda i: (0, 0)),
          pl.BlockSpec((M, CG), lambda i: (0, 0)),
      ],
      out_specs=[
          pl.BlockSpec((nb, G), lambda i: (i, 0)),
          pl.BlockSpec((nb, CG), lambda i: (i, 0)),
      ],
      out_shape=[
          jax.ShapeDtypeStruct((N, G), jnp.float32),
          jax.ShapeDtypeStruct((N, CG), jnp.float32),
      ],
  )(sums, cnts, x2, lamqt, lamb2)


def kernel(x, prev_h, edge_index, lambda_Q, lambda_B):
  ph2 = prev_h.reshape(N, CG)
  dst = edge_index[0]
  src = edge_index[1]
  pad = E_PAD - E
  dst_pad = jnp.concatenate([dst, jnp.full((pad,), -1, dst.dtype)])
  src_pad = jnp.concatenate([src, jnp.zeros((pad,), src.dtype)])

  sums, cnts = _sc_segment_sum(ph2, dst_pad.astype(jnp.int32),
                               src_pad.astype(jnp.int32))

  lamqt = jnp.transpose(lambda_Q, (1, 2, 0)).reshape(CG, C)
  lamb2 = jnp.transpose(lambda_B, (1, 0, 2)).reshape(M, CG)
  x2 = x.reshape(N, 1).astype(jnp.int32)

  logtot, post = _tc_dense(sums, cnts, x2, lamqt, lamb2)
  return (logtot, post.reshape(N, C, G))

# --- scband reference (transcript-rebuilt; emitter-appended) ---
"""Pipeline reference for scband-cgmmlayer-74363063763466 (READ-ONLY COPY).

The authoritative reference and input builder live on the scoring server;
editing this copy changes nothing except your own understanding.
"""

import jax, jax.numpy as jnp
import numpy as np

N = 10000
E = 160000
C = 16
M = 32
NGEN = 16


def setup_inputs(seed: int = 0) -> dict:
    key = jax.random.key(seed)
    k1, k2, k3, k4, k5 = jax.random.split(key, 5)
    x = jax.random.randint(k1, (N,), 0, M)
    prev_h = jax.random.uniform(k2, (N, C, NGEN), dtype=jnp.float32)
    edge_index = jax.random.randint(k3, (2, E), 0, N)
    lambda_Q = 2.5 * jax.random.normal(k4, (C, C, NGEN), dtype=jnp.float32)
    lambda_B = 2.5 * jax.random.normal(k5, (C, M, NGEN), dtype=jnp.float32)
    return {"x": x, "prev_h": prev_h, "edge_index": edge_index,
            "lambda_Q": lambda_Q, "lambda_B": lambda_B}


def reference(x, prev_h, edge_index, lambda_Q, lambda_B):
    # per-generation softmaxes (vectorized over the n_gen trailing dim)
    Q = jax.nn.softmax(lambda_Q, axis=0)  # [C, C, n_gen]
    B = jax.nn.softmax(lambda_B, axis=1)  # [C, M, n_gen]
    dst = edge_index[0]
    src = edge_index[1]
    n_nodes = prev_h.shape[0]
    # gather neighbor states and scatter-mean onto destination nodes
    prev_h_neigh = prev_h[src]  # [E, C, n_gen]
    sums = jax.ops.segment_sum(prev_h_neigh, dst, num_segments=n_nodes)
    counts = jax.ops.segment_sum(jnp.ones((dst.shape[0],), dtype=prev_h.dtype), dst, num_segments=n_nodes)
    prev_h_neigh_aggr = sums / jnp.maximum(counts, 1.0)[:, None, None]  # [N, C, n_gen]
    # B[:, x] -> [C, N, n_gen]; permute -> [N, C, n_gen]; unsqueeze(2) -> [N, C, 1, n_gen]
    B_nodes = jnp.transpose(B[:, x, :], (1, 0, 2))[:, :, None, :]
    aggr = prev_h_neigh_aggr[:, None, :, :]  # [N, 1, C, n_gen]
    unnorm_posterior = B_nodes * (Q[None, :, :, :] * aggr)  # [N, C, C, n_gen]
    total = unnorm_posterior.sum(axis=(1, 2))  # [N, n_gen]
    posterior_il = unnorm_posterior / total[:, None, None, :]
    posterior_i = posterior_il.sum(axis=2)  # [N, C, n_gen]
    return (jnp.log(total), posterior_i)

if __name__ == "__main__":
    import jax
    _d = setup_inputs()
    print(jax.jit(kernel)(*tuple(_d.values())))

</pallas_src>

<mosaic_0001>
#map = affine_map<(d0, d1) -> (0, 0)>
#map1 = affine_map<(d0, d1) -> (0)>
module attributes {stable_mosaic.version = 14 : i64} {
  func.func @body(%arg0: i32, %arg1: i32, %arg2: memref<10000x256xf32, #tpu.memory_space<hbm>>, %arg3: memref<163840xi32, #tpu.memory_space<hbm>>, %arg4: memref<163840xi32, #tpu.memory_space<hbm>>, %arg5: memref<10000x256xf32, #tpu.memory_space<hbm>>, %arg6: memref<10000x16xf32, #tpu.memory_space<hbm>>, %arg7: memref<5120x256xf32, #tpu.memory_space<vmem_shared>>, %arg8: memref<5120x16xf32, #tpu.memory_space<vmem_shared>>, %arg9: memref<512xi32, #tpu.memory_space<vmem>>, %arg10: memref<512xi32, #tpu.memory_space<vmem>>, %arg11: memref<768xi32, #tpu.memory_space<vmem>>, %arg12: memref<768xi32, #tpu.memory_space<vmem>>, %arg13: memref<1x64xi32, #tpu.memory_space<vmem>>, %arg14: memref<1x64xi32, #tpu.memory_space<vmem>>, %arg15: memref<64x256xf32, #tpu.memory_space<vmem>>, %arg16: memref<64x256xf32, #tpu.memory_space<vmem>>, %arg17: memref<64x16xf32, #tpu.memory_space<vmem>>, %arg18: memref<64x16xf32, #tpu.memory_space<vmem>>, %arg19: memref<!tpu.dma_semaphore, #tpu.memory_space<semaphore_mem>>, %arg20: memref<!tpu.dma_semaphore, #tpu.memory_space<semaphore_mem>>, %arg21: memref<!tpu.dma_semaphore, #tpu.memory_space<semaphore_mem>>, %arg22: memref<!tpu.dma_semaphore, #tpu.memory_space<semaphore_mem>>, %arg23: memref<!tpu.dma_semaphore, #tpu.memory_space<semaphore_mem>>, %arg24: memref<!tpu.dma_semaphore, #tpu.memory_space<semaphore_mem>>, %arg25: memref<!tpu.dma_semaphore, #tpu.memory_space<semaphore_mem>>, %arg26: memref<!tpu.dma_semaphore, #tpu.memory_space<semaphore_mem>>) attributes {dimension_semantics = [#tpu.dimension_semantics<core_parallel>, #tpu.dimension_semantics<subcore_parallel>], iteration_bounds = array<i64: 2, 16>, scalar_prefetch = 0 : i64, scratch_operands = 20 : i64, tpu.core_type = #tpu.core_type<sc_vector_subcore>, window_params = [{transform_indices = #map}, {transform_indices = #map1}, {transform_indices = #map1}, {transform_indices = #map}, {transform_indices = #map}]} {
    %mul3A = arith.constant 5000 : i32
    %mul3A_0 = arith.muli %arg0, %mul3A : i32
    %scan3A = arith.constant 0 : i32
    %scan3A_1 = arith.constant 0 : i32
    %scan3A_2 = arith.constant 64 : i32
    %scan3A_3 = arith.addi %scan3A_1, %scan3A_2 : i32
    %scan3A_4 = arith.constant 1 : i32
    %scan3A_5 = scf.for %scan3A_64 = %scan3A_1 to %scan3A_3 step %scan3A_4 iter_args(%scan3A_65 = %scan3A) -> (i32)  : i32 {
      %broadcast_in_dim3A = arith.constant 1.000000e+00 : f32
      %broadcast_in_dim3A_66 = vector.broadcast %broadcast_in_dim3A : f32 to vector<16xf32>
      %swap3A = arith.index_cast %scan3A_64 : i32 to index
      %swap3A_67 = arith.constant 0 : index
      %swap3A_68 = tpu.vector_load %arg17[%swap3A, %swap3A_67] {strides = array<i32>} : memref<64x16xf32, #tpu.memory_space<vmem>>, vector<16xf32>,
      tpu.vector_store %arg17[%swap3A, %swap3A_67], %broadcast_in_dim3A_66 {strides = array<i32>} : memref<64x16xf32, #tpu.memory_space<vmem>>, vector<16xf32>,
      %broadcast_in_dim3A_69 = arith.constant 0.000000e+00 : f32
      %broadcast_in_dim3A_70 = vector.broadcast %broadcast_in_dim3A_69 : f32 to vector<16xf32>
      %swap3A_71 = arith.index_cast %scan3A_64 : i32 to index
      %swap3A_72 = arith.constant 0 : index
      %swap3A_73 = tpu.vector_load %arg18[%swap3A_71, %swap3A_72] {strides = array<i32>} : memref<64x16xf32, #tpu.memory_space<vmem>>, vector<16xf32>,
      tpu.vector_store %arg18[%swap3A_71, %swap3A_72], %broadcast_in_dim3A_70 {strides = array<i32>} : memref<64x16xf32, #tpu.memory_space<vmem>>, vector<16xf32>,
      %broadcast_in_dim3A_74 = arith.constant 0.000000e+00 : f32
      %broadcast_in_dim3A_75 = vector.broadcast %broadcast_in_dim3A_74 : f32 to vector<16xf32>
      %swap3A_76 = arith.index_cast %scan3A_64 : i32 to index
      %swap3A_77 = arith.constant 0 : index
      %swap3A_78 = tpu.vector_load %arg15[%swap3A_76, %swap3A_77] {strides = array<i32>} : memref<64x256xf32, #tpu.memory_space<vmem>>, vector<16xf32>,
      tpu.vector_store %arg15[%swap3A_76, %swap3A_77], %broadcast_in_dim3A_75 {strides = array<i32>} : memref<64x256xf32, #tpu.memory_space<vmem>>, vector<16xf32>,
      %broadcast_in_dim3A_79 = arith.constant 0.000000e+00 : f32
      %broadcast_in_dim3A_80 = vector.broadcast %broadcast_in_dim3A_79 : f32 to vector<16xf32>
      %swap3A_81 = arith.index_cast %scan3A_64 : i32 to index
      %swap3A_82 = arith.constant 16 : index
      %swap3A_83 = tpu.vector_load %arg15[%swap3A_81, %swap3A_82] {strides = array<i32>} : memref<64x256xf32, #tpu.memory_space<vmem>>, vector<16xf32>,
      tpu.vector_store %arg15[%swap3A_81, %swap3A_82], %broadcast_in_dim3A_80 {strides = array<i32>} : memref<64x256xf32, #tpu.memory_space<vmem>>, vector<16xf32>,
      %broadcast_in_dim3A_84 = arith.constant 0.000000e+00 : f32
      %broadcast_in_dim3A_85 = vector.broadcast %broadcast_in_dim3A_84 : f32 to vector<16xf32>
      %swap3A_86 = arith.index_cast %scan3A_64 : i32 to index
      %swap3A_87 = arith.constant 32 : index
      %swap3A_88 = tpu.vector_load %arg15[%swap3A_86, %swap3A_87] {strides = array<i32>} : memref<64x256xf32, #tpu.memory_space<vmem>>, vector<16xf32>,
      tpu.vector_store %arg15[%swap3A_86, %swap3A_87], %broadcast_in_dim3A_85 {strides = array<i32>} : memref<64x256xf32, #tpu.memory_space<vmem>>, vector<16xf32>,
      %broadcast_in_dim3A_89 = arith.constant 0.000000e+00 : f32
      %broadcast_in_dim3A_90 = vector.broadcast %broadcast_in_dim3A_89 : f32 to vector<16xf32>
      %swap3A_91 = arith.index_cast %scan3A_64 : i32 to index
      %swap3A_92 = arith.constant 48 : index
      %swap3A_93 = tpu.vector_load %arg15[%swap3A_91, %swap3A_92] {strides = array<i32>} : memref<64x256xf32, #tpu.memory_space<vmem>>, vector<16xf32>,
      tpu.vector_store %arg15[%swap3A_91, %swap3A_92], %broadcast_in_dim3A_90 {strides = array<i32>} : memref<64x256xf32, #tpu.memory_space<vmem>>, vector<16xf32>,
      %broadcast_in_dim3A_94 = arith.constant 0.000000e+00 : f32
      %broadcast_in_dim3A_95 = vector.broadcast %broadcast_in_dim3A_94 : f32 to vector<16xf32>
      %swap3A_96 = arith.index_cast %scan3A_64 : i32 to index
      %swap3A_97 = arith.constant 64 : index
      %swap3A_98 = tpu.vector_load %arg15[%swap3A_96, %swap3A_97] {strides = array<i32>} : memref<64x256xf32, #tpu.memory_space<vmem>>, vector<16xf32>,
      tpu.vector_store %arg15[%swap3A_96, %swap3A_97], %broadcast_in_dim3A_95 {strides = array<i32>} : memref<64x256xf32, #tpu.memory_space<vmem>>, vector<16xf32>,
      %broadcast_in_dim3A_99 = arith.constant 0.000000e+00 : f32
      %broadcast_in_dim3A_100 = vector.broadcast %broadcast_in_dim3A_99 : f32 to vector<16xf32>
      %swap3A_101 = arith.index_cast %scan3A_64 : i32 to index
      %swap3A_102 = arith.constant 80 : index
      %swap3A_103 = tpu.vector_load %arg15[%swap3A_101, %swap3A_102] {strides = array<i32>} : memref<64x256xf32, #tpu.memory_space<vmem>>, vector<16xf32>,
      tpu.vector_store %arg15[%swap3A_101, %swap3A_102], %broadcast_in_dim3A_100 {strides = array<i32>} : memref<64x256xf32, #tpu.memory_space<vmem>>, vector<16xf32>,
      %broadcast_in_dim3A_104 = arith.constant 0.000000e+00 : f32
      %broadcast_in_dim3A_105 = vector.broadcast %broadcast_in_dim3A_104 : f32 to vector<16xf32>
      %swap3A_106 = arith.index_cast %scan3A_64 : i32 to index
      %swap3A_107 = arith.constant 96 : index
      %swap3A_108 = tpu.vector_load %arg15[%swap3A_106, %swap3A_107] {strides = array<i32>} : memref<64x256xf32, #tpu.memory_space<vmem>>, vector<16xf32>,
      tpu.vector_store %arg15[%swap3A_106, %swap3A_107], %broadcast_in_dim3A_105 {strides = array<i32>} : memref<64x256xf32, #tpu.memory_space<vmem>>, vector<16xf32>,
      %broadcast_in_dim3A_109 = arith.constant 0.000000e+00 : f32
      %broadcast_in_dim3A_110 = vector.broadcast %broadcast_in_dim3A_109 : f32 to vector<16xf32>
      %swap3A_111 = arith.index_cast %scan3A_64 : i32 to index
      %swap3A_112 = arith.constant 112 : index
      %swap3A_113 = tpu.vector_load %arg15[%swap3A_111, %swap3A_112] {strides = array<i32>} : memref<64x256xf32, #tpu.memory_space<vmem>>, vector<16xf32>,
      tpu.vector_store %arg15[%swap3A_111, %swap3A_112], %broadcast_in_dim3A_110 {strides = array<i32>} : memref<64x256xf32, #tpu.memory_space<vmem>>, vector<16xf32>,
      %broadcast_in_dim3A_114 = arith.constant 0.000000e+00 : f32
      %broadcast_in_dim3A_115 = vector.broadcast %broadcast_in_dim3A_114 : f32 to vector<16xf32>
      %swap3A_116 = arith.index_cast %scan3A_64 : i32 to index
      %swap3A_117 = arith.constant 128 : index
      %swap3A_118 = tpu.vector_load %arg15[%swap3A_116, %swap3A_117] {strides = array<i32>} : memref<64x256xf32, #tpu.memory_space<vmem>>, vector<16xf32>,
      tpu.vector_store %arg15[%swap3A_116, %swap3A_117], %broadcast_in_dim3A_115 {strides = array<i32>} : memref<64x256xf32, #tpu.memory_space<vmem>>, vector<16xf32>,
      %broadcast_in_dim3A_119 = arith.constant 0.000000e+00 : f32
      %broadcast_in_dim3A_120 = vector.broadcast %broadcast_in_dim3A_119 : f32 to vector<16xf32>
      %swap3A_121 = arith.index_cast %scan3A_64 : i32 to index
      %swap3A_122 = arith.constant 144 : index
      %swap3A_123 = tpu.vector_load %arg15[%swap3A_121, %swap3A_122] {strides = array<i32>} : memref<64x256xf32, #tpu.memory_space<vmem>>, vector<16xf32>,
      tpu.vector_store %arg15[%swap3A_121, %swap3A_122], %broadcast_in_dim3A_120 {strides = array<i32>} : memref<64x256xf32, #tpu.memory_space<vmem>>, vector<16xf32>,
      %broadcast_in_dim3A_124 = arith.constant 0.000000e+00 : f32
      %broadcast_in_dim3A_125 = vector.broadcast %broadcast_in_dim3A_124 : f32 to vector<16xf32>
      %swap3A_126 = arith.index_cast %scan3A_64 : i32 to index
      %swap3A_127 = arith.constant 160 : index
      %swap3A_128 = tpu.vector_load %arg15[%swap3A_126, %swap3A_127] {strides = array<i32>} : memref<64x256xf32, #tpu.memory_space<vmem>>, vector<16xf32>,
      tpu.vector_store %arg15[%swap3A_126, %swap3A_127], %broadcast_in_dim3A_125 {strides = array<i32>} : memref<64x256xf32, #tpu.memory_space<vmem>>, vector<16xf32>,
      %broadcast_in_dim3A_129 = arith.constant 0.000000e+00 : f32
      %broadcast_in_dim3A_130 = vector.broadcast %broadcast_in_dim3A_129 : f32 to vector<16xf32>
      %swap3A_131 = arith.index_cast %scan3A_64 : i32 to index
      %swap3A_132 = arith.constant 176 : index
      %swap3A_133 = tpu.vector_load %arg15[%swap3A_131, %swap3A_132] {strides = array<i32>} : memref<64x256xf32, #tpu.memory_space<vmem>>, vector<16xf32>,
      tpu.vector_store %arg15[%swap3A_131, %swap3A_132], %broadcast_in_dim3A_130 {strides = array<i32>} : memref<64x256xf32, #tpu.memory_space<vmem>>, vector<16xf32>,
      %broadcast_in_dim3A_134 = arith.constant 0.000000e+00 : f32
      %broadcast_in_dim3A_135 = vector.broadcast %broadcast_in_dim3A_134 : f32 to vector<16xf32>
      %swap3A_136 = arith.index_cast %scan3A_64 : i32 to index
      %swap3A_137 = arith.constant 192 : index
      %swap3A_138 = tpu.vector_load %arg15[%swap3A_136, %swap3A_137] {strides = array<i32>} : memref<64x256xf32, #tpu.memory_space<vmem>>, vector<16xf32>,
      tpu.vector_store %arg15[%swap3A_136, %swap3A_137], %broadcast_in_dim3A_135 {strides = array<i32>} : memref<64x256xf32, #tpu.memory_space<vmem>>, vector<16xf32>,
      %broadcast_in_dim3A_139 = arith.constant 0.000000e+00 : f32
      %broadcast_in_dim3A_140 = vector.broadcast %broadcast_in_dim3A_139 : f32 to vector<16xf32>
      %swap3A_141 = arith.index_cast %scan3A_64 : i32 to index
      %swap3A_142 = arith.constant 208 : index
      %swap3A_143 = tpu.vector_load %arg15[%swap3A_141, %swap3A_142] {strides = array<i32>} : memref<64x256xf32, #tpu.memory_space<vmem>>, vector<16xf32>,
      tpu.vector_store %arg15[%swap3A_141, %swap3A_142], %broadcast_in_dim3A_140 {strides = array<i32>} : memref<64x256xf32, #tpu.memory_space<vmem>>, vector<16xf32>,
      %broadcast_in_dim3A_144 = arith.constant 0.000000e+00 : f32
      %broadcast_in_dim3A_145 = vector.broadcast %broadcast_in_dim3A_144 : f32 to vector<16xf32>
      %swap3A_146 = arith.index_cast %scan3A_64 : i32 to index
      %swap3A_147 = arith.constant 224 : index
      %swap3A_148 = tpu.vector_load %arg15[%swap3A_146, %swap3A_147] {strides = array<i32>} : memref<64x256xf32, #tpu.memory_space<vmem>>, vector<16xf32>,
      tpu.vector_store %arg15[%swap3A_146, %swap3A_147], %broadcast_in_dim3A_145 {strides = array<i32>} : memref<64x256xf32, #tpu.memory_space<vmem>>, vector<16xf32>,
      %broadcast_in_dim3A_149 = arith.constant 0.000000e+00 : f32
      %broadcast_in_dim3A_150 = vector.broadcast %broadcast_in_dim3A_149 : f32 to vector<16xf32>
      %swap3A_151 = arith.index_cast %scan3A_64 : i32 to index
      %swap3A_152 = arith.constant 240 : index
      %swap3A_153 = tpu.vector_load %arg15[%swap3A_151, %swap3A_152] {strides = array<i32>} : memref<64x256xf32, #tpu.memory_space<vmem>>, vector<16xf32>,
      tpu.vector_store %arg15[%swap3A_151, %swap3A_152], %broadcast_in_dim3A_150 {strides = array<i32>} : memref<64x256xf32, #tpu.memory_space<vmem>>, vector<16xf32>,
      %scan3A_154 = arith.constant 0 : i32
      scf.yield %scan3A_154 : i32
    }
    %scan3A_6 = arith.constant 64 : i32
    %add3A = arith.constant 0 : i32
    %add3A_7 = arith.addi %arg1, %add3A : i32
    %mul3A_8 = arith.constant 64 : i32
    %mul3A_9 = arith.muli %add3A_7, %mul3A_8 : i32
    "tpu.region"() ({
      %run_scoped3A = tpu.sem_alloc : memref<!tpu.dma_semaphore, #tpu.memory_space<semaphore_mem>>
      %dma_start3A_64 = arith.constant 0 : i32
      %dma_start3A_65 = tpu.memref_slice %arg7[%mul3A_9, %dma_start3A_64] : memref<5120x256xf32, #tpu.memory_space<vmem_shared>> -> memref<64x256xf32, #tpu.memory_space<vmem_shared>>
      %dma_start3A_66 = arith.constant 0 : i32
      %dma_start3A_67 = tpu.memref_slice %arg7[%mul3A_9, %dma_start3A_66] : memref<5120x256xf32, #tpu.memory_space<vmem_shared>> -> memref<64x256xf32, #tpu.memory_space<vmem_shared>>
      tpu.enqueue_dma source(%arg15 : memref<64x256xf32, #tpu.memory_space<vmem>>) target(%dma_start3A_67 : memref<64x256xf32, #tpu.memory_space<vmem_shared>>) target_semaphore(%run_scoped3A : memref<!tpu.dma_semaphore, #tpu.memory_space<semaphore_mem>>)
      %dma_wait3A = arith.constant 0 : i32
      %dma_wait3A_68 = tpu.memref_slice %arg7[%mul3A_9, %dma_wait3A] : memref<5120x256xf32, #tpu.memory_space<vmem_shared>> -> memref<64x256xf32, #tpu.memory_space<vmem_shared>>
      %dma_wait3A_69 = arith.constant 0 : i32
      %dma_wait3A_70 = tpu.memref_slice %arg7[%mul3A_9, %dma_wait3A_69] : memref<5120x256xf32, #tpu.memory_space<vmem_shared>> -> memref<64x256xf32, #tpu.memory_space<vmem_shared>>
      tpu.wait_dma2 semaphore(%run_scoped3A : memref<!tpu.dma_semaphore, #tpu.memory_space<semaphore_mem>>) src(%arg15 : memref<64x256xf32, #tpu.memory_space<vmem>>) dst(%dma_wait3A_70 : memref<64x256xf32, #tpu.memory_space<vmem_shared>>)
      tpu.yield
    }) : () -> ()
    %mul3A_10 = arith.constant 64 : i32
    %mul3A_11 = arith.muli %add3A_7, %mul3A_10 : i32
    "tpu.region"() ({
      %run_scoped3A = tpu.sem_alloc : memref<!tpu.dma_semaphore, #tpu.memory_space<semaphore_mem>>
      %dma_start3A_64 = arith.constant 0 : i32
      %dma_start3A_65 = tpu.memref_slice %arg8[%mul3A_11, %dma_start3A_64] : memref<5120x16xf32, #tpu.memory_space<vmem_shared>> -> memref<64x16xf32, #tpu.memory_space<vmem_shared>>
      %dma_start3A_66 = arith.constant 0 : i32
      %dma_start3A_67 = tpu.memref_slice %arg8[%mul3A_11, %dma_start3A_66] : memref<5120x16xf32, #tpu.memory_space<vmem_shared>> -> memref<64x16xf32, #tpu.memory_space<vmem_shared>>
      tpu.enqueue_dma source(%arg18 : memref<64x16xf32, #tpu.memory_space<vmem>>) target(%dma_start3A_67 : memref<64x16xf32, #tpu.memory_space<vmem_shared>>) target_semaphore(%run_scoped3A : memref<!tpu.dma_semaphore, #tpu.memory_space<semaphore_mem>>)
      %dma_wait3A = arith.constant 0 : i32
      %dma_wait3A_68 = tpu.memref_slice %arg8[%mul3A_11, %dma_wait3A] : memref<5120x16xf32, #tpu.memory_space<vmem_shared>> -> memref<64x16xf32, #tpu.memory_space<vmem_shared>>
      %dma_wait3A_69 = arith.constant 0 : i32
      %dma_wait3A_70 = tpu.memref_slice %arg8[%mul3A_11, %dma_wait3A_69] : memref<5120x16xf32, #tpu.memory_space<vmem_shared>> -> memref<64x16xf32, #tpu.memory_space<vmem_shared>>
      tpu.wait_dma2 semaphore(%run_scoped3A : memref<!tpu.dma_semaphore, #tpu.memory_space<semaphore_mem>>) src(%arg18 : memref<64x16xf32, #tpu.memory_space<vmem>>) dst(%dma_wait3A_70 : memref<64x16xf32, #tpu.memory_space<vmem_shared>>)
      tpu.yield
    }) : () -> ()
    %add3A_12 = arith.constant 16 : i32
    %add3A_13 = arith.addi %arg1, %add3A_12 : i32
    %mul3A_14 = arith.constant 64 : i32
    %mul3A_15 = arith.muli %add3A_13, %mul3A_14 : i32
    "tpu.region"() ({
      %run_scoped3A = tpu.sem_alloc : memref<!tpu.dma_semaphore, #tpu.memory_space<semaphore_mem>>
      %dma_start3A_64 = arith.constant 0 : i32
      %dma_start3A_65 = tpu.memref_slice %arg7[%mul3A_15, %dma_start3A_64] : memref<5120x256xf32, #tpu.memory_space<vmem_shared>> -> memref<64x256xf32, #tpu.memory_space<vmem_shared>>
      %dma_start3A_66 = arith.constant 0 : i32
      %dma_start3A_67 = tpu.memref_slice %arg7[%mul3A_15, %dma_start3A_66] : memref<5120x256xf32, #tpu.memory_space<vmem_shared>> -> memref<64x256xf32, #tpu.memory_space<vmem_shared>>
      tpu.enqueue_dma source(%arg15 : memref<64x256xf32, #tpu.memory_space<vmem>>) target(%dma_start3A_67 : memref<64x256xf32, #tpu.memory_space<vmem_shared>>) target_semaphore(%run_scoped3A : memref<!tpu.dma_semaphore, #tpu.memory_space<semaphore_mem>>)
      %dma_wait3A = arith.constant 0 : i32
      %dma_wait3A_68 = tpu.memref_slice %arg7[%mul3A_15, %dma_wait3A] : memref<5120x256xf32, #tpu.memory_space<vmem_shared>> -> memref<64x256xf32, #tpu.memory_space<vmem_shared>>
      %dma_wait3A_69 = arith.constant 0 : i32
      %dma_wait3A_70 = tpu.memref_slice %arg7[%mul3A_15, %dma_wait3A_69] : memref<5120x256xf32, #tpu.memory_space<vmem_shared>> -> memref<64x256xf32, #tpu.memory_space<vmem_shared>>
      tpu.wait_dma2 semaphore(%run_scoped3A : memref<!tpu.dma_semaphore, #tpu.memory_space<semaphore_mem>>) src(%arg15 : memref<64x256xf32, #tpu.memory_space<vmem>>) dst(%dma_wait3A_70 : memref<64x256xf32, #tpu.memory_space<vmem_shared>>)
      tpu.yield
    }) : () -> ()
    %mul3A_16 = arith.constant 64 : i32
    %mul3A_17 = arith.muli %add3A_13, %mul3A_16 : i32
    "tpu.region"() ({
      %run_scoped3A = tpu.sem_alloc : memref<!tpu.dma_semaphore, #tpu.memory_space<semaphore_mem>>
      %dma_start3A_64 = arith.constant 0 : i32
      %dma_start3A_65 = tpu.memref_slice %arg8[%mul3A_17, %dma_start3A_64] : memref<5120x16xf32, #tpu.memory_space<vmem_shared>> -> memref<64x16xf32, #tpu.memory_space<vmem_shared>>
      %dma_start3A_66 = arith.constant 0 : i32
      %dma_start3A_67 = tpu.memref_slice %arg8[%mul3A_17, %dma_start3A_66] : memref<5120x16xf32, #tpu.memory_space<vmem_shared>> -> memref<64x16xf32, #tpu.memory_space<vmem_shared>>
      tpu.enqueue_dma source(%arg18 : memref<64x16xf32, #tpu.memory_space<vmem>>) target(%dma_start3A_67 : memref<64x16xf32, #tpu.memory_space<vmem_shared>>) target_semaphore(%run_scoped3A : memref<!tpu.dma_semaphore, #tpu.memory_space<semaphore_mem>>)
      %dma_wait3A = arith.constant 0 : i32
      %dma_wait3A_68 = tpu.memref_slice %arg8[%mul3A_17, %dma_wait3A] : memref<5120x16xf32, #tpu.memory_space<vmem_shared>> -> memref<64x16xf32, #tpu.memory_space<vmem_shared>>
      %dma_wait3A_69 = arith.constant 0 : i32
      %dma_wait3A_70 = tpu.memref_slice %arg8[%mul3A_17, %dma_wait3A_69] : memref<5120x16xf32, #tpu.memory_space<vmem_shared>> -> memref<64x16xf32, #tpu.memory_space<vmem_shared>>
      tpu.wait_dma2 semaphore(%run_scoped3A : memref<!tpu.dma_semaphore, #tpu.memory_space<semaphore_mem>>) src(%arg18 : memref<64x16xf32, #tpu.memory_space<vmem>>) dst(%dma_wait3A_70 : memref<64x16xf32, #tpu.memory_space<vmem_shared>>)
      tpu.yield
    }) : () -> ()
    %add3A_18 = arith.constant 32 : i32
    %add3A_19 = arith.addi %arg1, %add3A_18 : i32
    %mul3A_20 = arith.constant 64 : i32
    %mul3A_21 = arith.muli %add3A_19, %mul3A_20 : i32
    "tpu.region"() ({
      %run_scoped3A = tpu.sem_alloc : memref<!tpu.dma_semaphore, #tpu.memory_space<semaphore_mem>>
      %dma_start3A_64 = arith.constant 0 : i32
      %dma_start3A_65 = tpu.memref_slice %arg7[%mul3A_21, %dma_start3A_64] : memref<5120x256xf32, #tpu.memory_space<vmem_shared>> -> memref<64x256xf32, #tpu.memory_space<vmem_shared>>
      %dma_start3A_66 = arith.constant 0 : i32
      %dma_start3A_67 = tpu.memref_slice %arg7[%mul3A_21, %dma_start3A_66] : memref<5120x256xf32, #tpu.memory_space<vmem_shared>> -> memref<64x256xf32, #tpu.memory_space<vmem_shared>>
      tpu.enqueue_dma source(%arg15 : memref<64x256xf32, #tpu.memory_space<vmem>>) target(%dma_start3A_67 : memref<64x256xf32, #tpu.memory_space<vmem_shared>>) target_semaphore(%run_scoped3A : memref<!tpu.dma_semaphore, #tpu.memory_space<semaphore_mem>>)
      %dma_wait3A = arith.constant 0 : i32
      %dma_wait3A_68 = tpu.memref_slice %arg7[%mul3A_21, %dma_wait3A] : memref<5120x256xf32, #tpu.memory_space<vmem_shared>> -> memref<64x256xf32, #tpu.memory_space<vmem_shared>>
      %dma_wait3A_69 = arith.constant 0 : i32
      %dma_wait3A_70 = tpu.memref_slice %arg7[%mul3A_21, %dma_wait3A_69] : memref<5120x256xf32, #tpu.memory_space<vmem_shared>> -> memref<64x256xf32, #tpu.memory_space<vmem_shared>>
      tpu.wait_dma2 semaphore(%run_scoped3A : memref<!tpu.dma_semaphore, #tpu.memory_space<semaphore_mem>>) src(%arg15 : memref<64x256xf32, #tpu.memory_space<vmem>>) dst(%dma_wait3A_70 : memref<64x256xf32, #tpu.memory_space<vmem_shared>>)
      tpu.yield
    }) : () -> ()
    %mul3A_22 = arith.constant 64 : i32
    %mul3A_23 = arith.muli %add3A_19, %mul3A_22 : i32
    "tpu.region"() ({
      %run_scoped3A = tpu.sem_alloc : memref<!tpu.dma_semaphore, #tpu.memory_space<semaphore_mem>>
      %dma_start3A_64 = arith.constant 0 : i32
      %dma_start3A_65 = tpu.memref_slice %arg8[%mul3A_23, %dma_start3A_64] : memref<5120x16xf32, #tpu.memory_space<vmem_shared>> -> memref<64x16xf32, #tpu.memory_space<vmem_shared>>
      %dma_start3A_66 = arith.constant 0 : i32
      %dma_start3A_67 = tpu.memref_slice %arg8[%mul3A_23, %dma_start3A_66] : memref<5120x16xf32, #tpu.memory_space<vmem_shared>> -> memref<64x16xf32, #tpu.memory_space<vmem_shared>>
      tpu.enqueue_dma source(%arg18 : memref<64x16xf32, #tpu.memory_space<vmem>>) target(%dma_start3A_67 : memref<64x16xf32, #tpu.memory_space<vmem_shared>>) target_semaphore(%run_scoped3A : memref<!tpu.dma_semaphore, #tpu.memory_space<semaphore_mem>>)
      %dma_wait3A = arith.constant 0 : i32
      %dma_wait3A_68 = tpu.memref_slice %arg8[%mul3A_23, %dma_wait3A] : memref<5120x16xf32, #tpu.memory_space<vmem_shared>> -> memref<64x16xf32, #tpu.memory_space<vmem_shared>>
      %dma_wait3A_69 = arith.constant 0 : i32
      %dma_wait3A_70 = tpu.memref_slice %arg8[%mul3A_23, %dma_wait3A_69] : memref<5120x16xf32, #tpu.memory_space<vmem_shared>> -> memref<64x16xf32, #tpu.memory_space<vmem_shared>>
      tpu.wait_dma2 semaphore(%run_scoped3A : memref<!tpu.dma_semaphore, #tpu.memory_space<semaphore_mem>>) src(%arg18 : memref<64x16xf32, #tpu.memory_space<vmem>>) dst(%dma_wait3A_70 : memref<64x16xf32, #tpu.memory_space<vmem_shared>>)
      tpu.yield
    }) : () -> ()
    %add3A_24 = arith.constant 48 : i32
    %add3A_25 = arith.addi %arg1, %add3A_24 : i32
    %mul3A_26 = arith.constant 64 : i32
    %mul3A_27 = arith.muli %add3A_25, %mul3A_26 : i32
    "tpu.region"() ({
      %run_scoped3A = tpu.sem_alloc : memref<!tpu.dma_semaphore, #tpu.memory_space<semaphore_mem>>
      %dma_start3A_64 = arith.constant 0 : i32
      %dma_start3A_65 = tpu.memref_slice %arg7[%mul3A_27, %dma_start3A_64] : memref<5120x256xf32, #tpu.memory_space<vmem_shared>> -> memref<64x256xf32, #tpu.memory_space<vmem_shared>>
      %dma_start3A_66 = arith.constant 0 : i32
      %dma_start3A_67 = tpu.memref_slice %arg7[%mul3A_27, %dma_start3A_66] : memref<5120x256xf32, #tpu.memory_space<vmem_shared>> -> memref<64x256xf32, #tpu.memory_space<vmem_shared>>
      tpu.enqueue_dma source(%arg15 : memref<64x256xf32, #tpu.memory_space<vmem>>) target(%dma_start3A_67 : memref<64x256xf32, #tpu.memory_space<vmem_shared>>) target_semaphore(%run_scoped3A : memref<!tpu.dma_semaphore, #tpu.memory_space<semaphore_mem>>)
      %dma_wait3A = arith.constant 0 : i32
      %dma_wait3A_68 = tpu.memref_slice %arg7[%mul3A_27, %dma_wait3A] : memref<5120x256xf32, #tpu.memory_space<vmem_shared>> -> memref<64x256xf32, #tpu.memory_space<vmem_shared>>
      %dma_wait3A_69 = arith.constant 0 : i32
      %dma_wait3A_70 = tpu.memref_slice %arg7[%mul3A_27, %dma_wait3A_69] : memref<5120x256xf32, #tpu.memory_space<vmem_shared>> -> memref<64x256xf32, #tpu.memory_space<vmem_shared>>
      tpu.wait_dma2 semaphore(%run_scoped3A : memref<!tpu.dma_semaphore, #tpu.memory_space<semaphore_mem>>) src(%arg15 : memref<64x256xf32, #tpu.memory_space<vmem>>) dst(%dma_wait3A_70 : memref<64x256xf32, #tpu.memory_space<vmem_shared>>)
      tpu.yield
    }) : () -> ()
    %mul3A_28 = arith.constant 64 : i32
    %mul3A_29 = arith.muli %add3A_25, %mul3A_28 : i32
    "tpu.region"() ({
      %run_scoped3A = tpu.sem_alloc : memref<!tpu.dma_semaphore, #tpu.memory_space<semaphore_mem>>
      %dma_start3A_64 = arith.constant 0 : i32
      %dma_start3A_65 = tpu.memref_slice %arg8[%mul3A_29, %dma_start3A_64] : memref<5120x16xf32, #tpu.memory_space<vmem_shared>> -> memref<64x16xf32, #tpu.memory_space<vmem_shared>>
      %dma_start3A_66 = arith.constant 0 : i32
      %dma_start3A_67 = tpu.memref_slice %arg8[%mul3A_29, %dma_start3A_66] : memref<5120x16xf32, #tpu.memory_space<vmem_shared>> -> memref<64x16xf32, #tpu.memory_space<vmem_shared>>
      tpu.enqueue_dma source(%arg18 : memref<64x16xf32, #tpu.memory_space<vmem>>) target(%dma_start3A_67 : memref<64x16xf32, #tpu.memory_space<vmem_shared>>) target_semaphore(%run_scoped3A : memref<!tpu.dma_semaphore, #tpu.memory_space<semaphore_mem>>)
      %dma_wait3A = arith.constant 0 : i32
      %dma_wait3A_68 = tpu.memref_slice %arg8[%mul3A_29, %dma_wait3A] : memref<5120x16xf32, #tpu.memory_space<vmem_shared>> -> memref<64x16xf32, #tpu.memory_space<vmem_shared>>
      %dma_wait3A_69 = arith.constant 0 : i32
      %dma_wait3A_70 = tpu.memref_slice %arg8[%mul3A_29, %dma_wait3A_69] : memref<5120x16xf32, #tpu.memory_space<vmem_shared>> -> memref<64x16xf32, #tpu.memory_space<vmem_shared>>
      tpu.wait_dma2 semaphore(%run_scoped3A : memref<!tpu.dma_semaphore, #tpu.memory_space<semaphore_mem>>) src(%arg18 : memref<64x16xf32, #tpu.memory_space<vmem>>) dst(%dma_wait3A_70 : memref<64x16xf32, #tpu.memory_space<vmem_shared>>)
      tpu.yield
    }) : () -> ()
    %add3A_30 = arith.constant 64 : i32
    %add3A_31 = arith.addi %arg1, %add3A_30 : i32
    %mul3A_32 = arith.constant 64 : i32
    %mul3A_33 = arith.muli %add3A_31, %mul3A_32 : i32
    "tpu.region"() ({
      %run_scoped3A = tpu.sem_alloc : memref<!tpu.dma_semaphore, #tpu.memory_space<semaphore_mem>>
      %dma_start3A_64 = arith.constant 0 : i32
      %dma_start3A_65 = tpu.memref_slice %arg7[%mul3A_33, %dma_start3A_64] : memref<5120x256xf32, #tpu.memory_space<vmem_shared>> -> memref<64x256xf32, #tpu.memory_space<vmem_shared>>
      %dma_start3A_66 = arith.constant 0 : i32
      %dma_start3A_67 = tpu.memref_slice %arg7[%mul3A_33, %dma_start3A_66] : memref<5120x256xf32, #tpu.memory_space<vmem_shared>> -> memref<64x256xf32, #tpu.memory_space<vmem_shared>>
      tpu.enqueue_dma source(%arg15 : memref<64x256xf32, #tpu.memory_space<vmem>>) target(%dma_start3A_67 : memref<64x256xf32, #tpu.memory_space<vmem_shared>>) target_semaphore(%run_scoped3A : memref<!tpu.dma_semaphore, #tpu.memory_space<semaphore_mem>>)
      %dma_wait3A = arith.constant 0 : i32
      %dma_wait3A_68 = tpu.memref_slice %arg7[%mul3A_33, %dma_wait3A] : memref<5120x256xf32, #tpu.memory_space<vmem_shared>> -> memref<64x256xf32, #tpu.memory_space<vmem_shared>>
      %dma_wait3A_69 = arith.constant 0 : i32
      %dma_wait3A_70 = tpu.memref_slice %arg7[%mul3A_33, %dma_wait3A_69] : memref<5120x256xf32, #tpu.memory_space<vmem_shared>> -> memref<64x256xf32, #tpu.memory_space<vmem_shared>>
      tpu.wait_dma2 semaphore(%run_scoped3A : memref<!tpu.dma_semaphore, #tpu.memory_space<semaphore_mem>>) src(%arg15 : memref<64x256xf32, #tpu.memory_space<vmem>>) dst(%dma_wait3A_70 : memref<64x256xf32, #tpu.memory_space<vmem_shared>>)
      tpu.yield
    }) : () -> ()
    %mul3A_34 = arith.constant 64 : i32
    %mul3A_35 = arith.muli %add3A_31, %mul3A_34 : i32
    "tpu.region"() ({
      %run_scoped3A = tpu.sem_alloc : memref<!tpu.dma_semaphore, #tpu.memory_space<semaphore_mem>>
      %dma_start3A_64 = arith.constant 0 : i32
      %dma_start3A_65 = tpu.memref_slice %arg8[%mul3A_35, %dma_start3A_64] : memref<5120x16xf32, #tpu.memory_space<vmem_shared>> -> memref<64x16xf32, #tpu.memory_space<vmem_shared>>
      %dma_start3A_66 = arith.constant 0 : i32
      %dma_start3A_67 = tpu.memref_slice %arg8[%mul3A_35, %dma_start3A_66] : memref<5120x16xf32, #tpu.memory_space<vmem_shared>> -> memref<64x16xf32, #tpu.memory_space<vmem_shared>>
      tpu.enqueue_dma source(%arg18 : memref<64x16xf32, #tpu.memory_space<vmem>>) target(%dma_start3A_67 : memref<64x16xf32, #tpu.memory_space<vmem_shared>>) target_semaphore(%run_scoped3A : memref<!tpu.dma_semaphore, #tpu.memory_space<semaphore_mem>>)
      %dma_wait3A = arith.constant 0 : i32
      %dma_wait3A_68 = tpu.memref_slice %arg8[%mul3A_35, %dma_wait3A] : memref<5120x16xf32, #tpu.memory_space<vmem_shared>> -> memref<64x16xf32, #tpu.memory_space<vmem_shared>>
      %dma_wait3A_69 = arith.constant 0 : i32
      %dma_wait3A_70 = tpu.memref_slice %arg8[%mul3A_35, %dma_wait3A_69] : memref<5120x16xf32, #tpu.memory_space<vmem_shared>> -> memref<64x16xf32, #tpu.memory_space<vmem_shared>>
      tpu.wait_dma2 semaphore(%run_scoped3A : memref<!tpu.dma_semaphore, #tpu.memory_space<semaphore_mem>>) src(%arg18 : memref<64x16xf32, #tpu.memory_space<vmem>>) dst(%dma_wait3A_70 : memref<64x16xf32, #tpu.memory_space<vmem_shared>>)
      tpu.yield
    }) : () -> ()
    %barrier3A = arith.constant 0 : index
    tpu.barrier barrier_id(%barrier3A)
    %mul3A_36 = arith.constant 10240 : i32
    %mul3A_37 = arith.muli %arg1, %mul3A_36 : i32
    %dma_start3A = tpu.memref_slice %arg3[%mul3A_37] : memref<163840xi32, #tpu.memory_space<hbm>> -> memref<512xi32, #tpu.memory_space<hbm>>
    %dma_start3A_38 = tpu.memref_slice %arg3[%mul3A_37] : memref<163840xi32, #tpu.memory_space<hbm>> -> memref<512xi32, #tpu.memory_space<hbm>>
    tpu.enqueue_dma source(%dma_start3A_38 : memref<512xi32, #tpu.memory_space<hbm>>) target(%arg9 : memref<512xi32, #tpu.memory_space<vmem>>) target_semaphore(%arg19 : memref<!tpu.dma_semaphore, #tpu.memory_space<semaphore_mem>>)
    %dma_start3A_39 = tpu.memref_slice %arg4[%mul3A_37] : memref<163840xi32, #tpu.memory_space<hbm>> -> memref<512xi32, #tpu.memory_space<hbm>>
    %dma_start3A_40 = tpu.memref_slice %arg4[%mul3A_37] : memref<163840xi32, #tpu.memory_space<hbm>> -> memref<512xi32, #tpu.memory_space<hbm>>
    tpu.enqueue_dma source(%dma_start3A_40 : memref<512xi32, #tpu.memory_space<hbm>>) target(%arg10 : memref<512xi32, #tpu.memory_space<vmem>>) target_semaphore(%arg20 : memref<!tpu.dma_semaphore, #tpu.memory_space<semaphore_mem>>)
    %scan3A_41 = arith.constant 0 : i32
    %scan3A_42 = arith.constant 0 : i32
    %scan3A_43 = arith.constant 20 : i32
    %scan3A_44 = arith.addi %scan3A_42, %scan3A_43 : i32
    %scan3A_45 = arith.constant 1 : i32
    %scan3A_46 = scf.for %scan3A_64 = %scan3A_42 to %scan3A_44 step %scan3A_45 iter_args(%scan3A_65 = %scan3A_41) -> (i32)  : i32 {
      %mul3A_66 = arith.constant 512 : i32
      %mul3A_67 = arith.muli %scan3A_64, %mul3A_66 : i32
      %add3A_68 = arith.addi %mul3A_37, %mul3A_67 : i32
      %dma_wait3A = tpu.memref_slice %arg3[%add3A_68] : memref<163840xi32, #tpu.memory_space<hbm>> -> memref<512xi32, #tpu.memory_space<hbm>>
      %dma_wait3A_69 = tpu.memref_slice %arg3[%add3A_68] : memref<163840xi32, #tpu.memory_space<hbm>> -> memref<512xi32, #tpu.memory_space<hbm>>
      tpu.wait_dma2 semaphore(%arg19 : memref<!tpu.dma_semaphore, #tpu.memory_space<semaphore_mem>>) src(%dma_wait3A_69 : memref<512xi32, #tpu.memory_space<hbm>>) dst(%arg9 : memref<512xi32, #tpu.memory_space<vmem>>)
      %dma_wait3A_70 = tpu.memref_slice %arg4[%add3A_68] : memref<163840xi32, #tpu.memory_space<hbm>> -> memref<512xi32, #tpu.memory_space<hbm>>
      %dma_wait3A_71 = tpu.memref_slice %arg4[%add3A_68] : memref<163840xi32, #tpu.memory_space<hbm>> -> memref<512xi32, #tpu.memory_space<hbm>>
      tpu.wait_dma2 semaphore(%arg20 : memref<!tpu.dma_semaphore, #tpu.memory_space<semaphore_mem>>) src(%dma_wait3A_71 : memref<512xi32, #tpu.memory_space<hbm>>) dst(%arg10 : memref<512xi32, #tpu.memory_space<vmem>>)
      %get3A = arith.constant 0 : index
      %get3A_72 = tpu.vector_load %arg9[%get3A] {strides = array<i32>} : memref<512xi32, #tpu.memory_space<vmem>>, vector<16xi32>,
      %get3A_73 = arith.constant 0 : index
      %get3A_74 = tpu.vector_load %arg10[%get3A_73] {strides = array<i32>} : memref<512xi32, #tpu.memory_space<vmem>>, vector<16xi32>,
      %sub3A = vector.broadcast %mul3A_0 : i32 to vector<16xi32>
      %sub3A_75 = arith.subi %get3A_72, %sub3A : vector<16xi32>
      %ge3A = arith.constant 0 : i32
      %ge3A_76 = vector.broadcast %ge3A : i32 to vector<16xi32>
      %ge3A_77 = arith.cmpi sge, %sub3A_75, %ge3A_76 : vector<16xi32>
      %lt3A_78 = arith.constant 5000 : i32
      %lt3A_79 = vector.broadcast %lt3A_78 : i32 to vector<16xi32>
      %lt3A_80 = arith.cmpi slt, %sub3A_75, %lt3A_79 : vector<16xi32>
      %and3A = arith.andi %ge3A_77, %lt3A_80 : vector<16xi1>
      %broadcast_in_dim3A = arith.constant 1 : i32
      %broadcast_in_dim3A_81 = vector.broadcast %broadcast_in_dim3A : i32 to vector<16xi32>
      %broadcast_in_dim3A_82 = arith.constant 0 : i32
      %broadcast_in_dim3A_83 = vector.broadcast %broadcast_in_dim3A_82 : i32 to vector<16xi32>
      %select_n3A = arith.select %and3A, %broadcast_in_dim3A_81, %broadcast_in_dim3A_83 : vector<16xi1>, vector<16xi32>
      %broadcast_in_dim3A_84 = arith.constant true
      %broadcast_in_dim3A_85 = vector.broadcast %broadcast_in_dim3A_84 : i1 to vector<16xi1>
      %masked_cumsum3A = tpu.scan <sum>, %select_n3A masked %broadcast_in_dim3A_85 : vector<16xi32>, vector<16xi1> -> vector<16xi32>
      %iota3A = tpu.iota {dimensions = array<i32: 0>} : vector<16xi32>
      %broadcast_in_dim3A_86 = vector.broadcast %scan3A_65 : i32 to vector<16xi32>
      %add3A_87 = arith.addi %broadcast_in_dim3A_86, %masked_cumsum3A : vector<16xi32>
      %sub3A_88 = arith.constant 1 : i32
      %sub3A_89 = vector.broadcast %sub3A_88 : i32 to vector<16xi32>
      %sub3A_90 = arith.subi %add3A_87, %sub3A_89 : vector<16xi32>
      %add3A_91 = arith.constant 752 : i32
      %add3A_92 = vector.broadcast %add3A_91 : i32 to vector<16xi32>
      %add3A_93 = arith.addi %add3A_92, %iota3A : vector<16xi32>
      %select_n3A_94 = arith.select %and3A, %sub3A_90, %add3A_93 : vector<16xi1>, vector<16xi32>
      tpu.vector_store_idx %arg11[%select_n3A_94], %sub3A_75 : memref<768xi32, #tpu.memory_space<vmem>>[vector<16xi32>], vector<16xi32>,
      tpu.vector_store_idx %arg12[%select_n3A_94], %get3A_74 : memref<768xi32, #tpu.memory_space<vmem>>[vector<16xi32>], vector<16xi32>,
      %reduce_max3A = arith.constant true
      %reduce_max3A_95 = vector.broadcast %reduce_max3A : i1 to vector<16xi1>
      %reduce_max3A_96 = arith.constant -2147483648 : i32
      %reduce_max3A_97 = vector.broadcast %reduce_max3A_96 : i32 to vector<16xi32>
      %reduce_max3A_98 = arith.xori %masked_cumsum3A, %reduce_max3A_97 : vector<16xi32>
      %reduce_max3A_99 = tpu.scan <max>, %reduce_max3A_98 masked %reduce_max3A_95 : vector<16xi32>, vector<16xi1> -> vector<16xi32>
      %reduce_max3A_100 = arith.xori %reduce_max3A_99, %reduce_max3A_97 : vector<16xi32>
      %reduce_max3A_101 = vector.extract %reduce_max3A_100[15] : i32 from vector<16xi32>
      %add3A_102 = arith.addi %scan3A_65, %reduce_max3A_101 : i32
      %get3A_103 = arith.constant 16 : index
      %get3A_104 = tpu.vector_load %arg9[%get3A_103] {strides = array<i32>} : memref<512xi32, #tpu.memory_space<vmem>>, vector<16xi32>,
      %get3A_105 = arith.constant 16 : index
      %get3A_106 = tpu.vector_load %arg10[%get3A_105] {strides = array<i32>} : memref<512xi32, #tpu.memory_space<vmem>>, vector<16xi32>,
      %sub3A_107 = vector.broadcast %mul3A_0 : i32 to vector<16xi32>
      %sub3A_108 = arith.subi %get3A_104, %sub3A_107 : vector<16xi32>
      %ge3A_109 = arith.constant 0 : i32
      %ge3A_110 = vector.broadcast %ge3A_109 : i32 to vector<16xi32>
      %ge3A_111 = arith.cmpi sge, %sub3A_108, %ge3A_110 : vector<16xi32>
      %lt3A_112 = arith.constant 5000 : i32
      %lt3A_113 = vector.broadcast %lt3A_112 : i32 to vector<16xi32>
      %lt3A_114 = arith.cmpi slt, %sub3A_108, %lt3A_113 : vector<16xi32>
      %and3A_115 = arith.andi %ge3A_111, %lt3A_114 : vector<16xi1>
      %broadcast_in_dim3A_116 = arith.constant 1 : i32
      %broadcast_in_dim3A_117 = vector.broadcast %broadcast_in_dim3A_116 : i32 to vector<16xi32>
      %broadcast_in_dim3A_118 = arith.constant 0 : i32
      %broadcast_in_dim3A_119 = vector.broadcast %broadcast_in_dim3A_118 : i32 to vector<16xi32>
      %select_n3A_120 = arith.select %and3A_115, %broadcast_in_dim3A_117, %broadcast_in_dim3A_119 : vector<16xi1>, vector<16xi32>
      %broadcast_in_dim3A_121 = arith.constant true
      %broadcast_in_dim3A_122 = vector.broadcast %broadcast_in_dim3A_121 : i1 to vector<16xi1>
      %masked_cumsum3A_123 = tpu.scan <sum>, %select_n3A_120 masked %broadcast_in_dim3A_122 : vector<16xi32>, vector<16xi1> -> vector<16xi32>
      %iota3A_124 = tpu.iota {dimensions = array<i32: 0>} : vector<16xi32>
      %broadcast_in_dim3A_125 = vector.broadcast %add3A_102 : i32 to vector<16xi32>
      %add3A_126 = arith.addi %broadcast_in_dim3A_125, %masked_cumsum3A_123 : vector<16xi32>
      %sub3A_127 = arith.constant 1 : i32
      %sub3A_128 = vector.broadcast %sub3A_127 : i32 to vector<16xi32>
      %sub3A_129 = arith.subi %add3A_126, %sub3A_128 : vector<16xi32>
      %add3A_130 = arith.constant 752 : i32
      %add3A_131 = vector.broadcast %add3A_130 : i32 to vector<16xi32>
      %add3A_132 = arith.addi %add3A_131, %iota3A_124 : vector<16xi32>
      %select_n3A_133 = arith.select %and3A_115, %sub3A_129, %add3A_132 : vector<16xi1>, vector<16xi32>
      tpu.vector_store_idx %arg11[%select_n3A_133], %sub3A_108 : memref<768xi32, #tpu.memory_space<vmem>>[vector<16xi32>], vector<16xi32>,
      tpu.vector_store_idx %arg12[%select_n3A_133], %get3A_106 : memref<768xi32, #tpu.memory_space<vmem>>[vector<16xi32>], vector<16xi32>,
      %reduce_max3A_134 = arith.constant true
      %reduce_max3A_135 = vector.broadcast %reduce_max3A_134 : i1 to vector<16xi1>
      %reduce_max3A_136 = arith.constant -2147483648 : i32
      %reduce_max3A_137 = vector.broadcast %reduce_max3A_136 : i32 to vector<16xi32>
      %reduce_max3A_138 = arith.xori %masked_cumsum3A_123, %reduce_max3A_137 : vector<16xi32>
      %reduce_max3A_139 = tpu.scan <max>, %reduce_max3A_138 masked %reduce_max3A_135 : vector<16xi32>, vector<16xi1> -> vector<16xi32>
      %reduce_max3A_140 = arith.xori %reduce_max3A_139, %reduce_max3A_137 : vector<16xi32>
      %reduce_max3A_141 = vector.extract %reduce_max3A_140[15] : i32 from vector<16xi32>
      %add3A_142 = arith.addi %add3A_102, %reduce_max3A_141 : i32
      %get3A_143 = arith.constant 32 : index
      %get3A_144 = tpu.vector_load %arg9[%get3A_143] {strides = array<i32>} : memref<512xi32, #tpu.memory_space<vmem>>, vector<16xi32>,
      %get3A_145 = arith.constant 32 : index
      %get3A_146 = tpu.vector_load %arg10[%get3A_145] {strides = array<i32>} : memref<512xi32, #tpu.memory_space<vmem>>, vector<16xi32>,
      %sub3A_147 = vector.broadcast %mul3A_0 : i32 to vector<16xi32>
      %sub3A_148 = arith.subi %get3A_144, %sub3A_147 : vector<16xi32>
      %ge3A_149 = arith.constant 0 : i32
      %ge3A_150 = vector.broadcast %ge3A_149 : i32 to vector<16xi32>
      %ge3A_151 = arith.cmpi sge, %sub3A_148, %ge3A_150 : vector<16xi32>
      %lt3A_152 = arith.constant 5000 : i32
      %lt3A_153 = vector.broadcast %lt3A_152 : i32 to vector<16xi32>
      %lt3A_154 = arith.cmpi slt, %sub3A_148, %lt3A_153 : vector<16xi32>
      %and3A_155 = arith.andi %ge3A_151, %lt3A_154 : vector<16xi1>
      %broadcast_in_dim3A_156 = arith.constant 1 : i32
      %broadcast_in_dim3A_157 = vector.broadcast %broadcast_in_dim3A_156 : i32 to vector<16xi32>
      %broadcast_in_dim3A_158 = arith.constant 0 : i32
      %broadcast_in_dim3A_159 = vector.broadcast %broadcast_in_dim3A_158 : i32 to vector<16xi32>
      %select_n3A_160 = arith.select %and3A_155, %broadcast_in_dim3A_157, %broadcast_in_dim3A_159 : vector<16xi1>, vector<16xi32>
      %broadcast_in_dim3A_161 = arith.constant true
      %broadcast_in_dim3A_162 = vector.broadcast %broadcast_in_dim3A_161 : i1 to vector<16xi1>
      %masked_cumsum3A_163 = tpu.scan <sum>, %select_n3A_160 masked %broadcast_in_dim3A_162 : vector<16xi32>, vector<16xi1> -> vector<16xi32>
      %iota3A_164 = tpu.iota {dimensions = array<i32: 0>} : vector<16xi32>
      %broadcast_in_dim3A_165 = vector.broadcast %add3A_142 : i32 to vector<16xi32>
      %add3A_166 = arith.addi %broadcast_in_dim3A_165, %masked_cumsum3A_163 : vector<16xi32>
      %sub3A_167 = arith.constant 1 : i32
      %sub3A_168 = vector.broadcast %sub3A_167 : i32 to vector<16xi32>
      %sub3A_169 = arith.subi %add3A_166, %sub3A_168 : vector<16xi32>
      %add3A_170 = arith.constant 752 : i32
      %add3A_171 = vector.broadcast %add3A_170 : i32 to vector<16xi32>
      %add3A_172 = arith.addi %add3A_171, %iota3A_164 : vector<16xi32>
      %select_n3A_173 = arith.select %and3A_155, %sub3A_169, %add3A_172 : vector<16xi1>, vector<16xi32>
      tpu.vector_store_idx %arg11[%select_n3A_173], %sub3A_148 : memref<768xi32, #tpu.memory_space<vmem>>[vector<16xi32>], vector<16xi32>,
      tpu.vector_store_idx %arg12[%select_n3A_173], %get3A_146 : memref<768xi32, #tpu.memory_space<vmem>>[vector<16xi32>], vector<16xi32>,
      %reduce_max3A_174 = arith.constant true
      %reduce_max3A_175 = vector.broadcast %reduce_max3A_174 : i1 to vector<16xi1>
      %reduce_max3A_176 = arith.constant -2147483648 : i32
      %reduce_max3A_177 = vector.broadcast %reduce_max3A_176 : i32 to vector<16xi32>
      %reduce_max3A_178 = arith.xori %masked_cumsum3A_163, %reduce_max3A_177 : vector<16xi32>
      %reduce_max3A_179 = tpu.scan <max>, %reduce_max3A_178 masked %reduce_max3A_175 : vector<16xi32>, vector<16xi1> -> vector<16xi32>
      %reduce_max3A_180 = arith.xori %reduce_max3A_179, %reduce_max3A_177 : vector<16xi32>
      %reduce_max3A_181 = vector.extract %reduce_max3A_180[15] : i32 from vector<16xi32>
      %add3A_182 = arith.addi %add3A_142, %reduce_max3A_181 : i32
      %get3A_183 = arith.constant 48 : index
      %get3A_184 = tpu.vector_load %arg9[%get3A_183] {strides = array<i32>} : memref<512xi32, #tpu.memory_space<vmem>>, vector<16xi32>,
      %get3A_185 = arith.constant 48 : index
      %get3A_186 = tpu.vector_load %arg10[%get3A_185] {strides = array<i32>} : memref<512xi32, #tpu.memory_space<vmem>>, vector<16xi32>,
      %sub3A_187 = vector.broadcast %mul3A_0 : i32 to vector<16xi32>
      %sub3A_188 = arith.subi %get3A_184, %sub3A_187 : vector<16xi32>
      %ge3A_189 = arith.constant 0 : i32
      %ge3A_190 = vector.broadcast %ge3A_189 : i32 to vector<16xi32>
      %ge3A_191 = arith.cmpi sge, %sub3A_188, %ge3A_190 : vector<16xi32>
      %lt3A_192 = arith.constant 5000 : i32
      %lt3A_193 = vector.broadcast %lt3A_192 : i32 to vector<16xi32>
      %lt3A_194 = arith.cmpi slt, %sub3A_188, %lt3A_193 : vector<16xi32>
      %and3A_195 = arith.andi %ge3A_191, %lt3A_194 : vector<16xi1>
      %broadcast_in_dim3A_196 = arith.constant 1 : i32
      %broadcast_in_dim3A_197 = vector.broadcast %broadcast_in_dim3A_196 : i32 to vector<16xi32>
      %broadcast_in_dim3A_198 = arith.constant 0 : i32
      %broadcast_in_dim3A_199 = vector.broadcast %broadcast_in_dim3A_198 : i32 to vector<16xi32>
      %select_n3A_200 = arith.select %and3A_195, %broadcast_in_dim3A_197, %broadcast_in_dim3A_199 : vector<16xi1>, vector<16xi32>
      %broadcast_in_dim3A_201 = arith.constant true
      %broadcast_in_dim3A_202 = vector.broadcast %broadcast_in_dim3A_201 : i1 to vector<16xi1>
      %masked_cumsum3A_203 = tpu.scan <sum>, %select_n3A_200 masked %broadcast_in_dim3A_202 : vector<16xi32>, vector<16xi1> -> vector<16xi32>
      %iota3A_204 = tpu.iota {dimensions = array<i32: 0>} : vector<16xi32>
      %broadcast_in_dim3A_205 = vector.broadcast %add3A_182 : i32 to vector<16xi32>
      %add3A_206 = arith.addi %broadcast_in_dim3A_205, %masked_cumsum3A_203 : vector<16xi32>
      %sub3A_207 = arith.constant 1 : i32
      %sub3A_208 = vector.broadcast %sub3A_207 : i32 to vector<16xi32>
      %sub3A_209 = arith.subi %add3A_206, %sub3A_208 : vector<16xi32>
      %add3A_210 = arith.constant 752 : i32
      %add3A_211 = vector.broadcast %add3A_210 : i32 to vector<16xi32>
      %add3A_212 = arith.addi %add3A_211, %iota3A_204 : vector<16xi32>
      %select_n3A_213 = arith.select %and3A_195, %sub3A_209, %add3A_212 : vector<16xi1>, vector<16xi32>
      tpu.vector_store_idx %arg11[%select_n3A_213], %sub3A_188 : memref<768xi32, #tpu.memory_space<vmem>>[vector<16xi32>], vector<16xi32>,
      tpu.vector_store_idx %arg12[%select_n3A_213], %get3A_186 : memref<768xi32, #tpu.memory_space<vmem>>[vector<16xi32>], vector<16xi32>,
      %reduce_max3A_214 = arith.constant true
      %reduce_max3A_215 = vector.broadcast %reduce_max3A_214 : i1 to vector<16xi1>
      %reduce_max3A_216 = arith.constant -2147483648 : i32
      %reduce_max3A_217 = vector.broadcast %reduce_max3A_216 : i32 to vector<16xi32>
      %reduce_max3A_218 = arith.xori %masked_cumsum3A_203, %reduce_max3A_217 : vector<16xi32>
      %reduce_max3A_219 = tpu.scan <max>, %reduce_max3A_218 masked %reduce_max3A_215 : vector<16xi32>, vector<16xi1> -> vector<16xi32>
      %reduce_max3A_220 = arith.xori %reduce_max3A_219, %reduce_max3A_217 : vector<16xi32>
      %reduce_max3A_221 = vector.extract %reduce_max3A_220[15] : i32 from vector<16xi32>
      %add3A_222 = arith.addi %add3A_182, %reduce_max3A_221 : i32
      %get3A_223 = arith.constant 64 : index
      %get3A_224 = tpu.vector_load %arg9[%get3A_223] {strides = array<i32>} : memref<512xi32, #tpu.memory_space<vmem>>, vector<16xi32>,
      %get3A_225 = arith.constant 64 : index
      %get3A_226 = tpu.vector_load %arg10[%get3A_225] {strides = array<i32>} : memref<512xi32, #tpu.memory_space<vmem>>, vector<16xi32>,
      %sub3A_227 = vector.broadcast %mul3A_0 : i32 to vector<16xi32>
      %sub3A_228 = arith.subi %get3A_224, %sub3A_227 : vector<16xi32>
      %ge3A_229 = arith.constant 0 : i32
      %ge3A_230 = vector.broadcast %ge3A_229 : i32 to vector<16xi32>
      %ge3A_231 = arith.cmpi sge, %sub3A_228, %ge3A_230 : vector<16xi32>
      %lt3A_232 = arith.constant 5000 : i32
      %lt3A_233 = vector.broadcast %lt3A_232 : i32 to vector<16xi32>
      %lt3A_234 = arith.cmpi slt, %sub3A_228, %lt3A_233 : vector<16xi32>
      %and3A_235 = arith.andi %ge3A_231, %lt3A_234 : vector<16xi1>
      %broadcast_in_dim3A_236 = arith.constant 1 : i32
      %broadcast_in_dim3A_237 = vector.broadcast %broadcast_in_dim3A_236 : i32 to vector<16xi32>
      %broadcast_in_dim3A_238 = arith.constant 0 : i32
      %broadcast_in_dim3A_239 = vector.broadcast %broadcast_in_dim3A_238 : i32 to vector<16xi32>
      %select_n3A_240 = arith.select %and3A_235, %broadcast_in_dim3A_237, %broadcast_in_dim3A_239 : vector<16xi1>, vector<16xi32>
      %broadcast_in_dim3A_241 = arith.constant true
      %broadcast_in_dim3A_242 = vector.broadcast %broadcast_in_dim3A_241 : i1 to vector<16xi1>
      %masked_cumsum3A_243 = tpu.scan <sum>, %select_n3A_240 masked %broadcast_in_dim3A_242 : vector<16xi32>, vector<16xi1> -> vector<16xi32>
      %iota3A_244 = tpu.iota {dimensions = array<i32: 0>} : vector<16xi32>
      %broadcast_in_dim3A_245 = vector.broadcast %add3A_222 : i32 to vector<16xi32>
      %add3A_246 = arith.addi %broadcast_in_dim3A_245, %masked_cumsum3A_243 : vector<16xi32>
      %sub3A_247 = arith.constant 1 : i32
      %sub3A_248 = vector.broadcast %sub3A_247 : i32 to vector<16xi32>
      %sub3A_249 = arith.subi %add3A_246, %sub3A_248 : vector<16xi32>
      %add3A_250 = arith.constant 752 : i32
      %add3A_251 = vector.broadcast %add3A_250 : i32 to vector<16xi32>
      %add3A_252 = arith.addi %add3A_251, %iota3A_244 : vector<16xi32>
      %select_n3A_253 = arith.select %and3A_235, %sub3A_249, %add3A_252 : vector<16xi1>, vector<16xi32>
      tpu.vector_store_idx %arg11[%select_n3A_253], %sub3A_228 : memref<768xi32, #tpu.memory_space<vmem>>[vector<16xi32>], vector<16xi32>,
      tpu.vector_store_idx %arg12[%select_n3A_253], %get3A_226 : memref<768xi32, #tpu.memory_space<vmem>>[vector<16xi32>], vector<16xi32>,
      %reduce_max3A_254 = arith.constant true
      %reduce_max3A_255 = vector.broadcast %reduce_max3A_254 : i1 to vector<16xi1>
      %reduce_max3A_256 = arith.constant -2147483648 : i32
      %reduce_max3A_257 = vector.broadcast %reduce_max3A_256 : i32 to vector<16xi32>
      %reduce_max3A_258 = arith.xori %masked_cumsum3A_243, %reduce_max3A_257 : vector<16xi32>
      %reduce_max3A_259 = tpu.scan <max>, %reduce_max3A_258 masked %reduce_max3A_255 : vector<16xi32>, vector<16xi1> -> vector<16xi32>
      %reduce_max3A_260 = arith.xori %reduce_max3A_259, %reduce_max3A_257 : vector<16xi32>
      %reduce_max3A_261 = vector.extract %reduce_max3A_260[15] : i32 from vector<16xi32>
      %add3A_262 = arith.addi %add3A_222, %reduce_max3A_261 : i32
      %get3A_263 = arith.constant 80 : index
      %get3A_264 = tpu.vector_load %arg9[%get3A_263] {strides = array<i32>} : memref<512xi32, #tpu.memory_space<vmem>>, vector<16xi32>,
      %get3A_265 = arith.constant 80 : index
      %get3A_266 = tpu.vector_load %arg10[%get3A_265] {strides = array<i32>} : memref<512xi32, #tpu.memory_space<vmem>>, vector<16xi32>,
      %sub3A_267 = vector.broadcast %mul3A_0 : i32 to vector<16xi32>
      %sub3A_268 = arith.subi %get3A_264, %sub3A_267 : vector<16xi32>
      %ge3A_269 = arith.constant 0 : i32
      %ge3A_270 = vector.broadcast %ge3A_269 : i32 to vector<16xi32>
      %ge3A_271 = arith.cmpi sge, %sub3A_268, %ge3A_270 : vector<16xi32>
      %lt3A_272 = arith.constant 5000 : i32
      %lt3A_273 = vector.broadcast %lt3A_272 : i32 to vector<16xi32>
      %lt3A_274 = arith.cmpi slt, %sub3A_268, %lt3A_273 : vector<16xi32>
      %and3A_275 = arith.andi %ge3A_271, %lt3A_274 : vector<16xi1>
      %broadcast_in_dim3A_276 = arith.constant 1 : i32
      %broadcast_in_dim3A_277 = vector.broadcast %broadcast_in_dim3A_276 : i32 to vector<16xi32>
      %broadcast_in_dim3A_278 = arith.constant 0 : i32
      %broadcast_in_dim3A_279 = vector.broadcast %broadcast_in_dim3A_278 : i32 to vector<16xi32>
      %select_n3A_280 = arith.select %and3A_275, %broadcast_in_dim3A_277, %broadcast_in_dim3A_279 : vector<16xi1>, vector<16xi32>
      %broadcast_in_dim3A_281 = arith.constant true
      %broadcast_in_dim3A_282 = vector.broadcast %broadcast_in_dim3A_281 : i1 to vector<16xi1>
      %masked_cumsum3A_283 = tpu.scan <sum>, %select_n3A_280 masked %broadcast_in_dim3A_282 : vector<16xi32>, vector<16xi1> -> vector<16xi32>
      %iota3A_284 = tpu.iota {dimensions = array<i32: 0>} : vector<16xi32>
      %broadcast_in_dim3A_285 = vector.broadcast %add3A_262 : i32 to vector<16xi32>
      %add3A_286 = arith.addi %broadcast_in_dim3A_285, %masked_cumsum3A_283 : vector<16xi32>
      %sub3A_287 = arith.constant 1 : i32
      %sub3A_288 = vector.broadcast %sub3A_287 : i32 to vector<16xi32>
      %sub3A_289 = arith.subi %add3A_286, %sub3A_288 : vector<16xi32>
      %add3A_290 = arith.constant 752 : i32
      %add3A_291 = vector.broadcast %add3A_290 : i32 to vector<16xi32>
      %add3A_292 = arith.addi %add3A_291, %iota3A_284 : vector<16xi32>
      %select_n3A_293 = arith.select %and3A_275, %sub3A_289, %add3A_292 : vector<16xi1>, vector<16xi32>
      tpu.vector_store_idx %arg11[%select_n3A_293], %sub3A_268 : memref<768xi32, #tpu.memory_space<vmem>>[vector<16xi32>], vector<16xi32>,
      tpu.vector_store_idx %arg12[%select_n3A_293], %get3A_266 : memref<768xi32, #tpu.memory_space<vmem>>[vector<16xi32>], vector<16xi32>,
      %reduce_max3A_294 = arith.constant true
      %reduce_max3A_295 = vector.broadcast %reduce_max3A_294 : i1 to vector<16xi1>
      %reduce_max3A_296 = arith.constant -2147483648 : i32
      %reduce_max3A_297 = vector.broadcast %reduce_max3A_296 : i32 to vector<16xi32>
      %reduce_max3A_298 = arith.xori %masked_cumsum3A_283, %reduce_max3A_297 : vector<16xi32>
      %reduce_max3A_299 = tpu.scan <max>, %reduce_max3A_298 masked %reduce_max3A_295 : vector<16xi32>, vector<16xi1> -> vector<16xi32>
      %reduce_max3A_300 = arith.xori %reduce_max3A_299, %reduce_max3A_297 : vector<16xi32>
      %reduce_max3A_301 = vector.extract %reduce_max3A_300[15] : i32 from vector<16xi32>
      %add3A_302 = arith.addi %add3A_262, %reduce_max3A_301 : i32
      %get3A_303 = arith.constant 96 : index
      %get3A_304 = tpu.vector_load %arg9[%get3A_303] {strides = array<i32>} : memref<512xi32, #tpu.memory_space<vmem>>, vector<16xi32>,
      %get3A_305 = arith.constant 96 : index
      %get3A_306 = tpu.vector_load %arg10[%get3A_305] {strides = array<i32>} : memref<512xi32, #tpu.memory_space<vmem>>, vector<16xi32>,
      %sub3A_307 = vector.broadcast %mul3A_0 : i32 to vector<16xi32>
      %sub3A_308 = arith.subi %get3A_304, %sub3A_307 : vector<16xi32>
      %ge3A_309 = arith.constant 0 : i32
      %ge3A_310 = vector.broadcast %ge3A_309 : i32 to vector<16xi32>
      %ge3A_311 = arith.cmpi sge, %sub3A_308, %ge3A_310 : vector<16xi32>
      %lt3A_312 = arith.constant 5000 : i32
      %lt3A_313 = vector.broadcast %lt3A_312 : i32 to vector<16xi32>
      %lt3A_314 = arith.cmpi slt, %sub3A_308, %lt3A_313 : vector<16xi32>
      %and3A_315 = arith.andi %ge3A_311, %lt3A_314 : vector<16xi1>
      %broadcast_in_dim3A_316 = arith.constant 1 : i32
      %broadcast_in_dim3A_317 = vector.broadcast %broadcast_in_dim3A_316 : i32 to vector<16xi32>
      %broadcast_in_dim3A_318 = arith.constant 0 : i32
      %broadcast_in_dim3A_319 = vector.broadcast %broadcast_in_dim3A_318 : i32 to vector<16xi32>
      %select_n3A_320 = arith.select %and3A_315, %broadcast_in_dim3A_317, %broadcast_in_dim3A_319 : vector<16xi1>, vector<16xi32>
      %broadcast_in_dim3A_321 = arith.constant true
      %broadcast_in_dim3A_322 = vector.broadcast %broadcast_in_dim3A_321 : i1 to vector<16xi1>
      %masked_cumsum3A_323 = tpu.scan <sum>, %select_n3A_320 masked %broadcast_in_dim3A_322 : vector<16xi32>, vector<16xi1> -> vector<16xi32>
      %iota3A_324 = tpu.iota {dimensions = array<i32: 0>} : vector<16xi32>
      %broadcast_in_dim3A_325 = vector.broadcast %add3A_302 : i32 to vector<16xi32>
      %add3A_326 = arith.addi %broadcast_in_dim3A_325, %masked_cumsum3A_323 : vector<16xi32>
      %sub3A_327 = arith.constant 1 : i32
      %sub3A_328 = vector.broadcast %sub3A_327 : i32 to vector<16xi32>
      %sub3A_329 = arith.subi %add3A_326, %sub3A_328 : vector<16xi32>
      %add3A_330 = arith.constant 752 : i32
      %add3A_331 = vector.broadcast %add3A_330 : i32 to vector<16xi32>
      %add3A_332 = arith.addi %add3A_331, %iota3A_324 : vector<16xi32>
      %select_n3A_333 = arith.select %and3A_315, %sub3A_329, %add3A_332 : vector<16xi1>, vector<16xi32>
      tpu.vector_store_idx %arg11[%select_n3A_333], %sub3A_308 : memref<768xi32, #tpu.memory_space<vmem>>[vector<16xi32>], vector<16xi32>,
      tpu.vector_store_idx %arg12[%select_n3A_333], %get3A_306 : memref<768xi32, #tpu.memory_space<vmem>>[vector<16xi32>], vector<16xi32>,
      %reduce_max3A_334 = arith.constant true
      %reduce_max3A_335 = vector.broadcast %reduce_max3A_334 : i1 to vector<16xi1>
      %reduce_max3A_336 = arith.constant -2147483648 : i32
      %reduce_max3A_337 = vector.broadcast %reduce_max3A_336 : i32 to vector<16xi32>
      %reduce_max3A_338 = arith.xori %masked_cumsum3A_323, %reduce_max3A_337 : vector<16xi32>
      %reduce_max3A_339 = tpu.scan <max>, %reduce_max3A_338 masked %reduce_max3A_335 : vector<16xi32>, vector<16xi1> -> vector<16xi32>
      %reduce_max3A_340 = arith.xori %reduce_max3A_339, %reduce_max3A_337 : vector<16xi32>
      %reduce_max3A_341 = vector.extract %reduce_max3A_340[15] : i32 from vector<16xi32>
      %add3A_342 = arith.addi %add3A_302, %reduce_max3A_341 : i32
      %get3A_343 = arith.constant 112 : index
      %get3A_344 = tpu.vector_load %arg9[%get3A_343] {strides = array<i32>} : memref<512xi32, #tpu.memory_space<vmem>>, vector<16xi32>,
      %get3A_345 = arith.constant 112 : index
      %get3A_346 = tpu.vector_load %arg10[%get3A_345] {strides = array<i32>} : memref<512xi32, #tpu.memory_space<vmem>>, vector<16xi32>,
      %sub3A_347 = vector.broadcast %mul3A_0 : i32 to vector<16xi32>
      %sub3A_348 = arith.subi %get3A_344, %sub3A_347 : vector<16xi32>
      %ge3A_349 = arith.constant 0 : i32
      %ge3A_350 = vector.broadcast %ge3A_349 : i32 to vector<16xi32>
      %ge3A_351 = arith.cmpi sge, %sub3A_348, %ge3A_350 : vector<16xi32>
      %lt3A_352 = arith.constant 5000 : i32
      %lt3A_353 = vector.broadcast %lt3A_352 : i32 to vector<16xi32>
      %lt3A_354 = arith.cmpi slt, %sub3A_348, %lt3A_353 : vector<16xi32>
      %and3A_355 = arith.andi %ge3A_351, %lt3A_354 : vector<16xi1>
      %broadcast_in_dim3A_356 = arith.constant 1 : i32
      %broadcast_in_dim3A_357 = vector.broadcast %broadcast_in_dim3A_356 : i32 to vector<16xi32>
      %broadcast_in_dim3A_358 = arith.constant 0 : i32
      %broadcast_in_dim3A_359 = vector.broadcast %broadcast_in_dim3A_358 : i32 to vector<16xi32>
      %select_n3A_360 = arith.select %and3A_355, %broadcast_in_dim3A_357, %broadcast_in_dim3A_359 : vector<16xi1>, vector<16xi32>
      %broadcast_in_dim3A_361 = arith.constant true
      %broadcast_in_dim3A_362 = vector.broadcast %broadcast_in_dim3A_361 : i1 to vector<16xi1>
      %masked_cumsum3A_363 = tpu.scan <sum>, %select_n3A_360 masked %broadcast_in_dim3A_362 : vector<16xi32>, vector<16xi1> -> vector<16xi32>
      %iota3A_364 = tpu.iota {dimensions = array<i32: 0>} : vector<16xi32>
      %broadcast_in_dim3A_365 = vector.broadcast %add3A_342 : i32 to vector<16xi32>
      %add3A_366 = arith.addi %broadcast_in_dim3A_365, %masked_cumsum3A_363 : vector<16xi32>
      %sub3A_367 = arith.constant 1 : i32
      %sub3A_368 = vector.broadcast %sub3A_367 : i32 to vector<16xi32>
      %sub3A_369 = arith.subi %add3A_366, %sub3A_368 : vector<16xi32>
      %add3A_370 = arith.constant 752 : i32
      %add3A_371 = vector.broadcast %add3A_370 : i32 to vector<16xi32>
      %add3A_372 = arith.addi %add3A_371, %iota3A_364 : vector<16xi32>
      %select_n3A_373 = arith.select %and3A_355, %sub3A_369, %add3A_372 : vector<16xi1>, vector<16xi32>
      tpu.vector_store_idx %arg11[%select_n3A_373], %sub3A_348 : memref<768xi32, #tpu.memory_space<vmem>>[vector<16xi32>], vector<16xi32>,
      tpu.vector_store_idx %arg12[%select_n3A_373], %get3A_346 : memref<768xi32, #tpu.memory_space<vmem>>[vector<16xi32>], vector<16xi32>,
      %reduce_max3A_374 = arith.constant true
      %reduce_max3A_375 = vector.broadcast %reduce_max3A_374 : i1 to vector<16xi1>
      %reduce_max3A_376 = arith.constant -2147483648 : i32
      %reduce_max3A_377 = vector.broadcast %reduce_max3A_376 : i32 to vector<16xi32>
      %reduce_max3A_378 = arith.xori %masked_cumsum3A_363, %reduce_max3A_377 : vector<16xi32>
      %reduce_max3A_379 = tpu.scan <max>, %reduce_max3A_378 masked %reduce_max3A_375 : vector<16xi32>, vector<16xi1> -> vector<16xi32>
      %reduce_max3A_380 = arith.xori %reduce_max3A_379, %reduce_max3A_377 : vector<16xi32>
      %reduce_max3A_381 = vector.extract %reduce_max3A_380[15] : i32 from vector<16xi32>
      %add3A_382 = arith.addi %add3A_342, %reduce_max3A_381 : i32
      %get3A_383 = arith.constant 128 : index
      %get3A_384 = tpu.vector_load %arg9[%get3A_383] {strides = array<i32>} : memref<512xi32, #tpu.memory_space<vmem>>, vector<16xi32>,
      %get3A_385 = arith.constant 128 : index
      %get3A_386 = tpu.vector_load %arg10[%get3A_385] {strides = array<i32>} : memref<512xi32, #tpu.memory_space<vmem>>, vector<16xi32>,
      %sub3A_387 = vector.broadcast %mul3A_0 : i32 to vector<16xi32>
      %sub3A_388 = arith.subi %get3A_384, %sub3A_387 : vector<16xi32>
      %ge3A_389 = arith.constant 0 : i32
      %ge3A_390 = vector.broadcast %ge3A_389 : i32 to vector<16xi32>
      %ge3A_391 = arith.cmpi sge, %sub3A_388, %ge3A_390 : vector<16xi32>
      %lt3A_392 = arith.constant 5000 : i32
      %lt3A_393 = vector.broadcast %lt3A_392 : i32 to vector<16xi32>
      %lt3A_394 = arith.cmpi slt, %sub3A_388, %lt3A_393 : vector<16xi32>
      %and3A_395 = arith.andi %ge3A_391, %lt3A_394 : vector<16xi1>
      %broadcast_in_dim3A_396 = arith.constant 1 : i32
      %broadcast_in_dim3A_397 = vector.broadcast %broadcast_in_dim3A_396 : i32 to vector<16xi32>
      %broadcast_in_dim3A_398 = arith.constant 0 : i32
      %broadcast_in_dim3A_399 = vector.broadcast %broadcast_in_dim3A_398 : i32 to vector<16xi32>
      %select_n3A_400 = arith.select %and3A_395, %broadcast_in_dim3A_397, %broadcast_in_dim3A_399 : vector<16xi1>, vector<16xi32>
      %broadcast_in_dim3A_401 = arith.constant true
      %broadcast_in_dim3A_402 = vector.broadcast %broadcast_in_dim3A_401 : i1 to vector<16xi1>
      %masked_cumsum3A_403 = tpu.scan <sum>, %select_n3A_400 masked %broadcast_in_dim3A_402 : vector<16xi32>, vector<16xi1> -> vector<16xi32>
      %iota3A_404 = tpu.iota {dimensions = array<i32: 0>} : vector<16xi32>
      %broadcast_in_dim3A_405 = vector.broadcast %add3A_382 : i32 to vector<16xi32>
      %add3A_406 = arith.addi %broadcast_in_dim3A_405, %masked_cumsum3A_403 : vector<16xi32>
      %sub3A_407 = arith.constant 1 : i32
      %sub3A_408 = vector.broadcast %sub3A_407 : i32 to vector<16xi32>
      %sub3A_409 = arith.subi %add3A_406, %sub3A_408 : vector<16xi32>
      %add3A_410 = arith.constant 752 : i32
      %add3A_411 = vector.broadcast %add3A_410 : i32 to vector<16xi32>
      %add3A_412 = arith.addi %add3A_411, %iota3A_404 : vector<16xi32>
      %select_n3A_413 = arith.select %and3A_395, %sub3A_409, %add3A_412 : vector<16xi1>, vector<16xi32>
      tpu.vector_store_idx %arg11[%select_n3A_413], %sub3A_388 : memref<768xi32, #tpu.memory_space<vmem>>[vector<16xi32>], vector<16xi32>,
      tpu.vector_store_idx %arg12[%select_n3A_413], %get3A_386 : memref<768xi32, #tpu.memory_space<vmem>>[vector<16xi32>], vector<16xi32>,
      %reduce_max3A_414 = arith.constant true
      %reduce_max3A_415 = vector.broadcast %reduce_max3A_414 : i1 to vector<16xi1>
      %reduce_max3A_416 = arith.constant -2147483648 : i32
      %reduce_max3A_417 = vector.broadcast %reduce_max3A_416 : i32 to vector<16xi32>
      %reduce_max3A_418 = arith.xori %masked_cumsum3A_403, %reduce_max3A_417 : vector<16xi32>
      %reduce_max3A_419 = tpu.scan <max>, %reduce_max3A_418 masked %reduce_max3A_415 : vector<16xi32>, vector<16xi1> -> vector<16xi32>
      %reduce_max3A_420 = arith.xori %reduce_max3A_419, %reduce_max3A_417 : vector<16xi32>
      %reduce_max3A_421 = vector.extract %reduce_max3A_420[15] : i32 from vector<16xi32>
      %add3A_422 = arith.addi %add3A_382, %reduce_max3A_421 : i32
      %get3A_423 = arith.constant 144 : index
      %get3A_424 = tpu.vector_load %arg9[%get3A_423] {strides = array<i32>} : memref<512xi32, #tpu.memory_space<vmem>>, vector<16xi32>,
      %get3A_425 = arith.constant 144 : index
      %get3A_426 = tpu.vector_load %arg10[%get3A_425] {strides = array<i32>} : memref<512xi32, #tpu.memory_space<vmem>>, vector<16xi32>,
      %sub3A_427 = vector.broadcast %mul3A_0 : i32 to vector<16xi32>
      %sub3A_428 = arith.subi %get3A_424, %sub3A_427 : vector<16xi32>
      %ge3A_429 = arith.constant 0 : i32
      %ge3A_430 = vector.broadcast %ge3A_429 : i32 to vector<16xi32>
      %ge3A_431 = arith.cmpi sge, %sub3A_428, %ge3A_430 : vector<16xi32>
      %lt3A_432 = arith.constant 5000 : i32
      %lt3A_433 = vector.broadcast %lt3A_432 : i32 to vector<16xi32>
      %lt3A_434 = arith.cmpi slt, %sub3A_428, %lt3A_433 : vector<16xi32>
      %and3A_435 = arith.andi %ge3A_431, %lt3A_434 : vector<16xi1>
      %broadcast_in_dim3A_436 = arith.constant 1 : i32
      %broadcast_in_dim3A_437 = vector.broadcast %broadcast_in_dim3A_436 : i32 to vector<16xi32>
      %broadcast_in_dim3A_438 = arith.constant 0 : i32
      %broadcast_in_dim3A_439 = vector.broadcast %broadcast_in_dim3A_438 : i32 to vector<16xi32>
      %select_n3A_440 = arith.select %and3A_435, %broadcast_in_dim3A_437, %broadcast_in_dim3A_439 : vector<16xi1>, vector<16xi32>
      %broadcast_in_dim3A_441 = arith.constant true
      %broadcast_in_dim3A_442 = vector.broadcast %broadcast_in_dim3A_441 : i1 to vector<16xi1>
      %masked_cumsum3A_443 = tpu.scan <sum>, %select_n3A_440 masked %broadcast_in_dim3A_442 : vector<16xi32>, vector<16xi1> -> vector<16xi32>
      %iota3A_444 = tpu.iota {dimensions = array<i32: 0>} : vector<16xi32>
      %broadcast_in_dim3A_445 = vector.broadcast %add3A_422 : i32 to vector<16xi32>
      %add3A_446 = arith.addi %broadcast_in_dim3A_445, %masked_cumsum3A_443 : vector<16xi32>
      %sub3A_447 = arith.constant 1 : i32
      %sub3A_448 = vector.broadcast %sub3A_447 : i32 to vector<16xi32>
      %sub3A_449 = arith.subi %add3A_446, %sub3A_448 : vector<16xi32>
      %add3A_450 = arith.constant 752 : i32
      %add3A_451 = vector.broadcast %add3A_450 : i32 to vector<16xi32>
      %add3A_452 = arith.addi %add3A_451, %iota3A_444 : vector<16xi32>
      %select_n3A_453 = arith.select %and3A_435, %sub3A_449, %add3A_452 : vector<16xi1>, vector<16xi32>
      tpu.vector_store_idx %arg11[%select_n3A_453], %sub3A_428 : memref<768xi32, #tpu.memory_space<vmem>>[vector<16xi32>], vector<16xi32>,
      tpu.vector_store_idx %arg12[%select_n3A_453], %get3A_426 : memref<768xi32, #tpu.memory_space<vmem>>[vector<16xi32>], vector<16xi32>,
      %reduce_max3A_454 = arith.constant true
      %reduce_max3A_455 = vector.broadcast %reduce_max3A_454 : i1 to vector<16xi1>
      %reduce_max3A_456 = arith.constant -2147483648 : i32
      %reduce_max3A_457 = vector.broadcast %reduce_max3A_456 : i32 to vector<16xi32>
      %reduce_max3A_458 = arith.xori %masked_cumsum3A_443, %reduce_max3A_457 : vector<16xi32>
      %reduce_max3A_459 = tpu.scan <max>, %reduce_max3A_458 masked %reduce_max3A_455 : vector<16xi32>, vector<16xi1> -> vector<16xi32>
      %reduce_max3A_460 = arith.xori %reduce_max3A_459, %reduce_max3A_457 : vector<16xi32>
      %reduce_max3A_461 = vector.extract %reduce_max3A_460[15] : i32 from vector<16xi32>
      %add3A_462 = arith.addi %add3A_422, %reduce_max3A_461 : i32
      %get3A_463 = arith.constant 160 : index
      %get3A_464 = tpu.vector_load %arg9[%get3A_463] {strides = array<i32>} : memref<512xi32, #tpu.memory_space<vmem>>, vector<16xi32>,
      %get3A_465 = arith.constant 160 : index
      %get3A_466 = tpu.vector_load %arg10[%get3A_465] {strides = array<i32>} : memref<512xi32, #tpu.memory_space<vmem>>, vector<16xi32>,
      %sub3A_467 = vector.broadcast %mul3A_0 : i32 to vector<16xi32>
      %sub3A_468 = arith.subi %get3A_464, %sub3A_467 : vector<16xi32>
      %ge3A_469 = arith.constant 0 : i32
      %ge3A_470 = vector.broadcast %ge3A_469 : i32 to vector<16xi32>
      %ge3A_471 = arith.cmpi sge, %sub3A_468, %ge3A_470 : vector<16xi32>
      %lt3A_472 = arith.constant 5000 : i32
      %lt3A_473 = vector.broadcast %lt3A_472 : i32 to vector<16xi32>
      %lt3A_474 = arith.cmpi slt, %sub3A_468, %lt3A_473 : vector<16xi32>
      %and3A_475 = arith.andi %ge3A_471, %lt3A_474 : vector<16xi1>
      %broadcast_in_dim3A_476 = arith.constant 1 : i32
      %broadcast_in_dim3A_477 = vector.broadcast %broadcast_in_dim3A_476 : i32 to vector<16xi32>
      %broadcast_in_dim3A_478 = arith.constant 0 : i32
      %broadcast_in_dim3A_479 = vector.broadcast %broadcast_in_dim3A_478 : i32 to vector<16xi32>
      %select_n3A_480 = arith.select %and3A_475, %broadcast_in_dim3A_477, %broadcast_in_dim3A_479 : vector<16xi1>, vector<16xi32>
      %broadcast_in_dim3A_481 = arith.constant true
      %broadcast_in_dim3A_482 = vector.broadcast %broadcast_in_dim3A_481 : i1 to vector<16xi1>
      %masked_cumsum3A_483 = tpu.scan <sum>, %select_n3A_480 masked %broadcast_in_dim3A_482 : vector<16xi32>, vector<16xi1> -> vector<16xi32>
      %iota3A_484 = tpu.iota {dimensions = array<i32: 0>} : vector<16xi32>
      %broadcast_in_dim3A_485 = vector.broadcast %add3A_462 : i32 to vector<16xi32>
      %add3A_486 = arith.addi %broadcast_in_dim3A_485, %masked_cumsum3A_483 : vector<16xi32>
      %sub3A_487 = arith.constant 1 : i32
      %sub3A_488 = vector.broadcast %sub3A_487 : i32 to vector<16xi32>
      %sub3A_489 = arith.subi %add3A_486, %sub3A_488 : vector<16xi32>
      %add3A_490 = arith.constant 752 : i32
      %add3A_491 = vector.broadcast %add3A_490 : i32 to vector<16xi32>
      %add3A_492 = arith.addi %add3A_491, %iota3A_484 : vector<16xi32>
      %select_n3A_493 = arith.select %and3A_475, %sub3A_489, %add3A_492 : vector<16xi1>, vector<16xi32>
      tpu.vector_store_idx %arg11[%select_n3A_493], %sub3A_468 : memref<768xi32, #tpu.memory_space<vmem>>[vector<16xi32>], vector<16xi32>,
      tpu.vector_store_idx %arg12[%select_n3A_493], %get3A_466 : memref<768xi32, #tpu.memory_space<vmem>>[vector<16xi32>], vector<16xi32>,
      %reduce_max3A_494 = arith.constant true
      %reduce_max3A_495 = vector.broadcast %reduce_max3A_494 : i1 to vector<16xi1>
      %reduce_max3A_496 = arith.constant -2147483648 : i32
      %reduce_max3A_497 = vector.broadcast %reduce_max3A_496 : i32 to vector<16xi32>
      %reduce_max3A_498 = arith.xori %masked_cumsum3A_483, %reduce_max3A_497 : vector<16xi32>
      %reduce_max3A_499 = tpu.scan <max>, %reduce_max3A_498 masked %reduce_max3A_495 : vector<16xi32>, vector<16xi1> -> vector<16xi32>
      %reduce_max3A_500 = arith.xori %reduce_max3A_499, %reduce_max3A_497 : vector<16xi32>
      %reduce_max3A_501 = vector.extract %reduce_max3A_500[15] : i32 from vector<16xi32>
      %add3A_502 = arith.addi %add3A_462, %reduce_max3A_501 : i32
      %get3A_503 = arith.constant 176 : index
      %get3A_504 = tpu.vector_load %arg9[%get3A_503] {strides = array<i32>} : memref<512xi32, #tpu.memory_space<vmem>>, vector<16xi32>,
      %get3A_505 = arith.constant 176 : index
      %get3A_506 = tpu.vector_load %arg10[%get3A_505] {strides = array<i32>} : memref<512xi32, #tpu.memory_space<vmem>>, vector<16xi32>,
      %sub3A_507 = vector.broadcast %mul3A_0 : i32 to vector<16xi32>
      %sub3A_508 = arith.subi %get3A_504, %sub3A_507 : vector<16xi32>
      %ge3A_509 = arith.constant 0 : i32
      %ge3A_510 = vector.broadcast %ge3A_509 : i32 to vector<16xi32>
      %ge3A_511 = arith.cmpi sge, %sub3A_508, %ge3A_510 : vector<16xi32>
      %lt3A_512 = arith.constant 5000 : i32
      %lt3A_513 = vector.broadcast %lt3A_512 : i32 to vector<16xi32>
      %lt3A_514 = arith.cmpi slt, %sub3A_508, %lt3A_513 : vector<16xi32>
      %and3A_515 = arith.andi %ge3A_511, %lt3A_514 : vector<16xi1>
      %broadcast_in_dim3A_516 = arith.constant 1 : i32
      %broadcast_in_dim3A_517 = vector.broadcast %broadcast_in_dim3A_516 : i32 to vector<16xi32>
      %broadcast_in_dim3A_518 = arith.constant 0 : i32
      %broadcast_in_dim3A_519 = vector.broadcast %broadcast_in_dim3A_518 : i32 to vector<16xi32>
      %select_n3A_520 = arith.select %and3A_515, %broadcast_in_dim3A_517, %broadcast_in_dim3A_519 : vector<16xi1>, vector<16xi32>
      %broadcast_in_dim3A_521 = arith.constant true
      %broadcast_in_dim3A_522 = vector.broadcast %broadcast_in_dim3A_521 : i1 to vector<16xi1>
      %masked_cumsum3A_523 = tpu.scan <sum>, %select_n3A_520 masked %broadcast_in_dim3A_522 : vector<16xi32>, vector<16xi1> -> vector<16xi32>
      %iota3A_524 = tpu.iota {dimensions = array<i32: 0>} : vector<16xi32>
      %broadcast_in_dim3A_525 = vector.broadcast %add3A_502 : i32 to vector<16xi32>
      %add3A_526 = arith.addi %broadcast_in_dim3A_525, %masked_cumsum3A_523 : vector<16xi32>
      %sub3A_527 = arith.constant 1 : i32
      %sub3A_528 = vector.broadcast %sub3A_527 : i32 to vector<16xi32>
      %sub3A_529 = arith.subi %add3A_526, %sub3A_528 : vector<16xi32>
      %add3A_530 = arith.constant 752 : i32
      %add3A_531 = vector.broadcast %add3A_530 : i32 to vector<16xi32>
      %add3A_532 = arith.addi %add3A_531, %iota3A_524 : vector<16xi32>
      %select_n3A_533 = arith.select %and3A_515, %sub3A_529, %add3A_532 : vector<16xi1>, vector<16xi32>
      tpu.vector_store_idx %arg11[%select_n3A_533], %sub3A_508 : memref<768xi32, #tpu.memory_space<vmem>>[vector<16xi32>], vector<16xi32>,
      tpu.vector_store_idx %arg12[%select_n3A_533], %get3A_506 : memref<768xi32, #tpu.memory_space<vmem>>[vector<16xi32>], vector<16xi32>,
      %reduce_max3A_534 = arith.constant true
      %reduce_max3A_535 = vector.broadcast %reduce_max3A_534 : i1 to vector<16xi1>
      %reduce_max3A_536 = arith.constant -2147483648 : i32
      %reduce_max3A_537 = vector.broadcast %reduce_max3A_536 : i32 to vector<16xi32>
      %reduce_max3A_538 = arith.xori %masked_cumsum3A_523, %reduce_max3A_537 : vector<16xi32>
      %reduce_max3A_539 = tpu.scan <max>, %reduce_max3A_538 masked %reduce_max3A_535 : vector<16xi32>, vector<16xi1> -> vector<16xi32>
      %reduce_max3A_540 = arith.xori %reduce_max3A_539, %reduce_max3A_537 : vector<16xi32>
      %reduce_max3A_541 = vector.extract %reduce_max3A_540[15] : i32 from vector<16xi32>
      %add3A_542 = arith.addi %add3A_502, %reduce_max3A_541 : i32
      %get3A_543 = arith.constant 192 : index
      %get3A_544 = tpu.vector_load %arg9[%get3A_543] {strides = array<i32>} : memref<512xi32, #tpu.memory_space<vmem>>, vector<16xi32>,
      %get3A_545 = arith.constant 192 : index
      %get3A_546 = tpu.vector_load %arg10[%get3A_545] {strides = array<i32>} : memref<512xi32, #tpu.memory_space<vmem>>, vector<16xi32>,
      %sub3A_547 = vector.broadcast %mul3A_0 : i32 to vector<16xi32>
      %sub3A_548 = arith.subi %get3A_544, %sub3A_547 : vector<16xi32>
      %ge3A_549 = arith.constant 0 : i32
      %ge3A_550 = vector.broadcast %ge3A_549 : i32 to vector<16xi32>
      %ge3A_551 = arith.cmpi sge, %sub3A_548, %ge3A_550 : vector<16xi32>
      %lt3A_552 = arith.constant 5000 : i32
      %lt3A_553 = vector.broadcast %lt3A_552 : i32 to vector<16xi32>
      %lt3A_554 = arith.cmpi slt, %sub3A_548, %lt3A_553 : vector<16xi32>
      %and3A_555 = arith.andi %ge3A_551, %lt3A_554 : vector<16xi1>
      %broadcast_in_dim3A_556 = arith.constant 1 : i32
      %broadcast_in_dim3A_557 = vector.broadcast %broadcast_in_dim3A_556 : i32 to vector<16xi32>
      %broadcast_in_dim3A_558 = arith.constant 0 : i32
      %broadcast_in_dim3A_559 = vector.broadcast %broadcast_in_dim3A_558 : i32 to vector<16xi32>
      %select_n3A_560 = arith.select %and3A_555, %broadcast_in_dim3A_557, %broadcast_in_dim3A_559 : vector<16xi1>, vector<16xi32>
      %broadcast_in_dim3A_561 = arith.constant true
      %broadcast_in_dim3A_562 = vector.broadcast %broadcast_in_dim3A_561 : i1 to vector<16xi1>
      %masked_cumsum3A_563 = tpu.scan <sum>, %select_n3A_560 masked %broadcast_in_dim3A_562 : vector<16xi32>, vector<16xi1> -> vector<16xi32>
      %iota3A_564 = tpu.iota {dimensions = array<i32: 0>} : vector<16xi32>
      %broadcast_in_dim3A_565 = vector.broadcast %add3A_542 : i32 to vector<16xi32>
      %add3A_566 = arith.addi %broadcast_in_dim3A_565, %masked_cumsum3A_563 : vector<16xi32>
      %sub3A_567 = arith.constant 1 : i32
      %sub3A_568 = vector.broadcast %sub3A_567 : i32 to vector<16xi32>
      %sub3A_569 = arith.subi %add3A_566, %sub3A_568 : vector<16xi32>
      %add3A_570 = arith.constant 752 : i32
      %add3A_571 = vector.broadcast %add3A_570 : i32 to vector<16xi32>
      %add3A_572 = arith.addi %add3A_571, %iota3A_564 : vector<16xi32>
      %select_n3A_573 = arith.select %and3A_555, %sub3A_569, %add3A_572 : vector<16xi1>, vector<16xi32>
      tpu.vector_store_idx %arg11[%select_n3A_573], %sub3A_548 : memref<768xi32, #tpu.memory_space<vmem>>[vector<16xi32>], vector<16xi32>,
      tpu.vector_store_idx %arg12[%select_n3A_573], %get3A_546 : memref<768xi32, #tpu.memory_space<vmem>>[vector<16xi32>], vector<16xi32>,
      %reduce_max3A_574 = arith.constant true
      %reduce_max3A_575 = vector.broadcast %reduce_max3A_574 : i1 to vector<16xi1>
      %reduce_max3A_576 = arith.constant -2147483648 : i32
      %reduce_max3A_577 = vector.broadcast %reduce_max3A_576 : i32 to vector<16xi32>
      %reduce_max3A_578 = arith.xori %masked_cumsum3A_563, %reduce_max3A_577 : vector<16xi32>
      %reduce_max3A_579 = tpu.scan <max>, %reduce_max3A_578 masked %reduce_max3A_575 : vector<16xi32>, vector<16xi1> -> vector<16xi32>
      %reduce_max3A_580 = arith.xori %reduce_max3A_579, %reduce_max3A_577 : vector<16xi32>
      %reduce_max3A_581 = vector.extract %reduce_max3A_580[15] : i32 from vector<16xi32>
      %add3A_582 = arith.addi %add3A_542, %reduce_max3A_581 : i32
      %get3A_583 = arith.constant 208 : index
      %get3A_584 = tpu.vector_load %arg9[%get3A_583] {strides = array<i32>} : memref<512xi32, #tpu.memory_space<vmem>>, vector<16xi32>,
      %get3A_585 = arith.constant 208 : index
      %get3A_586 = tpu.vector_load %arg10[%get3A_585] {strides = array<i32>} : memref<512xi32, #tpu.memory_space<vmem>>, vector<16xi32>,
      %sub3A_587 = vector.broadcast %mul3A_0 : i32 to vector<16xi32>
      %sub3A_588 = arith.subi %get3A_584, %sub3A_587 : vector<16xi32>
      %ge3A_589 = arith.constant 0 : i32
      %ge3A_590 = vector.broadcast %ge3A_589 : i32 to vector<16xi32>
      %ge3A_591 = arith.cmpi sge, %sub3A_588, %ge3A_590 : vector<16xi32>
      %lt3A_592 = arith.constant 5000 : i32
      %lt3A_593 = vector.broadcast %lt3A_592 : i32 to vector<16xi32>
      %lt3A_594 = arith.cmpi slt, %sub3A_588, %lt3A_593 : vector<16xi32>
      %and3A_595 = arith.andi %ge3A_591, %lt3A_594 : vector<16xi1>
      %broadcast_in_dim3A_596 = arith.constant 1 : i32
      %broadcast_in_dim3A_597 = vector.broadcast %broadcast_in_dim3A_596 : i32 to vector<16xi32>
      %broadcast_in_dim3A_598 = arith.constant 0 : i32
      %broadcast_in_dim3A_599 = vector.broadcast %broadcast_in_dim3A_598 : i32 to vector<16xi32>
      %select_n3A_600 = arith.select %and3A_595, %broadcast_in_dim3A_597, %broadcast_in_dim3A_599 : vector<16xi1>, vector<16xi32>
      %broadcast_in_dim3A_601 = arith.constant true
      %broadcast_in_dim3A_602 = vector.broadcast %broadcast_in_dim3A_601 : i1 to vector<16xi1>
      %masked_cumsum3A_603 = tpu.scan <sum>, %select_n3A_600 masked %broadcast_in_dim3A_602 : vector<16xi32>, vector<16xi1> -> vector<16xi32>
      %iota3A_604 = tpu.iota {dimensions = array<i32: 0>} : vector<16xi32>
      %broadcast_in_dim3A_605 = vector.broadcast %add3A_582 : i32 to vector<16xi32>
      %add3A_606 = arith.addi %broadcast_in_dim3A_605, %masked_cumsum3A_603 : vector<16xi32>
      %sub3A_607 = arith.constant 1 : i32
      %sub3A_608 = vector.broadcast %sub3A_607 : i32 to vector<16xi32>
      %sub3A_609 = arith.subi %add3A_606, %sub3A_608 : vector<16xi32>
      %add3A_610 = arith.constant 752 : i32
      %add3A_611 = vector.broadcast %add3A_610 : i32 to vector<16xi32>
      %add3A_612 = arith.addi %add3A_611, %iota3A_604 : vector<16xi32>
      %select_n3A_613 = arith.select %and3A_595, %sub3A_609, %add3A_612 : vector<16xi1>, vector<16xi32>
      tpu.vector_store_idx %arg11[%select_n3A_613], %sub3A_588 : memref<768xi32, #tpu.memory_space<vmem>>[vector<16xi32>], vector<16xi32>,
      tpu.vector_store_idx %arg12[%select_n3A_613], %get3A_586 : memref<768xi32, #tpu.memory_space<vmem>>[vector<16xi32>], vector<16xi32>,
      %reduce_max3A_614 = arith.constant true
      %reduce_max3A_615 = vector.broadcast %reduce_max3A_614 : i1 to vector<16xi1>
      %reduce_max3A_616 = arith.constant -2147483648 : i32
      %reduce_max3A_617 = vector.broadcast %reduce_max3A_616 : i32 to vector<16xi32>
      %reduce_max3A_618 = arith.xori %masked_cumsum3A_603, %reduce_max3A_617 : vector<16xi32>
      %reduce_max3A_619 = tpu.scan <max>, %reduce_max3A_618 masked %reduce_max3A_615 : vector<16xi32>, vector<16xi1> -> vector<16xi32>
      %reduce_max3A_620 = arith.xori %reduce_max3A_619, %reduce_max3A_617 : vector<16xi32>
      %reduce_max3A_621 = vector.extract %reduce_max3A_620[15] : i32 from vector<16xi32>
      %add3A_622 = arith.addi %add3A_582, %reduce_max3A_621 : i32
      %get3A_623 = arith.constant 224 : index
      %get3A_624 = tpu.vector_load %arg9[%get3A_623] {strides = array<i32>} : memref<512xi32, #tpu.memory_space<vmem>>, vector<16xi32>,
      %get3A_625 = arith.constant 224 : index
      %get3A_626 = tpu.vector_load %arg10[%get3A_625] {strides = array<i32>} : memref<512xi32, #tpu.memory_space<vmem>>, vector<16xi32>,
      %sub3A_627 = vector.broadcast %mul3A_0 : i32 to vector<16xi32>
      %sub3A_628 = arith.subi %get3A_624, %sub3A_627 : vector<16xi32>
      %ge3A_629 = arith.constant 0 : i32
      %ge3A_630 = vector.broadcast %ge3A_629 : i32 to vector<16xi32>
      %ge3A_631 = arith.cmpi sge, %sub3A_628, %ge3A_630 : vector<16xi32>
      %lt3A_632 = arith.constant 5000 : i32
      %lt3A_633 = vector.broadcast %lt3A_632 : i32 to vector<16xi32>
      %lt3A_634 = arith.cmpi slt, %sub3A_628, %lt3A_633 : vector<16xi32>
      %and3A_635 = arith.andi %ge3A_631, %lt3A_634 : vector<16xi1>
      %broadcast_in_dim3A_636 = arith.constant 1 : i32
      %broadcast_in_dim3A_637 = vector.broadcast %broadcast_in_dim3A_636 : i32 to vector<16xi32>
      %broadcast_in_dim3A_638 = arith.constant 0 : i32
      %broadcast_in_dim3A_639 = vector.broadcast %broadcast_in_dim3A_638 : i32 to vector<16xi32>
      %select_n3A_640 = arith.select %and3A_635, %broadcast_in_dim3A_637, %broadcast_in_dim3A_639 : vector<16xi1>, vector<16xi32>
      %broadcast_in_dim3A_641 = arith.constant true
      %broadcast_in_dim3A_642 = vector.broadcast %broadcast_in_dim3A_641 : i1 to vector<16xi1>
      %masked_cumsum3A_643 = tpu.scan <sum>, %select_n3A_640 masked %broadcast_in_dim3A_642 : vector<16xi32>, vector<16xi1> -> vector<16xi32>
      %iota3A_644 = tpu.iota {dimensions = array<i32: 0>} : vector<16xi32>
      %broadcast_in_dim3A_645 = vector.broadcast %add3A_622 : i32 to vector<16xi32>
      %add3A_646 = arith.addi %broadcast_in_dim3A_645, %masked_cumsum3A_643 : vector<16xi32>
      %sub3A_647 = arith.constant 1 : i32
      %sub3A_648 = vector.broadcast %sub3A_647 : i32 to vector<16xi32>
      %sub3A_649 = arith.subi %add3A_646, %sub3A_648 : vector<16xi32>
      %add3A_650 = arith.constant 752 : i32
      %add3A_651 = vector.broadcast %add3A_650 : i32 to vector<16xi32>
      %add3A_652 = arith.addi %add3A_651, %iota3A_644 : vector<16xi32>
      %select_n3A_653 = arith.select %and3A_635, %sub3A_649, %add3A_652 : vector<16xi1>, vector<16xi32>
      tpu.vector_store_idx %arg11[%select_n3A_653], %sub3A_628 : memref<768xi32, #tpu.memory_space<vmem>>[vector<16xi32>], vector<16xi32>,
      tpu.vector_store_idx %arg12[%select_n3A_653], %get3A_626 : memref<768xi32, #tpu.memory_space<vmem>>[vector<16xi32>], vector<16xi32>,
      %reduce_max3A_654 = arith.constant true
      %reduce_max3A_655 = vector.broadcast %reduce_max3A_654 : i1 to vector<16xi1>
      %reduce_max3A_656 = arith.constant -2147483648 : i32
      %reduce_max3A_657 = vector.broadcast %reduce_max3A_656 : i32 to vector<16xi32>
      %reduce_max3A_658 = arith.xori %masked_cumsum3A_643, %reduce_max3A_657 : vector<16xi32>
      %reduce_max3A_659 = tpu.scan <max>, %reduce_max3A_658 masked %reduce_max3A_655 : vector<16xi32>, vector<16xi1> -> vector<16xi32>
      %reduce_max3A_660 = arith.xori %reduce_max3A_659, %reduce_max3A_657 : vector<16xi32>
      %reduce_max3A_661 = vector.extract %reduce_max3A_660[15] : i32 from vector<16xi32>
      %add3A_662 = arith.addi %add3A_622, %reduce_max3A_661 : i32
      %get3A_663 = arith.constant 240 : index
      %get3A_664 = tpu.vector_load %arg9[%get3A_663] {strides = array<i32>} : memref<512xi32, #tpu.memory_space<vmem>>, vector<16xi32>,
      %get3A_665 = arith.constant 240 : index
      %get3A_666 = tpu.vector_load %arg10[%get3A_665] {strides = array<i32>} : memref<512xi32, #tpu.memory_space<vmem>>, vector<16xi32>,
      %sub3A_667 = vector.broadcast %mul3A_0 : i32 to vector<16xi32>
      %sub3A_668 = arith.subi %get3A_664, %sub3A_667 : vector<16xi32>
      %ge3A_669 = arith.constant 0 : i32
      %ge3A_670 = vector.broadcast %ge3A_669 : i32 to vector<16xi32>
      %ge3A_671 = arith.cmpi sge, %sub3A_668, %ge3A_670 : vector<16xi32>
      %lt3A_672 = arith.constant 5000 : i32
      %lt3A_673 = vector.broadcast %lt3A_672 : i32 to vector<16xi32>
      %lt3A_674 = arith.cmpi slt, %sub3A_668, %lt3A_673 : vector<16xi32>
      %and3A_675 = arith.andi %ge3A_671, %lt3A_674 : vector<16xi1>
      %broadcast_in_dim3A_676 = arith.constant 1 : i32
      %broadcast_in_dim3A_677 = vector.broadcast %broadcast_in_dim3A_676 : i32 to vector<16xi32>
      %broadcast_in_dim3A_678 = arith.constant 0 : i32
      %broadcast_in_dim3A_679 = vector.broadcast %broadcast_in_dim3A_678 : i32 to vector<16xi32>
      %select_n3A_680 = arith.select %and3A_675, %broadcast_in_dim3A_677, %broadcast_in_dim3A_679 : vector<16xi1>, vector<16xi32>
      %broadcast_in_dim3A_681 = arith.constant true
      %broadcast_in_dim3A_682 = vector.broadcast %broadcast_in_dim3A_681 : i1 to vector<16xi1>
      %masked_cumsum3A_683 = tpu.scan <sum>, %select_n3A_680 masked %broadcast_in_dim3A_682 : vector<16xi32>, vector<16xi1> -> vector<16xi32>
      %iota3A_684 = tpu.iota {dimensions = array<i32: 0>} : vector<16xi32>
      %broadcast_in_dim3A_685 = vector.broadcast %add3A_662 : i32 to vector<16xi32>
      %add3A_686 = arith.addi %broadcast_in_dim3A_685, %masked_cumsum3A_683 : vector<16xi32>
      %sub3A_687 = arith.constant 1 : i32
      %sub3A_688 = vector.broadcast %sub3A_687 : i32 to vector<16xi32>
      %sub3A_689 = arith.subi %add3A_686, %sub3A_688 : vector<16xi32>
      %add3A_690 = arith.constant 752 : i32
      %add3A_691 = vector.broadcast %add3A_690 : i32 to vector<16xi32>
      %add3A_692 = arith.addi %add3A_691, %iota3A_684 : vector<16xi32>
      %select_n3A_693 = arith.select %and3A_675, %sub3A_689, %add3A_692 : vector<16xi1>, vector<16xi32>
      tpu.vector_store_idx %arg11[%select_n3A_693], %sub3A_668 : memref<768xi32, #tpu.memory_space<vmem>>[vector<16xi32>], vector<16xi32>,
      tpu.vector_store_idx %arg12[%select_n3A_693], %get3A_666 : memref<768xi32, #tpu.memory_space<vmem>>[vector<16xi32>], vector<16xi32>,
      %reduce_max3A_694 = arith.constant true
      %reduce_max3A_695 = vector.broadcast %reduce_max3A_694 : i1 to vector<16xi1>
      %reduce_max3A_696 = arith.constant -2147483648 : i32
      %reduce_max3A_697 = vector.broadcast %reduce_max3A_696 : i32 to vector<16xi32>
      %reduce_max3A_698 = arith.xori %masked_cumsum3A_683, %reduce_max3A_697 : vector<16xi32>
      %reduce_max3A_699 = tpu.scan <max>, %reduce_max3A_698 masked %reduce_max3A_695 : vector<16xi32>, vector<16xi1> -> vector<16xi32>
      %reduce_max3A_700 = arith.xori %reduce_max3A_699, %reduce_max3A_697 : vector<16xi32>
      %reduce_max3A_701 = vector.extract %reduce_max3A_700[15] : i32 from vector<16xi32>
      %add3A_702 = arith.addi %add3A_662, %reduce_max3A_701 : i32
      %get3A_703 = arith.constant 256 : index
      %get3A_704 = tpu.vector_load %arg9[%get3A_703] {strides = array<i32>} : memref<512xi32, #tpu.memory_space<vmem>>, vector<16xi32>,
      %get3A_705 = arith.constant 256 : index
      %get3A_706 = tpu.vector_load %arg10[%get3A_705] {strides = array<i32>} : memref<512xi32, #tpu.memory_space<vmem>>, vector<16xi32>,
      %sub3A_707 = vector.broadcast %mul3A_0 : i32 to vector<16xi32>
      %sub3A_708 = arith.subi %get3A_704, %sub3A_707 : vector<16xi32>
      %ge3A_709 = arith.constant 0 : i32
      %ge3A_710 = vector.broadcast %ge3A_709 : i32 to vector<16xi32>
      %ge3A_711 = arith.cmpi sge, %sub3A_708, %ge3A_710 : vector<16xi32>
      %lt3A_712 = arith.constant 5000 : i32
      %lt3A_713 = vector.broadcast %lt3A_712 : i32 to vector<16xi32>
      %lt3A_714 = arith.cmpi slt, %sub3A_708, %lt3A_713 : vector<16xi32>
      %and3A_715 = arith.andi %ge3A_711, %lt3A_714 : vector<16xi1>
      %broadcast_in_dim3A_716 = arith.constant 1 : i32
      %broadcast_in_dim3A_717 = vector.broadcast %broadcast_in_dim3A_716 : i32 to vector<16xi32>
      %broadcast_in_dim3A_718 = arith.constant 0 : i32
      %broadcast_in_dim3A_719 = vector.broadcast %broadcast_in_dim3A_718 : i32 to vector<16xi32>
      %select_n3A_720 = arith.select %and3A_715, %broadcast_in_dim3A_717, %broadcast_in_dim3A_719 : vector<16xi1>, vector<16xi32>
      %broadcast_in_dim3A_721 = arith.constant true
      %broadcast_in_dim3A_722 = vector.broadcast %broadcast_in_dim3A_721 : i1 to vector<16xi1>
      %masked_cumsum3A_723 = tpu.scan <sum>, %select_n3A_720 masked %broadcast_in_dim3A_722 : vector<16xi32>, vector<16xi1> -> vector<16xi32>
      %iota3A_724 = tpu.iota {dimensions = array<i32: 0>} : vector<16xi32>
      %broadcast_in_dim3A_725 = vector.broadcast %add3A_702 : i32 to vector<16xi32>
      %add3A_726 = arith.addi %broadcast_in_dim3A_725, %masked_cumsum3A_723 : vector<16xi32>
      %sub3A_727 = arith.constant 1 : i32
      %sub3A_728 = vector.broadcast %sub3A_727 : i32 to vector<16xi32>
      %sub3A_729 = arith.subi %add3A_726, %sub3A_728 : vector<16xi32>
      %add3A_730 = arith.constant 752 : i32
      %add3A_731 = vector.broadcast %add3A_730 : i32 to vector<16xi32>
      %add3A_732 = arith.addi %add3A_731, %iota3A_724 : vector<16xi32>
      %select_n3A_733 = arith.select %and3A_715, %sub3A_729, %add3A_732 : vector<16xi1>, vector<16xi32>
      tpu.vector_store_idx %arg11[%select_n3A_733], %sub3A_708 : memref<768xi32, #tpu.memory_space<vmem>>[vector<16xi32>], vector<16xi32>,
      tpu.vector_store_idx %arg12[%select_n3A_733], %get3A_706 : memref<768xi32, #tpu.memory_space<vmem>>[vector<16xi32>], vector<16xi32>,
      %reduce_max3A_734 = arith.constant true
      %reduce_max3A_735 = vector.broadcast %reduce_max3A_734 : i1 to vector<16xi1>
      %reduce_max3A_736 = arith.constant -2147483648 : i32
      %reduce_max3A_737 = vector.broadcast %reduce_max3A_736 : i32 to vector<16xi32>
      %reduce_max3A_738 = arith.xori %masked_cumsum3A_723, %reduce_max3A_737 : vector<16xi32>
      %reduce_max3A_739 = tpu.scan <max>, %reduce_max3A_738 masked %reduce_max3A_735 : vector<16xi32>, vector<16xi1> -> vector<16xi32>
      %reduce_max3A_740 = arith.xori %reduce_max3A_739, %reduce_max3A_737 : vector<16xi32>
      %reduce_max3A_741 = vector.extract %reduce_max3A_740[15] : i32 from vector<16xi32>
      %add3A_742 = arith.addi %add3A_702, %reduce_max3A_741 : i32
      %get3A_743 = arith.constant 272 : index
      %get3A_744 = tpu.vector_load %arg9[%get3A_743] {strides = array<i32>} : memref<512xi32, #tpu.memory_space<vmem>>, vector<16xi32>,
      %get3A_745 = arith.constant 272 : index
      %get3A_746 = tpu.vector_load %arg10[%get3A_745] {strides = array<i32>} : memref<512xi32, #tpu.memory_space<vmem>>, vector<16xi32>,
      %sub3A_747 = vector.broadcast %mul3A_0 : i32 to vector<16xi32>
      %sub3A_748 = arith.subi %get3A_744, %sub3A_747 : vector<16xi32>
      %ge3A_749 = arith.constant 0 : i32
      %ge3A_750 = vector.broadcast %ge3A_749 : i32 to vector<16xi32>
      %ge3A_751 = arith.cmpi sge, %sub3A_748, %ge3A_750 : vector<16xi32>
      %lt3A_752 = arith.constant 5000 : i32
      %lt3A_753 = vector.broadcast %lt3A_752 : i32 to vector<16xi32>
      %lt3A_754 = arith.cmpi slt, %sub3A_748, %lt3A_753 : vector<16xi32>
      %and3A_755 = arith.andi %ge3A_751, %lt3A_754 : vector<16xi1>
      %broadcast_in_dim3A_756 = arith.constant 1 : i32
      %broadcast_in_dim3A_757 = vector.broadcast %broadcast_in_dim3A_756 : i32 to vector<16xi32>
      %broadcast_in_dim3A_758 = arith.constant 0 : i32
      %broadcast_in_dim3A_759 = vector.broadcast %broadcast_in_dim3A_758 : i32 to vector<16xi32>
      %select_n3A_760 = arith.select %and3A_755, %broadcast_in_dim3A_757, %broadcast_in_dim3A_759 : vector<16xi1>, vector<16xi32>
      %broadcast_in_dim3A_761 = arith.constant true
      %broadcast_in_dim3A_762 = vector.broadcast %broadcast_in_dim3A_761 : i1 to vector<16xi1>
      %masked_cumsum3A_763 = tpu.scan <sum>, %select_n3A_760 masked %broadcast_in_dim3A_762 : vector<16xi32>, vector<16xi1> -> vector<16xi32>
      %iota3A_764 = tpu.iota {dimensions = array<i32: 0>} : vector<16xi32>
      %broadcast_in_dim3A_765 = vector.broadcast %add3A_742 : i32 to vector<16xi32>
      %add3A_766 = arith.addi %broadcast_in_dim3A_765, %masked_cumsum3A_763 : vector<16xi32>
      %sub3A_767 = arith.constant 1 : i32
      %sub3A_768 = vector.broadcast %sub3A_767 : i32 to vector<16xi32>
      %sub3A_769 = arith.subi %add3A_766, %sub3A_768 : vector<16xi32>
      %add3A_770 = arith.constant 752 : i32
      %add3A_771 = vector.broadcast %add3A_770 : i32 to vector<16xi32>
      %add3A_772 = arith.addi %add3A_771, %iota3A_764 : vector<16xi32>
      %select_n3A_773 = arith.select %and3A_755, %sub3A_769, %add3A_772 : vector<16xi1>, vector<16xi32>
      tpu.vector_store_idx %arg11[%select_n3A_773], %sub3A_748 : memref<768xi32, #tpu.memory_space<vmem>>[vector<16xi32>], vector<16xi32>,
      tpu.vector_store_idx %arg12[%select_n3A_773], %get3A_746 : memref<768xi32, #tpu.memory_space<vmem>>[vector<16xi32>], vector<16xi32>,
      %reduce_max3A_774 = arith.constant true
      %reduce_max3A_775 = vector.broadcast %reduce_max3A_774 : i1 to vector<16xi1>
      %reduce_max3A_776 = arith.constant -2147483648 : i32
      %reduce_max3A_777 = vector.broadcast %reduce_max3A_776 : i32 to vector<16xi32>
      %reduce_max3A_778 = arith.xori %masked_cumsum3A_763, %reduce_max3A_777 : vector<16xi32>
      %reduce_max3A_779 = tpu.scan <max>, %reduce_max3A_778 masked %reduce_max3A_775 : vector<16xi32>, vector<16xi1> -> vector<16xi32>
      %reduce_max3A_780 = arith.xori %reduce_max3A_779, %reduce_max3A_777 : vector<16xi32>
      %reduce_max3A_781 = vector.extract %reduce_max3A_780[15] : i32 from vector<16xi32>
      %add3A_782 = arith.addi %add3A_742, %reduce_max3A_781 : i32
      %get3A_783 = arith.constant 288 : index
      %get3A_784 = tpu.vector_load %arg9[%get3A_783] {strides = array<i32>} : memref<512xi32, #tpu.memory_space<vmem>>, vector<16xi32>,
      %get3A_785 = arith.constant 288 : index
      %get3A_786 = tpu.vector_load %arg10[%get3A_785] {strides = array<i32>} : memref<512xi32, #tpu.memory_space<vmem>>, vector<16xi32>,
      %sub3A_787 = vector.broadcast %mul3A_0 : i32 to vector<16xi32>
      %sub3A_788 = arith.subi %get3A_784, %sub3A_787 : vector<16xi32>
      %ge3A_789 = arith.constant 0 : i32
      %ge3A_790 = vector.broadcast %ge3A_789 : i32 to vector<16xi32>
      %ge3A_791 = arith.cmpi sge, %sub3A_788, %ge3A_790 : vector<16xi32>
      %lt3A_792 = arith.constant 5000 : i32
      %lt3A_793 = vector.broadcast %lt3A_792 : i32 to vector<16xi32>
      %lt3A_794 = arith.cmpi slt, %sub3A_788, %lt3A_793 : vector<16xi32>
      %and3A_795 = arith.andi %ge3A_791, %lt3A_794 : vector<16xi1>
      %broadcast_in_dim3A_796 = arith.constant 1 : i32
      %broadcast_in_dim3A_797 = vector.broadcast %broadcast_in_dim3A_796 : i32 to vector<16xi32>
      %broadcast_in_dim3A_798 = arith.constant 0 : i32
      %broadcast_in_dim3A_799 = vector.broadcast %broadcast_in_dim3A_798 : i32 to vector<16xi32>
      %select_n3A_800 = arith.select %and3A_795, %broadcast_in_dim3A_797, %broadcast_in_dim3A_799 : vector<16xi1>, vector<16xi32>
      %broadcast_in_dim3A_801 = arith.constant true
      %broadcast_in_dim3A_802 = vector.broadcast %broadcast_in_dim3A_801 : i1 to vector<16xi1>
      %masked_cumsum3A_803 = tpu.scan <sum>, %select_n3A_800 masked %broadcast_in_dim3A_802 : vector<16xi32>, vector<16xi1> -> vector<16xi32>
      %iota3A_804 = tpu.iota {dimensions = array<i32: 0>} : vector<16xi32>
      %broadcast_in_dim3A_805 = vector.broadcast %add3A_782 : i32 to vector<16xi32>
      %add3A_806 = arith.addi %broadcast_in_dim3A_805, %masked_cumsum3A_803 : vector<16xi32>
      %sub3A_807 = arith.constant 1 : i32
      %sub3A_808 = vector.broadcast %sub3A_807 : i32 to vector<16xi32>
      %sub3A_809 = arith.subi %add3A_806, %sub3A_808 : vector<16xi32>
      %add3A_810 = arith.constant 752 : i32
      %add3A_811 = vector.broadcast %add3A_810 : i32 to vector<16xi32>
      %add3A_812 = arith.addi %add3A_811, %iota3A_804 : vector<16xi32>
      %select_n3A_813 = arith.select %and3A_795, %sub3A_809, %add3A_812 : vector<16xi1>, vector<16xi32>
      tpu.vector_store_idx %arg11[%select_n3A_813], %sub3A_788 : memref<768xi32, #tpu.memory_space<vmem>>[vector<16xi32>], vector<16xi32>,
      tpu.vector_store_idx %arg12[%select_n3A_813], %get3A_786 : memref<768xi32, #tpu.memory_space<vmem>>[vector<16xi32>], vector<16xi32>,
      %reduce_max3A_814 = arith.constant true
      %reduce_max3A_815 = vector.broadcast %reduce_max3A_814 : i1 to vector<16xi1>
      %reduce_max3A_816 = arith.constant -2147483648 : i32
      %reduce_max3A_817 = vector.broadcast %reduce_max3A_816 : i32 to vector<16xi32>
      %reduce_max3A_818 = arith.xori %masked_cumsum3A_803, %reduce_max3A_817 : vector<16xi32>
      %reduce_max3A_819 = tpu.scan <max>, %reduce_max3A_818 masked %reduce_max3A_815 : vector<16xi32>, vector<16xi1> -> vector<16xi32>
      %reduce_max3A_820 = arith.xori %reduce_max3A_819, %reduce_max3A_817 : vector<16xi32>
      %reduce_max3A_821 = vector.extract %reduce_max3A_820[15] : i32 from vector<16xi32>
      %add3A_822 = arith.addi %add3A_782, %reduce_max3A_821 : i32
      %get3A_823 = arith.constant 304 : index
      %get3A_824 = tpu.vector_load %arg9[%get3A_823] {strides = array<i32>} : memref<512xi32, #tpu.memory_space<vmem>>, vector<16xi32>,
      %get3A_825 = arith.constant 304 : index
      %get3A_826 = tpu.vector_load %arg10[%get3A_825] {strides = array<i32>} : memref<512xi32, #tpu.memory_space<vmem>>, vector<16xi32>,
      %sub3A_827 = vector.broadcast %mul3A_0 : i32 to vector<16xi32>
      %sub3A_828 = arith.subi %get3A_824, %sub3A_827 : vector<16xi32>
      %ge3A_829 = arith.constant 0 : i32
      %ge3A_830 = vector.broadcast %ge3A_829 : i32 to vector<16xi32>
      %ge3A_831 = arith.cmpi sge, %sub3A_828, %ge3A_830 : vector<16xi32>
      %lt3A_832 = arith.constant 5000 : i32
      %lt3A_833 = vector.broadcast %lt3A_832 : i32 to vector<16xi32>
      %lt3A_834 = arith.cmpi slt, %sub3A_828, %lt3A_833 : vector<16xi32>
      %and3A_835 = arith.andi %ge3A_831, %lt3A_834 : vector<16xi1>
      %broadcast_in_dim3A_836 = arith.constant 1 : i32
      %broadcast_in_dim3A_837 = vector.broadcast %broadcast_in_dim3A_836 : i32 to vector<16xi32>
      %broadcast_in_dim3A_838 = arith.constant 0 : i32
      %broadcast_in_dim3A_839 = vector.broadcast %broadcast_in_dim3A_838 : i32 to vector<16xi32>
      %select_n3A_840 = arith.select %and3A_835, %broadcast_in_dim3A_837, %broadcast_in_dim3A_839 : vector<16xi1>, vector<16xi32>
      %broadcast_in_dim3A_841 = arith.constant true
      %broadcast_in_dim3A_842 = vector.broadcast %broadcast_in_dim3A_841 : i1 to vector<16xi1>
      %masked_cumsum3A_843 = tpu.scan <sum>, %select_n3A_840 masked %broadcast_in_dim3A_842 : vector<16xi32>, vector<16xi1> -> vector<16xi32>
      %iota3A_844 = tpu.iota {dimensions = array<i32: 0>} : vector<16xi32>
      %broadcast_in_dim3A_845 = vector.broadcast %add3A_822 : i32 to vector<16xi32>
      %add3A_846 = arith.addi %broadcast_in_dim3A_845, %masked_cumsum3A_843 : vector<16xi32>
      %sub3A_847 = arith.constant 1 : i32
      %sub3A_848 = vector.broadcast %sub3A_847 : i32 to vector<16xi32>
      %sub3A_849 = arith.subi %add3A_846, %sub3A_848 : vector<16xi32>
      %add3A_850 = arith.constant 752 : i32
      %add3A_851 = vector.broadcast %add3A_850 : i32 to vector<16xi32>
      %add3A_852 = arith.addi %add3A_851, %iota3A_844 : vector<16xi32>
      %select_n3A_853 = arith.select %and3A_835, %sub3A_849, %add3A_852 : vector<16xi1>, vector<16xi32>
      tpu.vector_store_idx %arg11[%select_n3A_853], %sub3A_828 : memref<768xi32, #tpu.memory_space<vmem>>[vector<16xi32>], vector<16xi32>,
      tpu.vector_store_idx %arg12[%select_n3A_853], %get3A_826 : memref<768xi32, #tpu.memory_space<vmem>>[vector<16xi32>], vector<16xi32>,
      %reduce_max3A_854 = arith.constant true
      %reduce_max3A_855 = vector.broadcast %reduce_max3A_854 : i1 to vector<16xi1>
      %reduce_max3A_856 = arith.constant -2147483648 : i32
      %reduce_max3A_857 = vector.broadcast %reduce_max3A_856 : i32 to vector<16xi32>
      %reduce_max3A_858 = arith.xori %masked_cumsum3A_843, %reduce_max3A_857 : vector<16xi32>
      %reduce_max3A_859 = tpu.scan <max>, %reduce_max3A_858 masked %reduce_max3A_855 : vector<16xi32>, vector<16xi1> -> vector<16xi32>
      %reduce_max3A_860 = arith.xori %reduce_max3A_859, %reduce_max3A_857 : vector<16xi32>
      %reduce_max3A_861 = vector.extract %reduce_max3A_860[15] : i32 from vector<16xi32>
      %add3A_862 = arith.addi %add3A_822, %reduce_max3A_861 : i32
      %get3A_863 = arith.constant 320 : index
      %get3A_864 = tpu.vector_load %arg9[%get3A_863] {strides = array<i32>} : memref<512xi32, #tpu.memory_space<vmem>>, vector<16xi32>,
      %get3A_865 = arith.constant 320 : index
      %get3A_866 = tpu.vector_load %arg10[%get3A_865] {strides = array<i32>} : memref<512xi32, #tpu.memory_space<vmem>>, vector<16xi32>,
      %sub3A_867 = vector.broadcast %mul3A_0 : i32 to vector<16xi32>
      %sub3A_868 = arith.subi %get3A_864, %sub3A_867 : vector<16xi32>
      %ge3A_869 = arith.constant 0 : i32
      %ge3A_870 = vector.broadcast %ge3A_869 : i32 to vector<16xi32>
      %ge3A_871 = arith.cmpi sge, %sub3A_868, %ge3A_870 : vector<16xi32>
      %lt3A_872 = arith.constant 5000 : i32
      %lt3A_873 = vector.broadcast %lt3A_872 : i32 to vector<16xi32>
      %lt3A_874 = arith.cmpi slt, %sub3A_868, %lt3A_873 : vector<16xi32>
      %and3A_875 = arith.andi %ge3A_871, %lt3A_874 : vector<16xi1>
      %broadcast_in_dim3A_876 = arith.constant 1 : i32
      %broadcast_in_dim3A_877 = vector.broadcast %broadcast_in_dim3A_876 : i32 to vector<16xi32>
      %broadcast_in_dim3A_878 = arith.constant 0 : i32
      %broadcast_in_dim3A_879 = vector.broadcast %broadcast_in_dim3A_878 : i32 to vector<16xi32>
      %select_n3A_880 = arith.select %and3A_875, %broadcast_in_dim3A_877, %broadcast_in_dim3A_879 : vector<16xi1>, vector<16xi32>
      %broadcast_in_dim3A_881 = arith.constant true
      %broadcast_in_dim3A_882 = vector.broadcast %broadcast_in_dim3A_881 : i1 to vector<16xi1>
      %masked_cumsum3A_883 = tpu.scan <sum>, %select_n3A_880 masked %broadcast_in_dim3A_882 : vector<16xi32>, vector<16xi1> -> vector<16xi32>
      %iota3A_884 = tpu.iota {dimensions = array<i32: 0>} : vector<16xi32>
      %broadcast_in_dim3A_885 = vector.broadcast %add3A_862 : i32 to vector<16xi32>
      %add3A_886 = arith.addi %broadcast_in_dim3A_885, %masked_cumsum3A_883 : vector<16xi32>
      %sub3A_887 = arith.constant 1 : i32
      %sub3A_888 = vector.broadcast %sub3A_887 : i32 to vector<16xi32>
      %sub3A_889 = arith.subi %add3A_886, %sub3A_888 : vector<16xi32>
      %add3A_890 = arith.constant 752 : i32
      %add3A_891 = vector.broadcast %add3A_890 : i32 to vector<16xi32>
      %add3A_892 = arith.addi %add3A_891, %iota3A_884 : vector<16xi32>
      %select_n3A_893 = arith.select %and3A_875, %sub3A_889, %add3A_892 : vector<16xi1>, vector<16xi32>
      tpu.vector_store_idx %arg11[%select_n3A_893], %sub3A_868 : memref<768xi32, #tpu.memory_space<vmem>>[vector<16xi32>], vector<16xi32>,
      tpu.vector_store_idx %arg12[%select_n3A_893], %get3A_866 : memref<768xi32, #tpu.memory_space<vmem>>[vector<16xi32>], vector<16xi32>,
      %reduce_max3A_894 = arith.constant true
      %reduce_max3A_895 = vector.broadcast %reduce_max3A_894 : i1 to vector<16xi1>
      %reduce_max3A_896 = arith.constant -2147483648 : i32
      %reduce_max3A_897 = vector.broadcast %reduce_max3A_896 : i32 to vector<16xi32>
      %reduce_max3A_898 = arith.xori %masked_cumsum3A_883, %reduce_max3A_897 : vector<16xi32>
      %reduce_max3A_899 = tpu.scan <max>, %reduce_max3A_898 masked %reduce_max3A_895 : vector<16xi32>, vector<16xi1> -> vector<16xi32>
      %reduce_max3A_900 = arith.xori %reduce_max3A_899, %reduce_max3A_897 : vector<16xi32>
      %reduce_max3A_901 = vector.extract %reduce_max3A_900[15] : i32 from vector<16xi32>
      %add3A_902 = arith.addi %add3A_862, %reduce_max3A_901 : i32
      %get3A_903 = arith.constant 336 : index
      %get3A_904 = tpu.vector_load %arg9[%get3A_903] {strides = array<i32>} : memref<512xi32, #tpu.memory_space<vmem>>, vector<16xi32>,
      %get3A_905 = arith.constant 336 : index
      %get3A_906 = tpu.vector_load %arg10[%get3A_905] {strides = array<i32>} : memref<512xi32, #tpu.memory_space<vmem>>, vector<16xi32>,
      %sub3A_907 = vector.broadcast %mul3A_0 : i32 to vector<16xi32>
      %sub3A_908 = arith.subi %get3A_904, %sub3A_907 : vector<16xi32>
      %ge3A_909 = arith.constant 0 : i32
      %ge3A_910 = vector.broadcast %ge3A_909 : i32 to vector<16xi32>
      %ge3A_911 = arith.cmpi sge, %sub3A_908, %ge3A_910 : vector<16xi32>
      %lt3A_912 = arith.constant 5000 : i32
      %lt3A_913 = vector.broadcast %lt3A_912 : i32 to vector<16xi32>
      %lt3A_914 = arith.cmpi slt, %sub3A_908, %lt3A_913 : vector<16xi32>
      %and3A_915 = arith.andi %ge3A_911, %lt3A_914 : vector<16xi1>
      %broadcast_in_dim3A_916 = arith.constant 1 : i32
      %broadcast_in_dim3A_917 = vector.broadcast %broadcast_in_dim3A_916 : i32 to vector<16xi32>
      %broadcast_in_dim3A_918 = arith.constant 0 : i32
      %broadcast_in_dim3A_919 = vector.broadcast %broadcast_in_dim3A_918 : i32 to vector<16xi32>
      %select_n3A_920 = arith.select %and3A_915, %broadcast_in_dim3A_917, %broadcast_in_dim3A_919 : vector<16xi1>, vector<16xi32>
      %broadcast_in_dim3A_921 = arith.constant true
      %broadcast_in_dim3A_922 = vector.broadcast %broadcast_in_dim3A_921 : i1 to vector<16xi1>
      %masked_cumsum3A_923 = tpu.scan <sum>, %select_n3A_920 masked %broadcast_in_dim3A_922 : vector<16xi32>, vector<16xi1> -> vector<16xi32>
      %iota3A_924 = tpu.iota {dimensions = array<i32: 0>} : vector<16xi32>
      %broadcast_in_dim3A_925 = vector.broadcast %add3A_902 : i32 to vector<16xi32>
      %add3A_926 = arith.addi %broadcast_in_dim3A_925, %masked_cumsum3A_923 : vector<16xi32>
      %sub3A_927 = arith.constant 1 : i32
      %sub3A_928 = vector.broadcast %sub3A_927 : i32 to vector<16xi32>
      %sub3A_929 = arith.subi %add3A_926, %sub3A_928 : vector<16xi32>
      %add3A_930 = arith.constant 752 : i32
      %add3A_931 = vector.broadcast %add3A_930 : i32 to vector<16xi32>
      %add3A_932 = arith.addi %add3A_931, %iota3A_924 : vector<16xi32>
      %select_n3A_933 = arith.select %and3A_915, %sub3A_929, %add3A_932 : vector<16xi1>, vector<16xi32>
      tpu.vector_store_idx %arg11[%select_n3A_933], %sub3A_908 : memref<768xi32, #tpu.memory_space<vmem>>[vector<16xi32>], vector<16xi32>,
      tpu.vector_store_idx %arg12[%select_n3A_933], %get3A_906 : memref<768xi32, #tpu.memory_space<vmem>>[vector<16xi32>], vector<16xi32>,
      %reduce_max3A_934 = arith.constant true
      %reduce_max3A_935 = vector.broadcast %reduce_max3A_934 : i1 to vector<16xi1>
      %reduce_max3A_936 = arith.constant -2147483648 : i32
      %reduce_max3A_937 = vector.broadcast %reduce_max3A_936 : i32 to vector<16xi32>
      %reduce_max3A_938 = arith.xori %masked_cumsum3A_923, %reduce_max3A_937 : vector<16xi32>
      %reduce_max3A_939 = tpu.scan <max>, %reduce_max3A_938 masked %reduce_max3A_935 : vector<16xi32>, vector<16xi1> -> vector<16xi32>
      %reduce_max3A_940 = arith.xori %reduce_max3A_939, %reduce_max3A_937 : vector<16xi32>
      %reduce_max3A_941 = vector.extract %reduce_max3A_940[15] : i32 from vector<16xi32>
      %add3A_942 = arith.addi %add3A_902, %reduce_max3A_941 : i32
      %get3A_943 = arith.constant 352 : index
      %get3A_944 = tpu.vector_load %arg9[%get3A_943] {strides = array<i32>} : memref<512xi32, #tpu.memory_space<vmem>>, vector<16xi32>,
      %get3A_945 = arith.constant 352 : index
      %get3A_946 = tpu.vector_load %arg10[%get3A_945] {strides = array<i32>} : memref<512xi32, #tpu.memory_space<vmem>>, vector<16xi32>,
      %sub3A_947 = vector.broadcast %mul3A_0 : i32 to vector<16xi32>
      %sub3A_948 = arith.subi %get3A_944, %sub3A_947 : vector<16xi32>
      %ge3A_949 = arith.constant 0 : i32
      %ge3A_950 = vector.broadcast %ge3A_949 : i32 to vector<16xi32>
      %ge3A_951 = arith.cmpi sge, %sub3A_948, %ge3A_950 : vector<16xi32>
      %lt3A_952 = arith.constant 5000 : i32
      %lt3A_953 = vector.broadcast %lt3A_952 : i32 to vector<16xi32>
      %lt3A_954 = arith.cmpi slt, %sub3A_948, %lt3A_953 : vector<16xi32>
      %and3A_955 = arith.andi %ge3A_951, %lt3A_954 : vector<16xi1>
      %broadcast_in_dim3A_956 = arith.constant 1 : i32
      %broadcast_in_dim3A_957 = vector.broadcast %broadcast_in_dim3A_956 : i32 to vector<16xi32>
      %broadcast_in_dim3A_958 = arith.constant 0 : i32
      %broadcast_in_dim3A_959 = vector.broadcast %broadcast_in_dim3A_958 : i32 to vector<16xi32>
      %select_n3A_960 = arith.select %and3A_955, %broadcast_in_dim3A_957, %broadcast_in_dim3A_959 : vector<16xi1>, vector<16xi32>
      %broadcast_in_dim3A_961 = arith.constant true
      %broadcast_in_dim3A_962 = vector.broadcast %broadcast_in_dim3A_961 : i1 to vector<16xi1>
      %masked_cumsum3A_963 = tpu.scan <sum>, %select_n3A_960 masked %broadcast_in_dim3A_962 : vector<16xi32>, vector<16xi1> -> vector<16xi32>
      %iota3A_964 = tpu.iota {dimensions = array<i32: 0>} : vector<16xi32>
      %broadcast_in_dim3A_965 = vector.broadcast %add3A_942 : i32 to vector<16xi32>
      %add3A_966 = arith.addi %broadcast_in_dim3A_965, %masked_cumsum3A_963 : vector<16xi32>
      %sub3A_967 = arith.constant 1 : i32
      %sub3A_968 = vector.broadcast %sub3A_967 : i32 to vector<16xi32>
      %sub3A_969 = arith.subi %add3A_966, %sub3A_968 : vector<16xi32>
      %add3A_970 = arith.constant 752 : i32
      %add3A_971 = vector.broadcast %add3A_970 : i32 to vector<16xi32>
      %add3A_972 = arith.addi %add3A_971, %iota3A_964 : vector<16xi32>
      %select_n3A_973 = arith.select %and3A_955, %sub3A_969, %add3A_972 : vector<16xi1>, vector<16xi32>
      tpu.vector_store_idx %arg11[%select_n3A_973], %sub3A_948 : memref<768xi32, #tpu.memory_space<vmem>>[vector<16xi32>], vector<16xi32>,
      tpu.vector_store_idx %arg12[%select_n3A_973], %get3A_946 : memref<768xi32, #tpu.memory_space<vmem>>[vector<16xi32>], vector<16xi32>,
      %reduce_max3A_974 = arith.constant true
      %reduce_max3A_975 = vector.broadcast %reduce_max3A_974 : i1 to vector<16xi1>
      %reduce_max3A_976 = arith.constant -2147483648 : i32
      %reduce_max3A_977 = vector.broadcast %reduce_max3A_976 : i32 to vector<16xi32>
      %reduce_max3A_978 = arith.xori %masked_cumsum3A_963, %reduce_max3A_977 : vector<16xi32>
      %reduce_max3A_979 = tpu.scan <max>, %reduce_max3A_978 masked %reduce_max3A_975 : vector<16xi32>, vector<16xi1> -> vector<16xi32>
      %reduce_max3A_980 = arith.xori %reduce_max3A_979, %reduce_max3A_977 : vector<16xi32>
      %reduce_max3A_981 = vector.extract %reduce_max3A_980[15] : i32 from vector<16xi32>
      %add3A_982 = arith.addi %add3A_942, %reduce_max3A_981 : i32
      %get3A_983 = arith.constant 368 : index
      %get3A_984 = tpu.vector_load %arg9[%get3A_983] {strides = array<i32>} : memref<512xi32, #tpu.memory_space<vmem>>, vector<16xi32>,
      %get3A_985 = arith.constant 368 : index
      %get3A_986 = tpu.vector_load %arg10[%get3A_985] {strides = array<i32>} : memref<512xi32, #tpu.memory_space<vmem>>, vector<16xi32>,
      %sub3A_987 = vector.broadcast %mul3A_0 : i32 to vector<16xi32>
      %sub3A_988 = arith.subi %get3A_984, %sub3A_987 : vector<16xi32>
      %ge3A_989 = arith.constant 0 : i32
      %ge3A_990 = vector.broadcast %ge3A_989 : i32 to vector<16xi32>
      %ge3A_991 = arith.cmpi sge, %sub3A_988, %ge3A_990 : vector<16xi32>
      %lt3A_992 = arith.constant 5000 : i32
      %lt3A_993 = vector.broadcast %lt3A_992 : i32 to vector<16xi32>
      %lt3A_994 = arith.cmpi slt, %sub3A_988, %lt3A_993 : vector<16xi32>
      %and3A_995 = arith.andi %ge3A_991, %lt3A_994 : vector<16xi1>
      %broadcast_in_dim3A_996 = arith.constant 1 : i32
      %broadcast_in_dim3A_997 = vector.broadcast %broadcast_in_dim3A_996 : i32 to vector<16xi32>
      %broadcast_in_dim3A_998 = arith.constant 0 : i32
      %broadcast_in_dim3A_999 = vector.broadcast %broadcast_in_dim3A_998 : i32 to vector<16xi32>
      %select_n3A_1000 = arith.select %and3A_995, %broadcast_in_dim3A_997, %broadcast_in_dim3A_999 : vector<16xi1>, vector<16xi32>
      %broadcast_in_dim3A_1001 = arith.constant true
      %broadcast_in_dim3A_1002 = vector.broadcast %broadcast_in_dim3A_1001 : i1 to vector<16xi1>
      %masked_cumsum3A_1003 = tpu.scan <sum>, %select_n3A_1000 masked %broadcast_in_dim3A_1002 : vector<16xi32>, vector<16xi1> -> vector<16xi32>
      %iota3A_1004 = tpu.iota {dimensions = array<i32: 0>} : vector<16xi32>
      %broadcast_in_dim3A_1005 = vector.broadcast %add3A_982 : i32 to vector<16xi32>
      %add3A_1006 = arith.addi %broadcast_in_dim3A_1005, %masked_cumsum3A_1003 : vector<16xi32>
      %sub3A_1007 = arith.constant 1 : i32
      %sub3A_1008 = vector.broadcast %sub3A_1007 : i32 to vector<16xi32>
      %sub3A_1009 = arith.subi %add3A_1006, %sub3A_1008 : vector<16xi32>
      %add3A_1010 = arith.constant 752 : i32
      %add3A_1011 = vector.broadcast %add3A_1010 : i32 to vector<16xi32>
      %add3A_1012 = arith.addi %add3A_1011, %iota3A_1004 : vector<16xi32>
      %select_n3A_1013 = arith.select %and3A_995, %sub3A_1009, %add3A_1012 : vector<16xi1>, vector<16xi32>
      tpu.vector_store_idx %arg11[%select_n3A_1013], %sub3A_988 : memref<768xi32, #tpu.memory_space<vmem>>[vector<16xi32>], vector<16xi32>,
      tpu.vector_store_idx %arg12[%select_n3A_1013], %get3A_986 : memref<768xi32, #tpu.memory_space<vmem>>[vector<16xi32>], vector<16xi32>,
      %reduce_max3A_1014 = arith.constant true
      %reduce_max3A_1015 = vector.broadcast %reduce_max3A_1014 : i1 to vector<16xi1>
      %reduce_max3A_1016 = arith.constant -2147483648 : i32
      %reduce_max3A_1017 = vector.broadcast %reduce_max3A_1016 : i32 to vector<16xi32>
      %reduce_max3A_1018 = arith.xori %masked_cumsum3A_1003, %reduce_max3A_1017 : vector<16xi32>
      %reduce_max3A_1019 = tpu.scan <max>, %reduce_max3A_1018 masked %reduce_max3A_1015 : vector<16xi32>, vector<16xi1> -> vector<16xi32>
      %reduce_max3A_1020 = arith.xori %reduce_max3A_1019, %reduce_max3A_1017 : vector<16xi32>
      %reduce_max3A_1021 = vector.extract %reduce_max3A_1020[15] : i32 from vector<16xi32>
      %add3A_1022 = arith.addi %add3A_982, %reduce_max3A_1021 : i32
      %get3A_1023 = arith.constant 384 : index
      %get3A_1024 = tpu.vector_load %arg9[%get3A_1023] {strides = array<i32>} : memref<512xi32, #tpu.memory_space<vmem>>, vector<16xi32>,
      %get3A_1025 = arith.constant 384 : index
      %get3A_1026 = tpu.vector_load %arg10[%get3A_1025] {strides = array<i32>} : memref<512xi32, #tpu.memory_space<vmem>>, vector<16xi32>,
      %sub3A_1027 = vector.broadcast %mul3A_0 : i32 to vector<16xi32>
      %sub3A_1028 = arith.subi %get3A_1024, %sub3A_1027 : vector<16xi32>
      %ge3A_1029 = arith.constant 0 : i32
      %ge3A_1030 = vector.broadcast %ge3A_1029 : i32 to vector<16xi32>
      %ge3A_1031 = arith.cmpi sge, %sub3A_1028, %ge3A_1030 : vector<16xi32>
      %lt3A_1032 = arith.constant 5000 : i32
      %lt3A_1033 = vector.broadcast %lt3A_1032 : i32 to vector<16xi32>
      %lt3A_1034 = arith.cmpi slt, %sub3A_1028, %lt3A_1033 : vector<16xi32>
      %and3A_1035 = arith.andi %ge3A_1031, %lt3A_1034 : vector<16xi1>
      %broadcast_in_dim3A_1036 = arith.constant 1 : i32
      %broadcast_in_dim3A_1037 = vector.broadcast %broadcast_in_dim3A_1036 : i32 to vector<16xi32>
      %broadcast_in_dim3A_1038 = arith.constant 0 : i32
      %broadcast_in_dim3A_1039 = vector.broadcast %broadcast_in_dim3A_1038 : i32 to vector<16xi32>
      %select_n3A_1040 = arith.select %and3A_1035, %broadcast_in_dim3A_1037, %broadcast_in_dim3A_1039 : vector<16xi1>, vector<16xi32>
      %broadcast_in_dim3A_1041 = arith.constant true
      %broadcast_in_dim3A_1042 = vector.broadcast %broadcast_in_dim3A_1041 : i1 to vector<16xi1>
      %masked_cumsum3A_1043 = tpu.scan <sum>, %select_n3A_1040 masked %broadcast_in_dim3A_1042 : vector<16xi32>, vector<16xi1> -> vector<16xi32>
      %iota3A_1044 = tpu.iota {dimensions = array<i32: 0>} : vector<16xi32>
      %broadcast_in_dim3A_1045 = vector.broadcast %add3A_1022 : i32 to vector<16xi32>
      %add3A_1046 = arith.addi %broadcast_in_dim3A_1045, %masked_cumsum3A_1043 : vector<16xi32>
      %sub3A_1047 = arith.constant 1 : i32
      %sub3A_1048 = vector.broadcast %sub3A_1047 : i32 to vector<16xi32>
      %sub3A_1049 = arith.subi %add3A_1046, %sub3A_1048 : vector<16xi32>
      %add3A_1050 = arith.constant 752 : i32
      %add3A_1051 = vector.broadcast %add3A_1050 : i32 to vector<16xi32>
      %add3A_1052 = arith.addi %add3A_1051, %iota3A_1044 : vector<16xi32>
      %select_n3A_1053 = arith.select %and3A_1035, %sub3A_1049, %add3A_1052 : vector<16xi1>, vector<16xi32>
      tpu.vector_store_idx %arg11[%select_n3A_1053], %sub3A_1028 : memref<768xi32, #tpu.memory_space<vmem>>[vector<16xi32>], vector<16xi32>,
      tpu.vector_store_idx %arg12[%select_n3A_1053], %get3A_1026 : memref<768xi32, #tpu.memory_space<vmem>>[vector<16xi32>], vector<16xi32>,
      %reduce_max3A_1054 = arith.constant true
      %reduce_max3A_1055 = vector.broadcast %reduce_max3A_1054 : i1 to vector<16xi1>
      %reduce_max3A_1056 = arith.constant -2147483648 : i32
      %reduce_max3A_1057 = vector.broadcast %reduce_max3A_1056 : i32 to vector<16xi32>
      %reduce_max3A_1058 = arith.xori %masked_cumsum3A_1043, %reduce_max3A_1057 : vector<16xi32>
      %reduce_max3A_1059 = tpu.scan <max>, %reduce_max3A_1058 masked %reduce_max3A_1055 : vector<16xi32>, vector<16xi1> -> vector<16xi32>
      %reduce_max3A_1060 = arith.xori %reduce_max3A_1059, %reduce_max3A_1057 : vector<16xi32>
      %reduce_max3A_1061 = vector.extract %reduce_max3A_1060[15] : i32 from vector<16xi32>
      %add3A_1062 = arith.addi %add3A_1022, %reduce_max3A_1061 : i32
      %get3A_1063 = arith.constant 400 : index
      %get3A_1064 = tpu.vector_load %arg9[%get3A_1063] {strides = array<i32>} : memref<512xi32, #tpu.memory_space<vmem>>, vector<16xi32>,
      %get3A_1065 = arith.constant 400 : index
      %get3A_1066 = tpu.vector_load %arg10[%get3A_1065] {strides = array<i32>} : memref<512xi32, #tpu.memory_space<vmem>>, vector<16xi32>,
      %sub3A_1067 = vector.broadcast %mul3A_0 : i32 to vector<16xi32>
      %sub3A_1068 = arith.subi %get3A_1064, %sub3A_1067 : vector<16xi32>
      %ge3A_1069 = arith.constant 0 : i32
      %ge3A_1070 = vector.broadcast %ge3A_1069 : i32 to vector<16xi32>
      %ge3A_1071 = arith.cmpi sge, %sub3A_1068, %ge3A_1070 : vector<16xi32>
      %lt3A_1072 = arith.constant 5000 : i32
      %lt3A_1073 = vector.broadcast %lt3A_1072 : i32 to vector<16xi32>
      %lt3A_1074 = arith.cmpi slt, %sub3A_1068, %lt3A_1073 : vector<16xi32>
      %and3A_1075 = arith.andi %ge3A_1071, %lt3A_1074 : vector<16xi1>
      %broadcast_in_dim3A_1076 = arith.constant 1 : i32
      %broadcast_in_dim3A_1077 = vector.broadcast %broadcast_in_dim3A_1076 : i32 to vector<16xi32>
      %broadcast_in_dim3A_1078 = arith.constant 0 : i32
      %broadcast_in_dim3A_1079 = vector.broadcast %broadcast_in_dim3A_1078 : i32 to vector<16xi32>
      %select_n3A_1080 = arith.select %and3A_1075, %broadcast_in_dim3A_1077, %broadcast_in_dim3A_1079 : vector<16xi1>, vector<16xi32>
      %broadcast_in_dim3A_1081 = arith.constant true
      %broadcast_in_dim3A_1082 = vector.broadcast %broadcast_in_dim3A_1081 : i1 to vector<16xi1>
      %masked_cumsum3A_1083 = tpu.scan <sum>, %select_n3A_1080 masked %broadcast_in_dim3A_1082 : vector<16xi32>, vector<16xi1> -> vector<16xi32>
      %iota3A_1084 = tpu.iota {dimensions = array<i32: 0>} : vector<16xi32>
      %broadcast_in_dim3A_1085 = vector.broadcast %add3A_1062 : i32 to vector<16xi32>
      %add3A_1086 = arith.addi %broadcast_in_dim3A_1085, %masked_cumsum3A_1083 : vector<16xi32>
      %sub3A_1087 = arith.constant 1 : i32
      %sub3A_1088 = vector.broadcast %sub3A_1087 : i32 to vector<16xi32>
      %sub3A_1089 = arith.subi %add3A_1086, %sub3A_1088 : vector<16xi32>
      %add3A_1090 = arith.constant 752 : i32
      %add3A_1091 = vector.broadcast %add3A_1090 : i32 to vector<16xi32>
      %add3A_1092 = arith.addi %add3A_1091, %iota3A_1084 : vector<16xi32>
      %select_n3A_1093 = arith.select %and3A_1075, %sub3A_1089, %add3A_1092 : vector<16xi1>, vector<16xi32>
      tpu.vector_store_idx %arg11[%select_n3A_1093], %sub3A_1068 : memref<768xi32, #tpu.memory_space<vmem>>[vector<16xi32>], vector<16xi32>,
      tpu.vector_store_idx %arg12[%select_n3A_1093], %get3A_1066 : memref<768xi32, #tpu.memory_space<vmem>>[vector<16xi32>], vector<16xi32>,
      %reduce_max3A_1094 = arith.constant true
      %reduce_max3A_1095 = vector.broadcast %reduce_max3A_1094 : i1 to vector<16xi1>
      %reduce_max3A_1096 = arith.constant -2147483648 : i32
      %reduce_max3A_1097 = vector.broadcast %reduce_max3A_1096 : i32 to vector<16xi32>
      %reduce_max3A_1098 = arith.xori %masked_cumsum3A_1083, %reduce_max3A_1097 : vector<16xi32>
      %reduce_max3A_1099 = tpu.scan <max>, %reduce_max3A_1098 masked %reduce_max3A_1095 : vector<16xi32>, vector<16xi1> -> vector<16xi32>
      %reduce_max3A_1100 = arith.xori %reduce_max3A_1099, %reduce_max3A_1097 : vector<16xi32>
      %reduce_max3A_1101 = vector.extract %reduce_max3A_1100[15] : i32 from vector<16xi32>
      %add3A_1102 = arith.addi %add3A_1062, %reduce_max3A_1101 : i32
      %get3A_1103 = arith.constant 416 : index
      %get3A_1104 = tpu.vector_load %arg9[%get3A_1103] {strides = array<i32>} : memref<512xi32, #tpu.memory_space<vmem>>, vector<16xi32>,
      %get3A_1105 = arith.constant 416 : index
      %get3A_1106 = tpu.vector_load %arg10[%get3A_1105] {strides = array<i32>} : memref<512xi32, #tpu.memory_space<vmem>>, vector<16xi32>,
      %sub3A_1107 = vector.broadcast %mul3A_0 : i32 to vector<16xi32>
      %sub3A_1108 = arith.subi %get3A_1104, %sub3A_1107 : vector<16xi32>
      %ge3A_1109 = arith.constant 0 : i32
      %ge3A_1110 = vector.broadcast %ge3A_1109 : i32 to vector<16xi32>
      %ge3A_1111 = arith.cmpi sge, %sub3A_1108, %ge3A_1110 : vector<16xi32>
      %lt3A_1112 = arith.constant 5000 : i32
      %lt3A_1113 = vector.broadcast %lt3A_1112 : i32 to vector<16xi32>
      %lt3A_1114 = arith.cmpi slt, %sub3A_1108, %lt3A_1113 : vector<16xi32>
      %and3A_1115 = arith.andi %ge3A_1111, %lt3A_1114 : vector<16xi1>
      %broadcast_in_dim3A_1116 = arith.constant 1 : i32
      %broadcast_in_dim3A_1117 = vector.broadcast %broadcast_in_dim3A_1116 : i32 to vector<16xi32>
      %broadcast_in_dim3A_1118 = arith.constant 0 : i32
      %broadcast_in_dim3A_1119 = vector.broadcast %broadcast_in_dim3A_1118 : i32 to vector<16xi32>
      %select_n3A_1120 = arith.select %and3A_1115, %broadcast_in_dim3A_1117, %broadcast_in_dim3A_1119 : vector<16xi1>, vector<16xi32>
      %broadcast_in_dim3A_1121 = arith.constant true
      %broadcast_in_dim3A_1122 = vector.broadcast %broadcast_in_dim3A_1121 : i1 to vector<16xi1>
      %masked_cumsum3A_1123 = tpu.scan <sum>, %select_n3A_1120 masked %broadcast_in_dim3A_1122 : vector<16xi32>, vector<16xi1> -> vector<16xi32>
      %iota3A_1124 = tpu.iota {dimensions = array<i32: 0>} : vector<16xi32>
      %broadcast_in_dim3A_1125 = vector.broadcast %add3A_1102 : i32 to vector<16xi32>
      %add3A_1126 = arith.addi %broadcast_in_dim3A_1125, %masked_cumsum3A_1123 : vector<16xi32>
      %sub3A_1127 = arith.constant 1 : i32
      %sub3A_1128 = vector.broadcast %sub3A_1127 : i32 to vector<16xi32>
      %sub3A_1129 = arith.subi %add3A_1126, %sub3A_1128 : vector<16xi32>
      %add3A_1130 = arith.constant 752 : i32
      %add3A_1131 = vector.broadcast %add3A_1130 : i32 to vector<16xi32>
      %add3A_1132 = arith.addi %add3A_1131, %iota3A_1124 : vector<16xi32>
      %select_n3A_1133 = arith.select %and3A_1115, %sub3A_1129, %add3A_1132 : vector<16xi1>, vector<16xi32>
      tpu.vector_store_idx %arg11[%select_n3A_1133], %sub3A_1108 : memref<768xi32, #tpu.memory_space<vmem>>[vector<16xi32>], vector<16xi32>,
      tpu.vector_store_idx %arg12[%select_n3A_1133], %get3A_1106 : memref<768xi32, #tpu.memory_space<vmem>>[vector<16xi32>], vector<16xi32>,
      %reduce_max3A_1134 = arith.constant true
      %reduce_max3A_1135 = vector.broadcast %reduce_max3A_1134 : i1 to vector<16xi1>
      %reduce_max3A_1136 = arith.constant -2147483648 : i32
      %reduce_max3A_1137 = vector.broadcast %reduce_max3A_1136 : i32 to vector<16xi32>
      %reduce_max3A_1138 = arith.xori %masked_cumsum3A_1123, %reduce_max3A_1137 : vector<16xi32>
      %reduce_max3A_1139 = tpu.scan <max>, %reduce_max3A_1138 masked %reduce_max3A_1135 : vector<16xi32>, vector<16xi1> -> vector<16xi32>
      %reduce_max3A_1140 = arith.xori %reduce_max3A_1139, %reduce_max3A_1137 : vector<16xi32>
      %reduce_max3A_1141 = vector.extract %reduce_max3A_1140[15] : i32 from vector<16xi32>
      %add3A_1142 = arith.addi %add3A_1102, %reduce_max3A_1141 : i32
      %get3A_1143 = arith.constant 432 : index
      %get3A_1144 = tpu.vector_load %arg9[%get3A_1143] {strides = array<i32>} : memref<512xi32, #tpu.memory_space<vmem>>, vector<16xi32>,
      %get3A_1145 = arith.constant 432 : index
      %get3A_1146 = tpu.vector_load %arg10[%get3A_1145] {strides = array<i32>} : memref<512xi32, #tpu.memory_space<vmem>>, vector<16xi32>,
      %sub3A_1147 = vector.broadcast %mul3A_0 : i32 to vector<16xi32>
      %sub3A_1148 = arith.subi %get3A_1144, %sub3A_1147 : vector<16xi32>
      %ge3A_1149 = arith.constant 0 : i32
      %ge3A_1150 = vector.broadcast %ge3A_1149 : i32 to vector<16xi32>
      %ge3A_1151 = arith.cmpi sge, %sub3A_1148, %ge3A_1150 : vector<16xi32>
      %lt3A_1152 = arith.constant 5000 : i32
      %lt3A_1153 = vector.broadcast %lt3A_1152 : i32 to vector<16xi32>
      %lt3A_1154 = arith.cmpi slt, %sub3A_1148, %lt3A_1153 : vector<16xi32>
      %and3A_1155 = arith.andi %ge3A_1151, %lt3A_1154 : vector<16xi1>
      %broadcast_in_dim3A_1156 = arith.constant 1 : i32
      %broadcast_in_dim3A_1157 = vector.broadcast %broadcast_in_dim3A_1156 : i32 to vector<16xi32>
      %broadcast_in_dim3A_1158 = arith.constant 0 : i32
      %broadcast_in_dim3A_1159 = vector.broadcast %broadcast_in_dim3A_1158 : i32 to vector<16xi32>
      %select_n3A_1160 = arith.select %and3A_1155, %broadcast_in_dim3A_1157, %broadcast_in_dim3A_1159 : vector<16xi1>, vector<16xi32>
      %broadcast_in_dim3A_1161 = arith.constant true
      %broadcast_in_dim3A_1162 = vector.broadcast %broadcast_in_dim3A_1161 : i1 to vector<16xi1>
      %masked_cumsum3A_1163 = tpu.scan <sum>, %select_n3A_1160 masked %broadcast_in_dim3A_1162 : vector<16xi32>, vector<16xi1> -> vector<16xi32>
      %iota3A_1164 = tpu.iota {dimensions = array<i32: 0>} : vector<16xi32>
      %broadcast_in_dim3A_1165 = vector.broadcast %add3A_1142 : i32 to vector<16xi32>
      %add3A_1166 = arith.addi %broadcast_in_dim3A_1165, %masked_cumsum3A_1163 : vector<16xi32>
      %sub3A_1167 = arith.constant 1 : i32
      %sub3A_1168 = vector.broadcast %sub3A_1167 : i32 to vector<16xi32>
      %sub3A_1169 = arith.subi %add3A_1166, %sub3A_1168 : vector<16xi32>
      %add3A_1170 = arith.constant 752 : i32
      %add3A_1171 = vector.broadcast %add3A_1170 : i32 to vector<16xi32>
      %add3A_1172 = arith.addi %add3A_1171, %iota3A_1164 : vector<16xi32>
      %select_n3A_1173 = arith.select %and3A_1155, %sub3A_1169, %add3A_1172 : vector<16xi1>, vector<16xi32>
      tpu.vector_store_idx %arg11[%select_n3A_1173], %sub3A_1148 : memref<768xi32, #tpu.memory_space<vmem>>[vector<16xi32>], vector<16xi32>,
      tpu.vector_store_idx %arg12[%select_n3A_1173], %get3A_1146 : memref<768xi32, #tpu.memory_space<vmem>>[vector<16xi32>], vector<16xi32>,
      %reduce_max3A_1174 = arith.constant true
      %reduce_max3A_1175 = vector.broadcast %reduce_max3A_1174 : i1 to vector<16xi1>
      %reduce_max3A_1176 = arith.constant -2147483648 : i32
      %reduce_max3A_1177 = vector.broadcast %reduce_max3A_1176 : i32 to vector<16xi32>
      %reduce_max3A_1178 = arith.xori %masked_cumsum3A_1163, %reduce_max3A_1177 : vector<16xi32>
      %reduce_max3A_1179 = tpu.scan <max>, %reduce_max3A_1178 masked %reduce_max3A_1175 : vector<16xi32>, vector<16xi1> -> vector<16xi32>
      %reduce_max3A_1180 = arith.xori %reduce_max3A_1179, %reduce_max3A_1177 : vector<16xi32>
      %reduce_max3A_1181 = vector.extract %reduce_max3A_1180[15] : i32 from vector<16xi32>
      %add3A_1182 = arith.addi %add3A_1142, %reduce_max3A_1181 : i32
      %get3A_1183 = arith.constant 448 : index
      %get3A_1184 = tpu.vector_load %arg9[%get3A_1183] {strides = array<i32>} : memref<512xi32, #tpu.memory_space<vmem>>, vector<16xi32>,
      %get3A_1185 = arith.constant 448 : index
      %get3A_1186 = tpu.vector_load %arg10[%get3A_1185] {strides = array<i32>} : memref<512xi32, #tpu.memory_space<vmem>>, vector<16xi32>,
      %sub3A_1187 = vector.broadcast %mul3A_0 : i32 to vector<16xi32>
      %sub3A_1188 = arith.subi %get3A_1184, %sub3A_1187 : vector<16xi32>
      %ge3A_1189 = arith.constant 0 : i32
      %ge3A_1190 = vector.broadcast %ge3A_1189 : i32 to vector<16xi32>
      %ge3A_1191 = arith.cmpi sge, %sub3A_1188, %ge3A_1190 : vector<16xi32>
      %lt3A_1192 = arith.constant 5000 : i32
      %lt3A_1193 = vector.broadcast %lt3A_1192 : i32 to vector<16xi32>
      %lt3A_1194 = arith.cmpi slt, %sub3A_1188, %lt3A_1193 : vector<16xi32>
      %and3A_1195 = arith.andi %ge3A_1191, %lt3A_1194 : vector<16xi1>
      %broadcast_in_dim3A_1196 = arith.constant 1 : i32
      %broadcast_in_dim3A_1197 = vector.broadcast %broadcast_in_dim3A_1196 : i32 to vector<16xi32>
      %broadcast_in_dim3A_1198 = arith.constant 0 : i32
      %broadcast_in_dim3A_1199 = vector.broadcast %broadcast_in_dim3A_1198 : i32 to vector<16xi32>
      %select_n3A_1200 = arith.select %and3A_1195, %broadcast_in_dim3A_1197, %broadcast_in_dim3A_1199 : vector<16xi1>, vector<16xi32>
      %broadcast_in_dim3A_1201 = arith.constant true
      %broadcast_in_dim3A_1202 = vector.broadcast %broadcast_in_dim3A_1201 : i1 to vector<16xi1>
      %masked_cumsum3A_1203 = tpu.scan <sum>, %select_n3A_1200 masked %broadcast_in_dim3A_1202 : vector<16xi32>, vector<16xi1> -> vector<16xi32>
      %iota3A_1204 = tpu.iota {dimensions = array<i32: 0>} : vector<16xi32>
      %broadcast_in_dim3A_1205 = vector.broadcast %add3A_1182 : i32 to vector<16xi32>
      %add3A_1206 = arith.addi %broadcast_in_dim3A_1205, %masked_cumsum3A_1203 : vector<16xi32>
      %sub3A_1207 = arith.constant 1 : i32
      %sub3A_1208 = vector.broadcast %sub3A_1207 : i32 to vector<16xi32>
      %sub3A_1209 = arith.subi %add3A_1206, %sub3A_1208 : vector<16xi32>
      %add3A_1210 = arith.constant 752 : i32
      %add3A_1211 = vector.broadcast %add3A_1210 : i32 to vector<16xi32>
      %add3A_1212 = arith.addi %add3A_1211, %iota3A_1204 : vector<16xi32>
      %select_n3A_1213 = arith.select %and3A_1195, %sub3A_1209, %add3A_1212 : vector<16xi1>, vector<16xi32>
      tpu.vector_store_idx %arg11[%select_n3A_1213], %sub3A_1188 : memref<768xi32, #tpu.memory_space<vmem>>[vector<16xi32>], vector<16xi32>,
      tpu.vector_store_idx %arg12[%select_n3A_1213], %get3A_1186 : memref<768xi32, #tpu.memory_space<vmem>>[vector<16xi32>], vector<16xi32>,
      %reduce_max3A_1214 = arith.constant true
      %reduce_max3A_1215 = vector.broadcast %reduce_max3A_1214 : i1 to vector<16xi1>
      %reduce_max3A_1216 = arith.constant -2147483648 : i32
      %reduce_max3A_1217 = vector.broadcast %reduce_max3A_1216 : i32 to vector<16xi32>
      %reduce_max3A_1218 = arith.xori %masked_cumsum3A_1203, %reduce_max3A_1217 : vector<16xi32>
      %reduce_max3A_1219 = tpu.scan <max>, %reduce_max3A_1218 masked %reduce_max3A_1215 : vector<16xi32>, vector<16xi1> -> vector<16xi32>
      %reduce_max3A_1220 = arith.xori %reduce_max3A_1219, %reduce_max3A_1217 : vector<16xi32>
      %reduce_max3A_1221 = vector.extract %reduce_max3A_1220[15] : i32 from vector<16xi32>
      %add3A_1222 = arith.addi %add3A_1182, %reduce_max3A_1221 : i32
      %get3A_1223 = arith.constant 464 : index
      %get3A_1224 = tpu.vector_load %arg9[%get3A_1223] {strides = array<i32>} : memref<512xi32, #tpu.memory_space<vmem>>, vector<16xi32>,
      %get3A_1225 = arith.constant 464 : index
      %get3A_1226 = tpu.vector_load %arg10[%get3A_1225] {strides = array<i32>} : memref<512xi32, #tpu.memory_space<vmem>>, vector<16xi32>,
      %sub3A_1227 = vector.broadcast %mul3A_0 : i32 to vector<16xi32>
      %sub3A_1228 = arith.subi %get3A_1224, %sub3A_1227 : vector<16xi32>
      %ge3A_1229 = arith.constant 0 : i32
      %ge3A_1230 = vector.broadcast %ge3A_1229 : i32 to vector<16xi32>
      %ge3A_1231 = arith.cmpi sge, %sub3A_1228, %ge3A_1230 : vector<16xi32>
      %lt3A_1232 = arith.constant 5000 : i32
      %lt3A_1233 = vector.broadcast %lt3A_1232 : i32 to vector<16xi32>
      %lt3A_1234 = arith.cmpi slt, %sub3A_1228, %lt3A_1233 : vector<16xi32>
      %and3A_1235 = arith.andi %ge3A_1231, %lt3A_1234 : vector<16xi1>
      %broadcast_in_dim3A_1236 = arith.constant 1 : i32
      %broadcast_in_dim3A_1237 = vector.broadcast %broadcast_in_dim3A_1236 : i32 to vector<16xi32>
      %broadcast_in_dim3A_1238 = arith.constant 0 : i32
      %broadcast_in_dim3A_1239 = vector.broadcast %broadcast_in_dim3A_1238 : i32 to vector<16xi32>
      %select_n3A_1240 = arith.select %and3A_1235, %broadcast_in_dim3A_1237, %broadcast_in_dim3A_1239 : vector<16xi1>, vector<16xi32>
      %broadcast_in_dim3A_1241 = arith.constant true
      %broadcast_in_dim3A_1242 = vector.broadcast %broadcast_in_dim3A_1241 : i1 to vector<16xi1>
      %masked_cumsum3A_1243 = tpu.scan <sum>, %select_n3A_1240 masked %broadcast_in_dim3A_1242 : vector<16xi32>, vector<16xi1> -> vector<16xi32>
      %iota3A_1244 = tpu.iota {dimensions = array<i32: 0>} : vector<16xi32>
      %broadcast_in_dim3A_1245 = vector.broadcast %add3A_1222 : i32 to vector<16xi32>
      %add3A_1246 = arith.addi %broadcast_in_dim3A_1245, %masked_cumsum3A_1243 : vector<16xi32>
      %sub3A_1247 = arith.constant 1 : i32
      %sub3A_1248 = vector.broadcast %sub3A_1247 : i32 to vector<16xi32>
      %sub3A_1249 = arith.subi %add3A_1246, %sub3A_1248 : vector<16xi32>
      %add3A_1250 = arith.constant 752 : i32
      %add3A_1251 = vector.broadcast %add3A_1250 : i32 to vector<16xi32>
      %add3A_1252 = arith.addi %add3A_1251, %iota3A_1244 : vector<16xi32>
      %select_n3A_1253 = arith.select %and3A_1235, %sub3A_1249, %add3A_1252 : vector<16xi1>, vector<16xi32>
      tpu.vector_store_idx %arg11[%select_n3A_1253], %sub3A_1228 : memref<768xi32, #tpu.memory_space<vmem>>[vector<16xi32>], vector<16xi32>,
      tpu.vector_store_idx %arg12[%select_n3A_1253], %get3A_1226 : memref<768xi32, #tpu.memory_space<vmem>>[vector<16xi32>], vector<16xi32>,
      %reduce_max3A_1254 = arith.constant true
      %reduce_max3A_1255 = vector.broadcast %reduce_max3A_1254 : i1 to vector<16xi1>
      %reduce_max3A_1256 = arith.constant -2147483648 : i32
      %reduce_max3A_1257 = vector.broadcast %reduce_max3A_1256 : i32 to vector<16xi32>
      %reduce_max3A_1258 = arith.xori %masked_cumsum3A_1243, %reduce_max3A_1257 : vector<16xi32>
      %reduce_max3A_1259 = tpu.scan <max>, %reduce_max3A_1258 masked %reduce_max3A_1255 : vector<16xi32>, vector<16xi1> -> vector<16xi32>
      %reduce_max3A_1260 = arith.xori %reduce_max3A_1259, %reduce_max3A_1257 : vector<16xi32>
      %reduce_max3A_1261 = vector.extract %reduce_max3A_1260[15] : i32 from vector<16xi32>
      %add3A_1262 = arith.addi %add3A_1222, %reduce_max3A_1261 : i32
      %get3A_1263 = arith.constant 480 : index
      %get3A_1264 = tpu.vector_load %arg9[%get3A_1263] {strides = array<i32>} : memref<512xi32, #tpu.memory_space<vmem>>, vector<16xi32>,
      %get3A_1265 = arith.constant 480 : index
      %get3A_1266 = tpu.vector_load %arg10[%get3A_1265] {strides = array<i32>} : memref<512xi32, #tpu.memory_space<vmem>>, vector<16xi32>,
      %sub3A_1267 = vector.broadcast %mul3A_0 : i32 to vector<16xi32>
      %sub3A_1268 = arith.subi %get3A_1264, %sub3A_1267 : vector<16xi32>
      %ge3A_1269 = arith.constant 0 : i32
      %ge3A_1270 = vector.broadcast %ge3A_1269 : i32 to vector<16xi32>
      %ge3A_1271 = arith.cmpi sge, %sub3A_1268, %ge3A_1270 : vector<16xi32>
      %lt3A_1272 = arith.constant 5000 : i32
      %lt3A_1273 = vector.broadcast %lt3A_1272 : i32 to vector<16xi32>
      %lt3A_1274 = arith.cmpi slt, %sub3A_1268, %lt3A_1273 : vector<16xi32>
      %and3A_1275 = arith.andi %ge3A_1271, %lt3A_1274 : vector<16xi1>
      %broadcast_in_dim3A_1276 = arith.constant 1 : i32
      %broadcast_in_dim3A_1277 = vector.broadcast %broadcast_in_dim3A_1276 : i32 to vector<16xi32>
      %broadcast_in_dim3A_1278 = arith.constant 0 : i32
      %broadcast_in_dim3A_1279 = vector.broadcast %broadcast_in_dim3A_1278 : i32 to vector<16xi32>
      %select_n3A_1280 = arith.select %and3A_1275, %broadcast_in_dim3A_1277, %broadcast_in_dim3A_1279 : vector<16xi1>, vector<16xi32>
      %broadcast_in_dim3A_1281 = arith.constant true
      %broadcast_in_dim3A_1282 = vector.broadcast %broadcast_in_dim3A_1281 : i1 to vector<16xi1>
      %masked_cumsum3A_1283 = tpu.scan <sum>, %select_n3A_1280 masked %broadcast_in_dim3A_1282 : vector<16xi32>, vector<16xi1> -> vector<16xi32>
      %iota3A_1284 = tpu.iota {dimensions = array<i32: 0>} : vector<16xi32>
      %broadcast_in_dim3A_1285 = vector.broadcast %add3A_1262 : i32 to vector<16xi32>
      %add3A_1286 = arith.addi %broadcast_in_dim3A_1285, %masked_cumsum3A_1283 : vector<16xi32>
      %sub3A_1287 = arith.constant 1 : i32
      %sub3A_1288 = vector.broadcast %sub3A_1287 : i32 to vector<16xi32>
      %sub3A_1289 = arith.subi %add3A_1286, %sub3A_1288 : vector<16xi32>
      %add3A_1290 = arith.constant 752 : i32
      %add3A_1291 = vector.broadcast %add3A_1290 : i32 to vector<16xi32>
      %add3A_1292 = arith.addi %add3A_1291, %iota3A_1284 : vector<16xi32>
      %select_n3A_1293 = arith.select %and3A_1275, %sub3A_1289, %add3A_1292 : vector<16xi1>, vector<16xi32>
      tpu.vector_store_idx %arg11[%select_n3A_1293], %sub3A_1268 : memref<768xi32, #tpu.memory_space<vmem>>[vector<16xi32>], vector<16xi32>,
      tpu.vector_store_idx %arg12[%select_n3A_1293], %get3A_1266 : memref<768xi32, #tpu.memory_space<vmem>>[vector<16xi32>], vector<16xi32>,
      %reduce_max3A_1294 = arith.constant true
      %reduce_max3A_1295 = vector.broadcast %reduce_max3A_1294 : i1 to vector<16xi1>
      %reduce_max3A_1296 = arith.constant -2147483648 : i32
      %reduce_max3A_1297 = vector.broadcast %reduce_max3A_1296 : i32 to vector<16xi32>
      %reduce_max3A_1298 = arith.xori %masked_cumsum3A_1283, %reduce_max3A_1297 : vector<16xi32>
      %reduce_max3A_1299 = tpu.scan <max>, %reduce_max3A_1298 masked %reduce_max3A_1295 : vector<16xi32>, vector<16xi1> -> vector<16xi32>
      %reduce_max3A_1300 = arith.xori %reduce_max3A_1299, %reduce_max3A_1297 : vector<16xi32>
      %reduce_max3A_1301 = vector.extract %reduce_max3A_1300[15] : i32 from vector<16xi32>
      %add3A_1302 = arith.addi %add3A_1262, %reduce_max3A_1301 : i32
      %get3A_1303 = arith.constant 496 : index
      %get3A_1304 = tpu.vector_load %arg9[%get3A_1303] {strides = array<i32>} : memref<512xi32, #tpu.memory_space<vmem>>, vector<16xi32>,
      %get3A_1305 = arith.constant 496 : index
      %get3A_1306 = tpu.vector_load %arg10[%get3A_1305] {strides = array<i32>} : memref<512xi32, #tpu.memory_space<vmem>>, vector<16xi32>,
      %sub3A_1307 = vector.broadcast %mul3A_0 : i32 to vector<16xi32>
      %sub3A_1308 = arith.subi %get3A_1304, %sub3A_1307 : vector<16xi32>
      %ge3A_1309 = arith.constant 0 : i32
      %ge3A_1310 = vector.broadcast %ge3A_1309 : i32 to vector<16xi32>
      %ge3A_1311 = arith.cmpi sge, %sub3A_1308, %ge3A_1310 : vector<16xi32>
      %lt3A_1312 = arith.constant 5000 : i32
      %lt3A_1313 = vector.broadcast %lt3A_1312 : i32 to vector<16xi32>
      %lt3A_1314 = arith.cmpi slt, %sub3A_1308, %lt3A_1313 : vector<16xi32>
      %and3A_1315 = arith.andi %ge3A_1311, %lt3A_1314 : vector<16xi1>
      %broadcast_in_dim3A_1316 = arith.constant 1 : i32
      %broadcast_in_dim3A_1317 = vector.broadcast %broadcast_in_dim3A_1316 : i32 to vector<16xi32>
      %broadcast_in_dim3A_1318 = arith.constant 0 : i32
      %broadcast_in_dim3A_1319 = vector.broadcast %broadcast_in_dim3A_1318 : i32 to vector<16xi32>
      %select_n3A_1320 = arith.select %and3A_1315, %broadcast_in_dim3A_1317, %broadcast_in_dim3A_1319 : vector<16xi1>, vector<16xi32>
      %broadcast_in_dim3A_1321 = arith.constant true
      %broadcast_in_dim3A_1322 = vector.broadcast %broadcast_in_dim3A_1321 : i1 to vector<16xi1>
      %masked_cumsum3A_1323 = tpu.scan <sum>, %select_n3A_1320 masked %broadcast_in_dim3A_1322 : vector<16xi32>, vector<16xi1> -> vector<16xi32>
      %iota3A_1324 = tpu.iota {dimensions = array<i32: 0>} : vector<16xi32>
      %broadcast_in_dim3A_1325 = vector.broadcast %add3A_1302 : i32 to vector<16xi32>
      %add3A_1326 = arith.addi %broadcast_in_dim3A_1325, %masked_cumsum3A_1323 : vector<16xi32>
      %sub3A_1327 = arith.constant 1 : i32
      %sub3A_1328 = vector.broadcast %sub3A_1327 : i32 to vector<16xi32>
      %sub3A_1329 = arith.subi %add3A_1326, %sub3A_1328 : vector<16xi32>
      %add3A_1330 = arith.constant 752 : i32
      %add3A_1331 = vector.broadcast %add3A_1330 : i32 to vector<16xi32>
      %add3A_1332 = arith.addi %add3A_1331, %iota3A_1324 : vector<16xi32>
      %select_n3A_1333 = arith.select %and3A_1315, %sub3A_1329, %add3A_1332 : vector<16xi1>, vector<16xi32>
      tpu.vector_store_idx %arg11[%select_n3A_1333], %sub3A_1308 : memref<768xi32, #tpu.memory_space<vmem>>[vector<16xi32>], vector<16xi32>,
      tpu.vector_store_idx %arg12[%select_n3A_1333], %get3A_1306 : memref<768xi32, #tpu.memory_space<vmem>>[vector<16xi32>], vector<16xi32>,
      %reduce_max3A_1334 = arith.constant true
      %reduce_max3A_1335 = vector.broadcast %reduce_max3A_1334 : i1 to vector<16xi1>
      %reduce_max3A_1336 = arith.constant -2147483648 : i32
      %reduce_max3A_1337 = vector.broadcast %reduce_max3A_1336 : i32 to vector<16xi32>
      %reduce_max3A_1338 = arith.xori %masked_cumsum3A_1323, %reduce_max3A_1337 : vector<16xi32>
      %reduce_max3A_1339 = tpu.scan <max>, %reduce_max3A_1338 masked %reduce_max3A_1335 : vector<16xi32>, vector<16xi1> -> vector<16xi32>
      %reduce_max3A_1340 = arith.xori %reduce_max3A_1339, %reduce_max3A_1337 : vector<16xi32>
      %reduce_max3A_1341 = vector.extract %reduce_max3A_1340[15] : i32 from vector<16xi32>
      %add3A_1342 = arith.addi %add3A_1302, %reduce_max3A_1341 : i32
      %lt3A_1343 = arith.constant 19 : i32
      %lt3A_1344 = arith.cmpi slt, %scan3A_64, %lt3A_1343 : i32
      %convert_element_type3A_1345 = arith.extui %lt3A_1344 : i1 to i32
      %cond3A_1346 = arith.constant 0 : i32
      %cond3A_1347 = arith.cmpi ne, %convert_element_type3A_1345, %cond3A_1346 : i32
      scf.if %cond3A_1347 {
        %add3A_1468 = arith.constant 512 : i32
        %add3A_1469 = arith.addi %add3A_68, %add3A_1468 : i32
        %dma_start3A_1470 = tpu.memref_slice %arg3[%add3A_1469] : memref<163840xi32, #tpu.memory_space<hbm>> -> memref<512xi32, #tpu.memory_space<hbm>>
        %dma_start3A_1471 = tpu.memref_slice %arg3[%add3A_1469] : memref<163840xi32, #tpu.memory_space<hbm>> -> memref<512xi32, #tpu.memory_space<hbm>>
        tpu.enqueue_dma source(%dma_start3A_1471 : memref<512xi32, #tpu.memory_space<hbm>>) target(%arg9 : memref<512xi32, #tpu.memory_space<vmem>>) target_semaphore(%arg19 : memref<!tpu.dma_semaphore, #tpu.memory_space<semaphore_mem>>)
        %dma_start3A_1472 = tpu.memref_slice %arg4[%add3A_1469] : memref<163840xi32, #tpu.memory_space<hbm>> -> memref<512xi32, #tpu.memory_space<hbm>>
        %dma_start3A_1473 = tpu.memref_slice %arg4[%add3A_1469] : memref<163840xi32, #tpu.memory_space<hbm>> -> memref<512xi32, #tpu.memory_space<hbm>>
        tpu.enqueue_dma source(%dma_start3A_1473 : memref<512xi32, #tpu.memory_space<hbm>>) target(%arg10 : memref<512xi32, #tpu.memory_space<vmem>>) target_semaphore(%arg20 : memref<!tpu.dma_semaphore, #tpu.memory_space<semaphore_mem>>)
      } else {
      }
      %jit3A = arith.constant 64 : i32
      %div3A = arith.divsi %add3A_1342, %jit3A : i32
      %sign3A = arith.constant 0 : i32
      %sign3A_1348 = arith.cmpi sgt, %add3A_1342, %sign3A : i32
      %sign3A_1349 = arith.extui %sign3A_1348 : i1 to i32
      %sign3A_1350 = arith.constant 0 : i32
      %sign3A_1351 = arith.cmpi slt, %add3A_1342, %sign3A_1350 : i32
      %sign3A_1352 = arith.extui %sign3A_1351 : i1 to i32
      %sign3A_1353 = arith.subi %sign3A_1349, %sign3A_1352 : i32
      %sign3A_1354 = arith.constant 0 : i32
      %sign3A_1355 = arith.cmpi sgt, %jit3A, %sign3A_1354 : i32
      %sign3A_1356 = arith.extui %sign3A_1355 : i1 to i32
      %sign3A_1357 = arith.constant 0 : i32
      %sign3A_1358 = arith.cmpi slt, %jit3A, %sign3A_1357 : i32
      %sign3A_1359 = arith.extui %sign3A_1358 : i1 to i32
      %sign3A_1360 = arith.subi %sign3A_1356, %sign3A_1359 : i32
      %ne3A = arith.cmpi ne, %sign3A_1353, %sign3A_1360 : i32
      %rem3A = arith.remsi %add3A_1342, %jit3A : i32
      %ne3A_1361 = arith.constant 0 : i32
      %ne3A_1362 = arith.cmpi ne, %rem3A, %ne3A_1361 : i32
      %and3A_1363 = arith.andi %ne3A, %ne3A_1362 : i1
      %sub3A_1364 = arith.constant 1 : i32
      %sub3A_1365 = arith.subi %div3A, %sub3A_1364 : i32
      %select_n3A_1366 = arith.select %and3A_1363, %sub3A_1365, %div3A : i32
      %add3A_1367 = arith.constant 1 : i32
      %add3A_1368 = arith.addi %select_n3A_1366, %add3A_1367 : i32
      %jit3A_1369 = arith.constant 2 : i32
      %div3A_1370 = arith.divsi %add3A_1368, %jit3A_1369 : i32
      %sign3A_1371 = arith.constant 0 : i32
      %sign3A_1372 = arith.cmpi sgt, %add3A_1368, %sign3A_1371 : i32
      %sign3A_1373 = arith.extui %sign3A_1372 : i1 to i32
      %sign3A_1374 = arith.constant 0 : i32
      %sign3A_1375 = arith.cmpi slt, %add3A_1368, %sign3A_1374 : i32
      %sign3A_1376 = arith.extui %sign3A_1375 : i1 to i32
      %sign3A_1377 = arith.subi %sign3A_1373, %sign3A_1376 : i32
      %sign3A_1378 = arith.constant 0 : i32
      %sign3A_1379 = arith.cmpi sgt, %jit3A_1369, %sign3A_1378 : i32
      %sign3A_1380 = arith.extui %sign3A_1379 : i1 to i32
      %sign3A_1381 = arith.constant 0 : i32
      %sign3A_1382 = arith.cmpi slt, %jit3A_1369, %sign3A_1381 : i32
      %sign3A_1383 = arith.extui %sign3A_1382 : i1 to i32
      %sign3A_1384 = arith.subi %sign3A_1380, %sign3A_1383 : i32
      %ne3A_1385 = arith.cmpi ne, %sign3A_1377, %sign3A_1384 : i32
      %rem3A_1386 = arith.remsi %add3A_1368, %jit3A_1369 : i32
      %ne3A_1387 = arith.constant 0 : i32
      %ne3A_1388 = arith.cmpi ne, %rem3A_1386, %ne3A_1387 : i32
      %and3A_1389 = arith.andi %ne3A_1385, %ne3A_1388 : i1
      %sub3A_1390 = arith.constant 1 : i32
      %sub3A_1391 = arith.subi %div3A_1370, %sub3A_1390 : i32
      %select_n3A_1392 = arith.select %and3A_1389, %sub3A_1391, %div3A_1370 : i32
      %while3A = arith.constant 0 : i32
      %while3A_1393 = arith.constant 0 : i32
      %while3A_1394 = arith.subi %select_n3A_1392, %while3A : i32
      %while3A_1395 = arith.addi %while3A, %while3A_1394 : i32
      %while3A_1396 = arith.constant 1 : i32
      %while3A_1397 = arith.divsi %while3A_1394, %while3A_1396 : i32
      %while3A_1398 = arith.muli %while3A_1397, %while3A_1396 : i32
      %while3A_1399 = arith.addi %while3A, %while3A_1398 : i32
      %while3A_1400 = arith.constant 1 : i32
      %while3A_1401 = scf.for %while3A_1468 = %while3A to %while3A_1399 step %while3A_1400 iter_args(%while3A_1469 = %while3A_1393) -> (i32)  : i32 {
        %mul3A_1470 = arith.constant 2 : i32
        %mul3A_1471 = arith.muli %mul3A_1470, %while3A_1468 : i32
        %add3A_1472 = arith.constant 1 : i32
        %add3A_1473 = arith.addi %mul3A_1471, %add3A_1472 : i32
        %lt3A_1474 = arith.cmpi slt, %add3A_1473, %select_n3A_1366 : i32
        %gt3A_1475 = arith.constant 0 : i32
        %gt3A_1476 = arith.cmpi sgt, %while3A_1468, %gt3A_1475 : i32
        %sub3A_1477 = arith.constant 1 : i32
        %sub3A_1478 = arith.subi %mul3A_1471, %sub3A_1477 : i32
        %lt3A_1479 = arith.cmpi slt, %sub3A_1478, %select_n3A_1366 : i32
        %and3A_1480 = arith.andi %gt3A_1476, %lt3A_1479 : i1
        %gt3A_1481 = arith.constant 0 : i32
        %gt3A_1482 = arith.cmpi sgt, %while3A_1468, %gt3A_1481 : i32
        %convert_element_type3A_1483 = arith.extui %gt3A_1482 : i1 to i32
        %cond3A_1484 = arith.constant 0 : i32
        %cond3A_1485 = arith.cmpi ne, %convert_element_type3A_1483, %cond3A_1484 : i32
        scf.if %cond3A_1485 {
          %dma_wait3A_1560 = arith.constant 0 : i32
          %dma_wait3A_1561 = arith.constant 0 : i32
          %dma_wait3A_1562 = tpu.memref_slice %arg13[%dma_wait3A_1560, %dma_wait3A_1561] : memref<1x64xi32, #tpu.memory_space<vmem>> -> memref<1x64xi32, #tpu.memory_space<vmem>>
          %dma_wait3A_1563 = tpu.memref_squeeze %dma_wait3A_1562 : memref<1x64xi32, #tpu.memory_space<vmem>> -> memref<64xi32, #tpu.memory_space<vmem>>
          %dma_wait3A_1564 = arith.constant 0 : i32
          %dma_wait3A_1565 = arith.constant 0 : i32
          %dma_wait3A_1566 = tpu.memref_slice %arg7[%dma_wait3A_1564, %dma_wait3A_1565] : memref<5120x256xf32, #tpu.memory_space<vmem_shared>> -> memref<5120x256xf32, #tpu.memory_space<vmem_shared>>
          tpu.wait_indirect_dma semaphore(%arg23 : memref<!tpu.dma_semaphore, #tpu.memory_space<semaphore_mem>>) src(%arg15 : memref<64x256xf32, #tpu.memory_space<vmem>>) dst(%dma_wait3A_1566 : memref<5120x256xf32, #tpu.memory_space<vmem_shared>>)
          %dma_wait3A_1567 = arith.constant 0 : i32
          %dma_wait3A_1568 = arith.constant 0 : i32
          %dma_wait3A_1569 = tpu.memref_slice %arg13[%dma_wait3A_1567, %dma_wait3A_1568] : memref<1x64xi32, #tpu.memory_space<vmem>> -> memref<1x64xi32, #tpu.memory_space<vmem>>
          %dma_wait3A_1570 = tpu.memref_squeeze %dma_wait3A_1569 : memref<1x64xi32, #tpu.memory_space<vmem>> -> memref<64xi32, #tpu.memory_space<vmem>>
          %dma_wait3A_1571 = arith.constant 0 : i32
          %dma_wait3A_1572 = arith.constant 0 : i32
          %dma_wait3A_1573 = tpu.memref_slice %arg8[%dma_wait3A_1571, %dma_wait3A_1572] : memref<5120x16xf32, #tpu.memory_space<vmem_shared>> -> memref<5120x16xf32, #tpu.memory_space<vmem_shared>>
          tpu.wait_indirect_dma semaphore(%arg25 : memref<!tpu.dma_semaphore, #tpu.memory_space<semaphore_mem>>) src(%arg17 : memref<64x16xf32, #tpu.memory_space<vmem>>) dst(%dma_wait3A_1573 : memref<5120x16xf32, #tpu.memory_space<vmem_shared>>)
        } else {
        }
        %mul3A_1486 = arith.constant 64 : i32
        %mul3A_1487 = arith.muli %mul3A_1471, %mul3A_1486 : i32
        %dma_start3A_1488 = tpu.memref_slice %arg12[%mul3A_1487] : memref<768xi32, #tpu.memory_space<vmem>> -> memref<64xi32, #tpu.memory_space<vmem>>
        %dma_start3A_1489 = arith.constant 0 : i32
        %dma_start3A_1490 = arith.constant 0 : i32
        %dma_start3A_1491 = tpu.memref_slice %arg2[%dma_start3A_1489, %dma_start3A_1490] : memref<10000x256xf32, #tpu.memory_space<hbm>> -> memref<10000x256xf32, #tpu.memory_space<hbm>>
        tpu.enqueue_indirect_dma source(%dma_start3A_1491 : memref<10000x256xf32, #tpu.memory_space<hbm>>) target(%arg15 : memref<64x256xf32, #tpu.memory_space<vmem>>) offsets(%dma_start3A_1488 : memref<64xi32, #tpu.memory_space<vmem>>) semaphore(%arg21 : memref<!tpu.dma_semaphore, #tpu.memory_space<semaphore_mem>>)
        %mul3A_1492 = arith.constant 64 : i32
        %mul3A_1493 = arith.muli %mul3A_1471, %mul3A_1492 : i32
        %add3A_1494 = arith.constant 0 : i32
        %add3A_1495 = arith.addi %mul3A_1493, %add3A_1494 : i32
        %get3A_1496 = arith.index_cast %add3A_1495 : i32 to index
        %get3A_1497 = tpu.vector_load %arg11[%get3A_1496] {strides = array<i32>} : memref<768xi32, #tpu.memory_space<vmem>>, vector<16xi32>,
        %swap3A_1498 = arith.constant 0 : i32
        %swap3A_1499 = arith.index_cast %swap3A_1498 : i32 to index
        %swap3A_1500 = arith.constant 0 : index
        %swap3A_1501 = tpu.vector_load %arg13[%swap3A_1499, %swap3A_1500] {strides = array<i32>} : memref<1x64xi32, #tpu.memory_space<vmem>>, vector<16xi32>,
        tpu.vector_store %arg13[%swap3A_1499, %swap3A_1500], %get3A_1497 {strides = array<i32>} : memref<1x64xi32, #tpu.memory_space<vmem>>, vector<16xi32>,
        %mul3A_1502 = arith.constant 64 : i32
        %mul3A_1503 = arith.muli %mul3A_1471, %mul3A_1502 : i32
        %add3A_1504 = arith.constant 16 : i32
        %add3A_1505 = arith.addi %mul3A_1503, %add3A_1504 : i32
        %get3A_1506 = arith.index_cast %add3A_1505 : i32 to index
        %get3A_1507 = tpu.vector_load %arg11[%get3A_1506] {strides = array<i32>} : memref<768xi32, #tpu.memory_space<vmem>>, vector<16xi32>,
        %swap3A_1508 = arith.constant 0 : i32
        %swap3A_1509 = arith.index_cast %swap3A_1508 : i32 to index
        %swap3A_1510 = arith.constant 16 : index
        %swap3A_1511 = tpu.vector_load %arg13[%swap3A_1509, %swap3A_1510] {strides = array<i32>} : memref<1x64xi32, #tpu.memory_space<vmem>>, vector<16xi32>,
        tpu.vector_store %arg13[%swap3A_1509, %swap3A_1510], %get3A_1507 {strides = array<i32>} : memref<1x64xi32, #tpu.memory_space<vmem>>, vector<16xi32>,
        %mul3A_1512 = arith.constant 64 : i32
        %mul3A_1513 = arith.muli %mul3A_1471, %mul3A_1512 : i32
        %add3A_1514 = arith.constant 32 : i32
        %add3A_1515 = arith.addi %mul3A_1513, %add3A_1514 : i32
        %get3A_1516 = arith.index_cast %add3A_1515 : i32 to index
        %get3A_1517 = tpu.vector_load %arg11[%get3A_1516] {strides = array<i32>} : memref<768xi32, #tpu.memory_space<vmem>>, vector<16xi32>,
        %swap3A_1518 = arith.constant 0 : i32
        %swap3A_1519 = arith.index_cast %swap3A_1518 : i32 to index
        %swap3A_1520 = arith.constant 32 : index
        %swap3A_1521 = tpu.vector_load %arg13[%swap3A_1519, %swap3A_1520] {strides = array<i32>} : memref<1x64xi32, #tpu.memory_space<vmem>>, vector<16xi32>,
        tpu.vector_store %arg13[%swap3A_1519, %swap3A_1520], %get3A_1517 {strides = array<i32>} : memref<1x64xi32, #tpu.memory_space<vmem>>, vector<16xi32>,
        %mul3A_1522 = arith.constant 64 : i32
        %mul3A_1523 = arith.muli %mul3A_1471, %mul3A_1522 : i32
        %add3A_1524 = arith.constant 48 : i32
        %add3A_1525 = arith.addi %mul3A_1523, %add3A_1524 : i32
        %get3A_1526 = arith.index_cast %add3A_1525 : i32 to index
        %get3A_1527 = tpu.vector_load %arg11[%get3A_1526] {strides = array<i32>} : memref<768xi32, #tpu.memory_space<vmem>>, vector<16xi32>,
        %swap3A_1528 = arith.constant 0 : i32
        %swap3A_1529 = arith.index_cast %swap3A_1528 : i32 to index
        %swap3A_1530 = arith.constant 48 : index
        %swap3A_1531 = tpu.vector_load %arg13[%swap3A_1529, %swap3A_1530] {strides = array<i32>} : memref<1x64xi32, #tpu.memory_space<vmem>>, vector<16xi32>,
        tpu.vector_store %arg13[%swap3A_1529, %swap3A_1530], %get3A_1527 {strides = array<i32>} : memref<1x64xi32, #tpu.memory_space<vmem>>, vector<16xi32>,
        %dma_start3A_1532 = arith.constant 0 : i32
        %dma_start3A_1533 = arith.constant 0 : i32
        %dma_start3A_1534 = tpu.memref_slice %arg13[%dma_start3A_1532, %dma_start3A_1533] : memref<1x64xi32, #tpu.memory_space<vmem>> -> memref<1x64xi32, #tpu.memory_space<vmem>>
        %dma_start3A_1535 = tpu.memref_squeeze %dma_start3A_1534 : memref<1x64xi32, #tpu.memory_space<vmem>> -> memref<64xi32, #tpu.memory_space<vmem>>
        %dma_start3A_1536 = arith.constant 0 : i32
        %dma_start3A_1537 = arith.constant 0 : i32
        %dma_start3A_1538 = tpu.memref_slice %arg8[%dma_start3A_1536, %dma_start3A_1537] : memref<5120x16xf32, #tpu.memory_space<vmem_shared>> -> memref<5120x16xf32, #tpu.memory_space<vmem_shared>>
        tpu.enqueue_indirect_dma source(%arg17 : memref<64x16xf32, #tpu.memory_space<vmem>>) target(%dma_start3A_1538 : memref<5120x16xf32, #tpu.memory_space<vmem_shared>>) offsets(%dma_start3A_1535 : memref<64xi32, #tpu.memory_space<vmem>>) semaphore(%arg25 : memref<!tpu.dma_semaphore, #tpu.memory_space<semaphore_mem>>) {add = true}
        %convert_element_type3A_1539 = arith.extui %and3A_1480 : i1 to i32
        %cond3A_1540 = arith.constant 0 : i32
        %cond3A_1541 = arith.cmpi ne, %convert_element_type3A_1539, %cond3A_1540 : i32
        scf.if %cond3A_1541 {
          %dma_wait3A_1560 = arith.constant 0 : i32
          %dma_wait3A_1561 = arith.constant 0 : i32
          %dma_wait3A_1562 = tpu.memref_slice %arg14[%dma_wait3A_1560, %dma_wait3A_1561] : memref<1x64xi32, #tpu.memory_space<vmem>> -> memref<1x64xi32, #tpu.memory_space<vmem>>
          %dma_wait3A_1563 = tpu.memref_squeeze %dma_wait3A_1562 : memref<1x64xi32, #tpu.memory_space<vmem>> -> memref<64xi32, #tpu.memory_space<vmem>>
          %dma_wait3A_1564 = arith.constant 0 : i32
          %dma_wait3A_1565 = arith.constant 0 : i32
          %dma_wait3A_1566 = tpu.memref_slice %arg7[%dma_wait3A_1564, %dma_wait3A_1565] : memref<5120x256xf32, #tpu.memory_space<vmem_shared>> -> memref<5120x256xf32, #tpu.memory_space<vmem_shared>>
          tpu.wait_indirect_dma semaphore(%arg24 : memref<!tpu.dma_semaphore, #tpu.memory_space<semaphore_mem>>) src(%arg16 : memref<64x256xf32, #tpu.memory_space<vmem>>) dst(%dma_wait3A_1566 : memref<5120x256xf32, #tpu.memory_space<vmem_shared>>)
          %dma_wait3A_1567 = arith.constant 0 : i32
          %dma_wait3A_1568 = arith.constant 0 : i32
          %dma_wait3A_1569 = tpu.memref_slice %arg14[%dma_wait3A_1567, %dma_wait3A_1568] : memref<1x64xi32, #tpu.memory_space<vmem>> -> memref<1x64xi32, #tpu.memory_space<vmem>>
          %dma_wait3A_1570 = tpu.memref_squeeze %dma_wait3A_1569 : memref<1x64xi32, #tpu.memory_space<vmem>> -> memref<64xi32, #tpu.memory_space<vmem>>
          %dma_wait3A_1571 = arith.constant 0 : i32
          %dma_wait3A_1572 = arith.constant 0 : i32
          %dma_wait3A_1573 = tpu.memref_slice %arg8[%dma_wait3A_1571, %dma_wait3A_1572] : memref<5120x16xf32, #tpu.memory_space<vmem_shared>> -> memref<5120x16xf32, #tpu.memory_space<vmem_shared>>
          tpu.wait_indirect_dma semaphore(%arg26 : memref<!tpu.dma_semaphore, #tpu.memory_space<semaphore_mem>>) src(%arg17 : memref<64x16xf32, #tpu.memory_space<vmem>>) dst(%dma_wait3A_1573 : memref<5120x16xf32, #tpu.memory_space<vmem_shared>>)
        } else {
        }
        %convert_element_type3A_1542 = arith.extui %lt3A_1474 : i1 to i32
        %cond3A_1543 = arith.constant 0 : i32
        %cond3A_1544 = arith.cmpi ne, %convert_element_type3A_1542, %cond3A_1543 : i32
        scf.if %cond3A_1544 {
          %add3A_1560 = arith.constant 1 : i32
          %add3A_1561 = arith.addi %mul3A_1471, %add3A_1560 : i32
          %mul3A_1562 = arith.constant 64 : i32
          %mul3A_1563 = arith.muli %add3A_1561, %mul3A_1562 : i32
          %dma_start3A_1564 = tpu.memref_slice %arg12[%mul3A_1563] : memref<768xi32, #tpu.memory_space<vmem>> -> memref<64xi32, #tpu.memory_space<vmem>>
          %dma_start3A_1565 = arith.constant 0 : i32
          %dma_start3A_1566 = arith.constant 0 : i32
          %dma_start3A_1567 = tpu.memref_slice %arg2[%dma_start3A_1565, %dma_start3A_1566] : memref<10000x256xf32, #tpu.memory_space<hbm>> -> memref<10000x256xf32, #tpu.memory_space<hbm>>
          tpu.enqueue_indirect_dma source(%dma_start3A_1567 : memref<10000x256xf32, #tpu.memory_space<hbm>>) target(%arg16 : memref<64x256xf32, #tpu.memory_space<vmem>>) offsets(%dma_start3A_1564 : memref<64xi32, #tpu.memory_space<vmem>>) semaphore(%arg22 : memref<!tpu.dma_semaphore, #tpu.memory_space<semaphore_mem>>)
          %add3A_1568 = arith.constant 1 : i32
          %add3A_1569 = arith.addi %mul3A_1471, %add3A_1568 : i32
          %mul3A_1570 = arith.constant 64 : i32
          %mul3A_1571 = arith.muli %add3A_1569, %mul3A_1570 : i32
          %add3A_1572 = arith.constant 0 : i32
          %add3A_1573 = arith.addi %mul3A_1571, %add3A_1572 : i32
          %get3A_1574 = arith.index_cast %add3A_1573 : i32 to index
          %get3A_1575 = tpu.vector_load %arg11[%get3A_1574] {strides = array<i32>} : memref<768xi32, #tpu.memory_space<vmem>>, vector<16xi32>,
          %swap3A_1576 = arith.constant 0 : i32
          %swap3A_1577 = arith.index_cast %swap3A_1576 : i32 to index
          %swap3A_1578 = arith.constant 0 : index
          %swap3A_1579 = tpu.vector_load %arg14[%swap3A_1577, %swap3A_1578] {strides = array<i32>} : memref<1x64xi32, #tpu.memory_space<vmem>>, vector<16xi32>,
          tpu.vector_store %arg14[%swap3A_1577, %swap3A_1578], %get3A_1575 {strides = array<i32>} : memref<1x64xi32, #tpu.memory_space<vmem>>, vector<16xi32>,
          %mul3A_1580 = arith.constant 64 : i32
          %mul3A_1581 = arith.muli %add3A_1569, %mul3A_1580 : i32
          %add3A_1582 = arith.constant 16 : i32
          %add3A_1583 = arith.addi %mul3A_1581, %add3A_1582 : i32
          %get3A_1584 = arith.index_cast %add3A_1583 : i32 to index
          %get3A_1585 = tpu.vector_load %arg11[%get3A_1584] {strides = array<i32>} : memref<768xi32, #tpu.memory_space<vmem>>, vector<16xi32>,
          %swap3A_1586 = arith.constant 0 : i32
          %swap3A_1587 = arith.index_cast %swap3A_1586 : i32 to index
          %swap3A_1588 = arith.constant 16 : index
          %swap3A_1589 = tpu.vector_load %arg14[%swap3A_1587, %swap3A_1588] {strides = array<i32>} : memref<1x64xi32, #tpu.memory_space<vmem>>, vector<16xi32>,
          tpu.vector_store %arg14[%swap3A_1587, %swap3A_1588], %get3A_1585 {strides = array<i32>} : memref<1x64xi32, #tpu.memory_space<vmem>>, vector<16xi32>,
          %mul3A_1590 = arith.constant 64 : i32
          %mul3A_1591 = arith.muli %add3A_1569, %mul3A_1590 : i32
          %add3A_1592 = arith.constant 32 : i32
          %add3A_1593 = arith.addi %mul3A_1591, %add3A_1592 : i32
          %get3A_1594 = arith.index_cast %add3A_1593 : i32 to index
          %get3A_1595 = tpu.vector_load %arg11[%get3A_1594] {strides = array<i32>} : memref<768xi32, #tpu.memory_space<vmem>>, vector<16xi32>,
          %swap3A_1596 = arith.constant 0 : i32
          %swap3A_1597 = arith.index_cast %swap3A_1596 : i32 to index
          %swap3A_1598 = arith.constant 32 : index
          %swap3A_1599 = tpu.vector_load %arg14[%swap3A_1597, %swap3A_1598] {strides = array<i32>} : memref<1x64xi32, #tpu.memory_space<vmem>>, vector<16xi32>,
          tpu.vector_store %arg14[%swap3A_1597, %swap3A_1598], %get3A_1595 {strides = array<i32>} : memref<1x64xi32, #tpu.memory_space<vmem>>, vector<16xi32>,
          %mul3A_1600 = arith.constant 64 : i32
          %mul3A_1601 = arith.muli %add3A_1569, %mul3A_1600 : i32
          %add3A_1602 = arith.constant 48 : i32
          %add3A_1603 = arith.addi %mul3A_1601, %add3A_1602 : i32
          %get3A_1604 = arith.index_cast %add3A_1603 : i32 to index
          %get3A_1605 = tpu.vector_load %arg11[%get3A_1604] {strides = array<i32>} : memref<768xi32, #tpu.memory_space<vmem>>, vector<16xi32>,
          %swap3A_1606 = arith.constant 0 : i32
          %swap3A_1607 = arith.index_cast %swap3A_1606 : i32 to index
          %swap3A_1608 = arith.constant 48 : index
          %swap3A_1609 = tpu.vector_load %arg14[%swap3A_1607, %swap3A_1608] {strides = array<i32>} : memref<1x64xi32, #tpu.memory_space<vmem>>, vector<16xi32>,
          tpu.vector_store %arg14[%swap3A_1607, %swap3A_1608], %get3A_1605 {strides = array<i32>} : memref<1x64xi32, #tpu.memory_space<vmem>>, vector<16xi32>,
          %dma_start3A_1610 = arith.constant 0 : i32
          %dma_start3A_1611 = arith.constant 0 : i32
          %dma_start3A_1612 = tpu.memref_slice %arg14[%dma_start3A_1610, %dma_start3A_1611] : memref<1x64xi32, #tpu.memory_space<vmem>> -> memref<1x64xi32, #tpu.memory_space<vmem>>
          %dma_start3A_1613 = tpu.memref_squeeze %dma_start3A_1612 : memref<1x64xi32, #tpu.memory_space<vmem>> -> memref<64xi32, #tpu.memory_space<vmem>>
          %dma_start3A_1614 = arith.constant 0 : i32
          %dma_start3A_1615 = arith.constant 0 : i32
          %dma_start3A_1616 = tpu.memref_slice %arg8[%dma_start3A_1614, %dma_start3A_1615] : memref<5120x16xf32, #tpu.memory_space<vmem_shared>> -> memref<5120x16xf32, #tpu.memory_space<vmem_shared>>
          tpu.enqueue_indirect_dma source(%arg17 : memref<64x16xf32, #tpu.memory_space<vmem>>) target(%dma_start3A_1616 : memref<5120x16xf32, #tpu.memory_space<vmem_shared>>) offsets(%dma_start3A_1613 : memref<64xi32, #tpu.memory_space<vmem>>) semaphore(%arg26 : memref<!tpu.dma_semaphore, #tpu.memory_space<semaphore_mem>>) {add = true}
        } else {
        }
        %dma_wait3A_1545 = tpu.memref_slice %arg12[%mul3A_1487] : memref<768xi32, #tpu.memory_space<vmem>> -> memref<64xi32, #tpu.memory_space<vmem>>
        %dma_wait3A_1546 = arith.constant 0 : i32
        %dma_wait3A_1547 = arith.constant 0 : i32
        %dma_wait3A_1548 = tpu.memref_slice %arg2[%dma_wait3A_1546, %dma_wait3A_1547] : memref<10000x256xf32, #tpu.memory_space<hbm>> -> memref<10000x256xf32, #tpu.memory_space<hbm>>
        tpu.wait_indirect_dma semaphore(%arg21 : memref<!tpu.dma_semaphore, #tpu.memory_space<semaphore_mem>>) src(%dma_wait3A_1548 : memref<10000x256xf32, #tpu.memory_space<hbm>>) dst(%arg15 : memref<64x256xf32, #tpu.memory_space<vmem>>)
        %dma_start3A_1549 = arith.constant 0 : i32
        %dma_start3A_1550 = arith.constant 0 : i32
        %dma_start3A_1551 = tpu.memref_slice %arg13[%dma_start3A_1549, %dma_start3A_1550] : memref<1x64xi32, #tpu.memory_space<vmem>> -> memref<1x64xi32, #tpu.memory_space<vmem>>
        %dma_start3A_1552 = tpu.memref_squeeze %dma_start3A_1551 : memref<1x64xi32, #tpu.memory_space<vmem>> -> memref<64xi32, #tpu.memory_space<vmem>>
        %dma_start3A_1553 = arith.constant 0 : i32
        %dma_start3A_1554 = arith.constant 0 : i32
        %dma_start3A_1555 = tpu.memref_slice %arg7[%dma_start3A_1553, %dma_start3A_1554] : memref<5120x256xf32, #tpu.memory_space<vmem_shared>> -> memref<5120x256xf32, #tpu.memory_space<vmem_shared>>
        tpu.enqueue_indirect_dma source(%arg15 : memref<64x256xf32, #tpu.memory_space<vmem>>) target(%dma_start3A_1555 : memref<5120x256xf32, #tpu.memory_space<vmem_shared>>) offsets(%dma_start3A_1552 : memref<64xi32, #tpu.memory_space<vmem>>) semaphore(%arg23 : memref<!tpu.dma_semaphore, #tpu.memory_space<semaphore_mem>>) {add = true}
        %convert_element_type3A_1556 = arith.extui %lt3A_1474 : i1 to i32
        %cond3A_1557 = arith.constant 0 : i32
        %cond3A_1558 = arith.cmpi ne, %convert_element_type3A_1556, %cond3A_1557 : i32
        scf.if %cond3A_1558 {
          %add3A_1560 = arith.constant 1 : i32
          %add3A_1561 = arith.addi %mul3A_1471, %add3A_1560 : i32
          %mul3A_1562 = arith.constant 64 : i32
          %mul3A_1563 = arith.muli %add3A_1561, %mul3A_1562 : i32
          %dma_wait3A_1564 = tpu.memref_slice %arg12[%mul3A_1563] : memref<768xi32, #tpu.memory_space<vmem>> -> memref<64xi32, #tpu.memory_space<vmem>>
          %dma_wait3A_1565 = arith.constant 0 : i32
          %dma_wait3A_1566 = arith.constant 0 : i32
          %dma_wait3A_1567 = tpu.memref_slice %arg2[%dma_wait3A_1565, %dma_wait3A_1566] : memref<10000x256xf32, #tpu.memory_space<hbm>> -> memref<10000x256xf32, #tpu.memory_space<hbm>>
          tpu.wait_indirect_dma semaphore(%arg22 : memref<!tpu.dma_semaphore, #tpu.memory_space<semaphore_mem>>) src(%dma_wait3A_1567 : memref<10000x256xf32, #tpu.memory_space<hbm>>) dst(%arg16 : memref<64x256xf32, #tpu.memory_space<vmem>>)
          %dma_start3A_1568 = arith.constant 0 : i32
          %dma_start3A_1569 = arith.constant 0 : i32
          %dma_start3A_1570 = tpu.memref_slice %arg14[%dma_start3A_1568, %dma_start3A_1569] : memref<1x64xi32, #tpu.memory_space<vmem>> -> memref<1x64xi32, #tpu.memory_space<vmem>>
          %dma_start3A_1571 = tpu.memref_squeeze %dma_start3A_1570 : memref<1x64xi32, #tpu.memory_space<vmem>> -> memref<64xi32, #tpu.memory_space<vmem>>
          %dma_start3A_1572 = arith.constant 0 : i32
          %dma_start3A_1573 = arith.constant 0 : i32
          %dma_start3A_1574 = tpu.memref_slice %arg7[%dma_start3A_1572, %dma_start3A_1573] : memref<5120x256xf32, #tpu.memory_space<vmem_shared>> -> memref<5120x256xf32, #tpu.memory_space<vmem_shared>>
          tpu.enqueue_indirect_dma source(%arg16 : memref<64x256xf32, #tpu.memory_space<vmem>>) target(%dma_start3A_1574 : memref<5120x256xf32, #tpu.memory_space<vmem_shared>>) offsets(%dma_start3A_1571 : memref<64xi32, #tpu.memory_space<vmem>>) semaphore(%arg24 : memref<!tpu.dma_semaphore, #tpu.memory_space<semaphore_mem>>) {add = true}
        } else {
        }
        %while3A_1559 = arith.constant 0 : i32
        scf.yield %while3A_1559 : i32
      }
      %while3A_1402 = arith.constant 1 : i32
      %while3A_1403 = scf.for %while3A_1468 = %while3A_1399 to %while3A_1395 step %while3A_1402 iter_args(%while3A_1469 = %while3A_1401) -> (i32)  : i32 {
        %mul3A_1470 = arith.constant 2 : i32
        %mul3A_1471 = arith.muli %mul3A_1470, %while3A_1468 : i32
        %add3A_1472 = arith.constant 1 : i32
        %add3A_1473 = arith.addi %mul3A_1471, %add3A_1472 : i32
        %lt3A_1474 = arith.cmpi slt, %add3A_1473, %select_n3A_1366 : i32
        %gt3A_1475 = arith.constant 0 : i32
        %gt3A_1476 = arith.cmpi sgt, %while3A_1468, %gt3A_1475 : i32
        %sub3A_1477 = arith.constant 1 : i32
        %sub3A_1478 = arith.subi %mul3A_1471, %sub3A_1477 : i32
        %lt3A_1479 = arith.cmpi slt, %sub3A_1478, %select_n3A_1366 : i32
        %and3A_1480 = arith.andi %gt3A_1476, %lt3A_1479 : i1
        %gt3A_1481 = arith.constant 0 : i32
        %gt3A_1482 = arith.cmpi sgt, %while3A_1468, %gt3A_1481 : i32
        %convert_element_type3A_1483 = arith.extui %gt3A_1482 : i1 to i32
        %cond3A_1484 = arith.constant 0 : i32
        %cond3A_1485 = arith.cmpi ne, %convert_element_type3A_1483, %cond3A_1484 : i32
        scf.if %cond3A_1485 {
          %dma_wait3A_1560 = arith.constant 0 : i32
          %dma_wait3A_1561 = arith.constant 0 : i32
          %dma_wait3A_1562 = tpu.memref_slice %arg13[%dma_wait3A_1560, %dma_wait3A_1561] : memref<1x64xi32, #tpu.memory_space<vmem>> -> memref<1x64xi32, #tpu.memory_space<vmem>>
          %dma_wait3A_1563 = tpu.memref_squeeze %dma_wait3A_1562 : memref<1x64xi32, #tpu.memory_space<vmem>> -> memref<64xi32, #tpu.memory_space<vmem>>
          %dma_wait3A_1564 = arith.constant 0 : i32
          %dma_wait3A_1565 = arith.constant 0 : i32
          %dma_wait3A_1566 = tpu.memref_slice %arg7[%dma_wait3A_1564, %dma_wait3A_1565] : memref<5120x256xf32, #tpu.memory_space<vmem_shared>> -> memref<5120x256xf32, #tpu.memory_space<vmem_shared>>
          tpu.wait_indirect_dma semaphore(%arg23 : memref<!tpu.dma_semaphore, #tpu.memory_space<semaphore_mem>>) src(%arg15 : memref<64x256xf32, #tpu.memory_space<vmem>>) dst(%dma_wait3A_1566 : memref<5120x256xf32, #tpu.memory_space<vmem_shared>>)
          %dma_wait3A_1567 = arith.constant 0 : i32
          %dma_wait3A_1568 = arith.constant 0 : i32
          %dma_wait3A_1569 = tpu.memref_slice %arg13[%dma_wait3A_1567, %dma_wait3A_1568] : memref<1x64xi32, #tpu.memory_space<vmem>> -> memref<1x64xi32, #tpu.memory_space<vmem>>
          %dma_wait3A_1570 = tpu.memref_squeeze %dma_wait3A_1569 : memref<1x64xi32, #tpu.memory_space<vmem>> -> memref<64xi32, #tpu.memory_space<vmem>>
          %dma_wait3A_1571 = arith.constant 0 : i32
          %dma_wait3A_1572 = arith.constant 0 : i32
          %dma_wait3A_1573 = tpu.memref_slice %arg8[%dma_wait3A_1571, %dma_wait3A_1572] : memref<5120x16xf32, #tpu.memory_space<vmem_shared>> -> memref<5120x16xf32, #tpu.memory_space<vmem_shared>>
          tpu.wait_indirect_dma semaphore(%arg25 : memref<!tpu.dma_semaphore, #tpu.memory_space<semaphore_mem>>) src(%arg17 : memref<64x16xf32, #tpu.memory_space<vmem>>) dst(%dma_wait3A_1573 : memref<5120x16xf32, #tpu.memory_space<vmem_shared>>)
        } else {
        }
        %mul3A_1486 = arith.constant 64 : i32
        %mul3A_1487 = arith.muli %mul3A_1471, %mul3A_1486 : i32
        %dma_start3A_1488 = tpu.memref_slice %arg12[%mul3A_1487] : memref<768xi32, #tpu.memory_space<vmem>> -> memref<64xi32, #tpu.memory_space<vmem>>
        %dma_start3A_1489 = arith.constant 0 : i32
        %dma_start3A_1490 = arith.constant 0 : i32
        %dma_start3A_1491 = tpu.memref_slice %arg2[%dma_start3A_1489, %dma_start3A_1490] : memref<10000x256xf32, #tpu.memory_space<hbm>> -> memref<10000x256xf32, #tpu.memory_space<hbm>>
        tpu.enqueue_indirect_dma source(%dma_start3A_1491 : memref<10000x256xf32, #tpu.memory_space<hbm>>) target(%arg15 : memref<64x256xf32, #tpu.memory_space<vmem>>) offsets(%dma_start3A_1488 : memref<64xi32, #tpu.memory_space<vmem>>) semaphore(%arg21 : memref<!tpu.dma_semaphore, #tpu.memory_space<semaphore_mem>>)
        %mul3A_1492 = arith.constant 64 : i32
        %mul3A_1493 = arith.muli %mul3A_1471, %mul3A_1492 : i32
        %add3A_1494 = arith.constant 0 : i32
        %add3A_1495 = arith.addi %mul3A_1493, %add3A_1494 : i32
        %get3A_1496 = arith.index_cast %add3A_1495 : i32 to index
        %get3A_1497 = tpu.vector_load %arg11[%get3A_1496] {strides = array<i32>} : memref<768xi32, #tpu.memory_space<vmem>>, vector<16xi32>,
        %swap3A_1498 = arith.constant 0 : i32
        %swap3A_1499 = arith.index_cast %swap3A_1498 : i32 to index
        %swap3A_1500 = arith.constant 0 : index
        %swap3A_1501 = tpu.vector_load %arg13[%swap3A_1499, %swap3A_1500] {strides = array<i32>} : memref<1x64xi32, #tpu.memory_space<vmem>>, vector<16xi32>,
        tpu.vector_store %arg13[%swap3A_1499, %swap3A_1500], %get3A_1497 {strides = array<i32>} : memref<1x64xi32, #tpu.memory_space<vmem>>, vector<16xi32>,
        %mul3A_1502 = arith.constant 64 : i32
        %mul3A_1503 = arith.muli %mul3A_1471, %mul3A_1502 : i32
        %add3A_1504 = arith.constant 16 : i32
        %add3A_1505 = arith.addi %mul3A_1503, %add3A_1504 : i32
        %get3A_1506 = arith.index_cast %add3A_1505 : i32 to index
        %get3A_1507 = tpu.vector_load %arg11[%get3A_1506] {strides = array<i32>} : memref<768xi32, #tpu.memory_space<vmem>>, vector<16xi32>,
        %swap3A_1508 = arith.constant 0 : i32
        %swap3A_1509 = arith.index_cast %swap3A_1508 : i32 to index
        %swap3A_1510 = arith.constant 16 : index
        %swap3A_1511 = tpu.vector_load %arg13[%swap3A_1509, %swap3A_1510] {strides = array<i32>} : memref<1x64xi32, #tpu.memory_space<vmem>>, vector<16xi32>,
        tpu.vector_store %arg13[%swap3A_1509, %swap3A_1510], %get3A_1507 {strides = array<i32>} : memref<1x64xi32, #tpu.memory_space<vmem>>, vector<16xi32>,
        %mul3A_1512 = arith.constant 64 : i32
        %mul3A_1513 = arith.muli %mul3A_1471, %mul3A_1512 : i32
        %add3A_1514 = arith.constant 32 : i32
        %add3A_1515 = arith.addi %mul3A_1513, %add3A_1514 : i32
        %get3A_1516 = arith.index_cast %add3A_1515 : i32 to index
        %get3A_1517 = tpu.vector_load %arg11[%get3A_1516] {strides = array<i32>} : memref<768xi32, #tpu.memory_space<vmem>>, vector<16xi32>,
        %swap3A_1518 = arith.constant 0 : i32
        %swap3A_1519 = arith.index_cast %swap3A_1518 : i32 to index
        %swap3A_1520 = arith.constant 32 : index
        %swap3A_1521 = tpu.vector_load %arg13[%swap3A_1519, %swap3A_1520] {strides = array<i32>} : memref<1x64xi32, #tpu.memory_space<vmem>>, vector<16xi32>,
        tpu.vector_store %arg13[%swap3A_1519, %swap3A_1520], %get3A_1517 {strides = array<i32>} : memref<1x64xi32, #tpu.memory_space<vmem>>, vector<16xi32>,
        %mul3A_1522 = arith.constant 64 : i32
        %mul3A_1523 = arith.muli %mul3A_1471, %mul3A_1522 : i32
        %add3A_1524 = arith.constant 48 : i32
        %add3A_1525 = arith.addi %mul3A_1523, %add3A_1524 : i32
        %get3A_1526 = arith.index_cast %add3A_1525 : i32 to index
        %get3A_1527 = tpu.vector_load %arg11[%get3A_1526] {strides = array<i32>} : memref<768xi32, #tpu.memory_space<vmem>>, vector<16xi32>,
        %swap3A_1528 = arith.constant 0 : i32
        %swap3A_1529 = arith.index_cast %swap3A_1528 : i32 to index
        %swap3A_1530 = arith.constant 48 : index
        %swap3A_1531 = tpu.vector_load %arg13[%swap3A_1529, %swap3A_1530] {strides = array<i32>} : memref<1x64xi32, #tpu.memory_space<vmem>>, vector<16xi32>,
        tpu.vector_store %arg13[%swap3A_1529, %swap3A_1530], %get3A_1527 {strides = array<i32>} : memref<1x64xi32, #tpu.memory_space<vmem>>, vector<16xi32>,
        %dma_start3A_1532 = arith.constant 0 : i32
        %dma_start3A_1533 = arith.constant 0 : i32
        %dma_start3A_1534 = tpu.memref_slice %arg13[%dma_start3A_1532, %dma_start3A_1533] : memref<1x64xi32, #tpu.memory_space<vmem>> -> memref<1x64xi32, #tpu.memory_space<vmem>>
        %dma_start3A_1535 = tpu.memref_squeeze %dma_start3A_1534 : memref<1x64xi32, #tpu.memory_space<vmem>> -> memref<64xi32, #tpu.memory_space<vmem>>
        %dma_start3A_1536 = arith.constant 0 : i32
        %dma_start3A_1537 = arith.constant 0 : i32
        %dma_start3A_1538 = tpu.memref_slice %arg8[%dma_start3A_1536, %dma_start3A_1537] : memref<5120x16xf32, #tpu.memory_space<vmem_shared>> -> memref<5120x16xf32, #tpu.memory_space<vmem_shared>>
        tpu.enqueue_indirect_dma source(%arg17 : memref<64x16xf32, #tpu.memory_space<vmem>>) target(%dma_start3A_1538 : memref<5120x16xf32, #tpu.memory_space<vmem_shared>>) offsets(%dma_start3A_1535 : memref<64xi32, #tpu.memory_space<vmem>>) semaphore(%arg25 : memref<!tpu.dma_semaphore, #tpu.memory_space<semaphore_mem>>) {add = true}
        %convert_element_type3A_1539 = arith.extui %and3A_1480 : i1 to i32
        %cond3A_1540 = arith.constant 0 : i32
        %cond3A_1541 = arith.cmpi ne, %convert_element_type3A_1539, %cond3A_1540 : i32
        scf.if %cond3A_1541 {
          %dma_wait3A_1560 = arith.constant 0 : i32
          %dma_wait3A_1561 = arith.constant 0 : i32
          %dma_wait3A_1562 = tpu.memref_slice %arg14[%dma_wait3A_1560, %dma_wait3A_1561] : memref<1x64xi32, #tpu.memory_space<vmem>> -> memref<1x64xi32, #tpu.memory_space<vmem>>
          %dma_wait3A_1563 = tpu.memref_squeeze %dma_wait3A_1562 : memref<1x64xi32, #tpu.memory_space<vmem>> -> memref<64xi32, #tpu.memory_space<vmem>>
          %dma_wait3A_1564 = arith.constant 0 : i32
          %dma_wait3A_1565 = arith.constant 0 : i32
          %dma_wait3A_1566 = tpu.memref_slice %arg7[%dma_wait3A_1564, %dma_wait3A_1565] : memref<5120x256xf32, #tpu.memory_space<vmem_shared>> -> memref<5120x256xf32, #tpu.memory_space<vmem_shared>>
          tpu.wait_indirect_dma semaphore(%arg24 : memref<!tpu.dma_semaphore, #tpu.memory_space<semaphore_mem>>) src(%arg16 : memref<64x256xf32, #tpu.memory_space<vmem>>) dst(%dma_wait3A_1566 : memref<5120x256xf32, #tpu.memory_space<vmem_shared>>)
          %dma_wait3A_1567 = arith.constant 0 : i32
          %dma_wait3A_1568 = arith.constant 0 : i32
          %dma_wait3A_1569 = tpu.memref_slice %arg14[%dma_wait3A_1567, %dma_wait3A_1568] : memref<1x64xi32, #tpu.memory_space<vmem>> -> memref<1x64xi32, #tpu.memory_space<vmem>>
          %dma_wait3A_1570 = tpu.memref_squeeze %dma_wait3A_1569 : memref<1x64xi32, #tpu.memory_space<vmem>> -> memref<64xi32, #tpu.memory_space<vmem>>
          %dma_wait3A_1571 = arith.constant 0 : i32
          %dma_wait3A_1572 = arith.constant 0 : i32
          %dma_wait3A_1573 = tpu.memref_slice %arg8[%dma_wait3A_1571, %dma_wait3A_1572] : memref<5120x16xf32, #tpu.memory_space<vmem_shared>> -> memref<5120x16xf32, #tpu.memory_space<vmem_shared>>
          tpu.wait_indirect_dma semaphore(%arg26 : memref<!tpu.dma_semaphore, #tpu.memory_space<semaphore_mem>>) src(%arg17 : memref<64x16xf32, #tpu.memory_space<vmem>>) dst(%dma_wait3A_1573 : memref<5120x16xf32, #tpu.memory_space<vmem_shared>>)
        } else {
        }
        %convert_element_type3A_1542 = arith.extui %lt3A_1474 : i1 to i32
        %cond3A_1543 = arith.constant 0 : i32
        %cond3A_1544 = arith.cmpi ne, %convert_element_type3A_1542, %cond3A_1543 : i32
        scf.if %cond3A_1544 {
          %add3A_1560 = arith.constant 1 : i32
          %add3A_1561 = arith.addi %mul3A_1471, %add3A_1560 : i32
          %mul3A_1562 = arith.constant 64 : i32
          %mul3A_1563 = arith.muli %add3A_1561, %mul3A_1562 : i32
          %dma_start3A_1564 = tpu.memref_slice %arg12[%mul3A_1563] : memref<768xi32, #tpu.memory_space<vmem>> -> memref<64xi32, #tpu.memory_space<vmem>>
          %dma_start3A_1565 = arith.constant 0 : i32
          %dma_start3A_1566 = arith.constant 0 : i32
          %dma_start3A_1567 = tpu.memref_slice %arg2[%dma_start3A_1565, %dma_start3A_1566] : memref<10000x256xf32, #tpu.memory_space<hbm>> -> memref<10000x256xf32, #tpu.memory_space<hbm>>
          tpu.enqueue_indirect_dma source(%dma_start3A_1567 : memref<10000x256xf32, #tpu.memory_space<hbm>>) target(%arg16 : memref<64x256xf32, #tpu.memory_space<vmem>>) offsets(%dma_start3A_1564 : memref<64xi32, #tpu.memory_space<vmem>>) semaphore(%arg22 : memref<!tpu.dma_semaphore, #tpu.memory_space<semaphore_mem>>)
          %add3A_1568 = arith.constant 1 : i32
          %add3A_1569 = arith.addi %mul3A_1471, %add3A_1568 : i32
          %mul3A_1570 = arith.constant 64 : i32
          %mul3A_1571 = arith.muli %add3A_1569, %mul3A_1570 : i32
          %add3A_1572 = arith.constant 0 : i32
          %add3A_1573 = arith.addi %mul3A_1571, %add3A_1572 : i32
          %get3A_1574 = arith.index_cast %add3A_1573 : i32 to index
          %get3A_1575 = tpu.vector_load %arg11[%get3A_1574] {strides = array<i32>} : memref<768xi32, #tpu.memory_space<vmem>>, vector<16xi32>,
          %swap3A_1576 = arith.constant 0 : i32
          %swap3A_1577 = arith.index_cast %swap3A_1576 : i32 to index
          %swap3A_1578 = arith.constant 0 : index
          %swap3A_1579 = tpu.vector_load %arg14[%swap3A_1577, %swap3A_1578] {strides = array<i32>} : memref<1x64xi32, #tpu.memory_space<vmem>>, vector<16xi32>,
          tpu.vector_store %arg14[%swap3A_1577, %swap3A_1578], %get3A_1575 {strides = array<i32>} : memref<1x64xi32, #tpu.memory_space<vmem>>, vector<16xi32>,
          %mul3A_1580 = arith.constant 64 : i32
          %mul3A_1581 = arith.muli %add3A_1569, %mul3A_1580 : i32
          %add3A_1582 = arith.constant 16 : i32
          %add3A_1583 = arith.addi %mul3A_1581, %add3A_1582 : i32
          %get3A_1584 = arith.index_cast %add3A_1583 : i32 to index
          %get3A_1585 = tpu.vector_load %arg11[%get3A_1584] {strides = array<i32>} : memref<768xi32, #tpu.memory_space<vmem>>, vector<16xi32>,
          %swap3A_1586 = arith.constant 0 : i32
          %swap3A_1587 = arith.index_cast %swap3A_1586 : i32 to index
          %swap3A_1588 = arith.constant 16 : index
          %swap3A_1589 = tpu.vector_load %arg14[%swap3A_1587, %swap3A_1588] {strides = array<i32>} : memref<1x64xi32, #tpu.memory_space<vmem>>, vector<16xi32>,
          tpu.vector_store %arg14[%swap3A_1587, %swap3A_1588], %get3A_1585 {strides = array<i32>} : memref<1x64xi32, #tpu.memory_space<vmem>>, vector<16xi32>,
          %mul3A_1590 = arith.constant 64 : i32
          %mul3A_1591 = arith.muli %add3A_1569, %mul3A_1590 : i32
          %add3A_1592 = arith.constant 32 : i32
          %add3A_1593 = arith.addi %mul3A_1591, %add3A_1592 : i32
          %get3A_1594 = arith.index_cast %add3A_1593 : i32 to index
          %get3A_1595 = tpu.vector_load %arg11[%get3A_1594] {strides = array<i32>} : memref<768xi32, #tpu.memory_space<vmem>>, vector<16xi32>,
          %swap3A_1596 = arith.constant 0 : i32
          %swap3A_1597 = arith.index_cast %swap3A_1596 : i32 to index
          %swap3A_1598 = arith.constant 32 : index
          %swap3A_1599 = tpu.vector_load %arg14[%swap3A_1597, %swap3A_1598] {strides = array<i32>} : memref<1x64xi32, #tpu.memory_space<vmem>>, vector<16xi32>,
          tpu.vector_store %arg14[%swap3A_1597, %swap3A_1598], %get3A_1595 {strides = array<i32>} : memref<1x64xi32, #tpu.memory_space<vmem>>, vector<16xi32>,
          %mul3A_1600 = arith.constant 64 : i32
          %mul3A_1601 = arith.muli %add3A_1569, %mul3A_1600 : i32
          %add3A_1602 = arith.constant 48 : i32
          %add3A_1603 = arith.addi %mul3A_1601, %add3A_1602 : i32
          %get3A_1604 = arith.index_cast %add3A_1603 : i32 to index
          %get3A_1605 = tpu.vector_load %arg11[%get3A_1604] {strides = array<i32>} : memref<768xi32, #tpu.memory_space<vmem>>, vector<16xi32>,
          %swap3A_1606 = arith.constant 0 : i32
          %swap3A_1607 = arith.index_cast %swap3A_1606 : i32 to index
          %swap3A_1608 = arith.constant 48 : index
          %swap3A_1609 = tpu.vector_load %arg14[%swap3A_1607, %swap3A_1608] {strides = array<i32>} : memref<1x64xi32, #tpu.memory_space<vmem>>, vector<16xi32>,
          tpu.vector_store %arg14[%swap3A_1607, %swap3A_1608], %get3A_1605 {strides = array<i32>} : memref<1x64xi32, #tpu.memory_space<vmem>>, vector<16xi32>,
          %dma_start3A_1610 = arith.constant 0 : i32
          %dma_start3A_1611 = arith.constant 0 : i32
          %dma_start3A_1612 = tpu.memref_slice %arg14[%dma_start3A_1610, %dma_start3A_1611] : memref<1x64xi32, #tpu.memory_space<vmem>> -> memref<1x64xi32, #tpu.memory_space<vmem>>
          %dma_start3A_1613 = tpu.memref_squeeze %dma_start3A_1612 : memref<1x64xi32, #tpu.memory_space<vmem>> -> memref<64xi32, #tpu.memory_space<vmem>>
          %dma_start3A_1614 = arith.constant 0 : i32
          %dma_start3A_1615 = arith.constant 0 : i32
          %dma_start3A_1616 = tpu.memref_slice %arg8[%dma_start3A_1614, %dma_start3A_1615] : memref<5120x16xf32, #tpu.memory_space<vmem_shared>> -> memref<5120x16xf32, #tpu.memory_space<vmem_shared>>
          tpu.enqueue_indirect_dma source(%arg17 : memref<64x16xf32, #tpu.memory_space<vmem>>) target(%dma_start3A_1616 : memref<5120x16xf32, #tpu.memory_space<vmem_shared>>) offsets(%dma_start3A_1613 : memref<64xi32, #tpu.memory_space<vmem>>) semaphore(%arg26 : memref<!tpu.dma_semaphore, #tpu.memory_space<semaphore_mem>>) {add = true}
        } else {
        }
        %dma_wait3A_1545 = tpu.memref_slice %arg12[%mul3A_1487] : memref<768xi32, #tpu.memory_space<vmem>> -> memref<64xi32, #tpu.memory_space<vmem>>
        %dma_wait3A_1546 = arith.constant 0 : i32
        %dma_wait3A_1547 = arith.constant 0 : i32
        %dma_wait3A_1548 = tpu.memref_slice %arg2[%dma_wait3A_1546, %dma_wait3A_1547] : memref<10000x256xf32, #tpu.memory_space<hbm>> -> memref<10000x256xf32, #tpu.memory_space<hbm>>
        tpu.wait_indirect_dma semaphore(%arg21 : memref<!tpu.dma_semaphore, #tpu.memory_space<semaphore_mem>>) src(%dma_wait3A_1548 : memref<10000x256xf32, #tpu.memory_space<hbm>>) dst(%arg15 : memref<64x256xf32, #tpu.memory_space<vmem>>)
        %dma_start3A_1549 = arith.constant 0 : i32
        %dma_start3A_1550 = arith.constant 0 : i32
        %dma_start3A_1551 = tpu.memref_slice %arg13[%dma_start3A_1549, %dma_start3A_1550] : memref<1x64xi32, #tpu.memory_space<vmem>> -> memref<1x64xi32, #tpu.memory_space<vmem>>
        %dma_start3A_1552 = tpu.memref_squeeze %dma_start3A_1551 : memref<1x64xi32, #tpu.memory_space<vmem>> -> memref<64xi32, #tpu.memory_space<vmem>>
        %dma_start3A_1553 = arith.constant 0 : i32
        %dma_start3A_1554 = arith.constant 0 : i32
        %dma_start3A_1555 = tpu.memref_slice %arg7[%dma_start3A_1553, %dma_start3A_1554] : memref<5120x256xf32, #tpu.memory_space<vmem_shared>> -> memref<5120x256xf32, #tpu.memory_space<vmem_shared>>
        tpu.enqueue_indirect_dma source(%arg15 : memref<64x256xf32, #tpu.memory_space<vmem>>) target(%dma_start3A_1555 : memref<5120x256xf32, #tpu.memory_space<vmem_shared>>) offsets(%dma_start3A_1552 : memref<64xi32, #tpu.memory_space<vmem>>) semaphore(%arg23 : memref<!tpu.dma_semaphore, #tpu.memory_space<semaphore_mem>>) {add = true}
        %convert_element_type3A_1556 = arith.extui %lt3A_1474 : i1 to i32
        %cond3A_1557 = arith.constant 0 : i32
        %cond3A_1558 = arith.cmpi ne, %convert_element_type3A_1556, %cond3A_1557 : i32
        scf.if %cond3A_1558 {
          %add3A_1560 = arith.constant 1 : i32
          %add3A_1561 = arith.addi %mul3A_1471, %add3A_1560 : i32
          %mul3A_1562 = arith.constant 64 : i32
          %mul3A_1563 = arith.muli %add3A_1561, %mul3A_1562 : i32
          %dma_wait3A_1564 = tpu.memref_slice %arg12[%mul3A_1563] : memref<768xi32, #tpu.memory_space<vmem>> -> memref<64xi32, #tpu.memory_space<vmem>>
          %dma_wait3A_1565 = arith.constant 0 : i32
          %dma_wait3A_1566 = arith.constant 0 : i32
          %dma_wait3A_1567 = tpu.memref_slice %arg2[%dma_wait3A_1565, %dma_wait3A_1566] : memref<10000x256xf32, #tpu.memory_space<hbm>> -> memref<10000x256xf32, #tpu.memory_space<hbm>>
          tpu.wait_indirect_dma semaphore(%arg22 : memref<!tpu.dma_semaphore, #tpu.memory_space<semaphore_mem>>) src(%dma_wait3A_1567 : memref<10000x256xf32, #tpu.memory_space<hbm>>) dst(%arg16 : memref<64x256xf32, #tpu.memory_space<vmem>>)
          %dma_start3A_1568 = arith.constant 0 : i32
          %dma_start3A_1569 = arith.constant 0 : i32
          %dma_start3A_1570 = tpu.memref_slice %arg14[%dma_start3A_1568, %dma_start3A_1569] : memref<1x64xi32, #tpu.memory_space<vmem>> -> memref<1x64xi32, #tpu.memory_space<vmem>>
          %dma_start3A_1571 = tpu.memref_squeeze %dma_start3A_1570 : memref<1x64xi32, #tpu.memory_space<vmem>> -> memref<64xi32, #tpu.memory_space<vmem>>
          %dma_start3A_1572 = arith.constant 0 : i32
          %dma_start3A_1573 = arith.constant 0 : i32
          %dma_start3A_1574 = tpu.memref_slice %arg7[%dma_start3A_1572, %dma_start3A_1573] : memref<5120x256xf32, #tpu.memory_space<vmem_shared>> -> memref<5120x256xf32, #tpu.memory_space<vmem_shared>>
          tpu.enqueue_indirect_dma source(%arg16 : memref<64x256xf32, #tpu.memory_space<vmem>>) target(%dma_start3A_1574 : memref<5120x256xf32, #tpu.memory_space<vmem_shared>>) offsets(%dma_start3A_1571 : memref<64xi32, #tpu.memory_space<vmem>>) semaphore(%arg24 : memref<!tpu.dma_semaphore, #tpu.memory_space<semaphore_mem>>) {add = true}
        } else {
        }
        %while3A_1559 = arith.constant 0 : i32
        scf.yield %while3A_1559 : i32
      }
      %gt3A_1404 = arith.constant 0 : i32
      %gt3A_1405 = arith.cmpi sgt, %select_n3A_1366, %gt3A_1404 : i32
      %convert_element_type3A_1406 = arith.extui %gt3A_1405 : i1 to i32
      %cond3A_1407 = arith.constant 0 : i32
      %cond3A_1408 = arith.cmpi ne, %convert_element_type3A_1406, %cond3A_1407 : i32
      scf.if %cond3A_1408 {
        %dma_wait3A_1468 = arith.constant 0 : i32
        %dma_wait3A_1469 = arith.constant 0 : i32
        %dma_wait3A_1470 = tpu.memref_slice %arg13[%dma_wait3A_1468, %dma_wait3A_1469] : memref<1x64xi32, #tpu.memory_space<vmem>> -> memref<1x64xi32, #tpu.memory_space<vmem>>
        %dma_wait3A_1471 = tpu.memref_squeeze %dma_wait3A_1470 : memref<1x64xi32, #tpu.memory_space<vmem>> -> memref<64xi32, #tpu.memory_space<vmem>>
        %dma_wait3A_1472 = arith.constant 0 : i32
        %dma_wait3A_1473 = arith.constant 0 : i32
        %dma_wait3A_1474 = tpu.memref_slice %arg7[%dma_wait3A_1472, %dma_wait3A_1473] : memref<5120x256xf32, #tpu.memory_space<vmem_shared>> -> memref<5120x256xf32, #tpu.memory_space<vmem_shared>>
        tpu.wait_indirect_dma semaphore(%arg23 : memref<!tpu.dma_semaphore, #tpu.memory_space<semaphore_mem>>) src(%arg15 : memref<64x256xf32, #tpu.memory_space<vmem>>) dst(%dma_wait3A_1474 : memref<5120x256xf32, #tpu.memory_space<vmem_shared>>)
        %dma_wait3A_1475 = arith.constant 0 : i32
        %dma_wait3A_1476 = arith.constant 0 : i32
        %dma_wait3A_1477 = tpu.memref_slice %arg13[%dma_wait3A_1475, %dma_wait3A_1476] : memref<1x64xi32, #tpu.memory_space<vmem>> -> memref<1x64xi32, #tpu.memory_space<vmem>>
        %dma_wait3A_1478 = tpu.memref_squeeze %dma_wait3A_1477 : memref<1x64xi32, #tpu.memory_space<vmem>> -> memref<64xi32, #tpu.memory_space<vmem>>
        %dma_wait3A_1479 = arith.constant 0 : i32
        %dma_wait3A_1480 = arith.constant 0 : i32
        %dma_wait3A_1481 = tpu.memref_slice %arg8[%dma_wait3A_1479, %dma_wait3A_1480] : memref<5120x16xf32, #tpu.memory_space<vmem_shared>> -> memref<5120x16xf32, #tpu.memory_space<vmem_shared>>
        tpu.wait_indirect_dma semaphore(%arg25 : memref<!tpu.dma_semaphore, #tpu.memory_space<semaphore_mem>>) src(%arg17 : memref<64x16xf32, #tpu.memory_space<vmem>>) dst(%dma_wait3A_1481 : memref<5120x16xf32, #tpu.memory_space<vmem_shared>>)
      } else {
      }
      %gt3A_1409 = arith.constant 0 : i32
      %gt3A_1410 = arith.cmpi sgt, %select_n3A_1366, %gt3A_1409 : i32
      %rem3A_1411 = arith.constant 2 : i32
      %rem3A_1412 = arith.remsi %select_n3A_1366, %rem3A_1411 : i32
      %eq3A = arith.constant 0 : i32
      %eq3A_1413 = arith.cmpi eq, %rem3A_1412, %eq3A : i32
      %and3A_1414 = arith.andi %gt3A_1410, %eq3A_1413 : i1
      %convert_element_type3A_1415 = arith.extui %and3A_1414 : i1 to i32
      %cond3A_1416 = arith.constant 0 : i32
      %cond3A_1417 = arith.cmpi ne, %convert_element_type3A_1415, %cond3A_1416 : i32
      scf.if %cond3A_1417 {
        %dma_wait3A_1468 = arith.constant 0 : i32
        %dma_wait3A_1469 = arith.constant 0 : i32
        %dma_wait3A_1470 = tpu.memref_slice %arg14[%dma_wait3A_1468, %dma_wait3A_1469] : memref<1x64xi32, #tpu.memory_space<vmem>> -> memref<1x64xi32, #tpu.memory_space<vmem>>
        %dma_wait3A_1471 = tpu.memref_squeeze %dma_wait3A_1470 : memref<1x64xi32, #tpu.memory_space<vmem>> -> memref<64xi32, #tpu.memory_space<vmem>>
        %dma_wait3A_1472 = arith.constant 0 : i32
        %dma_wait3A_1473 = arith.constant 0 : i32
        %dma_wait3A_1474 = tpu.memref_slice %arg7[%dma_wait3A_1472, %dma_wait3A_1473] : memref<5120x256xf32, #tpu.memory_space<vmem_shared>> -> memref<5120x256xf32, #tpu.memory_space<vmem_shared>>
        tpu.wait_indirect_dma semaphore(%arg24 : memref<!tpu.dma_semaphore, #tpu.memory_space<semaphore_mem>>) src(%arg16 : memref<64x256xf32, #tpu.memory_space<vmem>>) dst(%dma_wait3A_1474 : memref<5120x256xf32, #tpu.memory_space<vmem_shared>>)
        %dma_wait3A_1475 = arith.constant 0 : i32
        %dma_wait3A_1476 = arith.constant 0 : i32
        %dma_wait3A_1477 = tpu.memref_slice %arg14[%dma_wait3A_1475, %dma_wait3A_1476] : memref<1x64xi32, #tpu.memory_space<vmem>> -> memref<1x64xi32, #tpu.memory_space<vmem>>
        %dma_wait3A_1478 = tpu.memref_squeeze %dma_wait3A_1477 : memref<1x64xi32, #tpu.memory_space<vmem>> -> memref<64xi32, #tpu.memory_space<vmem>>
        %dma_wait3A_1479 = arith.constant 0 : i32
        %dma_wait3A_1480 = arith.constant 0 : i32
        %dma_wait3A_1481 = tpu.memref_slice %arg8[%dma_wait3A_1479, %dma_wait3A_1480] : memref<5120x16xf32, #tpu.memory_space<vmem_shared>> -> memref<5120x16xf32, #tpu.memory_space<vmem_shared>>
        tpu.wait_indirect_dma semaphore(%arg26 : memref<!tpu.dma_semaphore, #tpu.memory_space<semaphore_mem>>) src(%arg17 : memref<64x16xf32, #tpu.memory_space<vmem>>) dst(%dma_wait3A_1481 : memref<5120x16xf32, #tpu.memory_space<vmem_shared>>)
      } else {
      }
      %mul3A_1418 = arith.constant 64 : i32
      %mul3A_1419 = arith.muli %select_n3A_1366, %mul3A_1418 : i32
      %add3A_1420 = arith.constant 0 : i32
      %add3A_1421 = arith.addi %mul3A_1419, %add3A_1420 : i32
      %get3A_1422 = arith.index_cast %add3A_1421 : i32 to index
      %get3A_1423 = tpu.vector_load %arg11[%get3A_1422] {strides = array<i32>} : memref<768xi32, #tpu.memory_space<vmem>>, vector<16xi32>,
      %add3A_1424 = arith.constant 0 : i32
      %add3A_1425 = arith.addi %mul3A_1419, %add3A_1424 : i32
      %get3A_1426 = arith.index_cast %add3A_1425 : i32 to index
      %get3A_1427 = tpu.vector_load %arg12[%get3A_1426] {strides = array<i32>} : memref<768xi32, #tpu.memory_space<vmem>>, vector<16xi32>,
      %swap3A = arith.constant 0 : index
      %swap3A_1428 = tpu.vector_load %arg11[%swap3A] {strides = array<i32>} : memref<768xi32, #tpu.memory_space<vmem>>, vector<16xi32>,
      tpu.vector_store %arg11[%swap3A], %get3A_1423 {strides = array<i32>} : memref<768xi32, #tpu.memory_space<vmem>>, vector<16xi32>,
      %swap3A_1429 = arith.constant 0 : index
      %swap3A_1430 = tpu.vector_load %arg12[%swap3A_1429] {strides = array<i32>} : memref<768xi32, #tpu.memory_space<vmem>>, vector<16xi32>,
      tpu.vector_store %arg12[%swap3A_1429], %get3A_1427 {strides = array<i32>} : memref<768xi32, #tpu.memory_space<vmem>>, vector<16xi32>,
      %add3A_1431 = arith.constant 16 : i32
      %add3A_1432 = arith.addi %mul3A_1419, %add3A_1431 : i32
      %get3A_1433 = arith.index_cast %add3A_1432 : i32 to index
      %get3A_1434 = tpu.vector_load %arg11[%get3A_1433] {strides = array<i32>} : memref<768xi32, #tpu.memory_space<vmem>>, vector<16xi32>,
      %add3A_1435 = arith.constant 16 : i32
      %add3A_1436 = arith.addi %mul3A_1419, %add3A_1435 : i32
      %get3A_1437 = arith.index_cast %add3A_1436 : i32 to index
      %get3A_1438 = tpu.vector_load %arg12[%get3A_1437] {strides = array<i32>} : memref<768xi32, #tpu.memory_space<vmem>>, vector<16xi32>,
      %swap3A_1439 = arith.constant 16 : index
      %swap3A_1440 = tpu.vector_load %arg11[%swap3A_1439] {strides = array<i32>} : memref<768xi32, #tpu.memory_space<vmem>>, vector<16xi32>,
      tpu.vector_store %arg11[%swap3A_1439], %get3A_1434 {strides = array<i32>} : memref<768xi32, #tpu.memory_space<vmem>>, vector<16xi32>,
      %swap3A_1441 = arith.constant 16 : index
      %swap3A_1442 = tpu.vector_load %arg12[%swap3A_1441] {strides = array<i32>} : memref<768xi32, #tpu.memory_space<vmem>>, vector<16xi32>,
      tpu.vector_store %arg12[%swap3A_1441], %get3A_1438 {strides = array<i32>} : memref<768xi32, #tpu.memory_space<vmem>>, vector<16xi32>,
      %add3A_1443 = arith.constant 32 : i32
      %add3A_1444 = arith.addi %mul3A_1419, %add3A_1443 : i32
      %get3A_1445 = arith.index_cast %add3A_1444 : i32 to index
      %get3A_1446 = tpu.vector_load %arg11[%get3A_1445] {strides = array<i32>} : memref<768xi32, #tpu.memory_space<vmem>>, vector<16xi32>,
      %add3A_1447 = arith.constant 32 : i32
      %add3A_1448 = arith.addi %mul3A_1419, %add3A_1447 : i32
      %get3A_1449 = arith.index_cast %add3A_1448 : i32 to index
      %get3A_1450 = tpu.vector_load %arg12[%get3A_1449] {strides = array<i32>} : memref<768xi32, #tpu.memory_space<vmem>>, vector<16xi32>,
      %swap3A_1451 = arith.constant 32 : index
      %swap3A_1452 = tpu.vector_load %arg11[%swap3A_1451] {strides = array<i32>} : memref<768xi32, #tpu.memory_space<vmem>>, vector<16xi32>,
      tpu.vector_store %arg11[%swap3A_1451], %get3A_1446 {strides = array<i32>} : memref<768xi32, #tpu.memory_space<vmem>>, vector<16xi32>,
      %swap3A_1453 = arith.constant 32 : index
      %swap3A_1454 = tpu.vector_load %arg12[%swap3A_1453] {strides = array<i32>} : memref<768xi32, #tpu.memory_space<vmem>>, vector<16xi32>,
      tpu.vector_store %arg12[%swap3A_1453], %get3A_1450 {strides = array<i32>} : memref<768xi32, #tpu.memory_space<vmem>>, vector<16xi32>,
      %add3A_1455 = arith.constant 48 : i32
      %add3A_1456 = arith.addi %mul3A_1419, %add3A_1455 : i32
      %get3A_1457 = arith.index_cast %add3A_1456 : i32 to index
      %get3A_1458 = tpu.vector_load %arg11[%get3A_1457] {strides = array<i32>} : memref<768xi32, #tpu.memory_space<vmem>>, vector<16xi32>,
      %add3A_1459 = arith.constant 48 : i32
      %add3A_1460 = arith.addi %mul3A_1419, %add3A_1459 : i32
      %get3A_1461 = arith.index_cast %add3A_1460 : i32 to index
      %get3A_1462 = tpu.vector_load %arg12[%get3A_1461] {strides = array<i32>} : memref<768xi32, #tpu.memory_space<vmem>>, vector<16xi32>,
      %swap3A_1463 = arith.constant 48 : index
      %swap3A_1464 = tpu.vector_load %arg11[%swap3A_1463] {strides = array<i32>} : memref<768xi32, #tpu.memory_space<vmem>>, vector<16xi32>,
      tpu.vector_store %arg11[%swap3A_1463], %get3A_1458 {strides = array<i32>} : memref<768xi32, #tpu.memory_space<vmem>>, vector<16xi32>,
      %swap3A_1465 = arith.constant 48 : index
      %swap3A_1466 = tpu.vector_load %arg12[%swap3A_1465] {strides = array<i32>} : memref<768xi32, #tpu.memory_space<vmem>>, vector<16xi32>,
      tpu.vector_store %arg12[%swap3A_1465], %get3A_1462 {strides = array<i32>} : memref<768xi32, #tpu.memory_space<vmem>>, vector<16xi32>,
      %sub3A_1467 = arith.subi %add3A_1342, %mul3A_1419 : i32
      scf.yield %sub3A_1467 : i32
    }
    %scan3A_47 = arith.constant 20 : i32
    %gt3A = arith.constant 0 : i32
    %gt3A_48 = arith.cmpi sgt, %scan3A_46, %gt3A : i32
    %convert_element_type3A = arith.extui %gt3A_48 : i1 to i32
    %cond3A = arith.constant 0 : i32
    %cond3A_49 = arith.cmpi ne, %convert_element_type3A, %cond3A : i32
    scf.if %cond3A_49 {
      %broadcast_in_dim3A = arith.constant 5000 : i32
      %broadcast_in_dim3A_64 = vector.broadcast %broadcast_in_dim3A : i32 to vector<16xi32>
      %add3A_65 = arith.constant 0 : i32
      %add3A_66 = arith.addi %scan3A_46, %add3A_65 : i32
      %swap3A = arith.index_cast %add3A_66 : i32 to index
      %swap3A_67 = tpu.vector_load %arg11[%swap3A] {strides = array<i32>} : memref<768xi32, #tpu.memory_space<vmem>>, vector<16xi32>,
      tpu.vector_store %arg11[%swap3A], %broadcast_in_dim3A_64 {strides = array<i32>} : memref<768xi32, #tpu.memory_space<vmem>>, vector<16xi32>,
      %broadcast_in_dim3A_68 = arith.constant 0 : i32
      %broadcast_in_dim3A_69 = vector.broadcast %broadcast_in_dim3A_68 : i32 to vector<16xi32>
      %add3A_70 = arith.constant 0 : i32
      %add3A_71 = arith.addi %scan3A_46, %add3A_70 : i32
      %swap3A_72 = arith.index_cast %add3A_71 : i32 to index
      %swap3A_73 = tpu.vector_load %arg12[%swap3A_72] {strides = array<i32>} : memref<768xi32, #tpu.memory_space<vmem>>, vector<16xi32>,
      tpu.vector_store %arg12[%swap3A_72], %broadcast_in_dim3A_69 {strides = array<i32>} : memref<768xi32, #tpu.memory_space<vmem>>, vector<16xi32>,
      %broadcast_in_dim3A_74 = arith.constant 5000 : i32
      %broadcast_in_dim3A_75 = vector.broadcast %broadcast_in_dim3A_74 : i32 to vector<16xi32>
      %add3A_76 = arith.constant 16 : i32
      %add3A_77 = arith.addi %scan3A_46, %add3A_76 : i32
      %swap3A_78 = arith.index_cast %add3A_77 : i32 to index
      %swap3A_79 = tpu.vector_load %arg11[%swap3A_78] {strides = array<i32>} : memref<768xi32, #tpu.memory_space<vmem>>, vector<16xi32>,
      tpu.vector_store %arg11[%swap3A_78], %broadcast_in_dim3A_75 {strides = array<i32>} : memref<768xi32, #tpu.memory_space<vmem>>, vector<16xi32>,
      %broadcast_in_dim3A_80 = arith.constant 0 : i32
      %broadcast_in_dim3A_81 = vector.broadcast %broadcast_in_dim3A_80 : i32 to vector<16xi32>
      %add3A_82 = arith.constant 16 : i32
      %add3A_83 = arith.addi %scan3A_46, %add3A_82 : i32
      %swap3A_84 = arith.index_cast %add3A_83 : i32 to index
      %swap3A_85 = tpu.vector_load %arg12[%swap3A_84] {strides = array<i32>} : memref<768xi32, #tpu.memory_space<vmem>>, vector<16xi32>,
      tpu.vector_store %arg12[%swap3A_84], %broadcast_in_dim3A_81 {strides = array<i32>} : memref<768xi32, #tpu.memory_space<vmem>>, vector<16xi32>,
      %broadcast_in_dim3A_86 = arith.constant 5000 : i32
      %broadcast_in_dim3A_87 = vector.broadcast %broadcast_in_dim3A_86 : i32 to vector<16xi32>
      %add3A_88 = arith.constant 32 : i32
      %add3A_89 = arith.addi %scan3A_46, %add3A_88 : i32
      %swap3A_90 = arith.index_cast %add3A_89 : i32 to index
      %swap3A_91 = tpu.vector_load %arg11[%swap3A_90] {strides = array<i32>} : memref<768xi32, #tpu.memory_space<vmem>>, vector<16xi32>,
      tpu.vector_store %arg11[%swap3A_90], %broadcast_in_dim3A_87 {strides = array<i32>} : memref<768xi32, #tpu.memory_space<vmem>>, vector<16xi32>,
      %broadcast_in_dim3A_92 = arith.constant 0 : i32
      %broadcast_in_dim3A_93 = vector.broadcast %broadcast_in_dim3A_92 : i32 to vector<16xi32>
      %add3A_94 = arith.constant 32 : i32
      %add3A_95 = arith.addi %scan3A_46, %add3A_94 : i32
      %swap3A_96 = arith.index_cast %add3A_95 : i32 to index
      %swap3A_97 = tpu.vector_load %arg12[%swap3A_96] {strides = array<i32>} : memref<768xi32, #tpu.memory_space<vmem>>, vector<16xi32>,
      tpu.vector_store %arg12[%swap3A_96], %broadcast_in_dim3A_93 {strides = array<i32>} : memref<768xi32, #tpu.memory_space<vmem>>, vector<16xi32>,
      %broadcast_in_dim3A_98 = arith.constant 5000 : i32
      %broadcast_in_dim3A_99 = vector.broadcast %broadcast_in_dim3A_98 : i32 to vector<16xi32>
      %add3A_100 = arith.constant 48 : i32
      %add3A_101 = arith.addi %scan3A_46, %add3A_100 : i32
      %swap3A_102 = arith.index_cast %add3A_101 : i32 to index
      %swap3A_103 = tpu.vector_load %arg11[%swap3A_102] {strides = array<i32>} : memref<768xi32, #tpu.memory_space<vmem>>, vector<16xi32>,
      tpu.vector_store %arg11[%swap3A_102], %broadcast_in_dim3A_99 {strides = array<i32>} : memref<768xi32, #tpu.memory_space<vmem>>, vector<16xi32>,
      %broadcast_in_dim3A_104 = arith.constant 0 : i32
      %broadcast_in_dim3A_105 = vector.broadcast %broadcast_in_dim3A_104 : i32 to vector<16xi32>
      %add3A_106 = arith.constant 48 : i32
      %add3A_107 = arith.addi %scan3A_46, %add3A_106 : i32
      %swap3A_108 = arith.index_cast %add3A_107 : i32 to index
      %swap3A_109 = tpu.vector_load %arg12[%swap3A_108] {strides = array<i32>} : memref<768xi32, #tpu.memory_space<vmem>>, vector<16xi32>,
      tpu.vector_store %arg12[%swap3A_108], %broadcast_in_dim3A_105 {strides = array<i32>} : memref<768xi32, #tpu.memory_space<vmem>>, vector<16xi32>,
      %dma_start3A_110 = arith.constant 0 : i32
      %dma_start3A_111 = tpu.memref_slice %arg12[%dma_start3A_110] : memref<768xi32, #tpu.memory_space<vmem>> -> memref<64xi32, #tpu.memory_space<vmem>>
      %dma_start3A_112 = arith.constant 0 : i32
      %dma_start3A_113 = arith.constant 0 : i32
      %dma_start3A_114 = tpu.memref_slice %arg2[%dma_start3A_112, %dma_start3A_113] : memref<10000x256xf32, #tpu.memory_space<hbm>> -> memref<10000x256xf32, #tpu.memory_space<hbm>>
      tpu.enqueue_indirect_dma source(%dma_start3A_114 : memref<10000x256xf32, #tpu.memory_space<hbm>>) target(%arg15 : memref<64x256xf32, #tpu.memory_space<vmem>>) offsets(%dma_start3A_111 : memref<64xi32, #tpu.memory_space<vmem>>) semaphore(%arg21 : memref<!tpu.dma_semaphore, #tpu.memory_space<semaphore_mem>>)
      %get3A = arith.constant 0 : index
      %get3A_115 = tpu.vector_load %arg11[%get3A] {strides = array<i32>} : memref<768xi32, #tpu.memory_space<vmem>>, vector<16xi32>,
      %swap3A_116 = arith.constant 0 : i32
      %swap3A_117 = arith.index_cast %swap3A_116 : i32 to index
      %swap3A_118 = arith.constant 0 : index
      %swap3A_119 = tpu.vector_load %arg13[%swap3A_117, %swap3A_118] {strides = array<i32>} : memref<1x64xi32, #tpu.memory_space<vmem>>, vector<16xi32>,
      tpu.vector_store %arg13[%swap3A_117, %swap3A_118], %get3A_115 {strides = array<i32>} : memref<1x64xi32, #tpu.memory_space<vmem>>, vector<16xi32>,
      %get3A_120 = arith.constant 16 : index
      %get3A_121 = tpu.vector_load %arg11[%get3A_120] {strides = array<i32>} : memref<768xi32, #tpu.memory_space<vmem>>, vector<16xi32>,
      %swap3A_122 = arith.constant 0 : i32
      %swap3A_123 = arith.index_cast %swap3A_122 : i32 to index
      %swap3A_124 = arith.constant 16 : index
      %swap3A_125 = tpu.vector_load %arg13[%swap3A_123, %swap3A_124] {strides = array<i32>} : memref<1x64xi32, #tpu.memory_space<vmem>>, vector<16xi32>,
      tpu.vector_store %arg13[%swap3A_123, %swap3A_124], %get3A_121 {strides = array<i32>} : memref<1x64xi32, #tpu.memory_space<vmem>>, vector<16xi32>,
      %get3A_126 = arith.constant 32 : index
      %get3A_127 = tpu.vector_load %arg11[%get3A_126] {strides = array<i32>} : memref<768xi32, #tpu.memory_space<vmem>>, vector<16xi32>,
      %swap3A_128 = arith.constant 0 : i32
      %swap3A_129 = arith.index_cast %swap3A_128 : i32 to index
      %swap3A_130 = arith.constant 32 : index
      %swap3A_131 = tpu.vector_load %arg13[%swap3A_129, %swap3A_130] {strides = array<i32>} : memref<1x64xi32, #tpu.memory_space<vmem>>, vector<16xi32>,
      tpu.vector_store %arg13[%swap3A_129, %swap3A_130], %get3A_127 {strides = array<i32>} : memref<1x64xi32, #tpu.memory_space<vmem>>, vector<16xi32>,
      %get3A_132 = arith.constant 48 : index
      %get3A_133 = tpu.vector_load %arg11[%get3A_132] {strides = array<i32>} : memref<768xi32, #tpu.memory_space<vmem>>, vector<16xi32>,
      %swap3A_134 = arith.constant 0 : i32
      %swap3A_135 = arith.index_cast %swap3A_134 : i32 to index
      %swap3A_136 = arith.constant 48 : index
      %swap3A_137 = tpu.vector_load %arg13[%swap3A_135, %swap3A_136] {strides = array<i32>} : memref<1x64xi32, #tpu.memory_space<vmem>>, vector<16xi32>,
      tpu.vector_store %arg13[%swap3A_135, %swap3A_136], %get3A_133 {strides = array<i32>} : memref<1x64xi32, #tpu.memory_space<vmem>>, vector<16xi32>,
      %dma_start3A_138 = arith.constant 0 : i32
      %dma_start3A_139 = arith.constant 0 : i32
      %dma_start3A_140 = tpu.memref_slice %arg13[%dma_start3A_138, %dma_start3A_139] : memref<1x64xi32, #tpu.memory_space<vmem>> -> memref<1x64xi32, #tpu.memory_space<vmem>>
      %dma_start3A_141 = tpu.memref_squeeze %dma_start3A_140 : memref<1x64xi32, #tpu.memory_space<vmem>> -> memref<64xi32, #tpu.memory_space<vmem>>
      %dma_start3A_142 = arith.constant 0 : i32
      %dma_start3A_143 = arith.constant 0 : i32
      %dma_start3A_144 = tpu.memref_slice %arg8[%dma_start3A_142, %dma_start3A_143] : memref<5120x16xf32, #tpu.memory_space<vmem_shared>> -> memref<5120x16xf32, #tpu.memory_space<vmem_shared>>
      tpu.enqueue_indirect_dma source(%arg17 : memref<64x16xf32, #tpu.memory_space<vmem>>) target(%dma_start3A_144 : memref<5120x16xf32, #tpu.memory_space<vmem_shared>>) offsets(%dma_start3A_141 : memref<64xi32, #tpu.memory_space<vmem>>) semaphore(%arg25 : memref<!tpu.dma_semaphore, #tpu.memory_space<semaphore_mem>>) {add = true}
      %dma_wait3A = arith.constant 0 : i32
      %dma_wait3A_145 = tpu.memref_slice %arg12[%dma_wait3A] : memref<768xi32, #tpu.memory_space<vmem>> -> memref<64xi32, #tpu.memory_space<vmem>>
      %dma_wait3A_146 = arith.constant 0 : i32
      %dma_wait3A_147 = arith.constant 0 : i32
      %dma_wait3A_148 = tpu.memref_slice %arg2[%dma_wait3A_146, %dma_wait3A_147] : memref<10000x256xf32, #tpu.memory_space<hbm>> -> memref<10000x256xf32, #tpu.memory_space<hbm>>
      tpu.wait_indirect_dma semaphore(%arg21 : memref<!tpu.dma_semaphore, #tpu.memory_space<semaphore_mem>>) src(%dma_wait3A_148 : memref<10000x256xf32, #tpu.memory_space<hbm>>) dst(%arg15 : memref<64x256xf32, #tpu.memory_space<vmem>>)
      %run_scoped3A = arith.constant 0 : i32
      "tpu.region"() ({
        %run_scoped3A_156 = tpu.sem_alloc : memref<!tpu.dma_semaphore, #tpu.memory_space<semaphore_mem>>
        %dma_start3A_157 = arith.constant 0 : i32
        %dma_start3A_158 = tpu.memref_slice %arg13[%run_scoped3A, %dma_start3A_157] : memref<1x64xi32, #tpu.memory_space<vmem>> -> memref<1x64xi32, #tpu.memory_space<vmem>>
        %dma_start3A_159 = tpu.memref_squeeze %dma_start3A_158 : memref<1x64xi32, #tpu.memory_space<vmem>> -> memref<64xi32, #tpu.memory_space<vmem>>
        %dma_start3A_160 = arith.constant 0 : i32
        %dma_start3A_161 = arith.constant 0 : i32
        %dma_start3A_162 = tpu.memref_slice %arg7[%dma_start3A_160, %dma_start3A_161] : memref<5120x256xf32, #tpu.memory_space<vmem_shared>> -> memref<5120x256xf32, #tpu.memory_space<vmem_shared>>
        tpu.enqueue_indirect_dma source(%arg15 : memref<64x256xf32, #tpu.memory_space<vmem>>) target(%dma_start3A_162 : memref<5120x256xf32, #tpu.memory_space<vmem_shared>>) offsets(%dma_start3A_159 : memref<64xi32, #tpu.memory_space<vmem>>) semaphore(%run_scoped3A_156 : memref<!tpu.dma_semaphore, #tpu.memory_space<semaphore_mem>>) {add = true}
        %dma_wait3A_163 = arith.constant 0 : i32
        %dma_wait3A_164 = tpu.memref_slice %arg13[%run_scoped3A, %dma_wait3A_163] : memref<1x64xi32, #tpu.memory_space<vmem>> -> memref<1x64xi32, #tpu.memory_space<vmem>>
        %dma_wait3A_165 = tpu.memref_squeeze %dma_wait3A_164 : memref<1x64xi32, #tpu.memory_space<vmem>> -> memref<64xi32, #tpu.memory_space<vmem>>
        %dma_wait3A_166 = arith.constant 0 : i32
        %dma_wait3A_167 = arith.constant 0 : i32
        %dma_wait3A_168 = tpu.memref_slice %arg7[%dma_wait3A_166, %dma_wait3A_167] : memref<5120x256xf32, #tpu.memory_space<vmem_shared>> -> memref<5120x256xf32, #tpu.memory_space<vmem_shared>>
        tpu.wait_indirect_dma semaphore(%run_scoped3A_156 : memref<!tpu.dma_semaphore, #tpu.memory_space<semaphore_mem>>) src(%arg15 : memref<64x256xf32, #tpu.memory_space<vmem>>) dst(%dma_wait3A_168 : memref<5120x256xf32, #tpu.memory_space<vmem_shared>>)
        tpu.yield
      }) : () -> ()
      %dma_wait3A_149 = arith.constant 0 : i32
      %dma_wait3A_150 = arith.constant 0 : i32
      %dma_wait3A_151 = tpu.memref_slice %arg13[%dma_wait3A_149, %dma_wait3A_150] : memref<1x64xi32, #tpu.memory_space<vmem>> -> memref<1x64xi32, #tpu.memory_space<vmem>>
      %dma_wait3A_152 = tpu.memref_squeeze %dma_wait3A_151 : memref<1x64xi32, #tpu.memory_space<vmem>> -> memref<64xi32, #tpu.memory_space<vmem>>
      %dma_wait3A_153 = arith.constant 0 : i32
      %dma_wait3A_154 = arith.constant 0 : i32
      %dma_wait3A_155 = tpu.memref_slice %arg8[%dma_wait3A_153, %dma_wait3A_154] : memref<5120x16xf32, #tpu.memory_space<vmem_shared>> -> memref<5120x16xf32, #tpu.memory_space<vmem_shared>>
      tpu.wait_indirect_dma semaphore(%arg25 : memref<!tpu.dma_semaphore, #tpu.memory_space<semaphore_mem>>) src(%arg17 : memref<64x16xf32, #tpu.memory_space<vmem>>) dst(%dma_wait3A_155 : memref<5120x16xf32, #tpu.memory_space<vmem_shared>>)
    } else {
    }
    %barrier3A_50 = arith.constant 0 : index
    tpu.barrier barrier_id(%barrier3A_50)
    %add3A_51 = arith.constant 0 : i32
    %add3A_52 = arith.addi %arg1, %add3A_51 : i32
    %lt3A = arith.constant 25 : i32
    %lt3A_53 = arith.cmpi slt, %add3A_52, %lt3A : i32
    %convert_element_type3A_54 = arith.extui %lt3A_53 : i1 to i32
    %cond3A_55 = arith.constant 0 : i32
    %cond3A_56 = arith.cmpi ne, %convert_element_type3A_54, %cond3A_55 : i32
    scf.if %cond3A_56 {
      %mul3A_64 = arith.constant 200 : i32
      %mul3A_65 = arith.muli %add3A_52, %mul3A_64 : i32
      %add3A_66 = arith.addi %mul3A_0, %mul3A_65 : i32
      "tpu.region"() ({
        %run_scoped3A = tpu.sem_alloc : memref<!tpu.dma_semaphore, #tpu.memory_space<semaphore_mem>>
        %dma_start3A_68 = arith.constant 0 : i32
        %dma_start3A_69 = tpu.memref_slice %arg5[%add3A_66, %dma_start3A_68] : memref<10000x256xf32, #tpu.memory_space<hbm>> -> memref<200x256xf32, #tpu.memory_space<hbm>>
        %dma_start3A_70 = arith.constant 0 : i32
        %dma_start3A_71 = tpu.memref_slice %arg7[%mul3A_65, %dma_start3A_70] : memref<5120x256xf32, #tpu.memory_space<vmem_shared>> -> memref<200x256xf32, #tpu.memory_space<vmem_shared>>
        tpu.enqueue_dma source(%dma_start3A_71 : memref<200x256xf32, #tpu.memory_space<vmem_shared>>) target(%dma_start3A_69 : memref<200x256xf32, #tpu.memory_space<hbm>>) target_semaphore(%run_scoped3A : memref<!tpu.dma_semaphore, #tpu.memory_space<semaphore_mem>>)
        %dma_wait3A = arith.constant 0 : i32
        %dma_wait3A_72 = tpu.memref_slice %arg5[%add3A_66, %dma_wait3A] : memref<10000x256xf32, #tpu.memory_space<hbm>> -> memref<200x256xf32, #tpu.memory_space<hbm>>
        %dma_wait3A_73 = arith.constant 0 : i32
        %dma_wait3A_74 = tpu.memref_slice %arg7[%mul3A_65, %dma_wait3A_73] : memref<5120x256xf32, #tpu.memory_space<vmem_shared>> -> memref<200x256xf32, #tpu.memory_space<vmem_shared>>
        tpu.wait_dma2 semaphore(%run_scoped3A : memref<!tpu.dma_semaphore, #tpu.memory_space<semaphore_mem>>) src(%dma_wait3A_74 : memref<200x256xf32, #tpu.memory_space<vmem_shared>>) dst(%dma_wait3A_72 : memref<200x256xf32, #tpu.memory_space<hbm>>)
        tpu.yield
      }) : () -> ()
      %add3A_67 = arith.addi %mul3A_0, %mul3A_65 : i32
      "tpu.region"() ({
        %run_scoped3A = tpu.sem_alloc : memref<!tpu.dma_semaphore, #tpu.memory_space<semaphore_mem>>
        %dma_start3A_68 = arith.constant 0 : i32
        %dma_start3A_69 = tpu.memref_slice %arg6[%add3A_67, %dma_start3A_68] : memref<10000x16xf32, #tpu.memory_space<hbm>> -> memref<200x16xf32, #tpu.memory_space<hbm>>
        %dma_start3A_70 = arith.constant 0 : i32
        %dma_start3A_71 = tpu.memref_slice %arg8[%mul3A_65, %dma_start3A_70] : memref<5120x16xf32, #tpu.memory_space<vmem_shared>> -> memref<200x16xf32, #tpu.memory_space<vmem_shared>>
        tpu.enqueue_dma source(%dma_start3A_71 : memref<200x16xf32, #tpu.memory_space<vmem_shared>>) target(%dma_start3A_69 : memref<200x16xf32, #tpu.memory_space<hbm>>) target_semaphore(%run_scoped3A : memref<!tpu.dma_semaphore, #tpu.memory_space<semaphore_mem>>)
        %dma_wait3A = arith.constant 0 : i32
        %dma_wait3A_72 = tpu.memref_slice %arg6[%add3A_67, %dma_wait3A] : memref<10000x16xf32, #tpu.memory_space<hbm>> -> memref<200x16xf32, #tpu.memory_space<hbm>>
        %dma_wait3A_73 = arith.constant 0 : i32
        %dma_wait3A_74 = tpu.memref_slice %arg8[%mul3A_65, %dma_wait3A_73] : memref<5120x16xf32, #tpu.memory_space<vmem_shared>> -> memref<200x16xf32, #tpu.memory_space<vmem_shared>>
        tpu.wait_dma2 semaphore(%run_scoped3A : memref<!tpu.dma_semaphore, #tpu.memory_space<semaphore_mem>>) src(%dma_wait3A_74 : memref<200x16xf32, #tpu.memory_space<vmem_shared>>) dst(%dma_wait3A_72 : memref<200x16xf32, #tpu.memory_space<hbm>>)
        tpu.yield
      }) : () -> ()
    } else {
    }
    %add3A_57 = arith.constant 16 : i32
    %add3A_58 = arith.addi %arg1, %add3A_57 : i32
    %lt3A_59 = arith.constant 25 : i32
    %lt3A_60 = arith.cmpi slt, %add3A_58, %lt3A_59 : i32
    %convert_element_type3A_61 = arith.extui %lt3A_60 : i1 to i32
    %cond3A_62 = arith.constant 0 : i32
    %cond3A_63 = arith.cmpi ne, %convert_element_type3A_61, %cond3A_62 : i32
    scf.if %cond3A_63 {
      %mul3A_64 = arith.constant 200 : i32
      %mul3A_65 = arith.muli %add3A_58, %mul3A_64 : i32
      %add3A_66 = arith.addi %mul3A_0, %mul3A_65 : i32
      "tpu.region"() ({
        %run_scoped3A = tpu.sem_alloc : memref<!tpu.dma_semaphore, #tpu.memory_space<semaphore_mem>>
        %dma_start3A_68 = arith.constant 0 : i32
        %dma_start3A_69 = tpu.memref_slice %arg5[%add3A_66, %dma_start3A_68] : memref<10000x256xf32, #tpu.memory_space<hbm>> -> memref<200x256xf32, #tpu.memory_space<hbm>>
        %dma_start3A_70 = arith.constant 0 : i32
        %dma_start3A_71 = tpu.memref_slice %arg7[%mul3A_65, %dma_start3A_70] : memref<5120x256xf32, #tpu.memory_space<vmem_shared>> -> memref<200x256xf32, #tpu.memory_space<vmem_shared>>
        tpu.enqueue_dma source(%dma_start3A_71 : memref<200x256xf32, #tpu.memory_space<vmem_shared>>) target(%dma_start3A_69 : memref<200x256xf32, #tpu.memory_space<hbm>>) target_semaphore(%run_scoped3A : memref<!tpu.dma_semaphore, #tpu.memory_space<semaphore_mem>>)
        %dma_wait3A = arith.constant 0 : i32
        %dma_wait3A_72 = tpu.memref_slice %arg5[%add3A_66, %dma_wait3A] : memref<10000x256xf32, #tpu.memory_space<hbm>> -> memref<200x256xf32, #tpu.memory_space<hbm>>
        %dma_wait3A_73 = arith.constant 0 : i32
        %dma_wait3A_74 = tpu.memref_slice %arg7[%mul3A_65, %dma_wait3A_73] : memref<5120x256xf32, #tpu.memory_space<vmem_shared>> -> memref<200x256xf32, #tpu.memory_space<vmem_shared>>
        tpu.wait_dma2 semaphore(%run_scoped3A : memref<!tpu.dma_semaphore, #tpu.memory_space<semaphore_mem>>) src(%dma_wait3A_74 : memref<200x256xf32, #tpu.memory_space<vmem_shared>>) dst(%dma_wait3A_72 : memref<200x256xf32, #tpu.memory_space<hbm>>)
        tpu.yield
      }) : () -> ()
      %add3A_67 = arith.addi %mul3A_0, %mul3A_65 : i32
      "tpu.region"() ({
        %run_scoped3A = tpu.sem_alloc : memref<!tpu.dma_semaphore, #tpu.memory_space<semaphore_mem>>
        %dma_start3A_68 = arith.constant 0 : i32
        %dma_start3A_69 = tpu.memref_slice %arg6[%add3A_67, %dma_start3A_68] : memref<10000x16xf32, #tpu.memory_space<hbm>> -> memref<200x16xf32, #tpu.memory_space<hbm>>
        %dma_start3A_70 = arith.constant 0 : i32
        %dma_start3A_71 = tpu.memref_slice %arg8[%mul3A_65, %dma_start3A_70] : memref<5120x16xf32, #tpu.memory_space<vmem_shared>> -> memref<200x16xf32, #tpu.memory_space<vmem_shared>>
        tpu.enqueue_dma source(%dma_start3A_71 : memref<200x16xf32, #tpu.memory_space<vmem_shared>>) target(%dma_start3A_69 : memref<200x16xf32, #tpu.memory_space<hbm>>) target_semaphore(%run_scoped3A : memref<!tpu.dma_semaphore, #tpu.memory_space<semaphore_mem>>)
        %dma_wait3A = arith.constant 0 : i32
        %dma_wait3A_72 = tpu.memref_slice %arg6[%add3A_67, %dma_wait3A] : memref<10000x16xf32, #tpu.memory_space<hbm>> -> memref<200x16xf32, #tpu.memory_space<hbm>>
        %dma_wait3A_73 = arith.constant 0 : i32
        %dma_wait3A_74 = tpu.memref_slice %arg8[%mul3A_65, %dma_wait3A_73] : memref<5120x16xf32, #tpu.memory_space<vmem_shared>> -> memref<200x16xf32, #tpu.memory_space<vmem_shared>>
        tpu.wait_dma2 semaphore(%run_scoped3A : memref<!tpu.dma_semaphore, #tpu.memory_space<semaphore_mem>>) src(%dma_wait3A_74 : memref<200x16xf32, #tpu.memory_space<vmem_shared>>) dst(%dma_wait3A_72 : memref<200x16xf32, #tpu.memory_space<hbm>>)
        tpu.yield
      }) : () -> ()
    } else {
    }
    return
  }
}

module attributes {stable_mosaic.version = 14 : i64} {
  func.func @_tc_body(%arg0: i32, %arg1: memref<1000x256xf32, #tpu.memory_space<vmem>>, %arg2: memref<1000x16xf32, #tpu.memory_space<vmem>>, %arg3: memref<1000x1xi32, #tpu.memory_space<vmem>>, %arg4: memref<256x16xf32, #tpu.memory_space<vmem>>, %arg5: memref<32x256xf32, #tpu.memory_space<vmem>>, %arg6: memref<1000x16xf32, #tpu.memory_space<vmem>>, %arg7: memref<1000x256xf32, #tpu.memory_space<vmem>>) attributes {dimension_semantics = [#tpu.dimension_semantics<arbitrary>], iteration_bounds = array<i64: 10>, scalar_prefetch = 0 : i64, scratch_operands = 0 : i64, tpu.core_type = #tpu.core_type<tc>, window_params = [{transform_indices = @transform_0, window_bounds = array<i64: 1000, 256>}, {transform_indices = @transform_1, window_bounds = array<i64: 1000, 16>}, {transform_indices = @transform_2, window_bounds = array<i64: 1000, 1>}, {pipeline_mode = #tpu.pipeline_mode<synchronous>, transform_indices = @transform_3, window_bounds = array<i64: 256, 16>}, {pipeline_mode = #tpu.pipeline_mode<synchronous>, transform_indices = @transform_4, window_bounds = array<i64: 32, 256>}, {transform_indices = @transform_5, window_bounds = array<i64: 1000, 16>}, {transform_indices = @transform_6, window_bounds = array<i64: 1000, 256>}]} {
    %get3A = arith.constant 0 : index
    %get3A_0 = arith.constant 0 : index
    %get3A_1 = vector.load %arg4[%get3A, %get3A_0] : memref<256x16xf32, #tpu.memory_space<vmem>>, vector<256x16xf32>
    %reduce_max3A = arith.constant dense<0xFF800000> : vector<256xf32>
    %reduce_max3A_2 = vector.multi_reduction <maximumf>, %get3A_1, %reduce_max3A [1] : vector<256x16xf32> to vector<256xf32>
    %broadcast_in_dim3A = vector.shape_cast %reduce_max3A_2 : vector<256xf32> to vector<256x1xf32>
    %sub3A = vector.broadcast %broadcast_in_dim3A : vector<256x1xf32> to vector<256x16xf32>
    %sub3A_3 = arith.subf %get3A_1, %sub3A : vector<256x16xf32>
    %exp3A = math.exp %sub3A_3 : vector<256x16xf32>
    %reduce_sum3A = arith.constant dense<0.000000e+00> : vector<256xf32>
    %reduce_sum3A_4 = vector.multi_reduction <add>, %exp3A, %reduce_sum3A [1] : vector<256x16xf32> to vector<256xf32>
    %broadcast_in_dim3A_5 = vector.shape_cast %reduce_sum3A_4 : vector<256xf32> to vector<256x1xf32>
    %div3A = vector.broadcast %broadcast_in_dim3A_5 : vector<256x1xf32> to vector<256x16xf32>
    %div3A_6 = arith.divf %exp3A, %div3A : vector<256x16xf32>
    %iota3A = tpu.iota {dimensions = array<i32: 0>} : vector<16x256xi32>
    %iota3A_7 = tpu.iota {dimensions = array<i32: 1>} : vector<16x256xi32>
    %div3A_8 = arith.constant 16 : i32
    %div3A_9 = vector.broadcast %div3A_8 : i32 to vector<16x256xi32>
    %div3A_10 = arith.divsi %iota3A_7, %div3A_9 : vector<16x256xi32>
    %eq3A = arith.cmpi eq, %div3A_10, %iota3A : vector<16x256xi32>
    %convert_element_type3A = arith.extui %eq3A : vector<16x256xi1> to vector<16x256xi32>
    %convert_element_type3A_11 = arith.sitofp %convert_element_type3A : vector<16x256xi32> to vector<16x256xf32>
    %dot_general3A = arith.constant dense<0.000000e+00> : vector<256x256xf32>
    %dot_general3A_12 = tpu.matmul %div3A_6, %convert_element_type3A_11, %dot_general3A {dimension_numbers = #tpu.dot_dimension_numbers<[1], [0], [0], [1], [0, 0, 1, 1], [], []>, transpose_lhs_hint = false} : vector<256x16xf32>, vector<16x256xf32>, vector<256x256xf32> -> vector<256x256xf32>
    %iota3A_13 = tpu.iota {dimensions = array<i32: 0>} : vector<256x256xi32>
    %iota3A_14 = tpu.iota {dimensions = array<i32: 1>} : vector<256x256xi32>
    %rem3A = arith.constant 16 : i32
    %rem3A_15 = vector.broadcast %rem3A : i32 to vector<256x256xi32>
    %rem3A_16 = arith.remsi %iota3A_13, %rem3A_15 : vector<256x256xi32>
    %rem3A_17 = arith.constant 16 : i32
    %rem3A_18 = vector.broadcast %rem3A_17 : i32 to vector<256x256xi32>
    %rem3A_19 = arith.remsi %iota3A_14, %rem3A_18 : vector<256x256xi32>
    %eq3A_20 = arith.cmpi eq, %rem3A_16, %rem3A_19 : vector<256x256xi32>
    %convert_element_type3A_21 = arith.extui %eq3A_20 : vector<256x256xi1> to vector<256x256xi32>
    %convert_element_type3A_22 = arith.sitofp %convert_element_type3A_21 : vector<256x256xi32> to vector<256x256xf32>
    %mul3A = arith.mulf %dot_general3A_12, %convert_element_type3A_22 : vector<256x256xf32>
    %get3A_23 = arith.constant 0 : index
    %get3A_24 = arith.constant 0 : index
    %get3A_25 = vector.load %arg5[%get3A_23, %get3A_24] : memref<32x256xf32, #tpu.memory_space<vmem>>, vector<32x256xf32>
    %reduce_max3A_26 = arith.constant dense<0xFF800000> : vector<256xf32>
    %reduce_max3A_27 = vector.multi_reduction <maximumf>, %get3A_25, %reduce_max3A_26 [0] : vector<32x256xf32> to vector<256xf32>
    %broadcast_in_dim3A_28 = vector.shape_cast %reduce_max3A_27 : vector<256xf32> to vector<1x256xf32>
    %sub3A_29 = vector.broadcast %broadcast_in_dim3A_28 : vector<1x256xf32> to vector<32x256xf32>
    %sub3A_30 = arith.subf %get3A_25, %sub3A_29 : vector<32x256xf32>
    %exp3A_31 = math.exp %sub3A_30 : vector<32x256xf32>
    %reduce_sum3A_32 = arith.constant dense<0.000000e+00> : vector<256xf32>
    %reduce_sum3A_33 = vector.multi_reduction <add>, %exp3A_31, %reduce_sum3A_32 [0] : vector<32x256xf32> to vector<256xf32>
    %broadcast_in_dim3A_34 = vector.shape_cast %reduce_sum3A_33 : vector<256xf32> to vector<1x256xf32>
    %div3A_35 = vector.broadcast %broadcast_in_dim3A_34 : vector<1x256xf32> to vector<32x256xf32>
    %div3A_36 = arith.divf %exp3A_31, %div3A_35 : vector<32x256xf32>
    %get3A_37 = arith.constant 0 : index
    %get3A_38 = arith.constant 0 : index
    %get3A_39 = vector.load %arg2[%get3A_37, %get3A_38] : memref<1000x16xf32, #tpu.memory_space<vmem>>, vector<1000x16xf32>
    %slice3A = vector.extract_strided_slice %get3A_39 {offsets = [0, 0], sizes = [1000, 1], strides = [1, 1]} : vector<1000x16xf32> to vector<1000x1xf32>
    %max3A = arith.constant 1.000000e+00 : f32
    %max3A_40 = vector.broadcast %max3A : f32 to vector<1000x1xf32>
    %max3A_41 = arith.maximumf %slice3A, %max3A_40 : vector<1000x1xf32>
    %get3A_42 = arith.constant 0 : index
    %get3A_43 = arith.constant 0 : index
    %get3A_44 = vector.load %arg1[%get3A_42, %get3A_43] : memref<1000x256xf32, #tpu.memory_space<vmem>>, vector<1000x256xf32>
    %div3A_45 = vector.broadcast %max3A_41 : vector<1000x1xf32> to vector<1000x256xf32>
    %div3A_46 = arith.divf %get3A_44, %div3A_45 : vector<1000x256xf32>
    %dot_general3A_47 = arith.constant dense<0.000000e+00> : vector<1000x256xf32>
    %dot_general3A_48 = tpu.matmul %div3A_46, %mul3A, %dot_general3A_47 {dimension_numbers = #tpu.dot_dimension_numbers<[1], [0], [0], [1], [0, 0, 1, 1], [], []>, transpose_lhs_hint = false} : vector<1000x256xf32>, vector<256x256xf32>, vector<1000x256xf32> -> vector<1000x256xf32>
    %get3A_49 = arith.constant 0 : index
    %get3A_50 = arith.constant 0 : index
    %get3A_51 = vector.load %arg3[%get3A_49, %get3A_50] : memref<1000x1xi32, #tpu.memory_space<vmem>>, vector<1000x1xi32>
    %iota3A_52 = tpu.iota {dimensions = array<i32: 1>} : vector<1000x32xi32>
    %eq3A_53 = vector.broadcast %get3A_51 : vector<1000x1xi32> to vector<1000x32xi32>
    %eq3A_54 = arith.cmpi eq, %eq3A_53, %iota3A_52 : vector<1000x32xi32>
    %convert_element_type3A_55 = arith.extui %eq3A_54 : vector<1000x32xi1> to vector<1000x32xi32>
    %convert_element_type3A_56 = arith.sitofp %convert_element_type3A_55 : vector<1000x32xi32> to vector<1000x32xf32>
    %dot_general3A_57 = arith.constant dense<0.000000e+00> : vector<1000x256xf32>
    %dot_general3A_58 = tpu.matmul %convert_element_type3A_56, %div3A_36, %dot_general3A_57 {dimension_numbers = #tpu.dot_dimension_numbers<[1], [0], [0], [1], [0, 0, 1, 1], [], []>, transpose_lhs_hint = false} : vector<1000x32xf32>, vector<32x256xf32>, vector<1000x256xf32> -> vector<1000x256xf32>
    %mul3A_59 = arith.mulf %dot_general3A_58, %dot_general3A_48 : vector<1000x256xf32>
    %iota3A_60 = tpu.iota {dimensions = array<i32: 0>} : vector<256x16xi32>
    %iota3A_61 = tpu.iota {dimensions = array<i32: 1>} : vector<256x16xi32>
    %rem3A_62 = arith.constant 16 : i32
    %rem3A_63 = vector.broadcast %rem3A_62 : i32 to vector<256x16xi32>
    %rem3A_64 = arith.remsi %iota3A_60, %rem3A_63 : vector<256x16xi32>
    %eq3A_65 = arith.cmpi eq, %rem3A_64, %iota3A_61 : vector<256x16xi32>
    %convert_element_type3A_66 = arith.extui %eq3A_65 : vector<256x16xi1> to vector<256x16xi32>
    %convert_element_type3A_67 = arith.sitofp %convert_element_type3A_66 : vector<256x16xi32> to vector<256x16xf32>
    %dot_general3A_68 = arith.constant dense<0.000000e+00> : vector<1000x16xf32>
    %dot_general3A_69 = tpu.matmul %mul3A_59, %convert_element_type3A_67, %dot_general3A_68 {dimension_numbers = #tpu.dot_dimension_numbers<[1], [0], [0], [1], [0, 0, 1, 1], [], []>, transpose_lhs_hint = false} : vector<1000x256xf32>, vector<256x16xf32>, vector<1000x16xf32> -> vector<1000x16xf32>
    %iota3A_70 = tpu.iota {dimensions = array<i32: 0>} : vector<16x256xi32>
    %iota3A_71 = tpu.iota {dimensions = array<i32: 1>} : vector<16x256xi32>
    %rem3A_72 = arith.constant 16 : i32
    %rem3A_73 = vector.broadcast %rem3A_72 : i32 to vector<16x256xi32>
    %rem3A_74 = arith.remsi %iota3A_71, %rem3A_73 : vector<16x256xi32>
    %eq3A_75 = arith.cmpi eq, %iota3A_70, %rem3A_74 : vector<16x256xi32>
    %convert_element_type3A_76 = arith.extui %eq3A_75 : vector<16x256xi1> to vector<16x256xi32>
    %convert_element_type3A_77 = arith.sitofp %convert_element_type3A_76 : vector<16x256xi32> to vector<16x256xf32>
    %dot_general3A_78 = arith.constant dense<0.000000e+00> : vector<1000x256xf32>
    %dot_general3A_79 = tpu.matmul %dot_general3A_69, %convert_element_type3A_77, %dot_general3A_78 {dimension_numbers = #tpu.dot_dimension_numbers<[1], [0], [0], [1], [0, 0, 1, 1], [], []>, transpose_lhs_hint = false} : vector<1000x16xf32>, vector<16x256xf32>, vector<1000x256xf32> -> vector<1000x256xf32>
    %log3A = math.log %dot_general3A_69 : vector<1000x16xf32>
    %swap3A = arith.constant 0 : index
    %swap3A_80 = arith.constant 0 : index
    %swap3A_81 = vector.load %arg6[%swap3A, %swap3A_80] : memref<1000x16xf32, #tpu.memory_space<vmem>>, vector<1000x16xf32>
    tpu.vector_store %arg6[%swap3A, %swap3A_80], %log3A {strides = array<i32>} : memref<1000x16xf32, #tpu.memory_space<vmem>>, vector<1000x16xf32>,
    %div3A_82 = arith.divf %mul3A_59, %dot_general3A_79 : vector<1000x256xf32>
    %swap3A_83 = arith.constant 0 : index
    %swap3A_84 = arith.constant 0 : index
    %swap3A_85 = vector.load %arg7[%swap3A_83, %swap3A_84] : memref<1000x256xf32, #tpu.memory_space<vmem>>, vector<1000x256xf32>
    tpu.vector_store %arg7[%swap3A_83, %swap3A_84], %div3A_82 {strides = array<i32>} : memref<1000x256xf32, #tpu.memory_space<vmem>>, vector<1000x256xf32>,
    return
  }
  func.func @transform_0(%arg0: i32) -> (i32, i32) {
    %c0_i32 = arith.constant 0 : i32
    %c0_i32_0 = arith.constant 0 : i32
    return %arg0, %c0_i32 : i32, i32
  }
  func.func @transform_1(%arg0: i32) -> (i32, i32) {
    %c0_i32 = arith.constant 0 : i32
    %c0_i32_0 = arith.constant 0 : i32
    return %arg0, %c0_i32 : i32, i32
  }
  func.func @transform_2(%arg0: i32) -> (i32, i32) {
    %c0_i32 = arith.constant 0 : i32
    %c0_i32_0 = arith.constant 0 : i32
    return %arg0, %c0_i32 : i32, i32
  }
  func.func @transform_3(%arg0: i32) -> (i32, i32) {
    %c0_i32 = arith.constant 0 : i32
    %c0_i32_0 = arith.constant 0 : i32
    %c0_i32_1 = arith.constant 0 : i32
    return %c0_i32, %c0_i32_0 : i32, i32
  }
  func.func @transform_4(%arg0: i32) -> (i32, i32) {
    %c0_i32 = arith.constant 0 : i32
    %c0_i32_0 = arith.constant 0 : i32
    %c0_i32_1 = arith.constant 0 : i32
    return %c0_i32, %c0_i32_0 : i32, i32
  }
  func.func @transform_5(%arg0: i32) -> (i32, i32) {
    %c0_i32 = arith.constant 0 : i32
    %c0_i32_0 = arith.constant 0 : i32
    return %arg0, %c0_i32 : i32, i32
  }
  func.func @transform_6(%arg0: i32) -> (i32, i32) {
    %c0_i32 = arith.constant 0 : i32
    %c0_i32_0 = arith.constant 0 : i32
    return %arg0, %c0_i32 : i32, i32
  }
}

</mosaic_0001>

<sc_bundles>
// kernel: kernel.4.cloned.1.call-start
scs
__scs_entry_jumppad:
0x0: {  	(pc) =	sbr.rel $0x88, $3  }
0x1: {  	(tag) =	ssettag $0x0;
	lr =	simm.s32 $0x1  }
0x2: {  	[smem:$0x3F9C] =	sst lr;
	_ =	strace $0xD0000000  }
0x3: {  	_ = 	snop  }
0x4: {  	_ = 	snop  }
0x5: {  	_ = 	snop  }
0x6: {  	_ = 	snop  }
0x7: {  	_ = 	snop  }
__scs_overlays_trampoline_lowered:
0x8: {  	[smem:$0x3FAB] =	sst s0  }
0x9: {  	[smem:$0x3FAC] =	sst s1  }
0xa: {  	[smem:$0x3FAD] =	sst s2  }
0xb: {  	[smem:$0x3FAE] =	sst s3  }
0xc: {  	[smem:$0x3FAF] =	sst s4  }
0xd: {  	[smem:$0x3FB0] =	sst s5  }
0xe: {  	[smem:$0x3FB1] =	sst s6  }
0xf: {  	[smem:$0x3FB2] =	sst s7  }
0x10: {  	[smem:$0x3FB3] =	sst s8  }
0x11: {  	[smem:$0x3FB4] =	sst s9;
	s0 =	simm.s32 @!p0 $0x0  }
0x12: {  	s1 =	sld [smem:$0x3F9A];
	s0 =	simm.s32 @p0 $0x1  }
0x13: {  	[smem:$0x3FB5] =	sst s0;
	s0 =	simm.s32 @!p1 $0x0  }
0x14: {  	s2 =	sld [smem:$0x3F99];
	s0 =	simm.s32 @p1 $0x1  }
0x15: {  	[smem:$0x3FB6] =	sst s0;
	s0 =	simm.s32 @!p2 $0x0  }
0x16: {  	s3 =	sld [smem:$0x3FDB];
	s0 =	simm.s32 @p2 $0x1  }
0x17: {  	s4 =	simm.s32 $0x1BF5;
	[smem:$0x3FB8] =	sst s0  }
0x18: {  	s0 =	sld [smem:$0x3F9B];
	_ =	swait.ge [sflag:s4], $0x0  }
0x19: {  	s7 =	sld [smem:$0x3F9C]  }
0x1a: {  	s8 =	sadd.s32 $0xFFFFE003, lr  }
0x1b: {  	s9 =	sadd.s32 $0xFFFFFEF7, lr;
	s5 =	simm.s32 $0xFFFFFFFF;
	p2 =	slt.u32 s8, $0xFFFFF086  }
0x1c: {  	p1 =	slt.u32 s9, $0xF7A;
	s5 =	simm.s32 @!p2 $0x0  }
0x1d: {  	s5 =	simm.s32 @p1 $0x1;
	p0 =	seq.s32 s7, s2  }
0x1e: {  	s7 =	smul.u32 @!p0 $0xF7A, s2;
	p2 =	seq.s32 @!p0 s5, $0x0  }
0x1f: {  	s9 =	smul.u32 $0xF7A, s1;
	s8 =	simm.s32 @!p0 $0x1BF5;
	p2 =	por !p2, p0  }
0x20: {  	[sflag:s8] =	ssyncset.s32 @!p0 $0xFFFFF086;
	s6 =	sadd.s32 @!p0 s3, s7;
	s7 =	simm.s32 @!p0 $0x108  }
0x21: {  	s3 =	sadd.s32 s3, s9;
	s6 =	sadd.s32 @!p0 $0x88, s6;
	s7 =	simm.s32 @p2 $0x1082  }
0x22: {  	[simem:s7], [sflag:s8] =	dma.local @!p0 [hbm:s6], $0xF7A  }
0x23: {  	s9 =	sor.u32 $0xD0000000, s2;
	s6 =	simm.s32 $0x108;
	_ =	swait.ge @!p0 [sflag:s8], $0x0  }
0x24: {  	s3 =	sadd.s32 $0x88, s3;
	s6 =	simm.s32 @!p1 $0x1082;
	[sflag:s4] =	ssyncset.s32 $0xFFFFF086  }
0x25: {  	[simem:s6], [sflag:s4] =	dma.local [hbm:s3], $0xF7A  }
0x26: {  	[smem:$0x3F9C] =	sst s1;
	(tag) =	ssettag s2;
	_ =	strace s9  }
0x27: {  	s1 =	sld [smem:$0x3FAC]  }
0x28: {  	s2 =	sld [smem:$0x3FAD]  }
0x29: {  	s4 =	sld [smem:$0x3FAF]  }
0x2a: {  	p0 =	seq.s32 s5, $0x0;
	s5 =	sld [smem:$0x3FB0]  }
0x2b: {  	s6 =	sld [smem:$0x3FB1]  }
0x2c: {  	s7 =	sld [smem:$0x3FB2]  }
0x2d: {  	s3 =	simm.s32 $0x108;
	s8 =	sld [smem:$0x3FB3]  }
0x2e: {  	s3 =	simm.s32 @!p0 $0x1082;
	s9 =	sld [smem:$0x3FB4]  }
0x2f: {  	lr =	sadd.s32 s0, s3;
	s0 =	sld [smem:$0x3FAB]  }
0x30: {  	s3 =	sld [smem:$0x3FAE]  }
0x31: {  	[smem:$0x3FB7] =	sst s10  }
0x32: {  	s10 =	sld [smem:$0x3FB5];
	_ =	sdelay $0x3  }
0x33: {  	p0 =	seq.s32 s10, $0x1;
	s10 =	sld [smem:$0x3FB7];
	_ =	sdelay $0x3  }
0x34: {  	[smem:$0x3FB7] =	sst s10  }
0x35: {  	s10 =	sld [smem:$0x3FB6];
	_ =	sdelay $0x3  }
0x36: {  	p1 =	seq.s32 s10, $0x1;
	s10 =	sld [smem:$0x3FB7];
	_ =	sdelay $0x3  }
0x37: {  	[smem:$0x3FB7] =	sst s10  }
0x38: {  	s10 =	sld [smem:$0x3FB8]  }
0x39: {  	_ = 	snop;
	(pc) =	sbr.ind lr, $3  }
0x3a: {  	_ = 	snop  }
0x3b: {  	_ = 	snop  }
0x3c: {  	p2 =	seq.s32 s10, $0x1;
	s10 =	sld [smem:$0x3FB7]  }
0x3d: {  	_ =	shalt  }
0x3e: {  	_ =	shalt  }
0x3f: {  	_ =	shalt  }
0x40: {  	_ =	shalt  }
0x41: {  	_ =	shalt  }
0x42: {  	_ =	shalt  }
0x43: {  	_ =	shalt  }
0x44: {  	_ =	shalt  }
0x45: {  	_ =	shalt  }
0x46: {  	_ =	shalt  }
0x47: {  	_ =	shalt  }
0x48: {  	_ =	shalt  }
0x49: {  	_ =	shalt  }
0x4a: {  	_ =	shalt  }
0x4b: {  	_ =	shalt  }
0x4c: {  	_ =	shalt  }
0x4d: {  	_ =	shalt  }
0x4e: {  	_ =	shalt  }
0x4f: {  	_ =	shalt  }
0x50: {  	_ =	shalt  }
0x51: {  	_ =	shalt  }
0x52: {  	_ =	shalt  }
0x53: {  	_ =	shalt  }
0x54: {  	_ =	shalt  }
0x55: {  	_ =	shalt  }
0x56: {  	_ =	shalt  }
0x57: {  	_ =	shalt  }
0x58: {  	_ =	shalt  }
0x59: {  	_ =	shalt  }
0x5a: {  	_ =	shalt  }
0x5b: {  	_ =	shalt  }
0x5c: {  	_ =	shalt  }
0x5d: {  	_ =	shalt  }
0x5e: {  	_ =	shalt  }
0x5f: {  	_ =	shalt  }
0x60: {  	_ =	shalt  }
0x61: {  	_ =	shalt  }
0x62: {  	_ =	shalt  }
0x63: {  	_ =	shalt  }
0x64: {  	_ =	shalt  }
0x65: {  	_ =	shalt  }
0x66: {  	_ =	shalt  }
0x67: {  	_ =	shalt  }
0x68: {  	_ =	shalt  }
0x69: {  	_ =	shalt  }
0x6a: {  	_ =	shalt  }
0x6b: {  	_ =	shalt  }
0x6c: {  	_ =	shalt  }
0x6d: {  	_ =	shalt  }
0x6e: {  	_ =	shalt  }
0x6f: {  	_ =	shalt  }
0x70: {  	_ =	shalt  }
0x71: {  	_ =	shalt  }
0x72: {  	_ =	shalt  }
0x73: {  	_ =	shalt  }
0x74: {  	_ =	shalt  }
0x75: {  	_ =	shalt  }
0x76: {  	_ =	shalt  }
0x77: {  	_ =	shalt  }
0x78: {  	_ =	shalt  }
0x79: {  	_ =	shalt  }
0x7a: {  	_ =	shalt  }
0x7b: {  	_ =	shalt  }
0x7c: {  	_ =	shalt  }
0x7d: {  	_ =	shalt  }
0x7e: {  	_ =	shalt  }
0x7f: {  	_ =	shalt  }
0x80: {  	_ =	shalt  }
0x81: {  	_ =	shalt  }
0x82: {  	_ =	shalt  }
0x83: {  	_ =	shalt  }
0x84: {  	_ =	shalt  }
0x85: {  	_ =	shalt  }
0x86: {  	_ =	shalt  }
0x87: {  	_ =	shalt  }
.Lfunc_end0:
.L_simem_size_0:
called_computation_lowered:
.L_overlay_start_0:
0x88: {  	s2 =	sld [smem:$0x3FD9]  }
0x89: {  	s3 =	sld [smem:$0x3FFE];
	_ =	sdelay $0x1  }
0x8a: {  	s1 =	srdreg.scid  }
0x8b: {  	s0 =	sand.u32 $0x1, s1  }
0x8c: {  	s14 =	sshll.u32 s0, $0xA;
	s2 =	sadd.s32 s3, s2  }
0x8d: {  	s2 =	sadd.s32 s2, s14  }
0x8e: {  	[smem:$0x3FC3] =	sst s2  }
0x8f: {  	_ = 	snop  }
0x90: {  	s2 =	sld [smem:$0x3FD0];
	_ =	sdelay $0x2  }
0x91: {  	s15 =	simm.s32 $0xA;
	s4 =	simm.s32 $0x10  }
0x92: {  	[smem:s4], [sflag:s15] =	dma.local [hbm:s2], $0x1  }
0x93: {  	_ =	swait.eq [sflag:s15], $0x1  }
0x94: {  	[sflag:s15] =	ssyncset.done $0x0  }
0x95: {  	s16 =	sld [smem:$0x10];
	[sflag:s15] =	ssyncadd.s32 $0xFFFFFFFF  }
0x96: {  	s17 =	sld [smem:$0x11];
	(tm) =	ssettm $0x1  }
0x97: {  	s18 =	sld [smem:$0x3FFB];
	_ =	sdelay $0x3  }
0x98: {  	_ =	strace s18  }
0x99: {  	s4 =	sld [smem:$0x3FFC];
	_ =	sdelay $0x3  }
0x9a: {  	_ =	strace s4  }
0x9b: {  	s4 =	sld [smem:$0x3FFD];
	_ =	sdelay $0x3  }
0x9c: {  	_ =	strace s4  }
0x9d: {  	_ =	strace $0x8FFFFFFF  }
0x9e: {  	s19 =	sld [smem:$0x3FDB];
	_ =	sdelay $0x1  }
0x9f: {  	s5 =	simm.s32 $_scs_section_size  }
0xa0: {  	s6 =	simm.s32 $_size__tile_overlayer_lowered;
	s7 =	simm.s32 $_tile_overlayer_lowered  }
0xa1: {  	s22 =	simm.s32 $0x1BFF;
	s21 =	sshll.u32 s7, $0x1;
	s4 =	sadd.s32 s5, s19  }
0xa2: {  	s8 =	simm.s32 $0x0;
	s20 =	sshll.u32 s6, $0x1;
	s6 =	sadd.s32 s21, s4  }
0xa3: {  	[timem:s8], [sflag:s22] =	dma.local [hbm:s6], s20  }
0xa4: {  	_ =	swait.ge [sflag:s22], s20  }
0xa5: {  	s5 =	ssub.s32 $0x0, s20;
	[sflag:s22] =	ssyncset.done $0x0  }
0xa6: {  	[sflag:s22] =	ssyncadd.s32 s5;
	_ =	sdelay $0x1  }
0xa7: {  	s23 =	simm.s32 $0x1B8B  }
0xa8: {  	_ =	swait.ge [sflag:s23], $0x1  }
0xa9: {  	[sflag:s23] =	ssyncset.done $0x0  }
0xaa: {  	s25 =	simm.s32 $0x1B8E;
	s24 =	sld [smem:$0x3FFE];
	[sflag:s23] =	ssyncadd.s32 $0xFFFFFFFF  }
0xab: {  	s26 =	simm.s32 $execute0_lowered;
	[smem:$0x3FD2] =	sst s25  }
0xac: {  	s6 =	sshll.u32 s26, $0x1;
	_ =	strace $0x80000046;
	[dreg:$0x1] =	wrdreg $0xFFFFFFFF  }
0xad: {  	s28 =	simm.s32 $_size_execute0_lowered;
	s4 =	sadd.s32 s4, s6;
	[dreg:$0x0] =	wrdreg $0x0  }
0xae: {  	s6 =	sshll.u32 s28, $0x1;
	[dreg:$0x2] =	wrdreg s4  }
0xaf: {  	[dreg:$0x3] =	wrdreg s6  }
0xb0: {  	[dreg:$0x4] =	wrdreg $0xC0  }
0xb1: {  	_ =	task [dreg:s8], $0x5FFFF  }
0xb2: {  	[dreg:$0x1] =	wrdreg $0xFFFFFFFF  }
0xb3: {  	[dreg:$0x0] =	wrdreg $0x60  }
0xb4: {  	[dreg:$0x2] =	wrdreg s17  }
0xb5: {  	[dreg:$0x3] =	wrdreg s24  }
0xb6: {  	[dreg:$0x4] =	wrdreg s16  }
0xb7: {  	[dreg:$0x5] =	wrdreg $0x0  }
0xb8: {  	[dreg:$0x6] =	wrdreg $0x140000  }
0xb9: {  	[dreg:$0x7] =	wrdreg $0x9  }
0xba: {  	_ =	task.clear_ibuf [dreg:s8], $0x8FFFF;
	_ =	strace $0x90000046  }
0xbb: {  	s29 =	simm.s32 $0x9;
	_ =	strace $0x80000048  }
0xbc: {  	_ =	swait.ge [sflag:s29], $0x1  }
0xbd: {  	[sflag:s29] =	ssyncadd.s32 $0xFFFFFFFF  }
0xbe: {  	_ =	strace $0x90000048  }
0xbf: {  	_ =	sfence  }
0xc0: {  	s30 =	sld [smem:$0x0];
	_ =	sdelay $0x2  }
0xc1: {  	s31 =	sshll.u32 s1, $0xD;
	s1 =	sshrl.u32 s1, $0x2  }
0xc2: {  	s3 =	sand.u32 $0x4000, s31;
	s1 =	sadd.s32 s1, s30  }
0xc3: {  	s0 =	sor.u32 s3, s0;
	s1 =	sshll.u32 s1, $0x11  }
0xc4: {  	s0 =	sor.u32 s1, s0  }
0xc5: {  	s0 =	sadd.s32 $0x8F2B, s0  }
0xc6: {  	[sflag:s0] =	ssyncadd.remote.s32 $0x1  }
0xc7: {  	_ =	sfence.sel $0xFFFF  }
0xc8: {  	[dreg:$0x0] =	wrdreg $0xFFFFFFFF;
	(pc) =	sbr.abs _section_cstart, $3  }
0xc9: {  	[dreg:$0x1] =	wrdreg $0xFFFFFFFF  }
0xca: {  	_ =	task.clear_ibuf [dreg:s8], $0x2FFFF;
	_ =	strace $0x9FFFFFFF  }
0xcb: {  	(tm) =	ssettm $0x7FFFFFFF  }
tec
execute0_lowered:
.L_overlay_start_1:
0x0: {  	(tag) =	ssettag $0x1  }
0x1: {  	s1 =	rddreg [dreg:$0x0]  }
0x2: {  	s0 =	rddreg [dreg:$0x1]  }
0x3: {  	s5 =	rddreg [dreg:$0x2]  }
0x4: {  	s2 =	rddreg [dreg:$0x3]  }
0x5: {  	s3 =	rddreg [dreg:$0x4];
	s4 =	simm.s32 $0x0;
	s6 =	srdreg.scid  }
0x6: {  	s18 =	stileid.u32;
	[smem:$0x7FF] =	sst s4;
	s8 =	sand.u32 $0x1, s6  }
0x7: {  	s6 =	sadd.s32 $0x5A00, s0;
	s7 =	sadd.s32 $0xA00, s0;
	s0 =	sadd.s32 $0xAA00, s0  }
0x8: {  	s20 =	sshll.u32 s18, $0xE;
	s21 =	sshll.u32 s18, $0xA;
	s23 =	sshll.u32 s18, $0x6  }
0x9: {  	s15 =	smul.u32 $0xC8, s18;
	p0 =	sgt.u32 s18, $0x8;
	_ =	strace $0x80000047  }
0xa: {  	s9 =	ssub.s32 $0x2, s8;
	s13 =	smul.u32 $0x1388, s8;
	s8 =	sadd.s32 s20, s2  }
0xb: {  	s22 =	sadd.s32 s21, s3;
	s25 =	sor.u32 $0x800, s23;
	[dreg:$0x9] =	wrdreg s23  }
0xc: {  	s14 =	sor.u32 $0xC00, s23;
	s19 =	sor.u32 $0x1000, s23;
	[dreg:$0x7] =	wrdreg s8  }
0xd: {  	s23 =	smul.u32 $0x2800, s18;
	s10 =	sshrl.u32 s9, $0x1;
	[dreg:$0x8] =	wrdreg s22  }
0xe: {  	s8 =	sor.u32 $0x10, s18;
	s26 =	sshll.u32 s25, $0x8;
	s16 =	sshll.u32 s14, $0x8  }
0xf: {  	s29 =	sshll.u32 s14, $0x4;
	s22 =	sshll.u32 s19, $0x8;
	s14 =	simm.s32 $0x5  }
0x10: {  	s9 =	ssub.s32 s9, s10;
	s11 =	sshll.u32 s8, $0xE;
	s12 =	sshll.u32 s8, $0xA  }
0x11: {  	s17 =	smul.u32 $0xC8, s8;
	s28 =	sadd.s32 s16, s2;
	s30 =	sadd.s32 s15, s13  }
0x12: {  	s11 =	sadd.s32 s11, s2;
	s24 =	sadd.s32 s12, s3;
	[dreg:$0xe] =	wrdreg s28  }
0x13: {  	s12 =	sadd.s32 s26, s2;
	s15 =	sshll.u32 s30, $0x5;
	[dreg:$0xa] =	wrdreg s11  }
0x14: {  	s26 =	smul.u32 $0x3200, s18;
	s9 =	smax.u32 s9, $0x1;
	[dreg:$0xb] =	wrdreg s24  }
0x15: {  	s11 =	sshll.u32 s25, $0x4;
	[dreg:$0xc] =	wrdreg s12;
	s31 =	sadd.s32 s13, s17  }
0x16: {  	s17 =	sshll.u32 s30, $0x1;
	s24 =	smul.u32 $0x32000, s18;
	s25 =	sshrl.u32 s23, $0x3  }
0x17: {  	[dreg:$0x18] =	wrdreg s9;
	s9 =	simm.s32 $0x1;
	s12 =	simm.s32 $0x15800  }
0x18: {  	v0 =	vmov s13;
	s13 =	simm.s32 $0x15B00;
	s18 =	simm.s32 $0x1DE80;
	s11 =	sadd.s32 s11, s3  }
0x19: {  	s16 =	sshll.u32 s31, $0x5;
	s20 =	sadd.s32 s5, s17;
	[dreg:$0xd] =	wrdreg s11  }
0x1a: {  	s21 =	sshll.u32 s31, $0x1;
	s28 =	sadd.s32 s6, s25;
	[dreg:$0x12] =	wrdreg s20  }
0x1b: {  	s30 =	sshrl.u32 s26, $0x2;
	s11 =	sadd.s32 s29, s3;
	[dreg:$0x16] =	wrdreg s28  }
0x1c: {  	s17 =	simm.s32 $0x15E00;
	s5 =	sadd.s32 s5, s21;
	[dreg:$0xf] =	wrdreg s11  }
0x1d: {  	s29 =	smul.u32 $0x32000, s8;
	s11 =	sadd.s32 s0, s15;
	[dreg:$0x13] =	wrdreg s5  }
0x1e: {  	s8 =	smul.u32 $0x3200, s8;
	s0 =	sadd.s32 s0, s16;
	[dreg:$0x10] =	wrdreg s11  }
0x1f: {  	s5 =	sadd.s32 s22, s2;
	s15 =	simm.s32 $0x7;
	[dreg:$0x11] =	wrdreg s0  }
0x20: {  	s16 =	simm.s32 $0x40;
	[dreg:$0x14] =	wrdreg s5;
	s0 =	sshll.u32 s19, $0x4  }
0x21: {  	s5 =	sshrl.u32 s24, $0x2;
	s11 =	sadd.s32 s30, s3;
	s8 =	sshrl.u32 s8, $0x2  }
0x22: {  	s0 =	sadd.s32 s0, s3;
	s5 =	sadd.s32 s5, s2;
	s8 =	sadd.s32 s8, s3  }
0x23: {  	s31 =	sshrl.u32 s11, $0x3;
	[dreg:$0x15] =	wrdreg s0;
	s0 =	sadd.s32 s7, s25  }
.Ltmp0:
0x24: {  	[dreg:$0x17] =	wrdreg s0;
	s0 =	sshrl.u32 s29, $0x2;
	(pc) =	sbr.rel .LBB2_1-.Ltmp0, $4  }
0x25: {  	s5 =	sshrl.u32 s5, $0x3;
	[dreg:$0x1a] =	wrdreg s31;
	s0 =	sadd.s32 s0, s2  }
0x26: {  	s11 =	simm.s32 $0x2;
	[dreg:$0x19] =	wrdreg s5;
	s0 =	sshrl.u32 @!p0 s0, $0x3  }
0x27: {  	v1 =	vimm.f32 $1.000000000e+00;
	v4 =	vlaneseq.u32;
	s25 =	sor.u32 $0x200, s23;
	[dreg:$0x1b] =	wrdreg s0;
	s0 =	sshrl.u32 @!p0 s8, $0x3  }
0x28: {  	v2 =	vimm.f32 $0.0e+00;
	v3 =	vimm.s32 $0x0;
	v4 =	vor.u32 $0x2F0, v4;
	s5 =	simm.s32 $0x9;
	[dreg:$0x1c] =	wrdreg s0;
	s0 =	simm.s32 $0x15E80  }
.LBB2_9:
0x29: {  	p1 =	slt.s32 s21, $0x1  }
0x2a: {  	v5 =	vimm.s32 @!p1 $0x1388  }
0x2b: {  	v6 =	vimm.s32 @!p1 $0x0;
	s4 =	sand.u32 @!p1 $0x7FFFFFF8, s21;
	s8 =	sand.u32 @!p1 $0x7, s20;
	[tilespmem:s21+$0x15800] =	vst @!p1 v5  }
0x2c: {  	[tilespmem:s21+$0x15B00] =	vst @!p1 v6;
	s4 =	sor.u32 @!p1 s8, s4  }
0x2d: {  	[tilespmem:s4+$0x15810] =	vst @!p1 v5  }
0x2e: {  	[tilespmem:s4+$0x15B10] =	vst @!p1 v6  }
0x2f: {  	[tilespmem:s4+$0x15820] =	vst @!p1 v5  }
0x30: {  	[tilespmem:s4+$0x15B20] =	vst @!p1 v6  }
0x31: {  	[tilespmem:s4+$0x15830] =	vst @!p1 v5  }
0x32: {  	s10 =	simm.s32 @!p1 $0x15E80;
	s8 =	simm.s32 @!p1 $0x15B00;
	[tilespmem:s4+$0x15B30] =	vst @!p1 v6;
	s4 =	simm.s32 @!p1 $0x40  }
0x33: {  	[tilespmem:s10], [sflag:$0x3] =	stream.indirect.gather @!p1 [hbm4b:s1+s4], $0x100, s8, s4, $0xb8;
	[tilespmem:$0x1E680] =	vst v63  }
0x34: {  	v5 =	vld @!p1 [tilespmem:$0x15800]  }
0x35: {  	v6 =	vld @!p1 [tilespmem:$0x15810]  }
0x36: {  	v7 =	vld @!p1 [tilespmem:$0x15820]  }
0x37: {  	v8 =	vld @!p1 [tilespmem:$0x15830];
	_ =	sdelay $0x1  }
0x38: {  	[tilespmem:$0x15E00] =	vst @!p1 v5  }
0x39: {  	[tilespmem:$0x15E10] =	vst @!p1 v6  }
0x3a: {  	[tilespmem:$0x15E20] =	vst @!p1 v7  }
0x3b: {  	s19 =	simm.s32 @!p1 $0x1DE80;
	s8 =	simm.s32 @!p1 $0x15E00;
	[tilespmem:$0x15E30] =	vst @!p1 v8  }
0x3c: {  	[spmem:s3] =	stream.indirect.scatter.add.f32 @!p1 [tilespmem:s19], [sflag:$0x7], $0x10, s8, s4, $0xb8;
	[tilespmem:$0x1E680] =	vst v63  }
0x3d: {  	s19 =	simm.s32 @!p1 $0x3  }
0x3e: {  	_ =	swait.ge @!p1 [sflag:s19], $0x4000  }
0x3f: {  	[sflag:s19] =	ssyncset.done @!p1 $0x0  }
0x40: {  	[sflag:s19] =	ssyncadd.s32 @!p1 $0xFFFFC000  }
0x41: {  	[spmem:s2] =	stream.indirect.scatter.add.f32 @!p1 [tilespmem:s10], [sflag:$0x9], $0x100, s8, s4, $0xb8;
	[tilespmem:$0x1E680] =	vst v63  }
0x42: {  	s4 =	simm.s32 @!p1 $0x9  }
0x43: {  	_ =	swait.ge @!p1 [sflag:s4], $0x4000  }
0x44: {  	[sflag:s4] =	ssyncset.done @!p1 $0x0  }
0x45: {  	[sflag:s4] =	ssyncadd.s32 @!p1 $0xFFFFC000;
	s4 =	simm.s32 @!p1 $0x7  }
0x46: {  	_ =	swait.ge @!p1 [sflag:s4], $0x400  }
0x47: {  	[sflag:s4] =	ssyncset.done @!p1 $0x0  }
0x48: {  	[sflag:s4] =	ssyncadd.s32 @!p1 $0xFFFFFC00  }
0x49: {  	[bflag:$0x0] =	sbarrier.arrive $0xFFFF  }
0x4a: {  	s23 =	rddreg [dreg:$0x9]  }
0x4b: {  	s24 =	rddreg [dreg:$0x10]  }
0x4c: {  	s26 =	rddreg [dreg:$0x19];
	s4 =	sor.u32 $0x1C09, s23  }
0x4d: {  	[hbm:s24], [sflag:s4] =	dma.local [spmem:s26], $0x1900  }
0x4e: {  	_ =	swait.ge [sflag:s5], $0x1900  }
0x4f: {  	[sflag:s5] =	ssyncset.done $0x0;
	s28 =	rddreg [dreg:$0x12]  }
0x50: {  	s29 =	rddreg [dreg:$0x1a];
	[sflag:s5] =	ssyncadd.s32 $0xFFFFE700  }
0x51: {  	[hbm:s28], [sflag:s4] =	dma.local [spmem:s29], $0x190  }
0x52: {  	_ =	swait.ge [sflag:s5], $0x190  }
0x53: {  	[sflag:s5] =	ssyncset.done $0x0;
	s8 =	rddreg [dreg:$0x11]  }
0x54: {  	s10 =	rddreg [dreg:$0x1b];
	[sflag:s5] =	ssyncadd.s32 $0xFFFFFE70  }
0x55: {  	[hbm:s8], [sflag:s4] =	dma.local @!p0 [spmem:s10], $0x1900  }
0x56: {  	s8 =	simm.s32 @!p0 $0x9  }
0x57: {  	_ =	swait.ge @!p0 [sflag:s8], $0x1900  }
0x58: {  	[sflag:s8] =	ssyncset.done @!p0 $0x0;
	s10 =	rddreg [dreg:$0x13]  }
0x59: {  	s19 =	rddreg [dreg:$0x1c];
	[sflag:s8] =	ssyncadd.s32 @!p0 $0xFFFFE700  }
0x5a: {  	[hbm:s10], [sflag:s4] =	dma.local @!p0 [spmem:s19], $0x190  }
0x5b: {  	_ =	swait.ge @!p0 [sflag:s8], $0x190  }
0x5c: {  	s30 =	rddreg [dreg:$0x6]  }
0x5d: {  	s31 =	rddreg [dreg:$0x18];
	s4 =	sadd.s32 $0x1, s30  }
0x5e: {  	p1 =	sne.s32 s4, s31  }
.Ltmp1:
0x5f: {  	_ = 	snop;
	(pc) =	sbr.rel @!p1 .LBB2_10-.Ltmp1, $3  }
0x60: {  	_ =	sdelay $0x1  }
0x61: {  	[sflag:s8] =	ssyncset.done @!p0 $0x0  }
0x62: {  	[sflag:s8] =	ssyncadd.s32 @!p0 $0xFFFFFE70  }
.LBB2_1:
0x63: {  	s20 =	simm.s32 $0x0  }
0x64: {  	[tilespmem:s20+$0x1DE80] =	vst v1  }
0x65: {  	s19 =	simm.s32 $0x15F00;
	[tilespmem:s20+$0x1E280] =	vst v2;
	s20 =	simm.s32 $0x40  }
.LBB2_2:
0x66: {  	p1 =	sne.s32 s20, $0xFC0;
	[tilespmem:s19+$0xFFFFFF90] =	vst v2  }
0x67: {  	[tilespmem:s19+$0xFFFFFF80] =	vst v2  }
0x68: {  	[tilespmem:s19+$0xFFFFFFA0] =	vst v2  }
0x69: {  	[tilespmem:s19+$0xFFFFFFB0] =	vst v2  }
0x6a: {  	[tilespmem:s19+$0xFFFFFFC0] =	vst v2  }
0x6b: {  	[tilespmem:s19+$0xFFFFFFD0] =	vst v2  }
0x6c: {  	[tilespmem:s19+$0xFFFFFFE0] =	vst v2  }
0x6d: {  	[tilespmem:s19+$0xFFFFFFF0] =	vst v2  }
0x6e: {  	[tilespmem:s19+$0x0] =	vst v2  }
0x6f: {  	[tilespmem:s19+$0x10] =	vst v2  }
0x70: {  	[tilespmem:s19+$0x20] =	vst v2  }
0x71: {  	[tilespmem:s19+$0x30] =	vst v2  }
0x72: {  	[tilespmem:s19+$0x40] =	vst v2  }
.Ltmp2:
0x73: {  	[tilespmem:s19+$0x50] =	vst v2;
	(pc) =	sbr.rel @p1 .LBB2_2-.Ltmp2, $4  }
0x74: {  	[tilespmem:s19+$0x60] =	vst v2  }
0x75: {  	s21 =	sshra.s32 s20, $0x2;
	[tilespmem:s19+$0x70] =	vst v2  }
0x76: {  	[tilespmem:s21+$0x1DE80] =	vst v1  }
0x77: {  	s20 =	sadd.s32 $0x40, s20;
	s19 =	sadd.s32 $0x100, s19;
	[tilespmem:s21+$0x1E280] =	vst v2  }
0x78: {  	[tilespmem:s19+$0xFFFFFF90] =	vst v2  }
0x79: {  	[tilespmem:s19+$0xFFFFFF80] =	vst v2  }
0x7a: {  	[tilespmem:s19+$0xFFFFFFA0] =	vst v2  }
0x7b: {  	[tilespmem:s19+$0xFFFFFFB0] =	vst v2  }
0x7c: {  	[tilespmem:s19+$0xFFFFFFC0] =	vst v2  }
0x7d: {  	[tilespmem:s19+$0xFFFFFFD0] =	vst v2  }
0x7e: {  	[tilespmem:s19+$0xFFFFFFE0] =	vst v2  }
0x7f: {  	[tilespmem:s19+$0xFFFFFFF0] =	vst v2  }
0x80: {  	[tilespmem:s19+$0x0] =	vst v2  }
0x81: {  	[tilespmem:s19+$0x10] =	vst v2  }
0x82: {  	[tilespmem:s19+$0x20] =	vst v2  }
0x83: {  	[tilespmem:s19+$0x30] =	vst v2  }
0x84: {  	[tilespmem:s19+$0x40] =	vst v2  }
0x85: {  	[tilespmem:s19+$0x50] =	vst v2  }
0x86: {  	[dreg:$0x6] =	wrdreg s4;
	[tilespmem:s19+$0x60] =	vst v2  }
0x87: {  	[tilespmem:s19+$0x70] =	vst v2;
	s30 =	rddreg [dreg:$0x7]  }
0x88: {  	[spmem:s30] =	stream.linear.scatter [tilespmem:s0], [sflag:$0x9], $0x4000, $0x38;
	[tilespmem:$0x1E680] =	vst v63  }
0x89: {  	_ =	swait.ge [sflag:s5], $0x4000  }
0x8a: {  	[sflag:s5] =	ssyncset.done $0x0  }
0x8b: {  	s8 =	simm.s32 $0x1E280;
	s31 =	rddreg [dreg:$0x8];
	[sflag:s5] =	ssyncadd.s32 $0xFFFFC000  }
0x8c: {  	[spmem:s31] =	stream.linear.scatter [tilespmem:s8], [sflag:$0x9], $0x400, $0x38;
	[tilespmem:$0x1E680] =	vst v63  }
0x8d: {  	_ =	swait.ge [sflag:s5], $0x400  }
0x8e: {  	[sflag:s5] =	ssyncset.done $0x0  }
0x8f: {  	s10 =	rddreg [dreg:$0xa];
	[sflag:s5] =	ssyncadd.s32 $0xFFFFFC00  }
0x90: {  	[spmem:s10] =	stream.linear.scatter [tilespmem:s0], [sflag:$0x9], $0x4000, $0x38;
	[tilespmem:$0x1E680] =	vst v63  }
0x91: {  	_ =	swait.ge [sflag:s5], $0x4000  }
0x92: {  	[sflag:s5] =	ssyncset.done $0x0  }
0x93: {  	s19 =	rddreg [dreg:$0xb];
	[sflag:s5] =	ssyncadd.s32 $0xFFFFC000  }
0x94: {  	[spmem:s19] =	stream.linear.scatter [tilespmem:s8], [sflag:$0x9], $0x400, $0x38;
	[tilespmem:$0x1E680] =	vst v63  }
0x95: {  	_ =	swait.ge [sflag:s5], $0x400  }
0x96: {  	[sflag:s5] =	ssyncset.done $0x0  }
0x97: {  	s20 =	rddreg [dreg:$0xc];
	[sflag:s5] =	ssyncadd.s32 $0xFFFFFC00  }
0x98: {  	[spmem:s20] =	stream.linear.scatter [tilespmem:s0], [sflag:$0x9], $0x4000, $0x38;
	[tilespmem:$0x1E680] =	vst v63  }
0x99: {  	_ =	swait.ge [sflag:s5], $0x4000  }
0x9a: {  	[sflag:s5] =	ssyncset.done $0x0  }
0x9b: {  	s21 =	rddreg [dreg:$0xd];
	[sflag:s5] =	ssyncadd.s32 $0xFFFFC000  }
0x9c: {  	[spmem:s21] =	stream.linear.scatter [tilespmem:s8], [sflag:$0x9], $0x400, $0x38;
	[tilespmem:$0x1E680] =	vst v63  }
0x9d: {  	_ =	swait.ge [sflag:s5], $0x400  }
0x9e: {  	[sflag:s5] =	ssyncset.done $0x0  }
0x9f: {  	s22 =	rddreg [dreg:$0xe];
	[sflag:s5] =	ssyncadd.s32 $0xFFFFFC00  }
0xa0: {  	[spmem:s22] =	stream.linear.scatter [tilespmem:s0], [sflag:$0x9], $0x4000, $0x38;
	[tilespmem:$0x1E680] =	vst v63  }
0xa1: {  	_ =	swait.ge [sflag:s5], $0x4000  }
0xa2: {  	[sflag:s5] =	ssyncset.done $0x0  }
0xa3: {  	s23 =	rddreg [dreg:$0xf];
	[sflag:s5] =	ssyncadd.s32 $0xFFFFC000  }
0xa4: {  	[spmem:s23] =	stream.linear.scatter [tilespmem:s8], [sflag:$0x9], $0x400, $0x38;
	[tilespmem:$0x1E680] =	vst v63  }
0xa5: {  	_ =	swait.ge [sflag:s5], $0x400  }
0xa6: {  	[sflag:s5] =	ssyncset.done $0x0  }
0xa7: {  	s24 =	rddreg [dreg:$0x14];
	[sflag:s5] =	ssyncadd.s32 $0xFFFFFC00  }
0xa8: {  	[spmem:s24] =	stream.linear.scatter [tilespmem:s0], [sflag:$0x9], $0x4000, $0x38;
	[tilespmem:$0x1E680] =	vst v63  }
0xa9: {  	_ =	swait.ge [sflag:s5], $0x4000  }
0xaa: {  	[sflag:s5] =	ssyncset.done $0x0  }
0xab: {  	s26 =	rddreg [dreg:$0x15];
	[sflag:s5] =	ssyncadd.s32 $0xFFFFC000  }
0xac: {  	[spmem:s26] =	stream.linear.scatter [tilespmem:s8], [sflag:$0x9], $0x400, $0x38;
	[tilespmem:$0x1E680] =	vst v63  }
0xad: {  	_ =	swait.ge [sflag:s5], $0x400  }
0xae: {  	[sflag:s5] =	ssyncset.done $0x0  }
0xaf: {  	[sflag:s5] =	ssyncadd.s32 $0xFFFFFC00  }
.Ltmp3:
0xb0: {  	[bflag:$0x0] =	sbarrier.arrive $0xFFFF;
	(pc) =	sbr.rel .LBB2_4-.Ltmp3, $4  }
0xb1: {  	s29 =	simm.s32 $0x15400;
	s21 =	simm.s32 $0x0;
	s28 =	rddreg [dreg:$0x16]  }
0xb2: {  	[tilespmem:s29], [sflag:$0x1] =	stream.linear.gather [hbm4b:s28+s21], $0x200, $0x38;
	[tilespmem:$0x1E680] =	vst v63  }
0xb3: {  	s31 =	simm.s32 $0x15600;
	s19 =	simm.s32 $0x0;
	s30 =	rddreg [dreg:$0x17]  }
0xb4: {  	[tilespmem:s31], [sflag:$0x2] =	stream.linear.gather [hbm4b:s30+s21], $0x200, $0x38;
	[tilespmem:$0x1E680] =	vst v63  }
.LBB2_7:
0xb5: {  	[sflag:s31] =	ssyncadd.s32 @!p2 $0xFFFFC000  }
0xb6: {  	[spmem:s2] =	stream.indirect.scatter.add.f32 @!p2 [tilespmem:s28], [sflag:$0x6], $0x100, s30, s29, $0xb8;
	[tilespmem:$0x1E680] =	vst v63  }
.LBB2_8:
0xb7: {  	p1 =	slt.s32 s21, $0x1  }
0xb8: {  	s4 =	simm.s32 @!p1 $0x5  }
0xb9: {  	_ =	swait.ge @!p1 [sflag:s4], $0x4000  }
0xba: {  	[sflag:s4] =	ssyncset.done @!p1 $0x0  }
0xbb: {  	s8 =	sand.u32 @!p1 $0x1, s21;
	[sflag:s4] =	ssyncadd.s32 @!p1 $0xFFFFC000;
	s4 =	simm.s32 @!p1 $0x7  }
0xbc: {  	p2 =	seq.s32 @!p1 s8, $0x1;
	_ =	swait.ge @!p1 [sflag:s4], $0x400  }
0xbd: {  	p2 =	por p2, p1;
	[sflag:s4] =	ssyncset.done @!p1 $0x0  }
0xbe: {  	[sflag:s4] =	ssyncadd.s32 @!p1 $0xFFFFFC00;
	s4 =	simm.s32 @!p2 $0x6  }
0xbf: {  	_ =	swait.ge @!p2 [sflag:s4], $0x4000  }
0xc0: {  	[sflag:s4] =	ssyncset.done @!p2 $0x0  }
0xc1: {  	[sflag:s4] =	ssyncadd.s32 @!p2 $0xFFFFC000;
	s4 =	simm.s32 @!p2 $0x8  }
0xc2: {  	_ =	swait.ge @!p2 [sflag:s4], $0x400  }
0xc3: {  	[sflag:s4] =	ssyncset.done @!p2 $0x0  }
0xc4: {  	s31 =	sshll.u32 s21, $0x6;
	[sflag:s4] =	ssyncadd.s32 @!p2 $0xFFFFFC00  }
0xc5: {  	v5 =	vld [tilespmem:s31+$0x15800]  }
0xc6: {  	v6 =	vld [tilespmem:s31+$0x15B00];
	_ =	sdelay $0x3  }
0xc7: {  	[tilespmem:$0x15800] =	vst v5  }
0xc8: {  	[tilespmem:$0x15B00] =	vst v6  }
0xc9: {  	v5 =	vld [tilespmem:s31+$0x15810]  }
0xca: {  	v6 =	vld [tilespmem:s31+$0x15B10];
	_ =	sdelay $0x3  }
0xcb: {  	[tilespmem:$0x15810] =	vst v5  }
0xcc: {  	[tilespmem:$0x15B10] =	vst v6  }
0xcd: {  	v5 =	vld [tilespmem:s31+$0x15820]  }
0xce: {  	v6 =	vld [tilespmem:s31+$0x15B20];
	_ =	sdelay $0x3  }
0xcf: {  	[tilespmem:$0x15820] =	vst v5  }
0xd0: {  	[tilespmem:$0x15B20] =	vst v6  }
0xd1: {  	s19 =	sadd.s32 $0x1, s19;
	v5 =	vld [tilespmem:s31+$0x15830]  }
0xd2: {  	p1 =	sne.s32 s19, $0x14;
	v6 =	vld [tilespmem:s31+$0x15B30]  }
.Ltmp4:
0xd3: {  	_ = 	snop;
	(pc) =	sbr.rel @!p1 .LBB2_9-.Ltmp4, $3  }
0xd4: {  	_ =	sdelay $0x1  }
0xd5: {  	[tilespmem:$0x15830] =	vst v5  }
0xd6: {  	s21 =	ssub.s32 s20, s31;
	[tilespmem:$0x15B30] =	vst v6  }
.LBB2_4:
0xd7: {  	_ =	swait.ge [sflag:s9], $0x200  }
0xd8: {  	[sflag:s9] =	ssyncset.done $0x0  }
0xd9: {  	[sflag:s9] =	ssyncadd.s32 $0xFFFFFE00  }
0xda: {  	_ =	swait.ge [sflag:s11], $0x200  }
0xdb: {  	[sflag:s11] =	ssyncset.done $0x0  }
0xdc: {  	[sflag:s11] =	ssyncadd.s32 $0xFFFFFE00  }
0xdd: {  	v5 =	vld [tilespmem:$0x15400];
	_ =	sdelay $0x4  }
0xde: {  	v5 =	vsub.s32 v5, v0  }
0xdf: {  	vm0 =	vlt.u32 v5, $0x1388  }
0xe0: {  	v6 =	vsel vm0, $0x1, v3  }
0xe1: {  	(xrf0) =	vadd.scan.msk.s32 $0xffff, v6;
	_ =	sdelay $0x2  }
0xe2: {  	v6 =	vmov s21  }
0xe3: {  	v6 =	vadd.s32 $0xFFFFFFFF, v6  }
0xe4: {  	v6 =	vbroadcast v6, $0x0  }
0xe5: {  	v7, _, _ =	vpop (xrf0)  }
0xe6: {  	v6 =	vadd.s32 v7, v6;
	v7 =	vxor.u32 $0x80000000, v7  }
0xe7: {  	(xrf0) =	vmax.scan.msk.u32 $0xffff, v7  }
0xe8: {  	v6 =	vsel vm0, v6, v4;
	_ =	sdelay $0x1  }
0xe9: {  	v7 =	vld [tilespmem:$0x15600];
	_ =	sdelay $0x2  }
0xea: {  	[tilespmem:v6+s12+$0x0] =	vst.idx.msk $0xffff, v5;
	v5, _, _ =	vpop (xrf0)  }
0xeb: {  	(v2sf) =	vpush v5, $0xF  }
0xec: {  	[tilespmem:v6+s13+$0x0] =	vst.idx.msk $0xffff, v7  }
0xed: {  	v5 =	vld [tilespmem:$0x15410];
	_ =	sdelay $0x4  }
0xee: {  	v5 =	vsub.s32 v5, v0  }
0xef: {  	vm9 =	vlt.u32 v5, $0x1388  }
0xf0: {  	v6 =	vsel vm9, $0x1, v3  }
0xf1: {  	(xrf0) =	vadd.scan.msk.s32 $0xffff, v6;
	_ =	sdelay $0x4  }
0xf2: {  	s20 =	spop (v2sf)  }
0xf3: {  	v6, _, _ =	vpop (xrf0);
	s20 =	sadd.s32 s20, s21  }
0xf4: {  	v7 =	vxor.u32 $0x80000000, v6;
	s20 =	sadd.s32 $0x80000000, s20  }
0xf5: {  	(xrf0) =	vmax.scan.msk.u32 $0xffff, v7;
	v7 =	vmov s20  }
0xf6: {  	v7 =	vadd.s32 $0xFFFFFFFF, v7  }
0xf7: {  	v7 =	vbroadcast v7, $0x0;
	_ =	sdelay $0x3  }
0xf8: {  	v6 =	vadd.s32 v6, v7;
	v7, _, _ =	vpop (xrf0)  }
0xf9: {  	v6 =	vsel vm9, v6, v4;
	(v2sf) =	vpush v7, $0xF  }
0xfa: {  	v7 =	vld [tilespmem:$0x15610];
	_ =	sdelay $0x3  }
0xfb: {  	[tilespmem:v6+s12+$0x0] =	vst.idx.msk $0xffff, v5  }
0xfc: {  	[tilespmem:v6+s13+$0x0] =	vst.idx.msk $0xffff, v7  }
0xfd: {  	v5 =	vld [tilespmem:$0x15420];
	_ =	sdelay $0x4  }
0xfe: {  	v5 =	vsub.s32 v5, v0  }
0xff: {  	vm10 =	vlt.u32 v5, $0x1388  }
0x100: {  	v6 =	vsel vm10, $0x1, v3  }
0x101: {  	(xrf0) =	vadd.scan.msk.s32 $0xffff, v6;
	s30 =	spop (v2sf)  }
0x102: {  	s20 =	sadd.s32 s30, s20  }
0x103: {  	s20 =	sadd.s32 $0x80000000, s20  }
0x104: {  	v6 =	vmov s20  }
0x105: {  	v6 =	vadd.s32 $0xFFFFFFFF, v6  }
0x106: {  	v6 =	vbroadcast v6, $0x0  }
0x107: {  	v7, _, _ =	vpop (xrf0)  }
0x108: {  	v6 =	vadd.s32 v7, v6;
	v7 =	vxor.u32 $0x80000000, v7  }
0x109: {  	(xrf0) =	vmax.scan.msk.u32 $0xffff, v7  }
0x10a: {  	v6 =	vsel vm10, v6, v4;
	_ =	sdelay $0x1  }
0x10b: {  	v7 =	vld [tilespmem:$0x15620];
	_ =	sdelay $0x2  }
0x10c: {  	[tilespmem:v6+s12+$0x0] =	vst.idx.msk $0xffff, v5;
	v5, _, _ =	vpop (xrf0)  }
0x10d: {  	(v2sf) =	vpush v5, $0xF  }
0x10e: {  	[tilespmem:v6+s13+$0x0] =	vst.idx.msk $0xffff, v7  }
0x10f: {  	v5 =	vld [tilespmem:$0x15430];
	_ =	sdelay $0x4  }
0x110: {  	v5 =	vsub.s32 v5, v0  }
0x111: {  	vm11 =	vlt.u32 v5, $0x1388  }
0x112: {  	v6 =	vsel vm11, $0x1, v3  }
0x113: {  	(xrf0) =	vadd.scan.msk.s32 $0xffff, v6;
	_ =	sdelay $0x4  }
0x114: {  	s31 =	spop (v2sf)  }
0x115: {  	v6, _, _ =	vpop (xrf0);
	s20 =	sadd.s32 s31, s20  }
0x116: {  	v7 =	vxor.u32 $0x80000000, v6;
	s20 =	sadd.s32 $0x80000000, s20  }
0x117: {  	(xrf0) =	vmax.scan.msk.u32 $0xffff, v7;
	v7 =	vmov s20  }
0x118: {  	v7 =	vadd.s32 $0xFFFFFFFF, v7  }
0x119: {  	v7 =	vbroadcast v7, $0x0;
	_ =	sdelay $0x3  }
0x11a: {  	v6 =	vadd.s32 v6, v7;
	v7, _, _ =	vpop (xrf0)  }
0x11b: {  	v6 =	vsel vm11, v6, v4;
	(v2sf) =	vpush v7, $0xF  }
0x11c: {  	v7 =	vld [tilespmem:$0x15630];
	_ =	sdelay $0x3  }
0x11d: {  	[tilespmem:v6+s12+$0x0] =	vst.idx.msk $0xffff, v5  }
0x11e: {  	[tilespmem:v6+s13+$0x0] =	vst.idx.msk $0xffff, v7  }
0x11f: {  	v5 =	vld [tilespmem:$0x15440];
	_ =	sdelay $0x4  }
0x120: {  	v5 =	vsub.s32 v5, v0  }
0x121: {  	vm12 =	vlt.u32 v5, $0x1388  }
0x122: {  	v6 =	vsel vm12, $0x1, v3  }
0x123: {  	(xrf0) =	vadd.scan.msk.s32 $0xffff, v6;
	s4 =	spop (v2sf)  }
0x124: {  	s20 =	sadd.s32 s4, s20  }
0x125: {  	s20 =	sadd.s32 $0x80000000, s20  }
0x126: {  	v6 =	vmov s20  }
0x127: {  	v6 =	vadd.s32 $0xFFFFFFFF, v6  }
0x128: {  	v6 =	vbroadcast v6, $0x0  }
0x129: {  	v7, _, _ =	vpop (xrf0)  }
0x12a: {  	v6 =	vadd.s32 v7, v6;
	v7 =	vxor.u32 $0x80000000, v7  }
0x12b: {  	(xrf0) =	vmax.scan.msk.u32 $0xffff, v7  }
0x12c: {  	v6 =	vsel vm12, v6, v4;
	_ =	sdelay $0x1  }
0x12d: {  	v7 =	vld [tilespmem:$0x15640];
	_ =	sdelay $0x2  }
0x12e: {  	[tilespmem:v6+s12+$0x0] =	vst.idx.msk $0xffff, v5;
	v5, _, _ =	vpop (xrf0)  }
0x12f: {  	(v2sf) =	vpush v5, $0xF  }
0x130: {  	[tilespmem:v6+s13+$0x0] =	vst.idx.msk $0xffff, v7  }
0x131: {  	v5 =	vld [tilespmem:$0x15450];
	_ =	sdelay $0x4  }
0x132: {  	v5 =	vsub.s32 v5, v0  }
0x133: {  	vm13 =	vlt.u32 v5, $0x1388  }
0x134: {  	v6 =	vsel vm13, $0x1, v3  }
0x135: {  	(xrf0) =	vadd.scan.msk.s32 $0xffff, v6;
	_ =	sdelay $0x4  }
0x136: {  	s8 =	spop (v2sf)  }
0x137: {  	v6, _, _ =	vpop (xrf0);
	s20 =	sadd.s32 s8, s20  }
0x138: {  	v7 =	vxor.u32 $0x80000000, v6;
	s20 =	sadd.s32 $0x80000000, s20  }
0x139: {  	(xrf0) =	vmax.scan.msk.u32 $0xffff, v7;
	v7 =	vmov s20  }
0x13a: {  	v7 =	vadd.s32 $0xFFFFFFFF, v7  }
0x13b: {  	v7 =	vbroadcast v7, $0x0;
	_ =	sdelay $0x3  }
0x13c: {  	v6 =	vadd.s32 v6, v7;
	v7, _, _ =	vpop (xrf0)  }
0x13d: {  	v6 =	vsel vm13, v6, v4;
	(v2sf) =	vpush v7, $0xF  }
0x13e: {  	v7 =	vld [tilespmem:$0x15650];
	_ =	sdelay $0x3  }
0x13f: {  	[tilespmem:v6+s12+$0x0] =	vst.idx.msk $0xffff, v5  }
0x140: {  	[tilespmem:v6+s13+$0x0] =	vst.idx.msk $0xffff, v7  }
0x141: {  	v5 =	vld [tilespmem:$0x15460];
	_ =	sdelay $0x4  }
0x142: {  	v5 =	vsub.s32 v5, v0  }
0x143: {  	vm14 =	vlt.u32 v5, $0x1388  }
0x144: {  	v6 =	vsel vm14, $0x1, v3  }
0x145: {  	(xrf0) =	vadd.scan.msk.s32 $0xffff, v6;
	s10 =	spop (v2sf)  }
0x146: {  	s20 =	sadd.s32 s10, s20  }
0x147: {  	s20 =	sadd.s32 $0x80000000, s20  }
0x148: {  	v6 =	vmov s20  }
0x149: {  	v6 =	vadd.s32 $0xFFFFFFFF, v6  }
0x14a: {  	v6 =	vbroadcast v6, $0x0  }
0x14b: {  	v7, _, _ =	vpop (xrf0)  }
0x14c: {  	v6 =	vadd.s32 v7, v6;
	v7 =	vxor.u32 $0x80000000, v7  }
0x14d: {  	(xrf0) =	vmax.scan.msk.u32 $0xffff, v7  }
0x14e: {  	v6 =	vsel vm14, v6, v4;
	_ =	sdelay $0x1  }
0x14f: {  	v7 =	vld [tilespmem:$0x15660];
	_ =	sdelay $0x2  }
0x150: {  	[tilespmem:v6+s12+$0x0] =	vst.idx.msk $0xffff, v5;
	v5, _, _ =	vpop (xrf0)  }
0x151: {  	(v2sf) =	vpush v5, $0xF  }
0x152: {  	[tilespmem:v6+s13+$0x0] =	vst.idx.msk $0xffff, v7  }
0x153: {  	v5 =	vld [tilespmem:$0x15470];
	_ =	sdelay $0x4  }
0x154: {  	v5 =	vsub.s32 v5, v0  }
0x155: {  	vm15 =	vlt.u32 v5, $0x1388  }
0x156: {  	v6 =	vsel vm15, $0x1, v3  }
0x157: {  	(xrf0) =	vadd.scan.msk.s32 $0xffff, v6;
	_ =	sdelay $0x4  }
0x158: {  	s22 =	spop (v2sf)  }
0x159: {  	v6, _, _ =	vpop (xrf0);
	s20 =	sadd.s32 s22, s20  }
0x15a: {  	v7 =	vxor.u32 $0x80000000, v6;
	s20 =	sadd.s32 $0x80000000, s20  }
0x15b: {  	(xrf0) =	vmax.scan.msk.u32 $0xffff, v7;
	v7 =	vmov s20  }
0x15c: {  	v7 =	vadd.s32 $0xFFFFFFFF, v7  }
0x15d: {  	v7 =	vbroadcast v7, $0x0;
	_ =	sdelay $0x3  }
0x15e: {  	v6 =	vadd.s32 v6, v7;
	v7, _, _ =	vpop (xrf0)  }
0x15f: {  	v6 =	vsel vm15, v6, v4;
	(v2sf) =	vpush v7, $0xF  }
0x160: {  	v7 =	vld [tilespmem:$0x15670];
	_ =	sdelay $0x3  }
0x161: {  	[tilespmem:v6+s12+$0x0] =	vst.idx.msk $0xffff, v5  }
0x162: {  	[tilespmem:v6+s13+$0x0] =	vst.idx.msk $0xffff, v7  }
0x163: {  	v5 =	vld [tilespmem:$0x15480];
	_ =	sdelay $0x4  }
0x164: {  	v5 =	vsub.s32 v5, v0  }
0x165: {  	vm4 =	vlt.u32 v5, $0x1388  }
0x166: {  	v6 =	vsel vm4, $0x1, v3  }
0x167: {  	(xrf0) =	vadd.scan.msk.s32 $0xffff, v6;
	s23 =	spop (v2sf)  }
0x168: {  	s20 =	sadd.s32 s23, s20  }
0x169: {  	s20 =	sadd.s32 $0x80000000, s20  }
0x16a: {  	v6 =	vmov s20  }
0x16b: {  	v6 =	vadd.s32 $0xFFFFFFFF, v6  }
0x16c: {  	v6 =	vbroadcast v6, $0x0  }
0x16d: {  	v7, _, _ =	vpop (xrf0)  }
0x16e: {  	v6 =	vadd.s32 v7, v6;
	v7 =	vxor.u32 $0x80000000, v7  }
0x16f: {  	(xrf0) =	vmax.scan.msk.u32 $0xffff, v7  }
0x170: {  	v6 =	vsel vm4, v6, v4;
	_ =	sdelay $0x1  }
0x171: {  	v7 =	vld [tilespmem:$0x15680];
	_ =	sdelay $0x2  }
0x172: {  	[tilespmem:v6+s12+$0x0] =	vst.idx.msk $0xffff, v5;
	v5, _, _ =	vpop (xrf0)  }
0x173: {  	(v2sf) =	vpush v5, $0xF  }
0x174: {  	[tilespmem:v6+s13+$0x0] =	vst.idx.msk $0xffff, v7  }
0x175: {  	v5 =	vld [tilespmem:$0x15490];
	_ =	sdelay $0x4  }
0x176: {  	v5 =	vsub.s32 v5, v0  }
0x177: {  	vm5 =	vlt.u32 v5, $0x1388  }
0x178: {  	v6 =	vsel vm5, $0x1, v3  }
0x179: {  	(xrf0) =	vadd.scan.msk.s32 $0xffff, v6;
	_ =	sdelay $0x4  }
0x17a: {  	s24 =	spop (v2sf)  }
0x17b: {  	v6, _, _ =	vpop (xrf0);
	s20 =	sadd.s32 s24, s20  }
0x17c: {  	v7 =	vxor.u32 $0x80000000, v6;
	s20 =	sadd.s32 $0x80000000, s20  }
0x17d: {  	(xrf0) =	vmax.scan.msk.u32 $0xffff, v7;
	v7 =	vmov s20  }
0x17e: {  	v7 =	vadd.s32 $0xFFFFFFFF, v7  }
0x17f: {  	v7 =	vbroadcast v7, $0x0;
	_ =	sdelay $0x3  }
0x180: {  	v6 =	vadd.s32 v6, v7;
	v7, _, _ =	vpop (xrf0)  }
0x181: {  	v6 =	vsel vm5, v6, v4;
	(v2sf) =	vpush v7, $0xF  }
0x182: {  	v7 =	vld [tilespmem:$0x15690];
	_ =	sdelay $0x3  }
0x183: {  	[tilespmem:v6+s12+$0x0] =	vst.idx.msk $0xffff, v5  }
0x184: {  	[tilespmem:v6+s13+$0x0] =	vst.idx.msk $0xffff, v7  }
0x185: {  	v5 =	vld [tilespmem:$0x154A0];
	_ =	sdelay $0x4  }
0x186: {  	v5 =	vsub.s32 v5, v0  }
0x187: {  	vm6 =	vlt.u32 v5, $0x1388  }
0x188: {  	v6 =	vsel vm6, $0x1, v3  }
0x189: {  	(xrf0) =	vadd.scan.msk.s32 $0xffff, v6;
	s26 =	spop (v2sf)  }
0x18a: {  	s20 =	sadd.s32 s26, s20  }
0x18b: {  	s20 =	sadd.s32 $0x80000000, s20  }
0x18c: {  	v6 =	vmov s20  }
0x18d: {  	v6 =	vadd.s32 $0xFFFFFFFF, v6  }
0x18e: {  	v6 =	vbroadcast v6, $0x0  }
0x18f: {  	v7, _, _ =	vpop (xrf0)  }
0x190: {  	v6 =	vadd.s32 v7, v6;
	v7 =	vxor.u32 $0x80000000, v7  }
0x191: {  	(xrf0) =	vmax.scan.msk.u32 $0xffff, v7  }
0x192: {  	v6 =	vsel vm6, v6, v4;
	_ =	sdelay $0x1  }
0x193: {  	v7 =	vld [tilespmem:$0x156A0];
	_ =	sdelay $0x2  }
0x194: {  	[tilespmem:v6+s12+$0x0] =	vst.idx.msk $0xffff, v5;
	v5, _, _ =	vpop (xrf0)  }
0x195: {  	(v2sf) =	vpush v5, $0xF  }
0x196: {  	[tilespmem:v6+s13+$0x0] =	vst.idx.msk $0xffff, v7  }
0x197: {  	v5 =	vld [tilespmem:$0x154B0];
	_ =	sdelay $0x4  }
0x198: {  	v5 =	vsub.s32 v5, v0  }
0x199: {  	vm7 =	vlt.u32 v5, $0x1388  }
0x19a: {  	v6 =	vsel vm7, $0x1, v3  }
0x19b: {  	(xrf0) =	vadd.scan.msk.s32 $0xffff, v6;
	_ =	sdelay $0x4  }
0x19c: {  	s28 =	spop (v2sf)  }
0x19d: {  	v6, _, _ =	vpop (xrf0);
	s20 =	sadd.s32 s28, s20  }
0x19e: {  	v7 =	vxor.u32 $0x80000000, v6;
	s20 =	sadd.s32 $0x80000000, s20  }
0x19f: {  	(xrf0) =	vmax.scan.msk.u32 $0xffff, v7;
	v7 =	vmov s20  }
0x1a0: {  	v7 =	vadd.s32 $0xFFFFFFFF, v7  }
0x1a1: {  	v7 =	vbroadcast v7, $0x0;
	_ =	sdelay $0x3  }
0x1a2: {  	v6 =	vadd.s32 v6, v7;
	v7, _, _ =	vpop (xrf0)  }
0x1a3: {  	v6 =	vsel vm7, v6, v4;
	(v2sf) =	vpush v7, $0xF  }
0x1a4: {  	v7 =	vld [tilespmem:$0x156B0];
	_ =	sdelay $0x3  }
0x1a5: {  	[tilespmem:v6+s12+$0x0] =	vst.idx.msk $0xffff, v5  }
0x1a6: {  	[tilespmem:v6+s13+$0x0] =	vst.idx.msk $0xffff, v7  }
0x1a7: {  	v5 =	vld [tilespmem:$0x154C0];
	_ =	sdelay $0x4  }
0x1a8: {  	v5 =	vsub.s32 v5, v0  }
0x1a9: {  	vm8 =	vlt.u32 v5, $0x1388  }
0x1aa: {  	v6 =	vsel vm8, $0x1, v3  }
0x1ab: {  	(xrf0) =	vadd.scan.msk.s32 $0xffff, v6;
	s29 =	spop (v2sf)  }
0x1ac: {  	s20 =	sadd.s32 s29, s20  }
0x1ad: {  	s20 =	sadd.s32 $0x80000000, s20  }
0x1ae: {  	v6 =	vmov s20  }
0x1af: {  	v6 =	vadd.s32 $0xFFFFFFFF, v6  }
0x1b0: {  	v6 =	vbroadcast v6, $0x0  }
0x1b1: {  	v7, _, _ =	vpop (xrf0)  }
0x1b2: {  	v6 =	vadd.s32 v7, v6;
	v7 =	vxor.u32 $0x80000000, v7  }
0x1b3: {  	(xrf0) =	vmax.scan.msk.u32 $0xffff, v7  }
0x1b4: {  	v6 =	vsel vm8, v6, v4;
	_ =	sdelay $0x1  }
0x1b5: {  	v7 =	vld [tilespmem:$0x156C0];
	_ =	sdelay $0x2  }
0x1b6: {  	[tilespmem:v6+s12+$0x0] =	vst.idx.msk $0xffff, v5;
	v5, _, _ =	vpop (xrf0)  }
0x1b7: {  	(v2sf) =	vpush v5, $0xF  }
0x1b8: {  	[tilespmem:v6+s13+$0x0] =	vst.idx.msk $0xffff, v7  }
0x1b9: {  	v5 =	vld [tilespmem:$0x154D0];
	_ =	sdelay $0x4  }
0x1ba: {  	v5 =	vsub.s32 v5, v0  }
0x1bb: {  	vm9 =	vlt.u32 v5, $0x1388  }
0x1bc: {  	v6 =	vsel vm9, $0x1, v3  }
0x1bd: {  	(xrf0) =	vadd.scan.msk.s32 $0xffff, v6;
	_ =	sdelay $0x4  }
0x1be: {  	s30 =	spop (v2sf)  }
0x1bf: {  	v6, _, _ =	vpop (xrf0);
	s20 =	sadd.s32 s30, s20  }
0x1c0: {  	v7 =	vxor.u32 $0x80000000, v6;
	s20 =	sadd.s32 $0x80000000, s20  }
0x1c1: {  	(xrf0) =	vmax.scan.msk.u32 $0xffff, v7;
	v7 =	vmov s20  }
0x1c2: {  	v7 =	vadd.s32 $0xFFFFFFFF, v7  }
0x1c3: {  	v7 =	vbroadcast v7, $0x0;
	_ =	sdelay $0x3  }
0x1c4: {  	v6 =	vadd.s32 v6, v7;
	v7, _, _ =	vpop (xrf0)  }
0x1c5: {  	v6 =	vsel vm9, v6, v4;
	(v2sf) =	vpush v7, $0xF  }
0x1c6: {  	v7 =	vld [tilespmem:$0x156D0];
	_ =	sdelay $0x3  }
0x1c7: {  	[tilespmem:v6+s12+$0x0] =	vst.idx.msk $0xffff, v5  }
0x1c8: {  	[tilespmem:v6+s13+$0x0] =	vst.idx.msk $0xffff, v7  }
0x1c9: {  	v5 =	vld [tilespmem:$0x154E0];
	_ =	sdelay $0x4  }
0x1ca: {  	v5 =	vsub.s32 v5, v0  }
0x1cb: {  	vm10 =	vlt.u32 v5, $0x1388  }
0x1cc: {  	v6 =	vsel vm10, $0x1, v3  }
0x1cd: {  	(xrf0) =	vadd.scan.msk.s32 $0xffff, v6;
	s31 =	spop (v2sf)  }
0x1ce: {  	s20 =	sadd.s32 s31, s20  }
0x1cf: {  	s20 =	sadd.s32 $0x80000000, s20  }
0x1d0: {  	v6 =	vmov s20  }
0x1d1: {  	v6 =	vadd.s32 $0xFFFFFFFF, v6  }
0x1d2: {  	v6 =	vbroadcast v6, $0x0  }
0x1d3: {  	v7, _, _ =	vpop (xrf0)  }
0x1d4: {  	v6 =	vadd.s32 v7, v6;
	v7 =	vxor.u32 $0x80000000, v7  }
0x1d5: {  	(xrf0) =	vmax.scan.msk.u32 $0xffff, v7  }
0x1d6: {  	v6 =	vsel vm10, v6, v4;
	_ =	sdelay $0x1  }
0x1d7: {  	v7 =	vld [tilespmem:$0x156E0];
	_ =	sdelay $0x2  }
0x1d8: {  	[tilespmem:v6+s12+$0x0] =	vst.idx.msk $0xffff, v5;
	v5, _, _ =	vpop (xrf0)  }
0x1d9: {  	(v2sf) =	vpush v5, $0xF  }
0x1da: {  	[tilespmem:v6+s13+$0x0] =	vst.idx.msk $0xffff, v7  }
0x1db: {  	v5 =	vld [tilespmem:$0x154F0];
	_ =	sdelay $0x4  }
0x1dc: {  	v5 =	vsub.s32 v5, v0  }
0x1dd: {  	vm11 =	vlt.u32 v5, $0x1388  }
0x1de: {  	v6 =	vsel vm11, $0x1, v3  }
0x1df: {  	(xrf0) =	vadd.scan.msk.s32 $0xffff, v6;
	_ =	sdelay $0x4  }
0x1e0: {  	s4 =	spop (v2sf)  }
0x1e1: {  	v6, _, _ =	vpop (xrf0);
	s20 =	sadd.s32 s4, s20  }
0x1e2: {  	v7 =	vxor.u32 $0x80000000, v6;
	s20 =	sadd.s32 $0x80000000, s20  }
0x1e3: {  	(xrf0) =	vmax.scan.msk.u32 $0xffff, v7;
	v7 =	vmov s20  }
0x1e4: {  	v7 =	vadd.s32 $0xFFFFFFFF, v7  }
0x1e5: {  	v7 =	vbroadcast v7, $0x0;
	_ =	sdelay $0x3  }
0x1e6: {  	v6 =	vadd.s32 v6, v7;
	v7, _, _ =	vpop (xrf0)  }
0x1e7: {  	v6 =	vsel vm11, v6, v4;
	(v2sf) =	vpush v7, $0xF  }
0x1e8: {  	v7 =	vld [tilespmem:$0x156F0];
	_ =	sdelay $0x3  }
0x1e9: {  	[tilespmem:v6+s12+$0x0] =	vst.idx.msk $0xffff, v5  }
0x1ea: {  	[tilespmem:v6+s13+$0x0] =	vst.idx.msk $0xffff, v7  }
0x1eb: {  	v5 =	vld [tilespmem:$0x15500];
	_ =	sdelay $0x4  }
0x1ec: {  	v5 =	vsub.s32 v5, v0  }
0x1ed: {  	vm12 =	vlt.u32 v5, $0x1388  }
0x1ee: {  	v6 =	vsel vm12, $0x1, v3  }
0x1ef: {  	(xrf0) =	vadd.scan.msk.s32 $0xffff, v6;
	s8 =	spop (v2sf)  }
0x1f0: {  	s20 =	sadd.s32 s8, s20  }
0x1f1: {  	s20 =	sadd.s32 $0x80000000, s20  }
0x1f2: {  	v6 =	vmov s20  }
0x1f3: {  	v6 =	vadd.s32 $0xFFFFFFFF, v6  }
0x1f4: {  	v6 =	vbroadcast v6, $0x0  }
0x1f5: {  	v7, _, _ =	vpop (xrf0)  }
0x1f6: {  	v6 =	vadd.s32 v7, v6;
	v7 =	vxor.u32 $0x80000000, v7  }
0x1f7: {  	(xrf0) =	vmax.scan.msk.u32 $0xffff, v7  }
0x1f8: {  	v6 =	vsel vm12, v6, v4;
	_ =	sdelay $0x1  }
0x1f9: {  	v7 =	vld [tilespmem:$0x15700];
	_ =	sdelay $0x2  }
0x1fa: {  	[tilespmem:v6+s12+$0x0] =	vst.idx.msk $0xffff, v5;
	v5, _, _ =	vpop (xrf0)  }
0x1fb: {  	(v2sf) =	vpush v5, $0xF  }
0x1fc: {  	[tilespmem:v6+s13+$0x0] =	vst.idx.msk $0xffff, v7  }
0x1fd: {  	v5 =	vld [tilespmem:$0x15510];
	_ =	sdelay $0x4  }
0x1fe: {  	v5 =	vsub.s32 v5, v0  }
0x1ff: {  	vm13 =	vlt.u32 v5, $0x1388  }
0x200: {  	v6 =	vsel vm13, $0x1, v3  }
0x201: {  	(xrf0) =	vadd.scan.msk.s32 $0xffff, v6;
	_ =	sdelay $0x4  }
0x202: {  	s10 =	spop (v2sf)  }
0x203: {  	v6, _, _ =	vpop (xrf0);
	s20 =	sadd.s32 s10, s20  }
0x204: {  	v7 =	vxor.u32 $0x80000000, v6;
	s20 =	sadd.s32 $0x80000000, s20  }
0x205: {  	(xrf0) =	vmax.scan.msk.u32 $0xffff, v7;
	v7 =	vmov s20  }
0x206: {  	v7 =	vadd.s32 $0xFFFFFFFF, v7  }
0x207: {  	v7 =	vbroadcast v7, $0x0;
	_ =	sdelay $0x3  }
0x208: {  	v6 =	vadd.s32 v6, v7;
	v7, _, _ =	vpop (xrf0)  }
0x209: {  	v6 =	vsel vm13, v6, v4;
	(v2sf) =	vpush v7, $0xF  }
0x20a: {  	v7 =	vld [tilespmem:$0x15710];
	_ =	sdelay $0x3  }
0x20b: {  	[tilespmem:v6+s12+$0x0] =	vst.idx.msk $0xffff, v5  }
0x20c: {  	[tilespmem:v6+s13+$0x0] =	vst.idx.msk $0xffff, v7  }
0x20d: {  	v5 =	vld [tilespmem:$0x15520];
	_ =	sdelay $0x4  }
0x20e: {  	v5 =	vsub.s32 v5, v0  }
0x20f: {  	vm14 =	vlt.u32 v5, $0x1388  }
0x210: {  	v6 =	vsel vm14, $0x1, v3  }
0x211: {  	(xrf0) =	vadd.scan.msk.s32 $0xffff, v6;
	s22 =	spop (v2sf)  }
0x212: {  	s20 =	sadd.s32 s22, s20  }
0x213: {  	s20 =	sadd.s32 $0x80000000, s20  }
0x214: {  	v6 =	vmov s20  }
0x215: {  	v6 =	vadd.s32 $0xFFFFFFFF, v6  }
0x216: {  	v6 =	vbroadcast v6, $0x0  }
0x217: {  	v7, _, _ =	vpop (xrf0)  }
0x218: {  	v6 =	vadd.s32 v7, v6;
	v7 =	vxor.u32 $0x80000000, v7  }
0x219: {  	(xrf0) =	vmax.scan.msk.u32 $0xffff, v7  }
0x21a: {  	v6 =	vsel vm14, v6, v4;
	_ =	sdelay $0x1  }
0x21b: {  	v7 =	vld [tilespmem:$0x15720];
	_ =	sdelay $0x2  }
0x21c: {  	[tilespmem:v6+s12+$0x0] =	vst.idx.msk $0xffff, v5;
	v5, _, _ =	vpop (xrf0)  }
0x21d: {  	(v2sf) =	vpush v5, $0xF  }
0x21e: {  	[tilespmem:v6+s13+$0x0] =	vst.idx.msk $0xffff, v7  }
0x21f: {  	v5 =	vld [tilespmem:$0x15530];
	_ =	sdelay $0x4  }
0x220: {  	v5 =	vsub.s32 v5, v0  }
0x221: {  	vm15 =	vlt.u32 v5, $0x1388  }
0x222: {  	v6 =	vsel vm15, $0x1, v3  }
0x223: {  	(xrf0) =	vadd.scan.msk.s32 $0xffff, v6;
	_ =	sdelay $0x4  }
0x224: {  	s23 =	spop (v2sf)  }
0x225: {  	v6, _, _ =	vpop (xrf0);
	s20 =	sadd.s32 s23, s20  }
0x226: {  	v7 =	vxor.u32 $0x80000000, v6;
	s20 =	sadd.s32 $0x80000000, s20  }
0x227: {  	(xrf0) =	vmax.scan.msk.u32 $0xffff, v7;
	v7 =	vmov s20  }
0x228: {  	v7 =	vadd.s32 $0xFFFFFFFF, v7  }
0x229: {  	v7 =	vbroadcast v7, $0x0;
	_ =	sdelay $0x3  }
0x22a: {  	v6 =	vadd.s32 v6, v7;
	v7, _, _ =	vpop (xrf0)  }
0x22b: {  	v6 =	vsel vm15, v6, v4;
	(v2sf) =	vpush v7, $0xF  }
0x22c: {  	v7 =	vld [tilespmem:$0x15730];
	_ =	sdelay $0x3  }
0x22d: {  	[tilespmem:v6+s12+$0x0] =	vst.idx.msk $0xffff, v5  }
0x22e: {  	[tilespmem:v6+s13+$0x0] =	vst.idx.msk $0xffff, v7  }
0x22f: {  	v5 =	vld [tilespmem:$0x15540];
	_ =	sdelay $0x4  }
0x230: {  	v5 =	vsub.s32 v5, v0  }
0x231: {  	vm4 =	vlt.u32 v5, $0x1388  }
0x232: {  	v6 =	vsel vm4, $0x1, v3  }
0x233: {  	(xrf0) =	vadd.scan.msk.s32 $0xffff, v6;
	s24 =	spop (v2sf)  }
0x234: {  	s20 =	sadd.s32 s24, s20  }
0x235: {  	s20 =	sadd.s32 $0x80000000, s20  }
0x236: {  	v6 =	vmov s20  }
0x237: {  	v6 =	vadd.s32 $0xFFFFFFFF, v6  }
0x238: {  	v6 =	vbroadcast v6, $0x0  }
0x239: {  	v7, _, _ =	vpop (xrf0)  }
0x23a: {  	v6 =	vadd.s32 v7, v6;
	v7 =	vxor.u32 $0x80000000, v7  }
0x23b: {  	(xrf0) =	vmax.scan.msk.u32 $0xffff, v7  }
0x23c: {  	v6 =	vsel vm4, v6, v4;
	_ =	sdelay $0x1  }
0x23d: {  	v7 =	vld [tilespmem:$0x15740];
	_ =	sdelay $0x2  }
0x23e: {  	[tilespmem:v6+s12+$0x0] =	vst.idx.msk $0xffff, v5;
	v5, _, _ =	vpop (xrf0)  }
0x23f: {  	(v2sf) =	vpush v5, $0xF  }
0x240: {  	[tilespmem:v6+s13+$0x0] =	vst.idx.msk $0xffff, v7  }
0x241: {  	v5 =	vld [tilespmem:$0x15550];
	_ =	sdelay $0x4  }
0x242: {  	v5 =	vsub.s32 v5, v0  }
0x243: {  	vm5 =	vlt.u32 v5, $0x1388  }
0x244: {  	v6 =	vsel vm5, $0x1, v3  }
0x245: {  	(xrf0) =	vadd.scan.msk.s32 $0xffff, v6;
	_ =	sdelay $0x4  }
0x246: {  	s26 =	spop (v2sf)  }
0x247: {  	v6, _, _ =	vpop (xrf0);
	s20 =	sadd.s32 s26, s20  }
0x248: {  	v7 =	vxor.u32 $0x80000000, v6;
	s20 =	sadd.s32 $0x80000000, s20  }
0x249: {  	(xrf0) =	vmax.scan.msk.u32 $0xffff, v7;
	v7 =	vmov s20  }
0x24a: {  	v7 =	vadd.s32 $0xFFFFFFFF, v7  }
0x24b: {  	v7 =	vbroadcast v7, $0x0;
	_ =	sdelay $0x3  }
0x24c: {  	v6 =	vadd.s32 v6, v7;
	v7, _, _ =	vpop (xrf0)  }
0x24d: {  	v6 =	vsel vm5, v6, v4;
	(v2sf) =	vpush v7, $0xF  }
0x24e: {  	v7 =	vld [tilespmem:$0x15750];
	_ =	sdelay $0x3  }
0x24f: {  	[tilespmem:v6+s12+$0x0] =	vst.idx.msk $0xffff, v5  }
0x250: {  	[tilespmem:v6+s13+$0x0] =	vst.idx.msk $0xffff, v7  }
0x251: {  	v5 =	vld [tilespmem:$0x15560];
	_ =	sdelay $0x4  }
0x252: {  	v5 =	vsub.s32 v5, v0  }
0x253: {  	vm6 =	vlt.u32 v5, $0x1388  }
0x254: {  	v6 =	vsel vm6, $0x1, v3  }
0x255: {  	(xrf0) =	vadd.scan.msk.s32 $0xffff, v6;
	s28 =	spop (v2sf)  }
0x256: {  	s20 =	sadd.s32 s28, s20  }
0x257: {  	s20 =	sadd.s32 $0x80000000, s20  }
0x258: {  	v6 =	vmov s20  }
0x259: {  	v6 =	vadd.s32 $0xFFFFFFFF, v6  }
0x25a: {  	v6 =	vbroadcast v6, $0x0  }
0x25b: {  	v7, _, _ =	vpop (xrf0)  }
0x25c: {  	v6 =	vadd.s32 v7, v6;
	v7 =	vxor.u32 $0x80000000, v7  }
0x25d: {  	(xrf0) =	vmax.scan.msk.u32 $0xffff, v7  }
0x25e: {  	v6 =	vsel vm6, v6, v4;
	_ =	sdelay $0x1  }
0x25f: {  	v7 =	vld [tilespmem:$0x15760];
	_ =	sdelay $0x2  }
0x260: {  	[tilespmem:v6+s12+$0x0] =	vst.idx.msk $0xffff, v5;
	v5, _, _ =	vpop (xrf0)  }
0x261: {  	(v2sf) =	vpush v5, $0xF  }
0x262: {  	[tilespmem:v6+s13+$0x0] =	vst.idx.msk $0xffff, v7  }
0x263: {  	v5 =	vld [tilespmem:$0x15570];
	_ =	sdelay $0x4  }
0x264: {  	v5 =	vsub.s32 v5, v0  }
0x265: {  	vm7 =	vlt.u32 v5, $0x1388  }
0x266: {  	v6 =	vsel vm7, $0x1, v3  }
0x267: {  	(xrf0) =	vadd.scan.msk.s32 $0xffff, v6;
	_ =	sdelay $0x4  }
0x268: {  	s29 =	spop (v2sf)  }
0x269: {  	v6, _, _ =	vpop (xrf0);
	s20 =	sadd.s32 s29, s20  }
0x26a: {  	v7 =	vxor.u32 $0x80000000, v6;
	s20 =	sadd.s32 $0x80000000, s20  }
0x26b: {  	(xrf0) =	vmax.scan.msk.u32 $0xffff, v7;
	v7 =	vmov s20  }
0x26c: {  	v7 =	vadd.s32 $0xFFFFFFFF, v7  }
0x26d: {  	v7 =	vbroadcast v7, $0x0;
	_ =	sdelay $0x3  }
0x26e: {  	v6 =	vadd.s32 v6, v7;
	v7, _, _ =	vpop (xrf0)  }
0x26f: {  	v6 =	vsel vm7, v6, v4;
	(v2sf) =	vpush v7, $0xF  }
0x270: {  	v7 =	vld [tilespmem:$0x15770];
	_ =	sdelay $0x3  }
0x271: {  	[tilespmem:v6+s12+$0x0] =	vst.idx.msk $0xffff, v5  }
0x272: {  	[tilespmem:v6+s13+$0x0] =	vst.idx.msk $0xffff, v7  }
0x273: {  	v5 =	vld [tilespmem:$0x15580];
	_ =	sdelay $0x4  }
0x274: {  	v5 =	vsub.s32 v5, v0  }
0x275: {  	vm8 =	vlt.u32 v5, $0x1388  }
0x276: {  	v6 =	vsel vm8, $0x1, v3  }
0x277: {  	(xrf0) =	vadd.scan.msk.s32 $0xffff, v6;
	s30 =	spop (v2sf)  }
0x278: {  	s20 =	sadd.s32 s30, s20  }
0x279: {  	s20 =	sadd.s32 $0x80000000, s20  }
0x27a: {  	v6 =	vmov s20  }
0x27b: {  	v6 =	vadd.s32 $0xFFFFFFFF, v6  }
0x27c: {  	v6 =	vbroadcast v6, $0x0  }
0x27d: {  	v7, _, _ =	vpop (xrf0)  }
0x27e: {  	v6 =	vadd.s32 v7, v6;
	v7 =	vxor.u32 $0x80000000, v7  }
0x27f: {  	(xrf0) =	vmax.scan.msk.u32 $0xffff, v7  }
0x280: {  	v6 =	vsel vm8, v6, v4;
	_ =	sdelay $0x1  }
0x281: {  	v7 =	vld [tilespmem:$0x15780];
	_ =	sdelay $0x2  }
0x282: {  	[tilespmem:v6+s12+$0x0] =	vst.idx.msk $0xffff, v5;
	v5, _, _ =	vpop (xrf0)  }
0x283: {  	(v2sf) =	vpush v5, $0xF  }
0x284: {  	[tilespmem:v6+s13+$0x0] =	vst.idx.msk $0xffff, v7  }
0x285: {  	v5 =	vld [tilespmem:$0x15590];
	_ =	sdelay $0x4  }
0x286: {  	v5 =	vsub.s32 v5, v0  }
0x287: {  	vm9 =	vlt.u32 v5, $0x1388  }
0x288: {  	v6 =	vsel vm9, $0x1, v3  }
0x289: {  	(xrf0) =	vadd.scan.msk.s32 $0xffff, v6;
	_ =	sdelay $0x4  }
0x28a: {  	s31 =	spop (v2sf)  }
0x28b: {  	v6, _, _ =	vpop (xrf0);
	s20 =	sadd.s32 s31, s20  }
0x28c: {  	v7 =	vxor.u32 $0x80000000, v6;
	s20 =	sadd.s32 $0x80000000, s20  }
0x28d: {  	(xrf0) =	vmax.scan.msk.u32 $0xffff, v7;
	v7 =	vmov s20  }
0x28e: {  	v7 =	vadd.s32 $0xFFFFFFFF, v7  }
0x28f: {  	v7 =	vbroadcast v7, $0x0;
	_ =	sdelay $0x3  }
0x290: {  	v6 =	vadd.s32 v6, v7;
	v7, _, _ =	vpop (xrf0)  }
0x291: {  	v6 =	vsel vm9, v6, v4;
	(v2sf) =	vpush v7, $0xF  }
0x292: {  	v7 =	vld [tilespmem:$0x15790];
	_ =	sdelay $0x3  }
0x293: {  	[tilespmem:v6+s12+$0x0] =	vst.idx.msk $0xffff, v5  }
0x294: {  	[tilespmem:v6+s13+$0x0] =	vst.idx.msk $0xffff, v7  }
0x295: {  	v5 =	vld [tilespmem:$0x155A0];
	_ =	sdelay $0x4  }
0x296: {  	v5 =	vsub.s32 v5, v0  }
0x297: {  	vm10 =	vlt.u32 v5, $0x1388  }
0x298: {  	v6 =	vsel vm10, $0x1, v3  }
0x299: {  	(xrf0) =	vadd.scan.msk.s32 $0xffff, v6;
	s4 =	spop (v2sf)  }
0x29a: {  	s20 =	sadd.s32 s4, s20  }
0x29b: {  	s20 =	sadd.s32 $0x80000000, s20  }
0x29c: {  	v6 =	vmov s20  }
0x29d: {  	v6 =	vadd.s32 $0xFFFFFFFF, v6  }
0x29e: {  	v6 =	vbroadcast v6, $0x0  }
0x29f: {  	v7, _, _ =	vpop (xrf0)  }
0x2a0: {  	v6 =	vadd.s32 v7, v6;
	v7 =	vxor.u32 $0x80000000, v7  }
0x2a1: {  	(xrf0) =	vmax.scan.msk.u32 $0xffff, v7  }
0x2a2: {  	v6 =	vsel vm10, v6, v4;
	_ =	sdelay $0x1  }
0x2a3: {  	v7 =	vld [tilespmem:$0x157A0];
	_ =	sdelay $0x2  }
0x2a4: {  	[tilespmem:v6+s12+$0x0] =	vst.idx.msk $0xffff, v5;
	v5, _, _ =	vpop (xrf0)  }
0x2a5: {  	(v2sf) =	vpush v5, $0xF  }
0x2a6: {  	[tilespmem:v6+s13+$0x0] =	vst.idx.msk $0xffff, v7  }
0x2a7: {  	v5 =	vld [tilespmem:$0x155B0];
	_ =	sdelay $0x4  }
0x2a8: {  	v5 =	vsub.s32 v5, v0  }
0x2a9: {  	vm11 =	vlt.u32 v5, $0x1388  }
0x2aa: {  	v6 =	vsel vm11, $0x1, v3  }
0x2ab: {  	(xrf0) =	vadd.scan.msk.s32 $0xffff, v6;
	_ =	sdelay $0x4  }
0x2ac: {  	s8 =	spop (v2sf)  }
0x2ad: {  	v6, _, _ =	vpop (xrf0);
	s20 =	sadd.s32 s8, s20  }
0x2ae: {  	v7 =	vxor.u32 $0x80000000, v6;
	s20 =	sadd.s32 $0x80000000, s20  }
0x2af: {  	(xrf0) =	vmax.scan.msk.u32 $0xffff, v7;
	v7 =	vmov s20  }
0x2b0: {  	v7 =	vadd.s32 $0xFFFFFFFF, v7  }
0x2b1: {  	v7 =	vbroadcast v7, $0x0;
	_ =	sdelay $0x3  }
0x2b2: {  	v6 =	vadd.s32 v6, v7;
	v7, _, _ =	vpop (xrf0)  }
0x2b3: {  	v6 =	vsel vm11, v6, v4;
	(v2sf) =	vpush v7, $0xF  }
0x2b4: {  	v7 =	vld [tilespmem:$0x157B0];
	_ =	sdelay $0x3  }
0x2b5: {  	[tilespmem:v6+s12+$0x0] =	vst.idx.msk $0xffff, v5  }
0x2b6: {  	[tilespmem:v6+s13+$0x0] =	vst.idx.msk $0xffff, v7  }
0x2b7: {  	v5 =	vld [tilespmem:$0x155C0];
	_ =	sdelay $0x4  }
0x2b8: {  	v5 =	vsub.s32 v5, v0  }
0x2b9: {  	vm12 =	vlt.u32 v5, $0x1388  }
0x2ba: {  	v6 =	vsel vm12, $0x1, v3  }
0x2bb: {  	(xrf0) =	vadd.scan.msk.s32 $0xffff, v6;
	s10 =	spop (v2sf)  }
0x2bc: {  	s20 =	sadd.s32 s10, s20  }
0x2bd: {  	s20 =	sadd.s32 $0x80000000, s20  }
0x2be: {  	v6 =	vmov s20  }
0x2bf: {  	v6 =	vadd.s32 $0xFFFFFFFF, v6  }
0x2c0: {  	v6 =	vbroadcast v6, $0x0  }
0x2c1: {  	v7, _, _ =	vpop (xrf0)  }
0x2c2: {  	v6 =	vadd.s32 v7, v6;
	v7 =	vxor.u32 $0x80000000, v7  }
0x2c3: {  	(xrf0) =	vmax.scan.msk.u32 $0xffff, v7  }
0x2c4: {  	v6 =	vsel vm12, v6, v4;
	_ =	sdelay $0x1  }
0x2c5: {  	v7 =	vld [tilespmem:$0x157C0];
	_ =	sdelay $0x2  }
0x2c6: {  	[tilespmem:v6+s12+$0x0] =	vst.idx.msk $0xffff, v5;
	v5, _, _ =	vpop (xrf0)  }
0x2c7: {  	(v2sf) =	vpush v5, $0xF  }
0x2c8: {  	[tilespmem:v6+s13+$0x0] =	vst.idx.msk $0xffff, v7  }
0x2c9: {  	v5 =	vld [tilespmem:$0x155D0];
	_ =	sdelay $0x4  }
0x2ca: {  	v5 =	vsub.s32 v5, v0  }
0x2cb: {  	vm13 =	vlt.u32 v5, $0x1388  }
0x2cc: {  	v6 =	vsel vm13, $0x1, v3  }
0x2cd: {  	(xrf0) =	vadd.scan.msk.s32 $0xffff, v6;
	_ =	sdelay $0x4  }
0x2ce: {  	s22 =	spop (v2sf)  }
0x2cf: {  	v6, _, _ =	vpop (xrf0);
	s20 =	sadd.s32 s22, s20  }
0x2d0: {  	v7 =	vxor.u32 $0x80000000, v6;
	s20 =	sadd.s32 $0x80000000, s20  }
0x2d1: {  	(xrf0) =	vmax.scan.msk.u32 $0xffff, v7;
	v7 =	vmov s20  }
0x2d2: {  	v7 =	vadd.s32 $0xFFFFFFFF, v7  }
0x2d3: {  	v7 =	vbroadcast v7, $0x0;
	_ =	sdelay $0x3  }
0x2d4: {  	v6 =	vadd.s32 v6, v7;
	v7, _, _ =	vpop (xrf0)  }
0x2d5: {  	v6 =	vsel vm13, v6, v4;
	(v2sf) =	vpush v7, $0xF  }
0x2d6: {  	v7 =	vld [tilespmem:$0x157D0];
	_ =	sdelay $0x3  }
0x2d7: {  	[tilespmem:v6+s12+$0x0] =	vst.idx.msk $0xffff, v5  }
0x2d8: {  	[tilespmem:v6+s13+$0x0] =	vst.idx.msk $0xffff, v7  }
0x2d9: {  	v5 =	vld [tilespmem:$0x155E0];
	_ =	sdelay $0x4  }
0x2da: {  	v5 =	vsub.s32 v5, v0  }
0x2db: {  	vm14 =	vlt.u32 v5, $0x1388  }
0x2dc: {  	v6 =	vsel vm14, $0x1, v3  }
0x2dd: {  	(xrf0) =	vadd.scan.msk.s32 $0xffff, v6;
	s23 =	spop (v2sf)  }
0x2de: {  	s20 =	sadd.s32 s23, s20  }
0x2df: {  	s20 =	sadd.s32 $0x80000000, s20  }
0x2e0: {  	v6 =	vmov s20  }
0x2e1: {  	v6 =	vadd.s32 $0xFFFFFFFF, v6  }
0x2e2: {  	v6 =	vbroadcast v6, $0x0  }
0x2e3: {  	v7, _, _ =	vpop (xrf0)  }
0x2e4: {  	v6 =	vadd.s32 v7, v6  }
0x2e5: {  	v6 =	vsel vm14, v6, v4  }
0x2e6: {  	v8 =	vld [tilespmem:$0x157E0];
	_ =	sdelay $0x3  }
0x2e7: {  	[tilespmem:v6+s12+$0x0] =	vst.idx.msk $0xffff, v5  }
0x2e8: {  	[tilespmem:v6+s13+$0x0] =	vst.idx.msk $0xffff, v8  }
0x2e9: {  	v5 =	vld [tilespmem:$0x155F0];
	_ =	sdelay $0x2  }
0x2ea: {  	v6 =	vxor.u32 $0x80000000, v7  }
0x2eb: {  	(xrf0) =	vmax.scan.msk.u32 $0xffff, v6  }
0x2ec: {  	v5 =	vsub.s32 v5, v0  }
0x2ed: {  	vm15 =	vlt.u32 v5, $0x1388  }
0x2ee: {  	v6 =	vsel vm15, $0x1, v3  }
0x2ef: {  	(xrf0) =	vadd.scan.msk.s32 $0xffff, v6;
	_ =	sdelay $0x1  }
0x2f0: {  	v6, _, _ =	vpop (xrf0)  }
0x2f1: {  	(v2sf) =	vpush v6, $0xF;
	_ =	sdelay $0x2  }
0x2f2: {  	v6, _, _ =	vpop (xrf0)  }
0x2f3: {  	v7 =	vxor.u32 $0x80000000, v6  }
0x2f4: {  	(xrf0) =	vmax.scan.msk.u32 $0xffff, v7;
	_ =	sdelay $0x5  }
0x2f5: {  	v7, _, _ =	vpop (xrf0)  }
0x2f6: {  	(v2sf) =	vpush v7, $0xF;
	_ =	sdelay $0x2  }
0x2f7: {  	s24 =	spop (v2sf)  }
0x2f8: {  	s20 =	sadd.s32 s24, s20  }
0x2f9: {  	s20 =	sadd.s32 $0x80000000, s20  }
0x2fa: {  	v7 =	vmov s20  }
0x2fb: {  	v7 =	vadd.s32 $0xFFFFFFFF, v7  }
0x2fc: {  	v7 =	vbroadcast v7, $0x0;
	_ =	sdelay $0x1  }
0x2fd: {  	v6 =	vadd.s32 v6, v7  }
0x2fe: {  	v6 =	vsel vm15, v6, v4  }
0x2ff: {  	v7 =	vld [tilespmem:$0x157F0]  }
0x300: {  	p1 =	seq.s32 s19, $0x13  }
0x301: {  	s21 =	sshll.u32 @!p1 s19, $0x9  }
0x302: {  	s21 =	sadd.s32 @!p1 s21, s25;
	s22 =	spop (v2sf)  }
0x303: {  	s21 =	sshrl.u32 @!p1 s21, $0x3;
	s23 =	simm.s32 @!p1 $0x0;
	[tilespmem:v6+s12+$0x0] =	vst.idx.msk $0xffff, v5;
	s20 =	sadd.s32 s22, s20  }
0x304: {  	s24 =	simm.s32 @!p1 $0x15400;
	s22 =	sadd.s32 @!p1 s6, s21;
	[tilespmem:v6+s13+$0x0] =	vst.idx.msk $0xffff, v7;
	s20 =	sadd.s32 $0x80000000, s20  }
0x305: {  	[tilespmem:s24], [sflag:$0x1] =	stream.linear.gather @!p1 [hbm4b:s22+s23], $0x200, $0x38;
	[tilespmem:$0x1E680] =	vst v63  }
0x306: {  	s21 =	sadd.s32 @!p1 s7, s21;
	s22 =	simm.s32 @!p1 $0x15600;
	s26 =	sand.u32 $0x3F, s20  }
0x307: {  	s28 =	sshra.s32 s20, $0x1F;
	p4 =	slt.s32 s20, $0x1;
	p2 =	sne.s32 s26, $0x0  }
0x308: {  	[tilespmem:s22], [sflag:$0x2] =	stream.linear.gather @!p1 [hbm4b:s21+s23], $0x200, $0x38;
	[tilespmem:$0x1E680] =	vst v63  }
0x309: {  	s29 =	sshrl.u32 s28, $0x1A;
	p1 =	por !p4, !p2  }
0x30a: {  	s21 =	sadd.s32 s29, s20;
	s22 =	simm.s32 $0x1;
	p1 =	por !p1, !p1  }
0x30b: {  	s21 =	sshra.s32 s21, $0x6;
	s22 =	simm.s32 @!p1 $0x0  }
0x30c: {  	s21 =	ssub.s32 s21, s22  }
0x30d: {  	s22 =	sadd.s32 $0x1, s21  }
0x30e: {  	s30 =	sand.u32 $0x1, s22  }
0x30f: {  	p5 =	slt.s32 s21, $0x0;
	p6 =	seq.s32 s30, $0x1  }
0x310: {  	s31 =	sshrl.u32 s22, $0x1F;
	p1 =	por !p5, !p6  }
0x311: {  	s24 =	simm.s32 $0x1;
	s22 =	sadd.s32 s31, s22;
	p1 =	por !p1, !p1  }
0x312: {  	s23 =	sshra.s32 s22, $0x1;
	s24 =	simm.s32 @!p1 $0x0  }
0x313: {  	s22 =	ssub.s32 s23, s24  }
0x314: {  	p2 =	slt.s32 s22, $0x1  }
0x315: {  	s24 =	simm.s32 @!p2 $0x40;
	s26 =	simm.s32 @!p2 $0x15B00;
	s28 =	simm.s32 @!p2 $0x15E80  }
0x316: {  	[tilespmem:s28], [sflag:$0x3] =	stream.indirect.gather @!p2 [hbm4b:s1+s24], $0x100, s26, s24, $0xb8;
	[tilespmem:$0x1E680] =	vst v63  }
0x317: {  	v5 =	vld @!p2 [tilespmem:$0x15800]  }
0x318: {  	v6 =	vld @!p2 [tilespmem:$0x15810]  }
0x319: {  	v7 =	vld @!p2 [tilespmem:$0x15820]  }
0x31a: {  	v8 =	vld @!p2 [tilespmem:$0x15830];
	_ =	sdelay $0x1  }
0x31b: {  	[tilespmem:$0x15E00] =	vst @!p2 v5  }
0x31c: {  	[tilespmem:$0x15E10] =	vst @!p2 v6  }
0x31d: {  	p3 =	sgt.s32 @!p2 s21, $0x1;
	[tilespmem:$0x15E20] =	vst @!p2 v7  }
0x31e: {  	s26 =	simm.s32 @!p2 $0x15E00;
	s28 =	simm.s32 @!p2 $0x1DE80;
	p4 =	por !p3, p2;
	[tilespmem:$0x15E30] =	vst @!p2 v8  }
0x31f: {  	[spmem:s3] =	stream.indirect.scatter.add.f32 @!p2 [tilespmem:s28], [sflag:$0x7], $0x10, s26, s24, $0xb8;
	[tilespmem:$0x1E680] =	vst v63  }
0x320: {  	s24 =	simm.s32 @!p4 $0x40;
	s26 =	simm.s32 @!p4 $0x15B40;
	s28 =	simm.s32 @!p4 $0x19E80  }
0x321: {  	[tilespmem:s28], [sflag:$0x4] =	stream.indirect.gather @!p4 [hbm4b:s1+s24], $0x100, s26, s24, $0xb8;
	[tilespmem:$0x1E680] =	vst v63  }
0x322: {  	v5 =	vld @!p4 [tilespmem:$0x15840]  }
0x323: {  	v6 =	vld @!p4 [tilespmem:$0x15850]  }
0x324: {  	v7 =	vld @!p4 [tilespmem:$0x15860]  }
0x325: {  	v8 =	vld @!p4 [tilespmem:$0x15870];
	_ =	sdelay $0x1  }
0x326: {  	[tilespmem:$0x15E40] =	vst @!p4 v5  }
0x327: {  	[tilespmem:$0x15E50] =	vst @!p4 v6  }
0x328: {  	[tilespmem:$0x15E60] =	vst @!p4 v7  }
0x329: {  	s29 =	simm.s32 @!p4 $0x1DE80;
	s26 =	simm.s32 @!p4 $0x15E40;
	[tilespmem:$0x15E70] =	vst @!p4 v8  }
0x32a: {  	[spmem:s3] =	stream.indirect.scatter.add.f32 @!p4 [tilespmem:s29], [sflag:$0x8], $0x10, s26, s24, $0xb8;
	[tilespmem:$0x1E680] =	vst v63  }
0x32b: {  	s29 =	simm.s32 @!p4 $0x3  }
0x32c: {  	_ =	swait.ge @!p4 [sflag:s29], $0x4000  }
0x32d: {  	[sflag:s29] =	ssyncset.done @!p4 $0x0  }
0x32e: {  	s30 =	simm.s32 @!p4 $0x15E80;
	[sflag:s29] =	ssyncadd.s32 @!p4 $0xFFFFC000;
	s29 =	simm.s32 @!p4 $0x15E00  }
0x32f: {  	[spmem:s2] =	stream.indirect.scatter.add.f32 @!p4 [tilespmem:s30], [sflag:$0x5], $0x100, s29, s24, $0xb8;
	[tilespmem:$0x1E680] =	vst v63  }
0x330: {  	s29 =	simm.s32 @!p4 $0x4  }
0x331: {  	_ =	swait.ge @!p4 [sflag:s29], $0x4000  }
0x332: {  	[sflag:s29] =	ssyncset.done @!p4 $0x0  }
0x333: {  	p3 =	por p3, p2;
	[sflag:s29] =	ssyncadd.s32 @!p4 $0xFFFFC000  }
0x334: {  	[spmem:s2] =	stream.indirect.scatter.add.f32 @!p4 [tilespmem:s28], [sflag:$0x6], $0x100, s26, s24, $0xb8;
	[tilespmem:$0x1E680] =	vst v63  }
0x335: {  	s24 =	simm.s32 @!p3 $0x3  }
0x336: {  	_ =	swait.ge @!p3 [sflag:s24], $0x4000  }
0x337: {  	s26 =	simm.s32 @!p3 $0x15E00;
	[sflag:s24] =	ssyncset.done @!p3 $0x0  }
0x338: {  	s28 =	simm.s32 @!p3 $0x15E80;
	[sflag:s24] =	ssyncadd.s32 @!p3 $0xFFFFC000;
	s24 =	simm.s32 @!p3 $0x40  }
0x339: {  	[spmem:s2] =	stream.indirect.scatter.add.f32 @!p3 [tilespmem:s28], [sflag:$0x5], $0x100, s26, s24, $0xb8;
	[tilespmem:$0x1E680] =	vst v63  }
0x33a: {  	p3 =	seq.s32 @!p2 s22, $0x1  }
0x33b: {  	p2 =	por p2, p3  }
.Ltmp5:
0x33c: {  	_ = 	snop;
	(pc) =	sbr.rel @p2 .LBB2_8-.Ltmp5, $1  }
0x33d: {  	_ =	sdelay $0x3  }
0x33e: {  	_ =	swait.ge [sflag:s14], $0x4000  }
0x33f: {  	[sflag:s14] =	ssyncset.done $0x0  }
0x340: {  	[sflag:s14] =	ssyncadd.s32 $0xFFFFC000  }
0x341: {  	_ =	swait.ge [sflag:s15], $0x400  }
0x342: {  	[sflag:s15] =	ssyncset.done $0x0  }
0x343: {  	s22 =	simm.s32 $0x15B80;
	s24 =	simm.s32 $0x158F0;
	[sflag:s15] =	ssyncadd.s32 $0xFFFFFC00  }
0x344: {  	[tilespmem:s0], [sflag:$0x3] =	stream.indirect.gather [hbm4b:s1+s16], $0x100, s22, s16, $0xb8;
	[tilespmem:$0x1E680] =	vst v63  }
0x345: {  	v5 =	vld [tilespmem:s24+$0xFFFFFF90];
	_ =	sdelay $0x4  }
0x346: {  	[tilespmem:$0x15E00] =	vst v5  }
0x347: {  	v5 =	vld [tilespmem:s24+$0xFFFFFFA0];
	_ =	sdelay $0x4  }
0x348: {  	[tilespmem:$0x15E10] =	vst v5  }
0x349: {  	v5 =	vld [tilespmem:s24+$0xFFFFFFB0];
	_ =	sdelay $0x4  }
0x34a: {  	[tilespmem:$0x15E20] =	vst v5  }
0x34b: {  	v5 =	vld [tilespmem:s24+$0xFFFFFFC0];
	_ =	sdelay $0x3  }
0x34c: {  	p3 =	slt.s32 s21, $0x2  }
0x34d: {  	s26 =	simm.s32 @!p3 $0x6;
	[tilespmem:$0x15E30] =	vst v5  }
0x34e: {  	[spmem:s3] =	stream.indirect.scatter.add.f32 [tilespmem:s18], [sflag:$0x7], $0x10, s17, s16, $0xb8;
	[tilespmem:$0x1E680] =	vst v63  }
0x34f: {  	_ =	swait.ge @!p3 [sflag:s26], $0x4000  }
0x350: {  	[sflag:s26] =	ssyncset.done @!p3 $0x0  }
0x351: {  	s28 =	simm.s32 @!p3 $0x8;
	[sflag:s26] =	ssyncadd.s32 @!p3 $0xFFFFC000  }
0x352: {  	_ =	swait.ge @!p3 [sflag:s28], $0x400  }
0x353: {  	p2 =	sle.s32 s21, $0x3;
	[sflag:s28] =	ssyncset.done @!p3 $0x0  }
0x354: {  	s26 =	simm.s32 @p2 $0x3;
	[sflag:s28] =	ssyncadd.s32 @!p3 $0xFFFFFC00  }
0x355: {  	_ =	swait.ge @p2 [sflag:s26], $0x4000  }
0x356: {  	s29 =	simm.s32 @p2 $0x40;
	[sflag:s26] =	ssyncset.done @p2 $0x0  }
0x357: {  	s30 =	simm.s32 @p2 $0x15E00;
	s28 =	simm.s32 @p2 $0x15E80;
	[sflag:s26] =	ssyncadd.s32 @p2 $0xFFFFC000  }
0x358: {  	[spmem:s2] =	stream.indirect.scatter.add.f32 @p2 [tilespmem:s28], [sflag:$0x5], $0x100, s30, s29, $0xb8;
	[tilespmem:$0x1E680] =	vst v63  }
0x359: {  	s26 =	simm.s32 @!p2 $0x15BC0;
	s28 =	simm.s32 @!p2 $0x19E80;
	s29 =	simm.s32 @!p2 $0x40  }
0x35a: {  	[tilespmem:s28], [sflag:$0x4] =	stream.indirect.gather @!p2 [hbm4b:s1+s29], $0x100, s26, s29, $0xb8;
	[tilespmem:$0x1E680] =	vst v63  }
0x35b: {  	v5 =	vld @!p2 [tilespmem:s24+$0xFFFFFFD0];
	_ =	sdelay $0x4  }
0x35c: {  	[tilespmem:$0x15E40] =	vst @!p2 v5  }
0x35d: {  	v5 =	vld @!p2 [tilespmem:s24+$0xFFFFFFE0];
	_ =	sdelay $0x4  }
0x35e: {  	[tilespmem:$0x15E50] =	vst @!p2 v5  }
0x35f: {  	v5 =	vld @!p2 [tilespmem:s24+$0xFFFFFFF0];
	_ =	sdelay $0x4  }
0x360: {  	[tilespmem:$0x15E60] =	vst @!p2 v5  }
0x361: {  	v5 =	vld @!p2 [tilespmem:s24+$0x0]  }
0x362: {  	s24 =	simm.s32 $0xFFFFFFFF  }
0x363: {  	s24 =	simm.s32 @!p1 $0x0  }
0x364: {  	s23 =	sadd.s32 s24, s23  }
0x365: {  	s30 =	simm.s32 @!p2 $0x15E40;
	s23 =	sadd.s32 $0xFFFFFFFF, s23  }
0x366: {  	s26 =	simm.s32 @!p2 $0x3;
	s24 =	simm.s32 @!p2 $0x1DE80;
	s23 =	sadd.s32 $0xFFFFFFFF, s23;
	[tilespmem:$0x15E70] =	vst @!p2 v5  }
0x367: {  	[spmem:s3] =	stream.indirect.scatter.add.f32 @!p2 [tilespmem:s24], [sflag:$0x8], $0x10, s30, s29, $0xb8;
	[tilespmem:$0x1E680] =	vst v63  }
0x368: {  	p1 =	sne.s32 s23, $0x0;
	_ =	swait.ge @!p2 [sflag:s26], $0x4000  }
.Ltmp6:
0x369: {  	s10 =	simm.s32 @!p2 $0x15E00;
	[sflag:s26] =	ssyncset.done @!p2 $0x0;
	(pc) =	sbr.rel @!p1 .LBB2_7-.Ltmp6, $4  }
0x36a: {  	s31 =	simm.s32 @!p2 $0x4;
	s24 =	simm.s32 @!p2 $0x15E80;
	[sflag:s26] =	ssyncadd.s32 @!p2 $0xFFFFC000  }
0x36b: {  	[spmem:s2] =	stream.indirect.scatter.add.f32 @!p2 [tilespmem:s24], [sflag:$0x5], $0x100, s10, s29, $0xb8;
	[tilespmem:$0x1E680] =	vst v63  }
0x36c: {  	_ =	swait.ge @!p2 [sflag:s31], $0x4000  }
0x36d: {  	s26 =	simm.s32 $0x15970;
	s24 =	simm.s32 $0x5;
	[sflag:s31] =	ssyncset.done @!p2 $0x0  }
.LBB2_6:
0x36e: {  	s23 =	sadd.s32 $0xFFFFFFFF, s23;
	[sflag:s31] =	ssyncadd.s32 @!p2 $0xFFFFC000;
	s22 =	sadd.s32 $0x80, s22  }
0x36f: {  	[spmem:s2] =	stream.indirect.scatter.add.f32 @!p2 [tilespmem:s28], [sflag:$0x6], $0x100, s30, s29, $0xb8;
	[tilespmem:$0x1E680] =	vst v63  }
0x370: {  	p1 =	sne.s32 s23, $0x0;
	_ =	swait.ge [sflag:s14], $0x4000  }
0x371: {  	[sflag:s14] =	ssyncset.done $0x0  }
0x372: {  	[sflag:s14] =	ssyncadd.s32 $0xFFFFC000  }
0x373: {  	_ =	swait.ge [sflag:s15], $0x400  }
0x374: {  	[sflag:s15] =	ssyncset.done $0x0  }
0x375: {  	[sflag:s15] =	ssyncadd.s32 $0xFFFFFC00  }
0x376: {  	[tilespmem:s0], [sflag:$0x3] =	stream.indirect.gather [hbm4b:s1+s16], $0x100, s22, s16, $0xb8;
	[tilespmem:$0x1E680] =	vst v63  }
0x377: {  	v5 =	vld [tilespmem:s26+$0xFFFFFF90];
	_ =	sdelay $0x4  }
0x378: {  	[tilespmem:$0x15E00] =	vst v5  }
0x379: {  	v5 =	vld [tilespmem:s26+$0xFFFFFFA0];
	_ =	sdelay $0x4  }
0x37a: {  	[tilespmem:$0x15E10] =	vst v5  }
0x37b: {  	v5 =	vld [tilespmem:s26+$0xFFFFFFB0];
	_ =	sdelay $0x4  }
0x37c: {  	[tilespmem:$0x15E20] =	vst v5  }
0x37d: {  	v5 =	vld [tilespmem:s26+$0xFFFFFFC0];
	_ =	sdelay $0x2  }
0x37e: {  	s10 =	sadd.s32 $0xFFFFFFFF, s24  }
0x37f: {  	p3 =	sgt.s32 s10, s21  }
0x380: {  	s10 =	simm.s32 @!p3 $0x6;
	[tilespmem:$0x15E30] =	vst v5  }
0x381: {  	[spmem:s3] =	stream.indirect.scatter.add.f32 [tilespmem:s18], [sflag:$0x7], $0x10, s17, s16, $0xb8;
	[tilespmem:$0x1E680] =	vst v63  }
0x382: {  	_ =	swait.ge @!p3 [sflag:s10], $0x4000  }
0x383: {  	s28 =	simm.s32 @!p3 $0x8;
	[sflag:s10] =	ssyncset.done @!p3 $0x0  }
0x384: {  	[sflag:s10] =	ssyncadd.s32 @!p3 $0xFFFFC000  }
0x385: {  	p2 =	sge.s32 s24, s21;
	_ =	swait.ge @!p3 [sflag:s28], $0x400  }
0x386: {  	s10 =	simm.s32 @p2 $0x3;
	[sflag:s28] =	ssyncset.done @!p3 $0x0  }
0x387: {  	[sflag:s28] =	ssyncadd.s32 @!p3 $0xFFFFFC00  }
0x388: {  	s30 =	simm.s32 @p2 $0x15E80;
	s28 =	simm.s32 @!p2 $0x19E80;
	_ =	swait.ge @p2 [sflag:s10], $0x4000  }
0x389: {  	s31 =	simm.s32 @p2 $0x40;
	s8 =	simm.s32 @p2 $0x15E00;
	[sflag:s10] =	ssyncset.done @p2 $0x0  }
0x38a: {  	s29 =	simm.s32 @!p2 $0x40;
	[sflag:s10] =	ssyncadd.s32 @p2 $0xFFFFC000;
	s10 =	sadd.s32 @!p2 $0x40, s22  }
0x38b: {  	[spmem:s2] =	stream.indirect.scatter.add.f32 @p2 [tilespmem:s30], [sflag:$0x5], $0x100, s8, s31, $0xb8;
	[tilespmem:$0x1E680] =	vst v63  }
0x38c: {  	_ = 	snop  }
0x38d: {  	[tilespmem:s28], [sflag:$0x4] =	stream.indirect.gather @!p2 [hbm4b:s1+s29], $0x100, s10, s29, $0xb8;
	[tilespmem:$0x1E680] =	vst v63  }
0x38e: {  	v5 =	vld @!p2 [tilespmem:s26+$0xFFFFFFD0];
	_ =	sdelay $0x4  }
0x38f: {  	[tilespmem:$0x15E40] =	vst @!p2 v5  }
0x390: {  	v5 =	vld @!p2 [tilespmem:s26+$0xFFFFFFE0];
	_ =	sdelay $0x4  }
0x391: {  	[tilespmem:$0x15E50] =	vst @!p2 v5  }
0x392: {  	v5 =	vld @!p2 [tilespmem:s26+$0xFFFFFFF0];
	_ =	sdelay $0x4  }
0x393: {  	[tilespmem:$0x15E60] =	vst @!p2 v5  }
0x394: {  	v5 =	vld @!p2 [tilespmem:s26+$0x0];
	_ =	sdelay $0x3  }
0x395: {  	s30 =	simm.s32 @!p2 $0x15E40;
	s8 =	simm.s32 @!p2 $0x1DE80  }
0x396: {  	s10 =	simm.s32 @!p2 $0x3;
	[tilespmem:$0x15E70] =	vst @!p2 v5  }
0x397: {  	[spmem:s3] =	stream.indirect.scatter.add.f32 @!p2 [tilespmem:s8], [sflag:$0x8], $0x10, s30, s29, $0xb8;
	[tilespmem:$0x1E680] =	vst v63  }
0x398: {  	s8 =	simm.s32 @!p2 $0x15E80;
	_ =	swait.ge @!p2 [sflag:s10], $0x4000  }
.Ltmp7:
0x399: {  	s4 =	simm.s32 @!p2 $0x15E00;
	[sflag:s10] =	ssyncset.done @!p2 $0x0;
	(pc) =	sbr.rel @p1 .LBB2_6-.Ltmp7, $4  }
0x39a: {  	s31 =	simm.s32 @!p2 $0x4;
	[sflag:s10] =	ssyncadd.s32 @!p2 $0xFFFFC000  }
0x39b: {  	[spmem:s2] =	stream.indirect.scatter.add.f32 @!p2 [tilespmem:s8], [sflag:$0x5], $0x100, s4, s29, $0xb8;
	[tilespmem:$0x1E680] =	vst v63  }
0x39c: {  	_ =	swait.ge @!p2 [sflag:s31], $0x4000  }
0x39d: {  	s24 =	sadd.s32 $0x2, s24;
	s26 =	sadd.s32 $0x80, s26;
	[sflag:s31] =	ssyncset.done @!p2 $0x0  }
.Ltmp8:
0x39e: {  	_ = 	snop;
	(pc) =	sbr.rel .LBB2_7-.Ltmp8, $1  }
0x39f: {  	_ =	sdelay $0x3  }
.LBB2_10:
0x3a0: {  	_ =	sfence.sel $0x180000  }
0x3a1: {  	[bflag:$0x0] =	sbarrier.arrive $0xFFFF  }
0x3a2: {  	_ =	strace $0x90000047  }
0x3a3: {  	s0 =	stileid.u32;
	[bflag:$0x2] =	sbarrier.arrive $0xFFFF  }
0x3a4: {  	p0 =	sne.s32 s0, $0x0;
	s0 =	rddreg [dreg:$0x5]  }
0x3a5: {  	s0 =	sadd.s32 @!p0 $0x100000, s0  }
0x3a6: {  	[sflag:s0] =	ssyncadd.tile.s32 @!p0 $0x1;
	_ =	shalt  }
.Lfunc_end2:
_tile_overlayer_lowered:
.L_overlay_start_2:
0x3a7: {  	(tag) =	ssettag $0x2  }
0x3a8: {  	s0 =	rddreg [dreg:$0x0];
	s2 =	stileid.u32  }
0x3a9: {  	s1 =	rddreg [dreg:$0x1];
	p0 =	sne.s32 s2, $0x0  }
0x3aa: {  	s3 =	rddreg [dreg:$0x2];
	[bflag:$0x3] =	sbarrier.arrive $0xFFFF;
	s2 =	simm.s32 @!p0 $0x1C09  }
0x3ab: {  	[timem:s3], [sflag:s2] =	dma.local @!p0 [hbm:s0], s1  }
0x3ac: {  	s0 =	simm.s32 @!p0 $0x9  }
0x3ad: {  	_ =	swait.ge @!p0 [sflag:s0], s1  }
0x3ae: {  	s1 =	ssub.s32 @!p0 $0x0, s1;
	[sflag:s0] =	ssyncset.done @!p0 $0x0  }
0x3af: {  	[sflag:s0] =	ssyncadd.s32 @!p0 s1  }
0x3b0: {  	[bflag:$0x3] =	sbarrier.arrive $0xFFFF  }
0x3b1: {  	_ =	shalt  }

</sc_bundles>
